<compile_context>
chip_gen: v7x
topology: tpu7x:2x2x1
jax: 0.10.2.dev20260603
libtpu: 0.0.44.dev20260713+nightly
codegen_flags: <defaults>
</compile_context>

<pallas_src>
import functools

import jax
import jax.numpy as jnp
from jax import lax
from jax.experimental import pallas as pl
from jax.experimental.pallas import tpu as pltpu
from jax.experimental.pallas import tpu_sc as plsc

_N_FIELDS = 26
_VOCAB = 100000
_EMB_DIM = 16
_SEQ_LEN = 20
_BATCH = 4096

_N_ROWS = _SEQ_LEN * _BATCH * _N_FIELDS
_NUM_WORKERS = 32
_ROWS_PER_WORKER = _N_ROWS // _NUM_WORKERS
_CHUNK = 1040
_CHUNKS_PER_WORKER = _ROWS_PER_WORKER // _CHUNK
_LANES = 16
_NBUF = 5
_INFLIGHT = _NBUF - 1


@functools.partial(
    pl.kernel,
    mesh=plsc.VectorSubcoreMesh(core_axis_name="c", subcore_axis_name="s"),
    out_type=jax.ShapeDtypeStruct((_N_ROWS, _EMB_DIM), jnp.float32),
    scratch_types=(
        [pltpu.VMEM((_CHUNK,), jnp.int32)]
        + [pltpu.VMEM((_CHUNK,), jnp.int32) for _ in range(_NBUF)]
        + [pltpu.VMEM((_CHUNK, _EMB_DIM), jnp.float32)
           for _ in range(_NBUF)]
        + [pltpu.SemaphoreType.DMA for _ in range(2 * _NBUF)]
    ),
    compiler_params=pltpu.CompilerParams(use_tc_tiling_on_sc=False),
)
def _gather_kernel(tables_hbm, idx_hbm, off_hbm, out_hbm, off_v, *scratch):
    idx_bufs = scratch[:_NBUF]
    row_bufs = scratch[_NBUF:2 * _NBUF]
    gsems = scratch[2 * _NBUF:3 * _NBUF]
    wsems = scratch[3 * _NBUF:4 * _NBUF]
    wid = lax.axis_index("s") * 2 + lax.axis_index("c")
    base0 = wid * _ROWS_PER_WORKER

    pltpu.sync_copy(off_hbm, off_v)

    def stage(c, idx_v):
        pltpu.sync_copy(idx_hbm.at[pl.ds(base0 + c * _CHUNK, _CHUNK)], idx_v)

        def add_body(i, carry):
            sl = pl.ds(pl.multiple_of(i * _LANES, _LANES), _LANES)
            idx_v[sl] = idx_v[sl] + off_v[sl]
            return carry

        lax.fori_loop(0, _CHUNK // _LANES, add_body, 0)

    def gather(k):
        return pltpu.async_copy(tables_hbm.at[idx_bufs[k]], row_bufs[k],
                                gsems[k])

    g_desc = [None] * _NBUF
    w_desc = [None] * _NBUF

    for j in range(_INFLIGHT):
        stage(j, idx_bufs[j])
        g_desc[j] = gather(j)

    for c in range(_CHUNKS_PER_WORKER):
        k = c % _NBUF
        g_desc[k].wait()
        w_desc[k] = pltpu.async_copy(
            row_bufs[k], out_hbm.at[pl.ds(base0 + c * _CHUNK, _CHUNK)],
            wsems[k])
        n = c + _INFLIGHT
        if n < _CHUNKS_PER_WORKER:
            k2 = n % _NBUF
            stage(n, idx_bufs[k2])
            if w_desc[k2] is not None:
                w_desc[k2].wait()
            g_desc[k2] = gather(k2)

    for k in range(_NBUF):
        if w_desc[k] is not None:
            w_desc[k].wait()


def kernel(cat_tensor, tables):
    tables_flat = tables.reshape(_N_FIELDS * _VOCAB, _EMB_DIM)
    idx_flat = cat_tensor.reshape(_N_ROWS)
    off = (jnp.arange(_CHUNK, dtype=jnp.int32) % _N_FIELDS) * _VOCAB
    out_flat = _gather_kernel(tables_flat, idx_flat, off)
    return out_flat.reshape(_SEQ_LEN, _BATCH, _N_FIELDS * _EMB_DIM)

# --- scband reference (transcript-rebuilt; emitter-appended) ---
"""Pipeline reference for scband-categorical-embedding-89696097009847 (READ-ONLY COPY).

The authoritative reference and input builder live on the scoring server;
editing this copy changes nothing except your own understanding.
"""

import jax, jax.numpy as jnp
import numpy as np

N_FIELDS = 26
VOCAB = 100000
EMB_DIM = 16
SEQ_LEN = 20
BATCH = 4096

def setup_inputs(seed: int = 0) -> dict:
    key = jax.random.key(seed)
    k_idx, k_tab = jax.random.split(key)
    cat_tensor = jax.random.randint(k_idx, (SEQ_LEN, BATCH, N_FIELDS), 0, VOCAB, dtype=jnp.int64 if jax.config.jax_enable_x64 else jnp.int32)
    cat_tensor = cat_tensor.astype(jnp.int32)
    # one embedding table per categorical field, stacked: [N_FIELDS, VOCAB, EMB_DIM]
    tables = jax.random.normal(k_tab, (N_FIELDS, VOCAB, EMB_DIM), dtype=jnp.float32)
    return {"cat_tensor": cat_tensor, "tables": tables}

def reference(cat_tensor, tables):
    # Faithful translation: per-field embedding lookup, then concat on last dim
    cat_emb_l = []
    for idx in range(N_FIELDS):
        emb_in = cat_tensor[:, :, idx]                      # [S, B]
        emb_out = jnp.take(tables[idx], emb_in, axis=0)     # [S, B, EMB_DIM]
        cat_emb_l.append(emb_out)
    cat_emb_tensor = jnp.concatenate(cat_emb_l, axis=2)     # [S, B, N_FIELDS*EMB_DIM]
    return cat_emb_tensor

if __name__ == "__main__":
    import jax
    _d = setup_inputs()
    print(jax.jit(kernel)(*tuple(_d.values())))

</pallas_src>

<mosaic_0001>
#map = affine_map<(d0, d1) -> (0, 0)>
#map1 = affine_map<(d0, d1) -> (0)>
module attributes {stable_mosaic.version = 14 : i64} {
  func.func @_gather_kernel(%arg0: i32, %arg1: i32, %arg2: memref<2600000x16xf32, #tpu.memory_space<hbm>>, %arg3: memref<2129920xi32, #tpu.memory_space<hbm>>, %arg4: memref<1040xi32, #tpu.memory_space<hbm>>, %arg5: memref<2129920x16xf32, #tpu.memory_space<hbm>>, %arg6: memref<1040xi32, #tpu.memory_space<vmem>>, %arg7: memref<1040xi32, #tpu.memory_space<vmem>>, %arg8: memref<1040xi32, #tpu.memory_space<vmem>>, %arg9: memref<1040xi32, #tpu.memory_space<vmem>>, %arg10: memref<1040xi32, #tpu.memory_space<vmem>>, %arg11: memref<1040xi32, #tpu.memory_space<vmem>>, %arg12: memref<1040x16xf32, #tpu.memory_space<vmem>>, %arg13: memref<1040x16xf32, #tpu.memory_space<vmem>>, %arg14: memref<1040x16xf32, #tpu.memory_space<vmem>>, %arg15: memref<1040x16xf32, #tpu.memory_space<vmem>>, %arg16: memref<1040x16xf32, #tpu.memory_space<vmem>>, %arg17: memref<!tpu.dma_semaphore, #tpu.memory_space<semaphore_mem>>, %arg18: memref<!tpu.dma_semaphore, #tpu.memory_space<semaphore_mem>>, %arg19: memref<!tpu.dma_semaphore, #tpu.memory_space<semaphore_mem>>, %arg20: memref<!tpu.dma_semaphore, #tpu.memory_space<semaphore_mem>>, %arg21: memref<!tpu.dma_semaphore, #tpu.memory_space<semaphore_mem>>, %arg22: memref<!tpu.dma_semaphore, #tpu.memory_space<semaphore_mem>>, %arg23: memref<!tpu.dma_semaphore, #tpu.memory_space<semaphore_mem>>, %arg24: memref<!tpu.dma_semaphore, #tpu.memory_space<semaphore_mem>>, %arg25: memref<!tpu.dma_semaphore, #tpu.memory_space<semaphore_mem>>, %arg26: memref<!tpu.dma_semaphore, #tpu.memory_space<semaphore_mem>>) attributes {dimension_semantics = [#tpu.dimension_semantics<core_parallel>, #tpu.dimension_semantics<subcore_parallel>], iteration_bounds = array<i64: 2, 16>, scalar_prefetch = 0 : i64, scratch_operands = 21 : i64, tpu.core_type = #tpu.core_type<sc_vector_subcore>, window_params = [{transform_indices = #map}, {transform_indices = #map1}, {transform_indices = #map1}, {transform_indices = #map}]} {
    %mul3A = arith.constant 2 : i32
    %mul3A_0 = arith.muli %arg1, %mul3A : i32
    %add3A = arith.addi %mul3A_0, %arg0 : i32
    %mul3A_1 = arith.constant 66560 : i32
    %mul3A_2 = arith.muli %add3A, %mul3A_1 : i32
    "tpu.region"() ({
      %run_scoped3A = tpu.sem_alloc : memref<!tpu.dma_semaphore, #tpu.memory_space<semaphore_mem>>
      tpu.enqueue_dma source(%arg4 : memref<1040xi32, #tpu.memory_space<hbm>>) target(%arg6 : memref<1040xi32, #tpu.memory_space<vmem>>) target_semaphore(%run_scoped3A : memref<!tpu.dma_semaphore, #tpu.memory_space<semaphore_mem>>)
      tpu.wait_dma2 semaphore(%run_scoped3A : memref<!tpu.dma_semaphore, #tpu.memory_space<semaphore_mem>>) src(%arg4 : memref<1040xi32, #tpu.memory_space<hbm>>) dst(%arg6 : memref<1040xi32, #tpu.memory_space<vmem>>)
      tpu.yield
    }) : () -> ()
    %add3A_3 = arith.constant 0 : i32
    %add3A_4 = arith.addi %mul3A_2, %add3A_3 : i32
    "tpu.region"() ({
      %run_scoped3A = tpu.sem_alloc : memref<!tpu.dma_semaphore, #tpu.memory_space<semaphore_mem>>
      %dma_start3A_1536 = tpu.memref_slice %arg3[%add3A_4] : memref<2129920xi32, #tpu.memory_space<hbm>> -> memref<1040xi32, #tpu.memory_space<hbm>>
      %dma_start3A_1537 = tpu.memref_slice %arg3[%add3A_4] : memref<2129920xi32, #tpu.memory_space<hbm>> -> memref<1040xi32, #tpu.memory_space<hbm>>
      tpu.enqueue_dma source(%dma_start3A_1537 : memref<1040xi32, #tpu.memory_space<hbm>>) target(%arg7 : memref<1040xi32, #tpu.memory_space<vmem>>) target_semaphore(%run_scoped3A : memref<!tpu.dma_semaphore, #tpu.memory_space<semaphore_mem>>)
      %dma_wait3A_1538 = tpu.memref_slice %arg3[%add3A_4] : memref<2129920xi32, #tpu.memory_space<hbm>> -> memref<1040xi32, #tpu.memory_space<hbm>>
      %dma_wait3A_1539 = tpu.memref_slice %arg3[%add3A_4] : memref<2129920xi32, #tpu.memory_space<hbm>> -> memref<1040xi32, #tpu.memory_space<hbm>>
      tpu.wait_dma2 semaphore(%run_scoped3A : memref<!tpu.dma_semaphore, #tpu.memory_space<semaphore_mem>>) src(%dma_wait3A_1539 : memref<1040xi32, #tpu.memory_space<hbm>>) dst(%arg7 : memref<1040xi32, #tpu.memory_space<vmem>>)
      tpu.yield
    }) : () -> ()
    %scan3A = arith.constant 0 : i32
    %scan3A_5 = arith.constant 0 : i32
    %scan3A_6 = arith.constant 65 : i32
    %scan3A_7 = arith.addi %scan3A_5, %scan3A_6 : i32
    %scan3A_8 = arith.constant 1 : i32
    scf.for %scan3A_1536 = %scan3A_5 to %scan3A_7 step %scan3A_8  : i32 {
      %mul3A_1537 = arith.constant 16 : i32
      %mul3A_1538 = arith.muli %scan3A_1536, %mul3A_1537 : i32
      %multiple_of3A = tpu.assume_multiple %mul3A_1538, 16 : i32
      %get3A = arith.index_cast %multiple_of3A : i32 to index
      %get3A_1539 = tpu.vector_load %arg7[%get3A] {strides = array<i32>} : memref<1040xi32, #tpu.memory_space<vmem>>, vector<16xi32>,
      %get3A_1540 = vector.shape_cast %get3A_1539 : vector<16xi32> to vector<16xi32>
      %get3A_1541 = arith.index_cast %multiple_of3A : i32 to index
      %get3A_1542 = tpu.vector_load %arg6[%get3A_1541] {strides = array<i32>} : memref<1040xi32, #tpu.memory_space<vmem>>, vector<16xi32>,
      %get3A_1543 = vector.shape_cast %get3A_1542 : vector<16xi32> to vector<16xi32>
      %add3A_1544 = arith.addi %get3A_1540, %get3A_1543 : vector<16xi32>
      %swap3A = arith.index_cast %multiple_of3A : i32 to index
      %swap3A_1545 = tpu.vector_load %arg7[%swap3A] {strides = array<i32>} : memref<1040xi32, #tpu.memory_space<vmem>>, vector<16xi32>,
      %swap3A_1546 = vector.shape_cast %swap3A_1545 : vector<16xi32> to vector<16xi32>
      %swap3A_1547 = vector.shape_cast %add3A_1544 : vector<16xi32> to vector<16xi32>
      tpu.vector_store %arg7[%swap3A], %swap3A_1547 {strides = array<i32>} : memref<1040xi32, #tpu.memory_space<vmem>>, vector<16xi32>,
    }
    %scan3A_9 = arith.constant 65 : i32
    %dma_start3A = arith.constant 0 : i32
    %dma_start3A_10 = arith.constant 0 : i32
    %dma_start3A_11 = tpu.memref_slice %arg2[%dma_start3A, %dma_start3A_10] : memref<2600000x16xf32, #tpu.memory_space<hbm>> -> memref<2600000x16xf32, #tpu.memory_space<hbm>>
    tpu.enqueue_indirect_dma source(%dma_start3A_11 : memref<2600000x16xf32, #tpu.memory_space<hbm>>) target(%arg12 : memref<1040x16xf32, #tpu.memory_space<vmem>>) offsets(%arg7 : memref<1040xi32, #tpu.memory_space<vmem>>) semaphore(%arg17 : memref<!tpu.dma_semaphore, #tpu.memory_space<semaphore_mem>>)
    %add3A_12 = arith.constant 1040 : i32
    %add3A_13 = arith.addi %mul3A_2, %add3A_12 : i32
    "tpu.region"() ({
      %run_scoped3A = tpu.sem_alloc : memref<!tpu.dma_semaphore, #tpu.memory_space<semaphore_mem>>
      %dma_start3A_1536 = tpu.memref_slice %arg3[%add3A_13] : memref<2129920xi32, #tpu.memory_space<hbm>> -> memref<1040xi32, #tpu.memory_space<hbm>>
      %dma_start3A_1537 = tpu.memref_slice %arg3[%add3A_13] : memref<2129920xi32, #tpu.memory_space<hbm>> -> memref<1040xi32, #tpu.memory_space<hbm>>
      tpu.enqueue_dma source(%dma_start3A_1537 : memref<1040xi32, #tpu.memory_space<hbm>>) target(%arg8 : memref<1040xi32, #tpu.memory_space<vmem>>) target_semaphore(%run_scoped3A : memref<!tpu.dma_semaphore, #tpu.memory_space<semaphore_mem>>)
      %dma_wait3A_1538 = tpu.memref_slice %arg3[%add3A_13] : memref<2129920xi32, #tpu.memory_space<hbm>> -> memref<1040xi32, #tpu.memory_space<hbm>>
      %dma_wait3A_1539 = tpu.memref_slice %arg3[%add3A_13] : memref<2129920xi32, #tpu.memory_space<hbm>> -> memref<1040xi32, #tpu.memory_space<hbm>>
      tpu.wait_dma2 semaphore(%run_scoped3A : memref<!tpu.dma_semaphore, #tpu.memory_space<semaphore_mem>>) src(%dma_wait3A_1539 : memref<1040xi32, #tpu.memory_space<hbm>>) dst(%arg8 : memref<1040xi32, #tpu.memory_space<vmem>>)
      tpu.yield
    }) : () -> ()
    %scan3A_14 = arith.constant 0 : i32
    %scan3A_15 = arith.constant 0 : i32
    %scan3A_16 = arith.constant 65 : i32
    %scan3A_17 = arith.addi %scan3A_15, %scan3A_16 : i32
    %scan3A_18 = arith.constant 1 : i32
    scf.for %scan3A_1536 = %scan3A_15 to %scan3A_17 step %scan3A_18  : i32 {
      %mul3A_1537 = arith.constant 16 : i32
      %mul3A_1538 = arith.muli %scan3A_1536, %mul3A_1537 : i32
      %multiple_of3A = tpu.assume_multiple %mul3A_1538, 16 : i32
      %get3A = arith.index_cast %multiple_of3A : i32 to index
      %get3A_1539 = tpu.vector_load %arg8[%get3A] {strides = array<i32>} : memref<1040xi32, #tpu.memory_space<vmem>>, vector<16xi32>,
      %get3A_1540 = vector.shape_cast %get3A_1539 : vector<16xi32> to vector<16xi32>
      %get3A_1541 = arith.index_cast %multiple_of3A : i32 to index
      %get3A_1542 = tpu.vector_load %arg6[%get3A_1541] {strides = array<i32>} : memref<1040xi32, #tpu.memory_space<vmem>>, vector<16xi32>,
      %get3A_1543 = vector.shape_cast %get3A_1542 : vector<16xi32> to vector<16xi32>
      %add3A_1544 = arith.addi %get3A_1540, %get3A_1543 : vector<16xi32>
      %swap3A = arith.index_cast %multiple_of3A : i32 to index
      %swap3A_1545 = tpu.vector_load %arg8[%swap3A] {strides = array<i32>} : memref<1040xi32, #tpu.memory_space<vmem>>, vector<16xi32>,
      %swap3A_1546 = vector.shape_cast %swap3A_1545 : vector<16xi32> to vector<16xi32>
      %swap3A_1547 = vector.shape_cast %add3A_1544 : vector<16xi32> to vector<16xi32>
      tpu.vector_store %arg8[%swap3A], %swap3A_1547 {strides = array<i32>} : memref<1040xi32, #tpu.memory_space<vmem>>, vector<16xi32>,
    }
    %scan3A_19 = arith.constant 65 : i32
    %dma_start3A_20 = arith.constant 0 : i32
    %dma_start3A_21 = arith.constant 0 : i32
    %dma_start3A_22 = tpu.memref_slice %arg2[%dma_start3A_20, %dma_start3A_21] : memref<2600000x16xf32, #tpu.memory_space<hbm>> -> memref<2600000x16xf32, #tpu.memory_space<hbm>>
    tpu.enqueue_indirect_dma source(%dma_start3A_22 : memref<2600000x16xf32, #tpu.memory_space<hbm>>) target(%arg13 : memref<1040x16xf32, #tpu.memory_space<vmem>>) offsets(%arg8 : memref<1040xi32, #tpu.memory_space<vmem>>) semaphore(%arg18 : memref<!tpu.dma_semaphore, #tpu.memory_space<semaphore_mem>>)
    %add3A_23 = arith.constant 2080 : i32
    %add3A_24 = arith.addi %mul3A_2, %add3A_23 : i32
    "tpu.region"() ({
      %run_scoped3A = tpu.sem_alloc : memref<!tpu.dma_semaphore, #tpu.memory_space<semaphore_mem>>
      %dma_start3A_1536 = tpu.memref_slice %arg3[%add3A_24] : memref<2129920xi32, #tpu.memory_space<hbm>> -> memref<1040xi32, #tpu.memory_space<hbm>>
      %dma_start3A_1537 = tpu.memref_slice %arg3[%add3A_24] : memref<2129920xi32, #tpu.memory_space<hbm>> -> memref<1040xi32, #tpu.memory_space<hbm>>
      tpu.enqueue_dma source(%dma_start3A_1537 : memref<1040xi32, #tpu.memory_space<hbm>>) target(%arg9 : memref<1040xi32, #tpu.memory_space<vmem>>) target_semaphore(%run_scoped3A : memref<!tpu.dma_semaphore, #tpu.memory_space<semaphore_mem>>)
      %dma_wait3A_1538 = tpu.memref_slice %arg3[%add3A_24] : memref<2129920xi32, #tpu.memory_space<hbm>> -> memref<1040xi32, #tpu.memory_space<hbm>>
      %dma_wait3A_1539 = tpu.memref_slice %arg3[%add3A_24] : memref<2129920xi32, #tpu.memory_space<hbm>> -> memref<1040xi32, #tpu.memory_space<hbm>>
      tpu.wait_dma2 semaphore(%run_scoped3A : memref<!tpu.dma_semaphore, #tpu.memory_space<semaphore_mem>>) src(%dma_wait3A_1539 : memref<1040xi32, #tpu.memory_space<hbm>>) dst(%arg9 : memref<1040xi32, #tpu.memory_space<vmem>>)
      tpu.yield
    }) : () -> ()
    %scan3A_25 = arith.constant 0 : i32
    %scan3A_26 = arith.constant 0 : i32
    %scan3A_27 = arith.constant 65 : i32
    %scan3A_28 = arith.addi %scan3A_26, %scan3A_27 : i32
    %scan3A_29 = arith.constant 1 : i32
    scf.for %scan3A_1536 = %scan3A_26 to %scan3A_28 step %scan3A_29  : i32 {
      %mul3A_1537 = arith.constant 16 : i32
      %mul3A_1538 = arith.muli %scan3A_1536, %mul3A_1537 : i32
      %multiple_of3A = tpu.assume_multiple %mul3A_1538, 16 : i32
      %get3A = arith.index_cast %multiple_of3A : i32 to index
      %get3A_1539 = tpu.vector_load %arg9[%get3A] {strides = array<i32>} : memref<1040xi32, #tpu.memory_space<vmem>>, vector<16xi32>,
      %get3A_1540 = vector.shape_cast %get3A_1539 : vector<16xi32> to vector<16xi32>
      %get3A_1541 = arith.index_cast %multiple_of3A : i32 to index
      %get3A_1542 = tpu.vector_load %arg6[%get3A_1541] {strides = array<i32>} : memref<1040xi32, #tpu.memory_space<vmem>>, vector<16xi32>,
      %get3A_1543 = vector.shape_cast %get3A_1542 : vector<16xi32> to vector<16xi32>
      %add3A_1544 = arith.addi %get3A_1540, %get3A_1543 : vector<16xi32>
      %swap3A = arith.index_cast %multiple_of3A : i32 to index
      %swap3A_1545 = tpu.vector_load %arg9[%swap3A] {strides = array<i32>} : memref<1040xi32, #tpu.memory_space<vmem>>, vector<16xi32>,
      %swap3A_1546 = vector.shape_cast %swap3A_1545 : vector<16xi32> to vector<16xi32>
      %swap3A_1547 = vector.shape_cast %add3A_1544 : vector<16xi32> to vector<16xi32>
      tpu.vector_store %arg9[%swap3A], %swap3A_1547 {strides = array<i32>} : memref<1040xi32, #tpu.memory_space<vmem>>, vector<16xi32>,
    }
    %scan3A_30 = arith.constant 65 : i32
    %dma_start3A_31 = arith.constant 0 : i32
    %dma_start3A_32 = arith.constant 0 : i32
    %dma_start3A_33 = tpu.memref_slice %arg2[%dma_start3A_31, %dma_start3A_32] : memref<2600000x16xf32, #tpu.memory_space<hbm>> -> memref<2600000x16xf32, #tpu.memory_space<hbm>>
    tpu.enqueue_indirect_dma source(%dma_start3A_33 : memref<2600000x16xf32, #tpu.memory_space<hbm>>) target(%arg14 : memref<1040x16xf32, #tpu.memory_space<vmem>>) offsets(%arg9 : memref<1040xi32, #tpu.memory_space<vmem>>) semaphore(%arg19 : memref<!tpu.dma_semaphore, #tpu.memory_space<semaphore_mem>>)
    %add3A_34 = arith.constant 3120 : i32
    %add3A_35 = arith.addi %mul3A_2, %add3A_34 : i32
    "tpu.region"() ({
      %run_scoped3A = tpu.sem_alloc : memref<!tpu.dma_semaphore, #tpu.memory_space<semaphore_mem>>
      %dma_start3A_1536 = tpu.memref_slice %arg3[%add3A_35] : memref<2129920xi32, #tpu.memory_space<hbm>> -> memref<1040xi32, #tpu.memory_space<hbm>>
      %dma_start3A_1537 = tpu.memref_slice %arg3[%add3A_35] : memref<2129920xi32, #tpu.memory_space<hbm>> -> memref<1040xi32, #tpu.memory_space<hbm>>
      tpu.enqueue_dma source(%dma_start3A_1537 : memref<1040xi32, #tpu.memory_space<hbm>>) target(%arg10 : memref<1040xi32, #tpu.memory_space<vmem>>) target_semaphore(%run_scoped3A : memref<!tpu.dma_semaphore, #tpu.memory_space<semaphore_mem>>)
      %dma_wait3A_1538 = tpu.memref_slice %arg3[%add3A_35] : memref<2129920xi32, #tpu.memory_space<hbm>> -> memref<1040xi32, #tpu.memory_space<hbm>>
      %dma_wait3A_1539 = tpu.memref_slice %arg3[%add3A_35] : memref<2129920xi32, #tpu.memory_space<hbm>> -> memref<1040xi32, #tpu.memory_space<hbm>>
      tpu.wait_dma2 semaphore(%run_scoped3A : memref<!tpu.dma_semaphore, #tpu.memory_space<semaphore_mem>>) src(%dma_wait3A_1539 : memref<1040xi32, #tpu.memory_space<hbm>>) dst(%arg10 : memref<1040xi32, #tpu.memory_space<vmem>>)
      tpu.yield
    }) : () -> ()
    %scan3A_36 = arith.constant 0 : i32
    %scan3A_37 = arith.constant 0 : i32
    %scan3A_38 = arith.constant 65 : i32
    %scan3A_39 = arith.addi %scan3A_37, %scan3A_38 : i32
    %scan3A_40 = arith.constant 1 : i32
    scf.for %scan3A_1536 = %scan3A_37 to %scan3A_39 step %scan3A_40  : i32 {
      %mul3A_1537 = arith.constant 16 : i32
      %mul3A_1538 = arith.muli %scan3A_1536, %mul3A_1537 : i32
      %multiple_of3A = tpu.assume_multiple %mul3A_1538, 16 : i32
      %get3A = arith.index_cast %multiple_of3A : i32 to index
      %get3A_1539 = tpu.vector_load %arg10[%get3A] {strides = array<i32>} : memref<1040xi32, #tpu.memory_space<vmem>>, vector<16xi32>,
      %get3A_1540 = vector.shape_cast %get3A_1539 : vector<16xi32> to vector<16xi32>
      %get3A_1541 = arith.index_cast %multiple_of3A : i32 to index
      %get3A_1542 = tpu.vector_load %arg6[%get3A_1541] {strides = array<i32>} : memref<1040xi32, #tpu.memory_space<vmem>>, vector<16xi32>,
      %get3A_1543 = vector.shape_cast %get3A_1542 : vector<16xi32> to vector<16xi32>
      %add3A_1544 = arith.addi %get3A_1540, %get3A_1543 : vector<16xi32>
      %swap3A = arith.index_cast %multiple_of3A : i32 to index
      %swap3A_1545 = tpu.vector_load %arg10[%swap3A] {strides = array<i32>} : memref<1040xi32, #tpu.memory_space<vmem>>, vector<16xi32>,
      %swap3A_1546 = vector.shape_cast %swap3A_1545 : vector<16xi32> to vector<16xi32>
      %swap3A_1547 = vector.shape_cast %add3A_1544 : vector<16xi32> to vector<16xi32>
      tpu.vector_store %arg10[%swap3A], %swap3A_1547 {strides = array<i32>} : memref<1040xi32, #tpu.memory_space<vmem>>, vector<16xi32>,
    }
    %scan3A_41 = arith.constant 65 : i32
    %dma_start3A_42 = arith.constant 0 : i32
    %dma_start3A_43 = arith.constant 0 : i32
    %dma_start3A_44 = tpu.memref_slice %arg2[%dma_start3A_42, %dma_start3A_43] : memref<2600000x16xf32, #tpu.memory_space<hbm>> -> memref<2600000x16xf32, #tpu.memory_space<hbm>>
    tpu.enqueue_indirect_dma source(%dma_start3A_44 : memref<2600000x16xf32, #tpu.memory_space<hbm>>) target(%arg15 : memref<1040x16xf32, #tpu.memory_space<vmem>>) offsets(%arg10 : memref<1040xi32, #tpu.memory_space<vmem>>) semaphore(%arg20 : memref<!tpu.dma_semaphore, #tpu.memory_space<semaphore_mem>>)
    %dma_wait3A = arith.constant 0 : i32
    %dma_wait3A_45 = arith.constant 0 : i32
    %dma_wait3A_46 = tpu.memref_slice %arg2[%dma_wait3A, %dma_wait3A_45] : memref<2600000x16xf32, #tpu.memory_space<hbm>> -> memref<2600000x16xf32, #tpu.memory_space<hbm>>
    tpu.wait_indirect_dma semaphore(%arg17 : memref<!tpu.dma_semaphore, #tpu.memory_space<semaphore_mem>>) src(%dma_wait3A_46 : memref<2600000x16xf32, #tpu.memory_space<hbm>>) dst(%arg12 : memref<1040x16xf32, #tpu.memory_space<vmem>>)
    %add3A_47 = arith.constant 0 : i32
    %add3A_48 = arith.addi %mul3A_2, %add3A_47 : i32
    %dma_start3A_49 = arith.constant 0 : i32
    %dma_start3A_50 = tpu.memref_slice %arg5[%add3A_48, %dma_start3A_49] : memref<2129920x16xf32, #tpu.memory_space<hbm>> -> memref<1040x16xf32, #tpu.memory_space<hbm>>
    %dma_start3A_51 = arith.constant 0 : i32
    %dma_start3A_52 = tpu.memref_slice %arg5[%add3A_48, %dma_start3A_51] : memref<2129920x16xf32, #tpu.memory_space<hbm>> -> memref<1040x16xf32, #tpu.memory_space<hbm>>
    tpu.enqueue_dma source(%arg12 : memref<1040x16xf32, #tpu.memory_space<vmem>>) target(%dma_start3A_52 : memref<1040x16xf32, #tpu.memory_space<hbm>>) target_semaphore(%arg22 : memref<!tpu.dma_semaphore, #tpu.memory_space<semaphore_mem>>)
    %add3A_53 = arith.constant 4160 : i32
    %add3A_54 = arith.addi %mul3A_2, %add3A_53 : i32
    "tpu.region"() ({
      %run_scoped3A = tpu.sem_alloc : memref<!tpu.dma_semaphore, #tpu.memory_space<semaphore_mem>>
      %dma_start3A_1536 = tpu.memref_slice %arg3[%add3A_54] : memref<2129920xi32, #tpu.memory_space<hbm>> -> memref<1040xi32, #tpu.memory_space<hbm>>
      %dma_start3A_1537 = tpu.memref_slice %arg3[%add3A_54] : memref<2129920xi32, #tpu.memory_space<hbm>> -> memref<1040xi32, #tpu.memory_space<hbm>>
      tpu.enqueue_dma source(%dma_start3A_1537 : memref<1040xi32, #tpu.memory_space<hbm>>) target(%arg11 : memref<1040xi32, #tpu.memory_space<vmem>>) target_semaphore(%run_scoped3A : memref<!tpu.dma_semaphore, #tpu.memory_space<semaphore_mem>>)
      %dma_wait3A_1538 = tpu.memref_slice %arg3[%add3A_54] : memref<2129920xi32, #tpu.memory_space<hbm>> -> memref<1040xi32, #tpu.memory_space<hbm>>
      %dma_wait3A_1539 = tpu.memref_slice %arg3[%add3A_54] : memref<2129920xi32, #tpu.memory_space<hbm>> -> memref<1040xi32, #tpu.memory_space<hbm>>
      tpu.wait_dma2 semaphore(%run_scoped3A : memref<!tpu.dma_semaphore, #tpu.memory_space<semaphore_mem>>) src(%dma_wait3A_1539 : memref<1040xi32, #tpu.memory_space<hbm>>) dst(%arg11 : memref<1040xi32, #tpu.memory_space<vmem>>)
      tpu.yield
    }) : () -> ()
    %scan3A_55 = arith.constant 0 : i32
    %scan3A_56 = arith.constant 0 : i32
    %scan3A_57 = arith.constant 65 : i32
    %scan3A_58 = arith.addi %scan3A_56, %scan3A_57 : i32
    %scan3A_59 = arith.constant 1 : i32
    scf.for %scan3A_1536 = %scan3A_56 to %scan3A_58 step %scan3A_59  : i32 {
      %mul3A_1537 = arith.constant 16 : i32
      %mul3A_1538 = arith.muli %scan3A_1536, %mul3A_1537 : i32
      %multiple_of3A = tpu.assume_multiple %mul3A_1538, 16 : i32
      %get3A = arith.index_cast %multiple_of3A : i32 to index
      %get3A_1539 = tpu.vector_load %arg11[%get3A] {strides = array<i32>} : memref<1040xi32, #tpu.memory_space<vmem>>, vector<16xi32>,
      %get3A_1540 = vector.shape_cast %get3A_1539 : vector<16xi32> to vector<16xi32>
      %get3A_1541 = arith.index_cast %multiple_of3A : i32 to index
      %get3A_1542 = tpu.vector_load %arg6[%get3A_1541] {strides = array<i32>} : memref<1040xi32, #tpu.memory_space<vmem>>, vector<16xi32>,
      %get3A_1543 = vector.shape_cast %get3A_1542 : vector<16xi32> to vector<16xi32>
      %add3A_1544 = arith.addi %get3A_1540, %get3A_1543 : vector<16xi32>
      %swap3A = arith.index_cast %multiple_of3A : i32 to index
      %swap3A_1545 = tpu.vector_load %arg11[%swap3A] {strides = array<i32>} : memref<1040xi32, #tpu.memory_space<vmem>>, vector<16xi32>,
      %swap3A_1546 = vector.shape_cast %swap3A_1545 : vector<16xi32> to vector<16xi32>
      %swap3A_1547 = vector.shape_cast %add3A_1544 : vector<16xi32> to vector<16xi32>
      tpu.vector_store %arg11[%swap3A], %swap3A_1547 {strides = array<i32>} : memref<1040xi32, #tpu.memory_space<vmem>>, vector<16xi32>,
    }
    %scan3A_60 = arith.constant 65 : i32
    %dma_start3A_61 = arith.constant 0 : i32
    %dma_start3A_62 = arith.constant 0 : i32
    %dma_start3A_63 = tpu.memref_slice %arg2[%dma_start3A_61, %dma_start3A_62] : memref<2600000x16xf32, #tpu.memory_space<hbm>> -> memref<2600000x16xf32, #tpu.memory_space<hbm>>
    tpu.enqueue_indirect_dma source(%dma_start3A_63 : memref<2600000x16xf32, #tpu.memory_space<hbm>>) target(%arg16 : memref<1040x16xf32, #tpu.memory_space<vmem>>) offsets(%arg11 : memref<1040xi32, #tpu.memory_space<vmem>>) semaphore(%arg21 : memref<!tpu.dma_semaphore, #tpu.memory_space<semaphore_mem>>)
    %dma_wait3A_64 = arith.constant 0 : i32
    %dma_wait3A_65 = arith.constant 0 : i32
    %dma_wait3A_66 = tpu.memref_slice %arg2[%dma_wait3A_64, %dma_wait3A_65] : memref<2600000x16xf32, #tpu.memory_space<hbm>> -> memref<2600000x16xf32, #tpu.memory_space<hbm>>
    tpu.wait_indirect_dma semaphore(%arg18 : memref<!tpu.dma_semaphore, #tpu.memory_space<semaphore_mem>>) src(%dma_wait3A_66 : memref<2600000x16xf32, #tpu.memory_space<hbm>>) dst(%arg13 : memref<1040x16xf32, #tpu.memory_space<vmem>>)
    %add3A_67 = arith.constant 1040 : i32
    %add3A_68 = arith.addi %mul3A_2, %add3A_67 : i32
    %dma_start3A_69 = arith.constant 0 : i32
    %dma_start3A_70 = tpu.memref_slice %arg5[%add3A_68, %dma_start3A_69] : memref<2129920x16xf32, #tpu.memory_space<hbm>> -> memref<1040x16xf32, #tpu.memory_space<hbm>>
    %dma_start3A_71 = arith.constant 0 : i32
    %dma_start3A_72 = tpu.memref_slice %arg5[%add3A_68, %dma_start3A_71] : memref<2129920x16xf32, #tpu.memory_space<hbm>> -> memref<1040x16xf32, #tpu.memory_space<hbm>>
    tpu.enqueue_dma source(%arg13 : memref<1040x16xf32, #tpu.memory_space<vmem>>) target(%dma_start3A_72 : memref<1040x16xf32, #tpu.memory_space<hbm>>) target_semaphore(%arg23 : memref<!tpu.dma_semaphore, #tpu.memory_space<semaphore_mem>>)
    %add3A_73 = arith.constant 5200 : i32
    %add3A_74 = arith.addi %mul3A_2, %add3A_73 : i32
    "tpu.region"() ({
      %run_scoped3A = tpu.sem_alloc : memref<!tpu.dma_semaphore, #tpu.memory_space<semaphore_mem>>
      %dma_start3A_1536 = tpu.memref_slice %arg3[%add3A_74] : memref<2129920xi32, #tpu.memory_space<hbm>> -> memref<1040xi32, #tpu.memory_space<hbm>>
      %dma_start3A_1537 = tpu.memref_slice %arg3[%add3A_74] : memref<2129920xi32, #tpu.memory_space<hbm>> -> memref<1040xi32, #tpu.memory_space<hbm>>
      tpu.enqueue_dma source(%dma_start3A_1537 : memref<1040xi32, #tpu.memory_space<hbm>>) target(%arg7 : memref<1040xi32, #tpu.memory_space<vmem>>) target_semaphore(%run_scoped3A : memref<!tpu.dma_semaphore, #tpu.memory_space<semaphore_mem>>)
      %dma_wait3A_1538 = tpu.memref_slice %arg3[%add3A_74] : memref<2129920xi32, #tpu.memory_space<hbm>> -> memref<1040xi32, #tpu.memory_space<hbm>>
      %dma_wait3A_1539 = tpu.memref_slice %arg3[%add3A_74] : memref<2129920xi32, #tpu.memory_space<hbm>> -> memref<1040xi32, #tpu.memory_space<hbm>>
      tpu.wait_dma2 semaphore(%run_scoped3A : memref<!tpu.dma_semaphore, #tpu.memory_space<semaphore_mem>>) src(%dma_wait3A_1539 : memref<1040xi32, #tpu.memory_space<hbm>>) dst(%arg7 : memref<1040xi32, #tpu.memory_space<vmem>>)
      tpu.yield
    }) : () -> ()
    %scan3A_75 = arith.constant 0 : i32
    %scan3A_76 = arith.constant 0 : i32
    %scan3A_77 = arith.constant 65 : i32
    %scan3A_78 = arith.addi %scan3A_76, %scan3A_77 : i32
    %scan3A_79 = arith.constant 1 : i32
    scf.for %scan3A_1536 = %scan3A_76 to %scan3A_78 step %scan3A_79  : i32 {
      %mul3A_1537 = arith.constant 16 : i32
      %mul3A_1538 = arith.muli %scan3A_1536, %mul3A_1537 : i32
      %multiple_of3A = tpu.assume_multiple %mul3A_1538, 16 : i32
      %get3A = arith.index_cast %multiple_of3A : i32 to index
      %get3A_1539 = tpu.vector_load %arg7[%get3A] {strides = array<i32>} : memref<1040xi32, #tpu.memory_space<vmem>>, vector<16xi32>,
      %get3A_1540 = vector.shape_cast %get3A_1539 : vector<16xi32> to vector<16xi32>
      %get3A_1541 = arith.index_cast %multiple_of3A : i32 to index
      %get3A_1542 = tpu.vector_load %arg6[%get3A_1541] {strides = array<i32>} : memref<1040xi32, #tpu.memory_space<vmem>>, vector<16xi32>,
      %get3A_1543 = vector.shape_cast %get3A_1542 : vector<16xi32> to vector<16xi32>
      %add3A_1544 = arith.addi %get3A_1540, %get3A_1543 : vector<16xi32>
      %swap3A = arith.index_cast %multiple_of3A : i32 to index
      %swap3A_1545 = tpu.vector_load %arg7[%swap3A] {strides = array<i32>} : memref<1040xi32, #tpu.memory_space<vmem>>, vector<16xi32>,
      %swap3A_1546 = vector.shape_cast %swap3A_1545 : vector<16xi32> to vector<16xi32>
      %swap3A_1547 = vector.shape_cast %add3A_1544 : vector<16xi32> to vector<16xi32>
      tpu.vector_store %arg7[%swap3A], %swap3A_1547 {strides = array<i32>} : memref<1040xi32, #tpu.memory_space<vmem>>, vector<16xi32>,
    }
    %scan3A_80 = arith.constant 65 : i32
    %dma_wait3A_81 = arith.constant 0 : i32
    %dma_wait3A_82 = tpu.memref_slice %arg5[%add3A_48, %dma_wait3A_81] : memref<2129920x16xf32, #tpu.memory_space<hbm>> -> memref<1040x16xf32, #tpu.memory_space<hbm>>
    %dma_wait3A_83 = arith.constant 0 : i32
    %dma_wait3A_84 = tpu.memref_slice %arg5[%add3A_48, %dma_wait3A_83] : memref<2129920x16xf32, #tpu.memory_space<hbm>> -> memref<1040x16xf32, #tpu.memory_space<hbm>>
    tpu.wait_dma2 semaphore(%arg22 : memref<!tpu.dma_semaphore, #tpu.memory_space<semaphore_mem>>) src(%arg12 : memref<1040x16xf32, #tpu.memory_space<vmem>>) dst(%dma_wait3A_84 : memref<1040x16xf32, #tpu.memory_space<hbm>>)
    %dma_start3A_85 = arith.constant 0 : i32
    %dma_start3A_86 = arith.constant 0 : i32
    %dma_start3A_87 = tpu.memref_slice %arg2[%dma_start3A_85, %dma_start3A_86] : memref<2600000x16xf32, #tpu.memory_space<hbm>> -> memref<2600000x16xf32, #tpu.memory_space<hbm>>
    tpu.enqueue_indirect_dma source(%dma_start3A_87 : memref<2600000x16xf32, #tpu.memory_space<hbm>>) target(%arg12 : memref<1040x16xf32, #tpu.memory_space<vmem>>) offsets(%arg7 : memref<1040xi32, #tpu.memory_space<vmem>>) semaphore(%arg17 : memref<!tpu.dma_semaphore, #tpu.memory_space<semaphore_mem>>)
    %dma_wait3A_88 = arith.constant 0 : i32
    %dma_wait3A_89 = arith.constant 0 : i32
    %dma_wait3A_90 = tpu.memref_slice %arg2[%dma_wait3A_88, %dma_wait3A_89] : memref<2600000x16xf32, #tpu.memory_space<hbm>> -> memref<2600000x16xf32, #tpu.memory_space<hbm>>
    tpu.wait_indirect_dma semaphore(%arg19 : memref<!tpu.dma_semaphore, #tpu.memory_space<semaphore_mem>>) src(%dma_wait3A_90 : memref<2600000x16xf32, #tpu.memory_space<hbm>>) dst(%arg14 : memref<1040x16xf32, #tpu.memory_space<vmem>>)
    %add3A_91 = arith.constant 2080 : i32
    %add3A_92 = arith.addi %mul3A_2, %add3A_91 : i32
    %dma_start3A_93 = arith.constant 0 : i32
    %dma_start3A_94 = tpu.memref_slice %arg5[%add3A_92, %dma_start3A_93] : memref<2129920x16xf32, #tpu.memory_space<hbm>> -> memref<1040x16xf32, #tpu.memory_space<hbm>>
    %dma_start3A_95 = arith.constant 0 : i32
    %dma_start3A_96 = tpu.memref_slice %arg5[%add3A_92, %dma_start3A_95] : memref<2129920x16xf32, #tpu.memory_space<hbm>> -> memref<1040x16xf32, #tpu.memory_space<hbm>>
    tpu.enqueue_dma source(%arg14 : memref<1040x16xf32, #tpu.memory_space<vmem>>) target(%dma_start3A_96 : memref<1040x16xf32, #tpu.memory_space<hbm>>) target_semaphore(%arg24 : memref<!tpu.dma_semaphore, #tpu.memory_space<semaphore_mem>>)
    %add3A_97 = arith.constant 6240 : i32
    %add3A_98 = arith.addi %mul3A_2, %add3A_97 : i32
    "tpu.region"() ({
      %run_scoped3A = tpu.sem_alloc : memref<!tpu.dma_semaphore, #tpu.memory_space<semaphore_mem>>
      %dma_start3A_1536 = tpu.memref_slice %arg3[%add3A_98] : memref<2129920xi32, #tpu.memory_space<hbm>> -> memref<1040xi32, #tpu.memory_space<hbm>>
      %dma_start3A_1537 = tpu.memref_slice %arg3[%add3A_98] : memref<2129920xi32, #tpu.memory_space<hbm>> -> memref<1040xi32, #tpu.memory_space<hbm>>
      tpu.enqueue_dma source(%dma_start3A_1537 : memref<1040xi32, #tpu.memory_space<hbm>>) target(%arg8 : memref<1040xi32, #tpu.memory_space<vmem>>) target_semaphore(%run_scoped3A : memref<!tpu.dma_semaphore, #tpu.memory_space<semaphore_mem>>)
      %dma_wait3A_1538 = tpu.memref_slice %arg3[%add3A_98] : memref<2129920xi32, #tpu.memory_space<hbm>> -> memref<1040xi32, #tpu.memory_space<hbm>>
      %dma_wait3A_1539 = tpu.memref_slice %arg3[%add3A_98] : memref<2129920xi32, #tpu.memory_space<hbm>> -> memref<1040xi32, #tpu.memory_space<hbm>>
      tpu.wait_dma2 semaphore(%run_scoped3A : memref<!tpu.dma_semaphore, #tpu.memory_space<semaphore_mem>>) src(%dma_wait3A_1539 : memref<1040xi32, #tpu.memory_space<hbm>>) dst(%arg8 : memref<1040xi32, #tpu.memory_space<vmem>>)
      tpu.yield
    }) : () -> ()
    %scan3A_99 = arith.constant 0 : i32
    %scan3A_100 = arith.constant 0 : i32
    %scan3A_101 = arith.constant 65 : i32
    %scan3A_102 = arith.addi %scan3A_100, %scan3A_101 : i32
    %scan3A_103 = arith.constant 1 : i32
    scf.for %scan3A_1536 = %scan3A_100 to %scan3A_102 step %scan3A_103  : i32 {
      %mul3A_1537 = arith.constant 16 : i32
      %mul3A_1538 = arith.muli %scan3A_1536, %mul3A_1537 : i32
      %multiple_of3A = tpu.assume_multiple %mul3A_1538, 16 : i32
      %get3A = arith.index_cast %multiple_of3A : i32 to index
      %get3A_1539 = tpu.vector_load %arg8[%get3A] {strides = array<i32>} : memref<1040xi32, #tpu.memory_space<vmem>>, vector<16xi32>,
      %get3A_1540 = vector.shape_cast %get3A_1539 : vector<16xi32> to vector<16xi32>
      %get3A_1541 = arith.index_cast %multiple_of3A : i32 to index
      %get3A_1542 = tpu.vector_load %arg6[%get3A_1541] {strides = array<i32>} : memref<1040xi32, #tpu.memory_space<vmem>>, vector<16xi32>,
      %get3A_1543 = vector.shape_cast %get3A_1542 : vector<16xi32> to vector<16xi32>
      %add3A_1544 = arith.addi %get3A_1540, %get3A_1543 : vector<16xi32>
      %swap3A = arith.index_cast %multiple_of3A : i32 to index
      %swap3A_1545 = tpu.vector_load %arg8[%swap3A] {strides = array<i32>} : memref<1040xi32, #tpu.memory_space<vmem>>, vector<16xi32>,
      %swap3A_1546 = vector.shape_cast %swap3A_1545 : vector<16xi32> to vector<16xi32>
      %swap3A_1547 = vector.shape_cast %add3A_1544 : vector<16xi32> to vector<16xi32>
      tpu.vector_store %arg8[%swap3A], %swap3A_1547 {strides = array<i32>} : memref<1040xi32, #tpu.memory_space<vmem>>, vector<16xi32>,
    }
    %scan3A_104 = arith.constant 65 : i32
    %dma_wait3A_105 = arith.constant 0 : i32
    %dma_wait3A_106 = tpu.memref_slice %arg5[%add3A_68, %dma_wait3A_105] : memref<2129920x16xf32, #tpu.memory_space<hbm>> -> memref<1040x16xf32, #tpu.memory_space<hbm>>
    %dma_wait3A_107 = arith.constant 0 : i32
    %dma_wait3A_108 = tpu.memref_slice %arg5[%add3A_68, %dma_wait3A_107] : memref<2129920x16xf32, #tpu.memory_space<hbm>> -> memref<1040x16xf32, #tpu.memory_space<hbm>>
    tpu.wait_dma2 semaphore(%arg23 : memref<!tpu.dma_semaphore, #tpu.memory_space<semaphore_mem>>) src(%arg13 : memref<1040x16xf32, #tpu.memory_space<vmem>>) dst(%dma_wait3A_108 : memref<1040x16xf32, #tpu.memory_space<hbm>>)
    %dma_start3A_109 = arith.constant 0 : i32
    %dma_start3A_110 = arith.constant 0 : i32
    %dma_start3A_111 = tpu.memref_slice %arg2[%dma_start3A_109, %dma_start3A_110] : memref<2600000x16xf32, #tpu.memory_space<hbm>> -> memref<2600000x16xf32, #tpu.memory_space<hbm>>
    tpu.enqueue_indirect_dma source(%dma_start3A_111 : memref<2600000x16xf32, #tpu.memory_space<hbm>>) target(%arg13 : memref<1040x16xf32, #tpu.memory_space<vmem>>) offsets(%arg8 : memref<1040xi32, #tpu.memory_space<vmem>>) semaphore(%arg18 : memref<!tpu.dma_semaphore, #tpu.memory_space<semaphore_mem>>)
    %dma_wait3A_112 = arith.constant 0 : i32
    %dma_wait3A_113 = arith.constant 0 : i32
    %dma_wait3A_114 = tpu.memref_slice %arg2[%dma_wait3A_112, %dma_wait3A_113] : memref<2600000x16xf32, #tpu.memory_space<hbm>> -> memref<2600000x16xf32, #tpu.memory_space<hbm>>
    tpu.wait_indirect_dma semaphore(%arg20 : memref<!tpu.dma_semaphore, #tpu.memory_space<semaphore_mem>>) src(%dma_wait3A_114 : memref<2600000x16xf32, #tpu.memory_space<hbm>>) dst(%arg15 : memref<1040x16xf32, #tpu.memory_space<vmem>>)
    %add3A_115 = arith.constant 3120 : i32
    %add3A_116 = arith.addi %mul3A_2, %add3A_115 : i32
    %dma_start3A_117 = arith.constant 0 : i32
    %dma_start3A_118 = tpu.memref_slice %arg5[%add3A_116, %dma_start3A_117] : memref<2129920x16xf32, #tpu.memory_space<hbm>> -> memref<1040x16xf32, #tpu.memory_space<hbm>>
    %dma_start3A_119 = arith.constant 0 : i32
    %dma_start3A_120 = tpu.memref_slice %arg5[%add3A_116, %dma_start3A_119] : memref<2129920x16xf32, #tpu.memory_space<hbm>> -> memref<1040x16xf32, #tpu.memory_space<hbm>>
    tpu.enqueue_dma source(%arg15 : memref<1040x16xf32, #tpu.memory_space<vmem>>) target(%dma_start3A_120 : memref<1040x16xf32, #tpu.memory_space<hbm>>) target_semaphore(%arg25 : memref<!tpu.dma_semaphore, #tpu.memory_space<semaphore_mem>>)
    %add3A_121 = arith.constant 7280 : i32
    %add3A_122 = arith.addi %mul3A_2, %add3A_121 : i32
    "tpu.region"() ({
      %run_scoped3A = tpu.sem_alloc : memref<!tpu.dma_semaphore, #tpu.memory_space<semaphore_mem>>
      %dma_start3A_1536 = tpu.memref_slice %arg3[%add3A_122] : memref<2129920xi32, #tpu.memory_space<hbm>> -> memref<1040xi32, #tpu.memory_space<hbm>>
      %dma_start3A_1537 = tpu.memref_slice %arg3[%add3A_122] : memref<2129920xi32, #tpu.memory_space<hbm>> -> memref<1040xi32, #tpu.memory_space<hbm>>
      tpu.enqueue_dma source(%dma_start3A_1537 : memref<1040xi32, #tpu.memory_space<hbm>>) target(%arg9 : memref<1040xi32, #tpu.memory_space<vmem>>) target_semaphore(%run_scoped3A : memref<!tpu.dma_semaphore, #tpu.memory_space<semaphore_mem>>)
      %dma_wait3A_1538 = tpu.memref_slice %arg3[%add3A_122] : memref<2129920xi32, #tpu.memory_space<hbm>> -> memref<1040xi32, #tpu.memory_space<hbm>>
      %dma_wait3A_1539 = tpu.memref_slice %arg3[%add3A_122] : memref<2129920xi32, #tpu.memory_space<hbm>> -> memref<1040xi32, #tpu.memory_space<hbm>>
      tpu.wait_dma2 semaphore(%run_scoped3A : memref<!tpu.dma_semaphore, #tpu.memory_space<semaphore_mem>>) src(%dma_wait3A_1539 : memref<1040xi32, #tpu.memory_space<hbm>>) dst(%arg9 : memref<1040xi32, #tpu.memory_space<vmem>>)
      tpu.yield
    }) : () -> ()
    %scan3A_123 = arith.constant 0 : i32
    %scan3A_124 = arith.constant 0 : i32
    %scan3A_125 = arith.constant 65 : i32
    %scan3A_126 = arith.addi %scan3A_124, %scan3A_125 : i32
    %scan3A_127 = arith.constant 1 : i32
    scf.for %scan3A_1536 = %scan3A_124 to %scan3A_126 step %scan3A_127  : i32 {
      %mul3A_1537 = arith.constant 16 : i32
      %mul3A_1538 = arith.muli %scan3A_1536, %mul3A_1537 : i32
      %multiple_of3A = tpu.assume_multiple %mul3A_1538, 16 : i32
      %get3A = arith.index_cast %multiple_of3A : i32 to index
      %get3A_1539 = tpu.vector_load %arg9[%get3A] {strides = array<i32>} : memref<1040xi32, #tpu.memory_space<vmem>>, vector<16xi32>,
      %get3A_1540 = vector.shape_cast %get3A_1539 : vector<16xi32> to vector<16xi32>
      %get3A_1541 = arith.index_cast %multiple_of3A : i32 to index
      %get3A_1542 = tpu.vector_load %arg6[%get3A_1541] {strides = array<i32>} : memref<1040xi32, #tpu.memory_space<vmem>>, vector<16xi32>,
      %get3A_1543 = vector.shape_cast %get3A_1542 : vector<16xi32> to vector<16xi32>
      %add3A_1544 = arith.addi %get3A_1540, %get3A_1543 : vector<16xi32>
      %swap3A = arith.index_cast %multiple_of3A : i32 to index
      %swap3A_1545 = tpu.vector_load %arg9[%swap3A] {strides = array<i32>} : memref<1040xi32, #tpu.memory_space<vmem>>, vector<16xi32>,
      %swap3A_1546 = vector.shape_cast %swap3A_1545 : vector<16xi32> to vector<16xi32>
      %swap3A_1547 = vector.shape_cast %add3A_1544 : vector<16xi32> to vector<16xi32>
      tpu.vector_store %arg9[%swap3A], %swap3A_1547 {strides = array<i32>} : memref<1040xi32, #tpu.memory_space<vmem>>, vector<16xi32>,
    }
    %scan3A_128 = arith.constant 65 : i32
    %dma_wait3A_129 = arith.constant 0 : i32
    %dma_wait3A_130 = tpu.memref_slice %arg5[%add3A_92, %dma_wait3A_129] : memref<2129920x16xf32, #tpu.memory_space<hbm>> -> memref<1040x16xf32, #tpu.memory_space<hbm>>
    %dma_wait3A_131 = arith.constant 0 : i32
    %dma_wait3A_132 = tpu.memref_slice %arg5[%add3A_92, %dma_wait3A_131] : memref<2129920x16xf32, #tpu.memory_space<hbm>> -> memref<1040x16xf32, #tpu.memory_space<hbm>>
    tpu.wait_dma2 semaphore(%arg24 : memref<!tpu.dma_semaphore, #tpu.memory_space<semaphore_mem>>) src(%arg14 : memref<1040x16xf32, #tpu.memory_space<vmem>>) dst(%dma_wait3A_132 : memref<1040x16xf32, #tpu.memory_space<hbm>>)
    %dma_start3A_133 = arith.constant 0 : i32
    %dma_start3A_134 = arith.constant 0 : i32
    %dma_start3A_135 = tpu.memref_slice %arg2[%dma_start3A_133, %dma_start3A_134] : memref<2600000x16xf32, #tpu.memory_space<hbm>> -> memref<2600000x16xf32, #tpu.memory_space<hbm>>
    tpu.enqueue_indirect_dma source(%dma_start3A_135 : memref<2600000x16xf32, #tpu.memory_space<hbm>>) target(%arg14 : memref<1040x16xf32, #tpu.memory_space<vmem>>) offsets(%arg9 : memref<1040xi32, #tpu.memory_space<vmem>>) semaphore(%arg19 : memref<!tpu.dma_semaphore, #tpu.memory_space<semaphore_mem>>)
    %dma_wait3A_136 = arith.constant 0 : i32
    %dma_wait3A_137 = arith.constant 0 : i32
    %dma_wait3A_138 = tpu.memref_slice %arg2[%dma_wait3A_136, %dma_wait3A_137] : memref<2600000x16xf32, #tpu.memory_space<hbm>> -> memref<2600000x16xf32, #tpu.memory_space<hbm>>
    tpu.wait_indirect_dma semaphore(%arg21 : memref<!tpu.dma_semaphore, #tpu.memory_space<semaphore_mem>>) src(%dma_wait3A_138 : memref<2600000x16xf32, #tpu.memory_space<hbm>>) dst(%arg16 : memref<1040x16xf32, #tpu.memory_space<vmem>>)
    %add3A_139 = arith.constant 4160 : i32
    %add3A_140 = arith.addi %mul3A_2, %add3A_139 : i32
    %dma_start3A_141 = arith.constant 0 : i32
    %dma_start3A_142 = tpu.memref_slice %arg5[%add3A_140, %dma_start3A_141] : memref<2129920x16xf32, #tpu.memory_space<hbm>> -> memref<1040x16xf32, #tpu.memory_space<hbm>>
    %dma_start3A_143 = arith.constant 0 : i32
    %dma_start3A_144 = tpu.memref_slice %arg5[%add3A_140, %dma_start3A_143] : memref<2129920x16xf32, #tpu.memory_space<hbm>> -> memref<1040x16xf32, #tpu.memory_space<hbm>>
    tpu.enqueue_dma source(%arg16 : memref<1040x16xf32, #tpu.memory_space<vmem>>) target(%dma_start3A_144 : memref<1040x16xf32, #tpu.memory_space<hbm>>) target_semaphore(%arg26 : memref<!tpu.dma_semaphore, #tpu.memory_space<semaphore_mem>>)
    %add3A_145 = arith.constant 8320 : i32
    %add3A_146 = arith.addi %mul3A_2, %add3A_145 : i32
    "tpu.region"() ({
      %run_scoped3A = tpu.sem_alloc : memref<!tpu.dma_semaphore, #tpu.memory_space<semaphore_mem>>
      %dma_start3A_1536 = tpu.memref_slice %arg3[%add3A_146] : memref<2129920xi32, #tpu.memory_space<hbm>> -> memref<1040xi32, #tpu.memory_space<hbm>>
      %dma_start3A_1537 = tpu.memref_slice %arg3[%add3A_146] : memref<2129920xi32, #tpu.memory_space<hbm>> -> memref<1040xi32, #tpu.memory_space<hbm>>
      tpu.enqueue_dma source(%dma_start3A_1537 : memref<1040xi32, #tpu.memory_space<hbm>>) target(%arg10 : memref<1040xi32, #tpu.memory_space<vmem>>) target_semaphore(%run_scoped3A : memref<!tpu.dma_semaphore, #tpu.memory_space<semaphore_mem>>)
      %dma_wait3A_1538 = tpu.memref_slice %arg3[%add3A_146] : memref<2129920xi32, #tpu.memory_space<hbm>> -> memref<1040xi32, #tpu.memory_space<hbm>>
      %dma_wait3A_1539 = tpu.memref_slice %arg3[%add3A_146] : memref<2129920xi32, #tpu.memory_space<hbm>> -> memref<1040xi32, #tpu.memory_space<hbm>>
      tpu.wait_dma2 semaphore(%run_scoped3A : memref<!tpu.dma_semaphore, #tpu.memory_space<semaphore_mem>>) src(%dma_wait3A_1539 : memref<1040xi32, #tpu.memory_space<hbm>>) dst(%arg10 : memref<1040xi32, #tpu.memory_space<vmem>>)
      tpu.yield
    }) : () -> ()
    %scan3A_147 = arith.constant 0 : i32
    %scan3A_148 = arith.constant 0 : i32
    %scan3A_149 = arith.constant 65 : i32
    %scan3A_150 = arith.addi %scan3A_148, %scan3A_149 : i32
    %scan3A_151 = arith.constant 1 : i32
    scf.for %scan3A_1536 = %scan3A_148 to %scan3A_150 step %scan3A_151  : i32 {
      %mul3A_1537 = arith.constant 16 : i32
      %mul3A_1538 = arith.muli %scan3A_1536, %mul3A_1537 : i32
      %multiple_of3A = tpu.assume_multiple %mul3A_1538, 16 : i32
      %get3A = arith.index_cast %multiple_of3A : i32 to index
      %get3A_1539 = tpu.vector_load %arg10[%get3A] {strides = array<i32>} : memref<1040xi32, #tpu.memory_space<vmem>>, vector<16xi32>,
      %get3A_1540 = vector.shape_cast %get3A_1539 : vector<16xi32> to vector<16xi32>
      %get3A_1541 = arith.index_cast %multiple_of3A : i32 to index
      %get3A_1542 = tpu.vector_load %arg6[%get3A_1541] {strides = array<i32>} : memref<1040xi32, #tpu.memory_space<vmem>>, vector<16xi32>,
      %get3A_1543 = vector.shape_cast %get3A_1542 : vector<16xi32> to vector<16xi32>
      %add3A_1544 = arith.addi %get3A_1540, %get3A_1543 : vector<16xi32>
      %swap3A = arith.index_cast %multiple_of3A : i32 to index
      %swap3A_1545 = tpu.vector_load %arg10[%swap3A] {strides = array<i32>} : memref<1040xi32, #tpu.memory_space<vmem>>, vector<16xi32>,
      %swap3A_1546 = vector.shape_cast %swap3A_1545 : vector<16xi32> to vector<16xi32>
      %swap3A_1547 = vector.shape_cast %add3A_1544 : vector<16xi32> to vector<16xi32>
      tpu.vector_store %arg10[%swap3A], %swap3A_1547 {strides = array<i32>} : memref<1040xi32, #tpu.memory_space<vmem>>, vector<16xi32>,
    }
    %scan3A_152 = arith.constant 65 : i32
    %dma_wait3A_153 = arith.constant 0 : i32
    %dma_wait3A_154 = tpu.memref_slice %arg5[%add3A_116, %dma_wait3A_153] : memref<2129920x16xf32, #tpu.memory_space<hbm>> -> memref<1040x16xf32, #tpu.memory_space<hbm>>
    %dma_wait3A_155 = arith.constant 0 : i32
    %dma_wait3A_156 = tpu.memref_slice %arg5[%add3A_116, %dma_wait3A_155] : memref<2129920x16xf32, #tpu.memory_space<hbm>> -> memref<1040x16xf32, #tpu.memory_space<hbm>>
    tpu.wait_dma2 semaphore(%arg25 : memref<!tpu.dma_semaphore, #tpu.memory_space<semaphore_mem>>) src(%arg15 : memref<1040x16xf32, #tpu.memory_space<vmem>>) dst(%dma_wait3A_156 : memref<1040x16xf32, #tpu.memory_space<hbm>>)
    %dma_start3A_157 = arith.constant 0 : i32
    %dma_start3A_158 = arith.constant 0 : i32
    %dma_start3A_159 = tpu.memref_slice %arg2[%dma_start3A_157, %dma_start3A_158] : memref<2600000x16xf32, #tpu.memory_space<hbm>> -> memref<2600000x16xf32, #tpu.memory_space<hbm>>
    tpu.enqueue_indirect_dma source(%dma_start3A_159 : memref<2600000x16xf32, #tpu.memory_space<hbm>>) target(%arg15 : memref<1040x16xf32, #tpu.memory_space<vmem>>) offsets(%arg10 : memref<1040xi32, #tpu.memory_space<vmem>>) semaphore(%arg20 : memref<!tpu.dma_semaphore, #tpu.memory_space<semaphore_mem>>)
    %dma_wait3A_160 = arith.constant 0 : i32
    %dma_wait3A_161 = arith.constant 0 : i32
    %dma_wait3A_162 = tpu.memref_slice %arg2[%dma_wait3A_160, %dma_wait3A_161] : memref<2600000x16xf32, #tpu.memory_space<hbm>> -> memref<2600000x16xf32, #tpu.memory_space<hbm>>
    tpu.wait_indirect_dma semaphore(%arg17 : memref<!tpu.dma_semaphore, #tpu.memory_space<semaphore_mem>>) src(%dma_wait3A_162 : memref<2600000x16xf32, #tpu.memory_space<hbm>>) dst(%arg12 : memref<1040x16xf32, #tpu.memory_space<vmem>>)
    %add3A_163 = arith.constant 5200 : i32
    %add3A_164 = arith.addi %mul3A_2, %add3A_163 : i32
    %dma_start3A_165 = arith.constant 0 : i32
    %dma_start3A_166 = tpu.memref_slice %arg5[%add3A_164, %dma_start3A_165] : memref<2129920x16xf32, #tpu.memory_space<hbm>> -> memref<1040x16xf32, #tpu.memory_space<hbm>>
    %dma_start3A_167 = arith.constant 0 : i32
    %dma_start3A_168 = tpu.memref_slice %arg5[%add3A_164, %dma_start3A_167] : memref<2129920x16xf32, #tpu.memory_space<hbm>> -> memref<1040x16xf32, #tpu.memory_space<hbm>>
    tpu.enqueue_dma source(%arg12 : memref<1040x16xf32, #tpu.memory_space<vmem>>) target(%dma_start3A_168 : memref<1040x16xf32, #tpu.memory_space<hbm>>) target_semaphore(%arg22 : memref<!tpu.dma_semaphore, #tpu.memory_space<semaphore_mem>>)
    %add3A_169 = arith.constant 9360 : i32
    %add3A_170 = arith.addi %mul3A_2, %add3A_169 : i32
    "tpu.region"() ({
      %run_scoped3A = tpu.sem_alloc : memref<!tpu.dma_semaphore, #tpu.memory_space<semaphore_mem>>
      %dma_start3A_1536 = tpu.memref_slice %arg3[%add3A_170] : memref<2129920xi32, #tpu.memory_space<hbm>> -> memref<1040xi32, #tpu.memory_space<hbm>>
      %dma_start3A_1537 = tpu.memref_slice %arg3[%add3A_170] : memref<2129920xi32, #tpu.memory_space<hbm>> -> memref<1040xi32, #tpu.memory_space<hbm>>
      tpu.enqueue_dma source(%dma_start3A_1537 : memref<1040xi32, #tpu.memory_space<hbm>>) target(%arg11 : memref<1040xi32, #tpu.memory_space<vmem>>) target_semaphore(%run_scoped3A : memref<!tpu.dma_semaphore, #tpu.memory_space<semaphore_mem>>)
      %dma_wait3A_1538 = tpu.memref_slice %arg3[%add3A_170] : memref<2129920xi32, #tpu.memory_space<hbm>> -> memref<1040xi32, #tpu.memory_space<hbm>>
      %dma_wait3A_1539 = tpu.memref_slice %arg3[%add3A_170] : memref<2129920xi32, #tpu.memory_space<hbm>> -> memref<1040xi32, #tpu.memory_space<hbm>>
      tpu.wait_dma2 semaphore(%run_scoped3A : memref<!tpu.dma_semaphore, #tpu.memory_space<semaphore_mem>>) src(%dma_wait3A_1539 : memref<1040xi32, #tpu.memory_space<hbm>>) dst(%arg11 : memref<1040xi32, #tpu.memory_space<vmem>>)
      tpu.yield
    }) : () -> ()
    %scan3A_171 = arith.constant 0 : i32
    %scan3A_172 = arith.constant 0 : i32
    %scan3A_173 = arith.constant 65 : i32
    %scan3A_174 = arith.addi %scan3A_172, %scan3A_173 : i32
    %scan3A_175 = arith.constant 1 : i32
    scf.for %scan3A_1536 = %scan3A_172 to %scan3A_174 step %scan3A_175  : i32 {
      %mul3A_1537 = arith.constant 16 : i32
      %mul3A_1538 = arith.muli %scan3A_1536, %mul3A_1537 : i32
      %multiple_of3A = tpu.assume_multiple %mul3A_1538, 16 : i32
      %get3A = arith.index_cast %multiple_of3A : i32 to index
      %get3A_1539 = tpu.vector_load %arg11[%get3A] {strides = array<i32>} : memref<1040xi32, #tpu.memory_space<vmem>>, vector<16xi32>,
      %get3A_1540 = vector.shape_cast %get3A_1539 : vector<16xi32> to vector<16xi32>
      %get3A_1541 = arith.index_cast %multiple_of3A : i32 to index
      %get3A_1542 = tpu.vector_load %arg6[%get3A_1541] {strides = array<i32>} : memref<1040xi32, #tpu.memory_space<vmem>>, vector<16xi32>,
      %get3A_1543 = vector.shape_cast %get3A_1542 : vector<16xi32> to vector<16xi32>
      %add3A_1544 = arith.addi %get3A_1540, %get3A_1543 : vector<16xi32>
      %swap3A = arith.index_cast %multiple_of3A : i32 to index
      %swap3A_1545 = tpu.vector_load %arg11[%swap3A] {strides = array<i32>} : memref<1040xi32, #tpu.memory_space<vmem>>, vector<16xi32>,
      %swap3A_1546 = vector.shape_cast %swap3A_1545 : vector<16xi32> to vector<16xi32>
      %swap3A_1547 = vector.shape_cast %add3A_1544 : vector<16xi32> to vector<16xi32>
      tpu.vector_store %arg11[%swap3A], %swap3A_1547 {strides = array<i32>} : memref<1040xi32, #tpu.memory_space<vmem>>, vector<16xi32>,
    }
    %scan3A_176 = arith.constant 65 : i32
    %dma_wait3A_177 = arith.constant 0 : i32
    %dma_wait3A_178 = tpu.memref_slice %arg5[%add3A_140, %dma_wait3A_177] : memref<2129920x16xf32, #tpu.memory_space<hbm>> -> memref<1040x16xf32, #tpu.memory_space<hbm>>
    %dma_wait3A_179 = arith.constant 0 : i32
    %dma_wait3A_180 = tpu.memref_slice %arg5[%add3A_140, %dma_wait3A_179] : memref<2129920x16xf32, #tpu.memory_space<hbm>> -> memref<1040x16xf32, #tpu.memory_space<hbm>>
    tpu.wait_dma2 semaphore(%arg26 : memref<!tpu.dma_semaphore, #tpu.memory_space<semaphore_mem>>) src(%arg16 : memref<1040x16xf32, #tpu.memory_space<vmem>>) dst(%dma_wait3A_180 : memref<1040x16xf32, #tpu.memory_space<hbm>>)
    %dma_start3A_181 = arith.constant 0 : i32
    %dma_start3A_182 = arith.constant 0 : i32
    %dma_start3A_183 = tpu.memref_slice %arg2[%dma_start3A_181, %dma_start3A_182] : memref<2600000x16xf32, #tpu.memory_space<hbm>> -> memref<2600000x16xf32, #tpu.memory_space<hbm>>
    tpu.enqueue_indirect_dma source(%dma_start3A_183 : memref<2600000x16xf32, #tpu.memory_space<hbm>>) target(%arg16 : memref<1040x16xf32, #tpu.memory_space<vmem>>) offsets(%arg11 : memref<1040xi32, #tpu.memory_space<vmem>>) semaphore(%arg21 : memref<!tpu.dma_semaphore, #tpu.memory_space<semaphore_mem>>)
    %dma_wait3A_184 = arith.constant 0 : i32
    %dma_wait3A_185 = arith.constant 0 : i32
    %dma_wait3A_186 = tpu.memref_slice %arg2[%dma_wait3A_184, %dma_wait3A_185] : memref<2600000x16xf32, #tpu.memory_space<hbm>> -> memref<2600000x16xf32, #tpu.memory_space<hbm>>
    tpu.wait_indirect_dma semaphore(%arg18 : memref<!tpu.dma_semaphore, #tpu.memory_space<semaphore_mem>>) src(%dma_wait3A_186 : memref<2600000x16xf32, #tpu.memory_space<hbm>>) dst(%arg13 : memref<1040x16xf32, #tpu.memory_space<vmem>>)
    %add3A_187 = arith.constant 6240 : i32
    %add3A_188 = arith.addi %mul3A_2, %add3A_187 : i32
    %dma_start3A_189 = arith.constant 0 : i32
    %dma_start3A_190 = tpu.memref_slice %arg5[%add3A_188, %dma_start3A_189] : memref<2129920x16xf32, #tpu.memory_space<hbm>> -> memref<1040x16xf32, #tpu.memory_space<hbm>>
    %dma_start3A_191 = arith.constant 0 : i32
    %dma_start3A_192 = tpu.memref_slice %arg5[%add3A_188, %dma_start3A_191] : memref<2129920x16xf32, #tpu.memory_space<hbm>> -> memref<1040x16xf32, #tpu.memory_space<hbm>>
    tpu.enqueue_dma source(%arg13 : memref<1040x16xf32, #tpu.memory_space<vmem>>) target(%dma_start3A_192 : memref<1040x16xf32, #tpu.memory_space<hbm>>) target_semaphore(%arg23 : memref<!tpu.dma_semaphore, #tpu.memory_space<semaphore_mem>>)
    %add3A_193 = arith.constant 10400 : i32
    %add3A_194 = arith.addi %mul3A_2, %add3A_193 : i32
    "tpu.region"() ({
      %run_scoped3A = tpu.sem_alloc : memref<!tpu.dma_semaphore, #tpu.memory_space<semaphore_mem>>
      %dma_start3A_1536 = tpu.memref_slice %arg3[%add3A_194] : memref<2129920xi32, #tpu.memory_space<hbm>> -> memref<1040xi32, #tpu.memory_space<hbm>>
      %dma_start3A_1537 = tpu.memref_slice %arg3[%add3A_194] : memref<2129920xi32, #tpu.memory_space<hbm>> -> memref<1040xi32, #tpu.memory_space<hbm>>
      tpu.enqueue_dma source(%dma_start3A_1537 : memref<1040xi32, #tpu.memory_space<hbm>>) target(%arg7 : memref<1040xi32, #tpu.memory_space<vmem>>) target_semaphore(%run_scoped3A : memref<!tpu.dma_semaphore, #tpu.memory_space<semaphore_mem>>)
      %dma_wait3A_1538 = tpu.memref_slice %arg3[%add3A_194] : memref<2129920xi32, #tpu.memory_space<hbm>> -> memref<1040xi32, #tpu.memory_space<hbm>>
      %dma_wait3A_1539 = tpu.memref_slice %arg3[%add3A_194] : memref<2129920xi32, #tpu.memory_space<hbm>> -> memref<1040xi32, #tpu.memory_space<hbm>>
      tpu.wait_dma2 semaphore(%run_scoped3A : memref<!tpu.dma_semaphore, #tpu.memory_space<semaphore_mem>>) src(%dma_wait3A_1539 : memref<1040xi32, #tpu.memory_space<hbm>>) dst(%arg7 : memref<1040xi32, #tpu.memory_space<vmem>>)
      tpu.yield
    }) : () -> ()
    %scan3A_195 = arith.constant 0 : i32
    %scan3A_196 = arith.constant 0 : i32
    %scan3A_197 = arith.constant 65 : i32
    %scan3A_198 = arith.addi %scan3A_196, %scan3A_197 : i32
    %scan3A_199 = arith.constant 1 : i32
    scf.for %scan3A_1536 = %scan3A_196 to %scan3A_198 step %scan3A_199  : i32 {
      %mul3A_1537 = arith.constant 16 : i32
      %mul3A_1538 = arith.muli %scan3A_1536, %mul3A_1537 : i32
      %multiple_of3A = tpu.assume_multiple %mul3A_1538, 16 : i32
      %get3A = arith.index_cast %multiple_of3A : i32 to index
      %get3A_1539 = tpu.vector_load %arg7[%get3A] {strides = array<i32>} : memref<1040xi32, #tpu.memory_space<vmem>>, vector<16xi32>,
      %get3A_1540 = vector.shape_cast %get3A_1539 : vector<16xi32> to vector<16xi32>
      %get3A_1541 = arith.index_cast %multiple_of3A : i32 to index
      %get3A_1542 = tpu.vector_load %arg6[%get3A_1541] {strides = array<i32>} : memref<1040xi32, #tpu.memory_space<vmem>>, vector<16xi32>,
      %get3A_1543 = vector.shape_cast %get3A_1542 : vector<16xi32> to vector<16xi32>
      %add3A_1544 = arith.addi %get3A_1540, %get3A_1543 : vector<16xi32>
      %swap3A = arith.index_cast %multiple_of3A : i32 to index
      %swap3A_1545 = tpu.vector_load %arg7[%swap3A] {strides = array<i32>} : memref<1040xi32, #tpu.memory_space<vmem>>, vector<16xi32>,
      %swap3A_1546 = vector.shape_cast %swap3A_1545 : vector<16xi32> to vector<16xi32>
      %swap3A_1547 = vector.shape_cast %add3A_1544 : vector<16xi32> to vector<16xi32>
      tpu.vector_store %arg7[%swap3A], %swap3A_1547 {strides = array<i32>} : memref<1040xi32, #tpu.memory_space<vmem>>, vector<16xi32>,
    }
    %scan3A_200 = arith.constant 65 : i32
    %dma_wait3A_201 = arith.constant 0 : i32
    %dma_wait3A_202 = tpu.memref_slice %arg5[%add3A_164, %dma_wait3A_201] : memref<2129920x16xf32, #tpu.memory_space<hbm>> -> memref<1040x16xf32, #tpu.memory_space<hbm>>
    %dma_wait3A_203 = arith.constant 0 : i32
    %dma_wait3A_204 = tpu.memref_slice %arg5[%add3A_164, %dma_wait3A_203] : memref<2129920x16xf32, #tpu.memory_space<hbm>> -> memref<1040x16xf32, #tpu.memory_space<hbm>>
    tpu.wait_dma2 semaphore(%arg22 : memref<!tpu.dma_semaphore, #tpu.memory_space<semaphore_mem>>) src(%arg12 : memref<1040x16xf32, #tpu.memory_space<vmem>>) dst(%dma_wait3A_204 : memref<1040x16xf32, #tpu.memory_space<hbm>>)
    %dma_start3A_205 = arith.constant 0 : i32
    %dma_start3A_206 = arith.constant 0 : i32
    %dma_start3A_207 = tpu.memref_slice %arg2[%dma_start3A_205, %dma_start3A_206] : memref<2600000x16xf32, #tpu.memory_space<hbm>> -> memref<2600000x16xf32, #tpu.memory_space<hbm>>
    tpu.enqueue_indirect_dma source(%dma_start3A_207 : memref<2600000x16xf32, #tpu.memory_space<hbm>>) target(%arg12 : memref<1040x16xf32, #tpu.memory_space<vmem>>) offsets(%arg7 : memref<1040xi32, #tpu.memory_space<vmem>>) semaphore(%arg17 : memref<!tpu.dma_semaphore, #tpu.memory_space<semaphore_mem>>)
    %dma_wait3A_208 = arith.constant 0 : i32
    %dma_wait3A_209 = arith.constant 0 : i32
    %dma_wait3A_210 = tpu.memref_slice %arg2[%dma_wait3A_208, %dma_wait3A_209] : memref<2600000x16xf32, #tpu.memory_space<hbm>> -> memref<2600000x16xf32, #tpu.memory_space<hbm>>
    tpu.wait_indirect_dma semaphore(%arg19 : memref<!tpu.dma_semaphore, #tpu.memory_space<semaphore_mem>>) src(%dma_wait3A_210 : memref<2600000x16xf32, #tpu.memory_space<hbm>>) dst(%arg14 : memref<1040x16xf32, #tpu.memory_space<vmem>>)
    %add3A_211 = arith.constant 7280 : i32
    %add3A_212 = arith.addi %mul3A_2, %add3A_211 : i32
    %dma_start3A_213 = arith.constant 0 : i32
    %dma_start3A_214 = tpu.memref_slice %arg5[%add3A_212, %dma_start3A_213] : memref<2129920x16xf32, #tpu.memory_space<hbm>> -> memref<1040x16xf32, #tpu.memory_space<hbm>>
    %dma_start3A_215 = arith.constant 0 : i32
    %dma_start3A_216 = tpu.memref_slice %arg5[%add3A_212, %dma_start3A_215] : memref<2129920x16xf32, #tpu.memory_space<hbm>> -> memref<1040x16xf32, #tpu.memory_space<hbm>>
    tpu.enqueue_dma source(%arg14 : memref<1040x16xf32, #tpu.memory_space<vmem>>) target(%dma_start3A_216 : memref<1040x16xf32, #tpu.memory_space<hbm>>) target_semaphore(%arg24 : memref<!tpu.dma_semaphore, #tpu.memory_space<semaphore_mem>>)
    %add3A_217 = arith.constant 11440 : i32
    %add3A_218 = arith.addi %mul3A_2, %add3A_217 : i32
    "tpu.region"() ({
      %run_scoped3A = tpu.sem_alloc : memref<!tpu.dma_semaphore, #tpu.memory_space<semaphore_mem>>
      %dma_start3A_1536 = tpu.memref_slice %arg3[%add3A_218] : memref<2129920xi32, #tpu.memory_space<hbm>> -> memref<1040xi32, #tpu.memory_space<hbm>>
      %dma_start3A_1537 = tpu.memref_slice %arg3[%add3A_218] : memref<2129920xi32, #tpu.memory_space<hbm>> -> memref<1040xi32, #tpu.memory_space<hbm>>
      tpu.enqueue_dma source(%dma_start3A_1537 : memref<1040xi32, #tpu.memory_space<hbm>>) target(%arg8 : memref<1040xi32, #tpu.memory_space<vmem>>) target_semaphore(%run_scoped3A : memref<!tpu.dma_semaphore, #tpu.memory_space<semaphore_mem>>)
      %dma_wait3A_1538 = tpu.memref_slice %arg3[%add3A_218] : memref<2129920xi32, #tpu.memory_space<hbm>> -> memref<1040xi32, #tpu.memory_space<hbm>>
      %dma_wait3A_1539 = tpu.memref_slice %arg3[%add3A_218] : memref<2129920xi32, #tpu.memory_space<hbm>> -> memref<1040xi32, #tpu.memory_space<hbm>>
      tpu.wait_dma2 semaphore(%run_scoped3A : memref<!tpu.dma_semaphore, #tpu.memory_space<semaphore_mem>>) src(%dma_wait3A_1539 : memref<1040xi32, #tpu.memory_space<hbm>>) dst(%arg8 : memref<1040xi32, #tpu.memory_space<vmem>>)
      tpu.yield
    }) : () -> ()
    %scan3A_219 = arith.constant 0 : i32
    %scan3A_220 = arith.constant 0 : i32
    %scan3A_221 = arith.constant 65 : i32
    %scan3A_222 = arith.addi %scan3A_220, %scan3A_221 : i32
    %scan3A_223 = arith.constant 1 : i32
    scf.for %scan3A_1536 = %scan3A_220 to %scan3A_222 step %scan3A_223  : i32 {
      %mul3A_1537 = arith.constant 16 : i32
      %mul3A_1538 = arith.muli %scan3A_1536, %mul3A_1537 : i32
      %multiple_of3A = tpu.assume_multiple %mul3A_1538, 16 : i32
      %get3A = arith.index_cast %multiple_of3A : i32 to index
      %get3A_1539 = tpu.vector_load %arg8[%get3A] {strides = array<i32>} : memref<1040xi32, #tpu.memory_space<vmem>>, vector<16xi32>,
      %get3A_1540 = vector.shape_cast %get3A_1539 : vector<16xi32> to vector<16xi32>
      %get3A_1541 = arith.index_cast %multiple_of3A : i32 to index
      %get3A_1542 = tpu.vector_load %arg6[%get3A_1541] {strides = array<i32>} : memref<1040xi32, #tpu.memory_space<vmem>>, vector<16xi32>,
      %get3A_1543 = vector.shape_cast %get3A_1542 : vector<16xi32> to vector<16xi32>
      %add3A_1544 = arith.addi %get3A_1540, %get3A_1543 : vector<16xi32>
      %swap3A = arith.index_cast %multiple_of3A : i32 to index
      %swap3A_1545 = tpu.vector_load %arg8[%swap3A] {strides = array<i32>} : memref<1040xi32, #tpu.memory_space<vmem>>, vector<16xi32>,
      %swap3A_1546 = vector.shape_cast %swap3A_1545 : vector<16xi32> to vector<16xi32>
      %swap3A_1547 = vector.shape_cast %add3A_1544 : vector<16xi32> to vector<16xi32>
      tpu.vector_store %arg8[%swap3A], %swap3A_1547 {strides = array<i32>} : memref<1040xi32, #tpu.memory_space<vmem>>, vector<16xi32>,
    }
    %scan3A_224 = arith.constant 65 : i32
    %dma_wait3A_225 = arith.constant 0 : i32
    %dma_wait3A_226 = tpu.memref_slice %arg5[%add3A_188, %dma_wait3A_225] : memref<2129920x16xf32, #tpu.memory_space<hbm>> -> memref<1040x16xf32, #tpu.memory_space<hbm>>
    %dma_wait3A_227 = arith.constant 0 : i32
    %dma_wait3A_228 = tpu.memref_slice %arg5[%add3A_188, %dma_wait3A_227] : memref<2129920x16xf32, #tpu.memory_space<hbm>> -> memref<1040x16xf32, #tpu.memory_space<hbm>>
    tpu.wait_dma2 semaphore(%arg23 : memref<!tpu.dma_semaphore, #tpu.memory_space<semaphore_mem>>) src(%arg13 : memref<1040x16xf32, #tpu.memory_space<vmem>>) dst(%dma_wait3A_228 : memref<1040x16xf32, #tpu.memory_space<hbm>>)
    %dma_start3A_229 = arith.constant 0 : i32
    %dma_start3A_230 = arith.constant 0 : i32
    %dma_start3A_231 = tpu.memref_slice %arg2[%dma_start3A_229, %dma_start3A_230] : memref<2600000x16xf32, #tpu.memory_space<hbm>> -> memref<2600000x16xf32, #tpu.memory_space<hbm>>
    tpu.enqueue_indirect_dma source(%dma_start3A_231 : memref<2600000x16xf32, #tpu.memory_space<hbm>>) target(%arg13 : memref<1040x16xf32, #tpu.memory_space<vmem>>) offsets(%arg8 : memref<1040xi32, #tpu.memory_space<vmem>>) semaphore(%arg18 : memref<!tpu.dma_semaphore, #tpu.memory_space<semaphore_mem>>)
    %dma_wait3A_232 = arith.constant 0 : i32
    %dma_wait3A_233 = arith.constant 0 : i32
    %dma_wait3A_234 = tpu.memref_slice %arg2[%dma_wait3A_232, %dma_wait3A_233] : memref<2600000x16xf32, #tpu.memory_space<hbm>> -> memref<2600000x16xf32, #tpu.memory_space<hbm>>
    tpu.wait_indirect_dma semaphore(%arg20 : memref<!tpu.dma_semaphore, #tpu.memory_space<semaphore_mem>>) src(%dma_wait3A_234 : memref<2600000x16xf32, #tpu.memory_space<hbm>>) dst(%arg15 : memref<1040x16xf32, #tpu.memory_space<vmem>>)
    %add3A_235 = arith.constant 8320 : i32
    %add3A_236 = arith.addi %mul3A_2, %add3A_235 : i32
    %dma_start3A_237 = arith.constant 0 : i32
    %dma_start3A_238 = tpu.memref_slice %arg5[%add3A_236, %dma_start3A_237] : memref<2129920x16xf32, #tpu.memory_space<hbm>> -> memref<1040x16xf32, #tpu.memory_space<hbm>>
    %dma_start3A_239 = arith.constant 0 : i32
    %dma_start3A_240 = tpu.memref_slice %arg5[%add3A_236, %dma_start3A_239] : memref<2129920x16xf32, #tpu.memory_space<hbm>> -> memref<1040x16xf32, #tpu.memory_space<hbm>>
    tpu.enqueue_dma source(%arg15 : memref<1040x16xf32, #tpu.memory_space<vmem>>) target(%dma_start3A_240 : memref<1040x16xf32, #tpu.memory_space<hbm>>) target_semaphore(%arg25 : memref<!tpu.dma_semaphore, #tpu.memory_space<semaphore_mem>>)
    %add3A_241 = arith.constant 12480 : i32
    %add3A_242 = arith.addi %mul3A_2, %add3A_241 : i32
    "tpu.region"() ({
      %run_scoped3A = tpu.sem_alloc : memref<!tpu.dma_semaphore, #tpu.memory_space<semaphore_mem>>
      %dma_start3A_1536 = tpu.memref_slice %arg3[%add3A_242] : memref<2129920xi32, #tpu.memory_space<hbm>> -> memref<1040xi32, #tpu.memory_space<hbm>>
      %dma_start3A_1537 = tpu.memref_slice %arg3[%add3A_242] : memref<2129920xi32, #tpu.memory_space<hbm>> -> memref<1040xi32, #tpu.memory_space<hbm>>
      tpu.enqueue_dma source(%dma_start3A_1537 : memref<1040xi32, #tpu.memory_space<hbm>>) target(%arg9 : memref<1040xi32, #tpu.memory_space<vmem>>) target_semaphore(%run_scoped3A : memref<!tpu.dma_semaphore, #tpu.memory_space<semaphore_mem>>)
      %dma_wait3A_1538 = tpu.memref_slice %arg3[%add3A_242] : memref<2129920xi32, #tpu.memory_space<hbm>> -> memref<1040xi32, #tpu.memory_space<hbm>>
      %dma_wait3A_1539 = tpu.memref_slice %arg3[%add3A_242] : memref<2129920xi32, #tpu.memory_space<hbm>> -> memref<1040xi32, #tpu.memory_space<hbm>>
      tpu.wait_dma2 semaphore(%run_scoped3A : memref<!tpu.dma_semaphore, #tpu.memory_space<semaphore_mem>>) src(%dma_wait3A_1539 : memref<1040xi32, #tpu.memory_space<hbm>>) dst(%arg9 : memref<1040xi32, #tpu.memory_space<vmem>>)
      tpu.yield
    }) : () -> ()
    %scan3A_243 = arith.constant 0 : i32
    %scan3A_244 = arith.constant 0 : i32
    %scan3A_245 = arith.constant 65 : i32
    %scan3A_246 = arith.addi %scan3A_244, %scan3A_245 : i32
    %scan3A_247 = arith.constant 1 : i32
    scf.for %scan3A_1536 = %scan3A_244 to %scan3A_246 step %scan3A_247  : i32 {
      %mul3A_1537 = arith.constant 16 : i32
      %mul3A_1538 = arith.muli %scan3A_1536, %mul3A_1537 : i32
      %multiple_of3A = tpu.assume_multiple %mul3A_1538, 16 : i32
      %get3A = arith.index_cast %multiple_of3A : i32 to index
      %get3A_1539 = tpu.vector_load %arg9[%get3A] {strides = array<i32>} : memref<1040xi32, #tpu.memory_space<vmem>>, vector<16xi32>,
      %get3A_1540 = vector.shape_cast %get3A_1539 : vector<16xi32> to vector<16xi32>
      %get3A_1541 = arith.index_cast %multiple_of3A : i32 to index
      %get3A_1542 = tpu.vector_load %arg6[%get3A_1541] {strides = array<i32>} : memref<1040xi32, #tpu.memory_space<vmem>>, vector<16xi32>,
      %get3A_1543 = vector.shape_cast %get3A_1542 : vector<16xi32> to vector<16xi32>
      %add3A_1544 = arith.addi %get3A_1540, %get3A_1543 : vector<16xi32>
      %swap3A = arith.index_cast %multiple_of3A : i32 to index
      %swap3A_1545 = tpu.vector_load %arg9[%swap3A] {strides = array<i32>} : memref<1040xi32, #tpu.memory_space<vmem>>, vector<16xi32>,
      %swap3A_1546 = vector.shape_cast %swap3A_1545 : vector<16xi32> to vector<16xi32>
      %swap3A_1547 = vector.shape_cast %add3A_1544 : vector<16xi32> to vector<16xi32>
      tpu.vector_store %arg9[%swap3A], %swap3A_1547 {strides = array<i32>} : memref<1040xi32, #tpu.memory_space<vmem>>, vector<16xi32>,
    }
    %scan3A_248 = arith.constant 65 : i32
    %dma_wait3A_249 = arith.constant 0 : i32
    %dma_wait3A_250 = tpu.memref_slice %arg5[%add3A_212, %dma_wait3A_249] : memref<2129920x16xf32, #tpu.memory_space<hbm>> -> memref<1040x16xf32, #tpu.memory_space<hbm>>
    %dma_wait3A_251 = arith.constant 0 : i32
    %dma_wait3A_252 = tpu.memref_slice %arg5[%add3A_212, %dma_wait3A_251] : memref<2129920x16xf32, #tpu.memory_space<hbm>> -> memref<1040x16xf32, #tpu.memory_space<hbm>>
    tpu.wait_dma2 semaphore(%arg24 : memref<!tpu.dma_semaphore, #tpu.memory_space<semaphore_mem>>) src(%arg14 : memref<1040x16xf32, #tpu.memory_space<vmem>>) dst(%dma_wait3A_252 : memref<1040x16xf32, #tpu.memory_space<hbm>>)
    %dma_start3A_253 = arith.constant 0 : i32
    %dma_start3A_254 = arith.constant 0 : i32
    %dma_start3A_255 = tpu.memref_slice %arg2[%dma_start3A_253, %dma_start3A_254] : memref<2600000x16xf32, #tpu.memory_space<hbm>> -> memref<2600000x16xf32, #tpu.memory_space<hbm>>
    tpu.enqueue_indirect_dma source(%dma_start3A_255 : memref<2600000x16xf32, #tpu.memory_space<hbm>>) target(%arg14 : memref<1040x16xf32, #tpu.memory_space<vmem>>) offsets(%arg9 : memref<1040xi32, #tpu.memory_space<vmem>>) semaphore(%arg19 : memref<!tpu.dma_semaphore, #tpu.memory_space<semaphore_mem>>)
    %dma_wait3A_256 = arith.constant 0 : i32
    %dma_wait3A_257 = arith.constant 0 : i32
    %dma_wait3A_258 = tpu.memref_slice %arg2[%dma_wait3A_256, %dma_wait3A_257] : memref<2600000x16xf32, #tpu.memory_space<hbm>> -> memref<2600000x16xf32, #tpu.memory_space<hbm>>
    tpu.wait_indirect_dma semaphore(%arg21 : memref<!tpu.dma_semaphore, #tpu.memory_space<semaphore_mem>>) src(%dma_wait3A_258 : memref<2600000x16xf32, #tpu.memory_space<hbm>>) dst(%arg16 : memref<1040x16xf32, #tpu.memory_space<vmem>>)
    %add3A_259 = arith.constant 9360 : i32
    %add3A_260 = arith.addi %mul3A_2, %add3A_259 : i32
    %dma_start3A_261 = arith.constant 0 : i32
    %dma_start3A_262 = tpu.memref_slice %arg5[%add3A_260, %dma_start3A_261] : memref<2129920x16xf32, #tpu.memory_space<hbm>> -> memref<1040x16xf32, #tpu.memory_space<hbm>>
    %dma_start3A_263 = arith.constant 0 : i32
    %dma_start3A_264 = tpu.memref_slice %arg5[%add3A_260, %dma_start3A_263] : memref<2129920x16xf32, #tpu.memory_space<hbm>> -> memref<1040x16xf32, #tpu.memory_space<hbm>>
    tpu.enqueue_dma source(%arg16 : memref<1040x16xf32, #tpu.memory_space<vmem>>) target(%dma_start3A_264 : memref<1040x16xf32, #tpu.memory_space<hbm>>) target_semaphore(%arg26 : memref<!tpu.dma_semaphore, #tpu.memory_space<semaphore_mem>>)
    %add3A_265 = arith.constant 13520 : i32
    %add3A_266 = arith.addi %mul3A_2, %add3A_265 : i32
    "tpu.region"() ({
      %run_scoped3A = tpu.sem_alloc : memref<!tpu.dma_semaphore, #tpu.memory_space<semaphore_mem>>
      %dma_start3A_1536 = tpu.memref_slice %arg3[%add3A_266] : memref<2129920xi32, #tpu.memory_space<hbm>> -> memref<1040xi32, #tpu.memory_space<hbm>>
      %dma_start3A_1537 = tpu.memref_slice %arg3[%add3A_266] : memref<2129920xi32, #tpu.memory_space<hbm>> -> memref<1040xi32, #tpu.memory_space<hbm>>
      tpu.enqueue_dma source(%dma_start3A_1537 : memref<1040xi32, #tpu.memory_space<hbm>>) target(%arg10 : memref<1040xi32, #tpu.memory_space<vmem>>) target_semaphore(%run_scoped3A : memref<!tpu.dma_semaphore, #tpu.memory_space<semaphore_mem>>)
      %dma_wait3A_1538 = tpu.memref_slice %arg3[%add3A_266] : memref<2129920xi32, #tpu.memory_space<hbm>> -> memref<1040xi32, #tpu.memory_space<hbm>>
      %dma_wait3A_1539 = tpu.memref_slice %arg3[%add3A_266] : memref<2129920xi32, #tpu.memory_space<hbm>> -> memref<1040xi32, #tpu.memory_space<hbm>>
      tpu.wait_dma2 semaphore(%run_scoped3A : memref<!tpu.dma_semaphore, #tpu.memory_space<semaphore_mem>>) src(%dma_wait3A_1539 : memref<1040xi32, #tpu.memory_space<hbm>>) dst(%arg10 : memref<1040xi32, #tpu.memory_space<vmem>>)
      tpu.yield
    }) : () -> ()
    %scan3A_267 = arith.constant 0 : i32
    %scan3A_268 = arith.constant 0 : i32
    %scan3A_269 = arith.constant 65 : i32
    %scan3A_270 = arith.addi %scan3A_268, %scan3A_269 : i32
    %scan3A_271 = arith.constant 1 : i32
    scf.for %scan3A_1536 = %scan3A_268 to %scan3A_270 step %scan3A_271  : i32 {
      %mul3A_1537 = arith.constant 16 : i32
      %mul3A_1538 = arith.muli %scan3A_1536, %mul3A_1537 : i32
      %multiple_of3A = tpu.assume_multiple %mul3A_1538, 16 : i32
      %get3A = arith.index_cast %multiple_of3A : i32 to index
      %get3A_1539 = tpu.vector_load %arg10[%get3A] {strides = array<i32>} : memref<1040xi32, #tpu.memory_space<vmem>>, vector<16xi32>,
      %get3A_1540 = vector.shape_cast %get3A_1539 : vector<16xi32> to vector<16xi32>
      %get3A_1541 = arith.index_cast %multiple_of3A : i32 to index
      %get3A_1542 = tpu.vector_load %arg6[%get3A_1541] {strides = array<i32>} : memref<1040xi32, #tpu.memory_space<vmem>>, vector<16xi32>,
      %get3A_1543 = vector.shape_cast %get3A_1542 : vector<16xi32> to vector<16xi32>
      %add3A_1544 = arith.addi %get3A_1540, %get3A_1543 : vector<16xi32>
      %swap3A = arith.index_cast %multiple_of3A : i32 to index
      %swap3A_1545 = tpu.vector_load %arg10[%swap3A] {strides = array<i32>} : memref<1040xi32, #tpu.memory_space<vmem>>, vector<16xi32>,
      %swap3A_1546 = vector.shape_cast %swap3A_1545 : vector<16xi32> to vector<16xi32>
      %swap3A_1547 = vector.shape_cast %add3A_1544 : vector<16xi32> to vector<16xi32>
      tpu.vector_store %arg10[%swap3A], %swap3A_1547 {strides = array<i32>} : memref<1040xi32, #tpu.memory_space<vmem>>, vector<16xi32>,
    }
    %scan3A_272 = arith.constant 65 : i32
    %dma_wait3A_273 = arith.constant 0 : i32
    %dma_wait3A_274 = tpu.memref_slice %arg5[%add3A_236, %dma_wait3A_273] : memref<2129920x16xf32, #tpu.memory_space<hbm>> -> memref<1040x16xf32, #tpu.memory_space<hbm>>
    %dma_wait3A_275 = arith.constant 0 : i32
    %dma_wait3A_276 = tpu.memref_slice %arg5[%add3A_236, %dma_wait3A_275] : memref<2129920x16xf32, #tpu.memory_space<hbm>> -> memref<1040x16xf32, #tpu.memory_space<hbm>>
    tpu.wait_dma2 semaphore(%arg25 : memref<!tpu.dma_semaphore, #tpu.memory_space<semaphore_mem>>) src(%arg15 : memref<1040x16xf32, #tpu.memory_space<vmem>>) dst(%dma_wait3A_276 : memref<1040x16xf32, #tpu.memory_space<hbm>>)
    %dma_start3A_277 = arith.constant 0 : i32
    %dma_start3A_278 = arith.constant 0 : i32
    %dma_start3A_279 = tpu.memref_slice %arg2[%dma_start3A_277, %dma_start3A_278] : memref<2600000x16xf32, #tpu.memory_space<hbm>> -> memref<2600000x16xf32, #tpu.memory_space<hbm>>
    tpu.enqueue_indirect_dma source(%dma_start3A_279 : memref<2600000x16xf32, #tpu.memory_space<hbm>>) target(%arg15 : memref<1040x16xf32, #tpu.memory_space<vmem>>) offsets(%arg10 : memref<1040xi32, #tpu.memory_space<vmem>>) semaphore(%arg20 : memref<!tpu.dma_semaphore, #tpu.memory_space<semaphore_mem>>)
    %dma_wait3A_280 = arith.constant 0 : i32
    %dma_wait3A_281 = arith.constant 0 : i32
    %dma_wait3A_282 = tpu.memref_slice %arg2[%dma_wait3A_280, %dma_wait3A_281] : memref<2600000x16xf32, #tpu.memory_space<hbm>> -> memref<2600000x16xf32, #tpu.memory_space<hbm>>
    tpu.wait_indirect_dma semaphore(%arg17 : memref<!tpu.dma_semaphore, #tpu.memory_space<semaphore_mem>>) src(%dma_wait3A_282 : memref<2600000x16xf32, #tpu.memory_space<hbm>>) dst(%arg12 : memref<1040x16xf32, #tpu.memory_space<vmem>>)
    %add3A_283 = arith.constant 10400 : i32
    %add3A_284 = arith.addi %mul3A_2, %add3A_283 : i32
    %dma_start3A_285 = arith.constant 0 : i32
    %dma_start3A_286 = tpu.memref_slice %arg5[%add3A_284, %dma_start3A_285] : memref<2129920x16xf32, #tpu.memory_space<hbm>> -> memref<1040x16xf32, #tpu.memory_space<hbm>>
    %dma_start3A_287 = arith.constant 0 : i32
    %dma_start3A_288 = tpu.memref_slice %arg5[%add3A_284, %dma_start3A_287] : memref<2129920x16xf32, #tpu.memory_space<hbm>> -> memref<1040x16xf32, #tpu.memory_space<hbm>>
    tpu.enqueue_dma source(%arg12 : memref<1040x16xf32, #tpu.memory_space<vmem>>) target(%dma_start3A_288 : memref<1040x16xf32, #tpu.memory_space<hbm>>) target_semaphore(%arg22 : memref<!tpu.dma_semaphore, #tpu.memory_space<semaphore_mem>>)
    %add3A_289 = arith.constant 14560 : i32
    %add3A_290 = arith.addi %mul3A_2, %add3A_289 : i32
    "tpu.region"() ({
      %run_scoped3A = tpu.sem_alloc : memref<!tpu.dma_semaphore, #tpu.memory_space<semaphore_mem>>
      %dma_start3A_1536 = tpu.memref_slice %arg3[%add3A_290] : memref<2129920xi32, #tpu.memory_space<hbm>> -> memref<1040xi32, #tpu.memory_space<hbm>>
      %dma_start3A_1537 = tpu.memref_slice %arg3[%add3A_290] : memref<2129920xi32, #tpu.memory_space<hbm>> -> memref<1040xi32, #tpu.memory_space<hbm>>
      tpu.enqueue_dma source(%dma_start3A_1537 : memref<1040xi32, #tpu.memory_space<hbm>>) target(%arg11 : memref<1040xi32, #tpu.memory_space<vmem>>) target_semaphore(%run_scoped3A : memref<!tpu.dma_semaphore, #tpu.memory_space<semaphore_mem>>)
      %dma_wait3A_1538 = tpu.memref_slice %arg3[%add3A_290] : memref<2129920xi32, #tpu.memory_space<hbm>> -> memref<1040xi32, #tpu.memory_space<hbm>>
      %dma_wait3A_1539 = tpu.memref_slice %arg3[%add3A_290] : memref<2129920xi32, #tpu.memory_space<hbm>> -> memref<1040xi32, #tpu.memory_space<hbm>>
      tpu.wait_dma2 semaphore(%run_scoped3A : memref<!tpu.dma_semaphore, #tpu.memory_space<semaphore_mem>>) src(%dma_wait3A_1539 : memref<1040xi32, #tpu.memory_space<hbm>>) dst(%arg11 : memref<1040xi32, #tpu.memory_space<vmem>>)
      tpu.yield
    }) : () -> ()
    %scan3A_291 = arith.constant 0 : i32
    %scan3A_292 = arith.constant 0 : i32
    %scan3A_293 = arith.constant 65 : i32
    %scan3A_294 = arith.addi %scan3A_292, %scan3A_293 : i32
    %scan3A_295 = arith.constant 1 : i32
    scf.for %scan3A_1536 = %scan3A_292 to %scan3A_294 step %scan3A_295  : i32 {
      %mul3A_1537 = arith.constant 16 : i32
      %mul3A_1538 = arith.muli %scan3A_1536, %mul3A_1537 : i32
      %multiple_of3A = tpu.assume_multiple %mul3A_1538, 16 : i32
      %get3A = arith.index_cast %multiple_of3A : i32 to index
      %get3A_1539 = tpu.vector_load %arg11[%get3A] {strides = array<i32>} : memref<1040xi32, #tpu.memory_space<vmem>>, vector<16xi32>,
      %get3A_1540 = vector.shape_cast %get3A_1539 : vector<16xi32> to vector<16xi32>
      %get3A_1541 = arith.index_cast %multiple_of3A : i32 to index
      %get3A_1542 = tpu.vector_load %arg6[%get3A_1541] {strides = array<i32>} : memref<1040xi32, #tpu.memory_space<vmem>>, vector<16xi32>,
      %get3A_1543 = vector.shape_cast %get3A_1542 : vector<16xi32> to vector<16xi32>
      %add3A_1544 = arith.addi %get3A_1540, %get3A_1543 : vector<16xi32>
      %swap3A = arith.index_cast %multiple_of3A : i32 to index
      %swap3A_1545 = tpu.vector_load %arg11[%swap3A] {strides = array<i32>} : memref<1040xi32, #tpu.memory_space<vmem>>, vector<16xi32>,
      %swap3A_1546 = vector.shape_cast %swap3A_1545 : vector<16xi32> to vector<16xi32>
      %swap3A_1547 = vector.shape_cast %add3A_1544 : vector<16xi32> to vector<16xi32>
      tpu.vector_store %arg11[%swap3A], %swap3A_1547 {strides = array<i32>} : memref<1040xi32, #tpu.memory_space<vmem>>, vector<16xi32>,
    }
    %scan3A_296 = arith.constant 65 : i32
    %dma_wait3A_297 = arith.constant 0 : i32
    %dma_wait3A_298 = tpu.memref_slice %arg5[%add3A_260, %dma_wait3A_297] : memref<2129920x16xf32, #tpu.memory_space<hbm>> -> memref<1040x16xf32, #tpu.memory_space<hbm>>
    %dma_wait3A_299 = arith.constant 0 : i32
    %dma_wait3A_300 = tpu.memref_slice %arg5[%add3A_260, %dma_wait3A_299] : memref<2129920x16xf32, #tpu.memory_space<hbm>> -> memref<1040x16xf32, #tpu.memory_space<hbm>>
    tpu.wait_dma2 semaphore(%arg26 : memref<!tpu.dma_semaphore, #tpu.memory_space<semaphore_mem>>) src(%arg16 : memref<1040x16xf32, #tpu.memory_space<vmem>>) dst(%dma_wait3A_300 : memref<1040x16xf32, #tpu.memory_space<hbm>>)
    %dma_start3A_301 = arith.constant 0 : i32
    %dma_start3A_302 = arith.constant 0 : i32
    %dma_start3A_303 = tpu.memref_slice %arg2[%dma_start3A_301, %dma_start3A_302] : memref<2600000x16xf32, #tpu.memory_space<hbm>> -> memref<2600000x16xf32, #tpu.memory_space<hbm>>
    tpu.enqueue_indirect_dma source(%dma_start3A_303 : memref<2600000x16xf32, #tpu.memory_space<hbm>>) target(%arg16 : memref<1040x16xf32, #tpu.memory_space<vmem>>) offsets(%arg11 : memref<1040xi32, #tpu.memory_space<vmem>>) semaphore(%arg21 : memref<!tpu.dma_semaphore, #tpu.memory_space<semaphore_mem>>)
    %dma_wait3A_304 = arith.constant 0 : i32
    %dma_wait3A_305 = arith.constant 0 : i32
    %dma_wait3A_306 = tpu.memref_slice %arg2[%dma_wait3A_304, %dma_wait3A_305] : memref<2600000x16xf32, #tpu.memory_space<hbm>> -> memref<2600000x16xf32, #tpu.memory_space<hbm>>
    tpu.wait_indirect_dma semaphore(%arg18 : memref<!tpu.dma_semaphore, #tpu.memory_space<semaphore_mem>>) src(%dma_wait3A_306 : memref<2600000x16xf32, #tpu.memory_space<hbm>>) dst(%arg13 : memref<1040x16xf32, #tpu.memory_space<vmem>>)
    %add3A_307 = arith.constant 11440 : i32
    %add3A_308 = arith.addi %mul3A_2, %add3A_307 : i32
    %dma_start3A_309 = arith.constant 0 : i32
    %dma_start3A_310 = tpu.memref_slice %arg5[%add3A_308, %dma_start3A_309] : memref<2129920x16xf32, #tpu.memory_space<hbm>> -> memref<1040x16xf32, #tpu.memory_space<hbm>>
    %dma_start3A_311 = arith.constant 0 : i32
    %dma_start3A_312 = tpu.memref_slice %arg5[%add3A_308, %dma_start3A_311] : memref<2129920x16xf32, #tpu.memory_space<hbm>> -> memref<1040x16xf32, #tpu.memory_space<hbm>>
    tpu.enqueue_dma source(%arg13 : memref<1040x16xf32, #tpu.memory_space<vmem>>) target(%dma_start3A_312 : memref<1040x16xf32, #tpu.memory_space<hbm>>) target_semaphore(%arg23 : memref<!tpu.dma_semaphore, #tpu.memory_space<semaphore_mem>>)
    %add3A_313 = arith.constant 15600 : i32
    %add3A_314 = arith.addi %mul3A_2, %add3A_313 : i32
    "tpu.region"() ({
      %run_scoped3A = tpu.sem_alloc : memref<!tpu.dma_semaphore, #tpu.memory_space<semaphore_mem>>
      %dma_start3A_1536 = tpu.memref_slice %arg3[%add3A_314] : memref<2129920xi32, #tpu.memory_space<hbm>> -> memref<1040xi32, #tpu.memory_space<hbm>>
      %dma_start3A_1537 = tpu.memref_slice %arg3[%add3A_314] : memref<2129920xi32, #tpu.memory_space<hbm>> -> memref<1040xi32, #tpu.memory_space<hbm>>
      tpu.enqueue_dma source(%dma_start3A_1537 : memref<1040xi32, #tpu.memory_space<hbm>>) target(%arg7 : memref<1040xi32, #tpu.memory_space<vmem>>) target_semaphore(%run_scoped3A : memref<!tpu.dma_semaphore, #tpu.memory_space<semaphore_mem>>)
      %dma_wait3A_1538 = tpu.memref_slice %arg3[%add3A_314] : memref<2129920xi32, #tpu.memory_space<hbm>> -> memref<1040xi32, #tpu.memory_space<hbm>>
      %dma_wait3A_1539 = tpu.memref_slice %arg3[%add3A_314] : memref<2129920xi32, #tpu.memory_space<hbm>> -> memref<1040xi32, #tpu.memory_space<hbm>>
      tpu.wait_dma2 semaphore(%run_scoped3A : memref<!tpu.dma_semaphore, #tpu.memory_space<semaphore_mem>>) src(%dma_wait3A_1539 : memref<1040xi32, #tpu.memory_space<hbm>>) dst(%arg7 : memref<1040xi32, #tpu.memory_space<vmem>>)
      tpu.yield
    }) : () -> ()
    %scan3A_315 = arith.constant 0 : i32
    %scan3A_316 = arith.constant 0 : i32
    %scan3A_317 = arith.constant 65 : i32
    %scan3A_318 = arith.addi %scan3A_316, %scan3A_317 : i32
    %scan3A_319 = arith.constant 1 : i32
    scf.for %scan3A_1536 = %scan3A_316 to %scan3A_318 step %scan3A_319  : i32 {
      %mul3A_1537 = arith.constant 16 : i32
      %mul3A_1538 = arith.muli %scan3A_1536, %mul3A_1537 : i32
      %multiple_of3A = tpu.assume_multiple %mul3A_1538, 16 : i32
      %get3A = arith.index_cast %multiple_of3A : i32 to index
      %get3A_1539 = tpu.vector_load %arg7[%get3A] {strides = array<i32>} : memref<1040xi32, #tpu.memory_space<vmem>>, vector<16xi32>,
      %get3A_1540 = vector.shape_cast %get3A_1539 : vector<16xi32> to vector<16xi32>
      %get3A_1541 = arith.index_cast %multiple_of3A : i32 to index
      %get3A_1542 = tpu.vector_load %arg6[%get3A_1541] {strides = array<i32>} : memref<1040xi32, #tpu.memory_space<vmem>>, vector<16xi32>,
      %get3A_1543 = vector.shape_cast %get3A_1542 : vector<16xi32> to vector<16xi32>
      %add3A_1544 = arith.addi %get3A_1540, %get3A_1543 : vector<16xi32>
      %swap3A = arith.index_cast %multiple_of3A : i32 to index
      %swap3A_1545 = tpu.vector_load %arg7[%swap3A] {strides = array<i32>} : memref<1040xi32, #tpu.memory_space<vmem>>, vector<16xi32>,
      %swap3A_1546 = vector.shape_cast %swap3A_1545 : vector<16xi32> to vector<16xi32>
      %swap3A_1547 = vector.shape_cast %add3A_1544 : vector<16xi32> to vector<16xi32>
      tpu.vector_store %arg7[%swap3A], %swap3A_1547 {strides = array<i32>} : memref<1040xi32, #tpu.memory_space<vmem>>, vector<16xi32>,
    }
    %scan3A_320 = arith.constant 65 : i32
    %dma_wait3A_321 = arith.constant 0 : i32
    %dma_wait3A_322 = tpu.memref_slice %arg5[%add3A_284, %dma_wait3A_321] : memref<2129920x16xf32, #tpu.memory_space<hbm>> -> memref<1040x16xf32, #tpu.memory_space<hbm>>
    %dma_wait3A_323 = arith.constant 0 : i32
    %dma_wait3A_324 = tpu.memref_slice %arg5[%add3A_284, %dma_wait3A_323] : memref<2129920x16xf32, #tpu.memory_space<hbm>> -> memref<1040x16xf32, #tpu.memory_space<hbm>>
    tpu.wait_dma2 semaphore(%arg22 : memref<!tpu.dma_semaphore, #tpu.memory_space<semaphore_mem>>) src(%arg12 : memref<1040x16xf32, #tpu.memory_space<vmem>>) dst(%dma_wait3A_324 : memref<1040x16xf32, #tpu.memory_space<hbm>>)
    %dma_start3A_325 = arith.constant 0 : i32
    %dma_start3A_326 = arith.constant 0 : i32
    %dma_start3A_327 = tpu.memref_slice %arg2[%dma_start3A_325, %dma_start3A_326] : memref<2600000x16xf32, #tpu.memory_space<hbm>> -> memref<2600000x16xf32, #tpu.memory_space<hbm>>
    tpu.enqueue_indirect_dma source(%dma_start3A_327 : memref<2600000x16xf32, #tpu.memory_space<hbm>>) target(%arg12 : memref<1040x16xf32, #tpu.memory_space<vmem>>) offsets(%arg7 : memref<1040xi32, #tpu.memory_space<vmem>>) semaphore(%arg17 : memref<!tpu.dma_semaphore, #tpu.memory_space<semaphore_mem>>)
    %dma_wait3A_328 = arith.constant 0 : i32
    %dma_wait3A_329 = arith.constant 0 : i32
    %dma_wait3A_330 = tpu.memref_slice %arg2[%dma_wait3A_328, %dma_wait3A_329] : memref<2600000x16xf32, #tpu.memory_space<hbm>> -> memref<2600000x16xf32, #tpu.memory_space<hbm>>
    tpu.wait_indirect_dma semaphore(%arg19 : memref<!tpu.dma_semaphore, #tpu.memory_space<semaphore_mem>>) src(%dma_wait3A_330 : memref<2600000x16xf32, #tpu.memory_space<hbm>>) dst(%arg14 : memref<1040x16xf32, #tpu.memory_space<vmem>>)
    %add3A_331 = arith.constant 12480 : i32
    %add3A_332 = arith.addi %mul3A_2, %add3A_331 : i32
    %dma_start3A_333 = arith.constant 0 : i32
    %dma_start3A_334 = tpu.memref_slice %arg5[%add3A_332, %dma_start3A_333] : memref<2129920x16xf32, #tpu.memory_space<hbm>> -> memref<1040x16xf32, #tpu.memory_space<hbm>>
    %dma_start3A_335 = arith.constant 0 : i32
    %dma_start3A_336 = tpu.memref_slice %arg5[%add3A_332, %dma_start3A_335] : memref<2129920x16xf32, #tpu.memory_space<hbm>> -> memref<1040x16xf32, #tpu.memory_space<hbm>>
    tpu.enqueue_dma source(%arg14 : memref<1040x16xf32, #tpu.memory_space<vmem>>) target(%dma_start3A_336 : memref<1040x16xf32, #tpu.memory_space<hbm>>) target_semaphore(%arg24 : memref<!tpu.dma_semaphore, #tpu.memory_space<semaphore_mem>>)
    %add3A_337 = arith.constant 16640 : i32
    %add3A_338 = arith.addi %mul3A_2, %add3A_337 : i32
    "tpu.region"() ({
      %run_scoped3A = tpu.sem_alloc : memref<!tpu.dma_semaphore, #tpu.memory_space<semaphore_mem>>
      %dma_start3A_1536 = tpu.memref_slice %arg3[%add3A_338] : memref<2129920xi32, #tpu.memory_space<hbm>> -> memref<1040xi32, #tpu.memory_space<hbm>>
      %dma_start3A_1537 = tpu.memref_slice %arg3[%add3A_338] : memref<2129920xi32, #tpu.memory_space<hbm>> -> memref<1040xi32, #tpu.memory_space<hbm>>
      tpu.enqueue_dma source(%dma_start3A_1537 : memref<1040xi32, #tpu.memory_space<hbm>>) target(%arg8 : memref<1040xi32, #tpu.memory_space<vmem>>) target_semaphore(%run_scoped3A : memref<!tpu.dma_semaphore, #tpu.memory_space<semaphore_mem>>)
      %dma_wait3A_1538 = tpu.memref_slice %arg3[%add3A_338] : memref<2129920xi32, #tpu.memory_space<hbm>> -> memref<1040xi32, #tpu.memory_space<hbm>>
      %dma_wait3A_1539 = tpu.memref_slice %arg3[%add3A_338] : memref<2129920xi32, #tpu.memory_space<hbm>> -> memref<1040xi32, #tpu.memory_space<hbm>>
      tpu.wait_dma2 semaphore(%run_scoped3A : memref<!tpu.dma_semaphore, #tpu.memory_space<semaphore_mem>>) src(%dma_wait3A_1539 : memref<1040xi32, #tpu.memory_space<hbm>>) dst(%arg8 : memref<1040xi32, #tpu.memory_space<vmem>>)
      tpu.yield
    }) : () -> ()
    %scan3A_339 = arith.constant 0 : i32
    %scan3A_340 = arith.constant 0 : i32
    %scan3A_341 = arith.constant 65 : i32
    %scan3A_342 = arith.addi %scan3A_340, %scan3A_341 : i32
    %scan3A_343 = arith.constant 1 : i32
    scf.for %scan3A_1536 = %scan3A_340 to %scan3A_342 step %scan3A_343  : i32 {
      %mul3A_1537 = arith.constant 16 : i32
      %mul3A_1538 = arith.muli %scan3A_1536, %mul3A_1537 : i32
      %multiple_of3A = tpu.assume_multiple %mul3A_1538, 16 : i32
      %get3A = arith.index_cast %multiple_of3A : i32 to index
      %get3A_1539 = tpu.vector_load %arg8[%get3A] {strides = array<i32>} : memref<1040xi32, #tpu.memory_space<vmem>>, vector<16xi32>,
      %get3A_1540 = vector.shape_cast %get3A_1539 : vector<16xi32> to vector<16xi32>
      %get3A_1541 = arith.index_cast %multiple_of3A : i32 to index
      %get3A_1542 = tpu.vector_load %arg6[%get3A_1541] {strides = array<i32>} : memref<1040xi32, #tpu.memory_space<vmem>>, vector<16xi32>,
      %get3A_1543 = vector.shape_cast %get3A_1542 : vector<16xi32> to vector<16xi32>
      %add3A_1544 = arith.addi %get3A_1540, %get3A_1543 : vector<16xi32>
      %swap3A = arith.index_cast %multiple_of3A : i32 to index
      %swap3A_1545 = tpu.vector_load %arg8[%swap3A] {strides = array<i32>} : memref<1040xi32, #tpu.memory_space<vmem>>, vector<16xi32>,
      %swap3A_1546 = vector.shape_cast %swap3A_1545 : vector<16xi32> to vector<16xi32>
      %swap3A_1547 = vector.shape_cast %add3A_1544 : vector<16xi32> to vector<16xi32>
      tpu.vector_store %arg8[%swap3A], %swap3A_1547 {strides = array<i32>} : memref<1040xi32, #tpu.memory_space<vmem>>, vector<16xi32>,
    }
    %scan3A_344 = arith.constant 65 : i32
    %dma_wait3A_345 = arith.constant 0 : i32
    %dma_wait3A_346 = tpu.memref_slice %arg5[%add3A_308, %dma_wait3A_345] : memref<2129920x16xf32, #tpu.memory_space<hbm>> -> memref<1040x16xf32, #tpu.memory_space<hbm>>
    %dma_wait3A_347 = arith.constant 0 : i32
    %dma_wait3A_348 = tpu.memref_slice %arg5[%add3A_308, %dma_wait3A_347] : memref<2129920x16xf32, #tpu.memory_space<hbm>> -> memref<1040x16xf32, #tpu.memory_space<hbm>>
    tpu.wait_dma2 semaphore(%arg23 : memref<!tpu.dma_semaphore, #tpu.memory_space<semaphore_mem>>) src(%arg13 : memref<1040x16xf32, #tpu.memory_space<vmem>>) dst(%dma_wait3A_348 : memref<1040x16xf32, #tpu.memory_space<hbm>>)
    %dma_start3A_349 = arith.constant 0 : i32
    %dma_start3A_350 = arith.constant 0 : i32
    %dma_start3A_351 = tpu.memref_slice %arg2[%dma_start3A_349, %dma_start3A_350] : memref<2600000x16xf32, #tpu.memory_space<hbm>> -> memref<2600000x16xf32, #tpu.memory_space<hbm>>
    tpu.enqueue_indirect_dma source(%dma_start3A_351 : memref<2600000x16xf32, #tpu.memory_space<hbm>>) target(%arg13 : memref<1040x16xf32, #tpu.memory_space<vmem>>) offsets(%arg8 : memref<1040xi32, #tpu.memory_space<vmem>>) semaphore(%arg18 : memref<!tpu.dma_semaphore, #tpu.memory_space<semaphore_mem>>)
    %dma_wait3A_352 = arith.constant 0 : i32
    %dma_wait3A_353 = arith.constant 0 : i32
    %dma_wait3A_354 = tpu.memref_slice %arg2[%dma_wait3A_352, %dma_wait3A_353] : memref<2600000x16xf32, #tpu.memory_space<hbm>> -> memref<2600000x16xf32, #tpu.memory_space<hbm>>
    tpu.wait_indirect_dma semaphore(%arg20 : memref<!tpu.dma_semaphore, #tpu.memory_space<semaphore_mem>>) src(%dma_wait3A_354 : memref<2600000x16xf32, #tpu.memory_space<hbm>>) dst(%arg15 : memref<1040x16xf32, #tpu.memory_space<vmem>>)
    %add3A_355 = arith.constant 13520 : i32
    %add3A_356 = arith.addi %mul3A_2, %add3A_355 : i32
    %dma_start3A_357 = arith.constant 0 : i32
    %dma_start3A_358 = tpu.memref_slice %arg5[%add3A_356, %dma_start3A_357] : memref<2129920x16xf32, #tpu.memory_space<hbm>> -> memref<1040x16xf32, #tpu.memory_space<hbm>>
    %dma_start3A_359 = arith.constant 0 : i32
    %dma_start3A_360 = tpu.memref_slice %arg5[%add3A_356, %dma_start3A_359] : memref<2129920x16xf32, #tpu.memory_space<hbm>> -> memref<1040x16xf32, #tpu.memory_space<hbm>>
    tpu.enqueue_dma source(%arg15 : memref<1040x16xf32, #tpu.memory_space<vmem>>) target(%dma_start3A_360 : memref<1040x16xf32, #tpu.memory_space<hbm>>) target_semaphore(%arg25 : memref<!tpu.dma_semaphore, #tpu.memory_space<semaphore_mem>>)
    %add3A_361 = arith.constant 17680 : i32
    %add3A_362 = arith.addi %mul3A_2, %add3A_361 : i32
    "tpu.region"() ({
      %run_scoped3A = tpu.sem_alloc : memref<!tpu.dma_semaphore, #tpu.memory_space<semaphore_mem>>
      %dma_start3A_1536 = tpu.memref_slice %arg3[%add3A_362] : memref<2129920xi32, #tpu.memory_space<hbm>> -> memref<1040xi32, #tpu.memory_space<hbm>>
      %dma_start3A_1537 = tpu.memref_slice %arg3[%add3A_362] : memref<2129920xi32, #tpu.memory_space<hbm>> -> memref<1040xi32, #tpu.memory_space<hbm>>
      tpu.enqueue_dma source(%dma_start3A_1537 : memref<1040xi32, #tpu.memory_space<hbm>>) target(%arg9 : memref<1040xi32, #tpu.memory_space<vmem>>) target_semaphore(%run_scoped3A : memref<!tpu.dma_semaphore, #tpu.memory_space<semaphore_mem>>)
      %dma_wait3A_1538 = tpu.memref_slice %arg3[%add3A_362] : memref<2129920xi32, #tpu.memory_space<hbm>> -> memref<1040xi32, #tpu.memory_space<hbm>>
      %dma_wait3A_1539 = tpu.memref_slice %arg3[%add3A_362] : memref<2129920xi32, #tpu.memory_space<hbm>> -> memref<1040xi32, #tpu.memory_space<hbm>>
      tpu.wait_dma2 semaphore(%run_scoped3A : memref<!tpu.dma_semaphore, #tpu.memory_space<semaphore_mem>>) src(%dma_wait3A_1539 : memref<1040xi32, #tpu.memory_space<hbm>>) dst(%arg9 : memref<1040xi32, #tpu.memory_space<vmem>>)
      tpu.yield
    }) : () -> ()
    %scan3A_363 = arith.constant 0 : i32
    %scan3A_364 = arith.constant 0 : i32
    %scan3A_365 = arith.constant 65 : i32
    %scan3A_366 = arith.addi %scan3A_364, %scan3A_365 : i32
    %scan3A_367 = arith.constant 1 : i32
    scf.for %scan3A_1536 = %scan3A_364 to %scan3A_366 step %scan3A_367  : i32 {
      %mul3A_1537 = arith.constant 16 : i32
      %mul3A_1538 = arith.muli %scan3A_1536, %mul3A_1537 : i32
      %multiple_of3A = tpu.assume_multiple %mul3A_1538, 16 : i32
      %get3A = arith.index_cast %multiple_of3A : i32 to index
      %get3A_1539 = tpu.vector_load %arg9[%get3A] {strides = array<i32>} : memref<1040xi32, #tpu.memory_space<vmem>>, vector<16xi32>,
      %get3A_1540 = vector.shape_cast %get3A_1539 : vector<16xi32> to vector<16xi32>
      %get3A_1541 = arith.index_cast %multiple_of3A : i32 to index
      %get3A_1542 = tpu.vector_load %arg6[%get3A_1541] {strides = array<i32>} : memref<1040xi32, #tpu.memory_space<vmem>>, vector<16xi32>,
      %get3A_1543 = vector.shape_cast %get3A_1542 : vector<16xi32> to vector<16xi32>
      %add3A_1544 = arith.addi %get3A_1540, %get3A_1543 : vector<16xi32>
      %swap3A = arith.index_cast %multiple_of3A : i32 to index
      %swap3A_1545 = tpu.vector_load %arg9[%swap3A] {strides = array<i32>} : memref<1040xi32, #tpu.memory_space<vmem>>, vector<16xi32>,
      %swap3A_1546 = vector.shape_cast %swap3A_1545 : vector<16xi32> to vector<16xi32>
      %swap3A_1547 = vector.shape_cast %add3A_1544 : vector<16xi32> to vector<16xi32>
      tpu.vector_store %arg9[%swap3A], %swap3A_1547 {strides = array<i32>} : memref<1040xi32, #tpu.memory_space<vmem>>, vector<16xi32>,
    }
    %scan3A_368 = arith.constant 65 : i32
    %dma_wait3A_369 = arith.constant 0 : i32
    %dma_wait3A_370 = tpu.memref_slice %arg5[%add3A_332, %dma_wait3A_369] : memref<2129920x16xf32, #tpu.memory_space<hbm>> -> memref<1040x16xf32, #tpu.memory_space<hbm>>
    %dma_wait3A_371 = arith.constant 0 : i32
    %dma_wait3A_372 = tpu.memref_slice %arg5[%add3A_332, %dma_wait3A_371] : memref<2129920x16xf32, #tpu.memory_space<hbm>> -> memref<1040x16xf32, #tpu.memory_space<hbm>>
    tpu.wait_dma2 semaphore(%arg24 : memref<!tpu.dma_semaphore, #tpu.memory_space<semaphore_mem>>) src(%arg14 : memref<1040x16xf32, #tpu.memory_space<vmem>>) dst(%dma_wait3A_372 : memref<1040x16xf32, #tpu.memory_space<hbm>>)
    %dma_start3A_373 = arith.constant 0 : i32
    %dma_start3A_374 = arith.constant 0 : i32
    %dma_start3A_375 = tpu.memref_slice %arg2[%dma_start3A_373, %dma_start3A_374] : memref<2600000x16xf32, #tpu.memory_space<hbm>> -> memref<2600000x16xf32, #tpu.memory_space<hbm>>
    tpu.enqueue_indirect_dma source(%dma_start3A_375 : memref<2600000x16xf32, #tpu.memory_space<hbm>>) target(%arg14 : memref<1040x16xf32, #tpu.memory_space<vmem>>) offsets(%arg9 : memref<1040xi32, #tpu.memory_space<vmem>>) semaphore(%arg19 : memref<!tpu.dma_semaphore, #tpu.memory_space<semaphore_mem>>)
    %dma_wait3A_376 = arith.constant 0 : i32
    %dma_wait3A_377 = arith.constant 0 : i32
    %dma_wait3A_378 = tpu.memref_slice %arg2[%dma_wait3A_376, %dma_wait3A_377] : memref<2600000x16xf32, #tpu.memory_space<hbm>> -> memref<2600000x16xf32, #tpu.memory_space<hbm>>
    tpu.wait_indirect_dma semaphore(%arg21 : memref<!tpu.dma_semaphore, #tpu.memory_space<semaphore_mem>>) src(%dma_wait3A_378 : memref<2600000x16xf32, #tpu.memory_space<hbm>>) dst(%arg16 : memref<1040x16xf32, #tpu.memory_space<vmem>>)
    %add3A_379 = arith.constant 14560 : i32
    %add3A_380 = arith.addi %mul3A_2, %add3A_379 : i32
    %dma_start3A_381 = arith.constant 0 : i32
    %dma_start3A_382 = tpu.memref_slice %arg5[%add3A_380, %dma_start3A_381] : memref<2129920x16xf32, #tpu.memory_space<hbm>> -> memref<1040x16xf32, #tpu.memory_space<hbm>>
    %dma_start3A_383 = arith.constant 0 : i32
    %dma_start3A_384 = tpu.memref_slice %arg5[%add3A_380, %dma_start3A_383] : memref<2129920x16xf32, #tpu.memory_space<hbm>> -> memref<1040x16xf32, #tpu.memory_space<hbm>>
    tpu.enqueue_dma source(%arg16 : memref<1040x16xf32, #tpu.memory_space<vmem>>) target(%dma_start3A_384 : memref<1040x16xf32, #tpu.memory_space<hbm>>) target_semaphore(%arg26 : memref<!tpu.dma_semaphore, #tpu.memory_space<semaphore_mem>>)
    %add3A_385 = arith.constant 18720 : i32
    %add3A_386 = arith.addi %mul3A_2, %add3A_385 : i32
    "tpu.region"() ({
      %run_scoped3A = tpu.sem_alloc : memref<!tpu.dma_semaphore, #tpu.memory_space<semaphore_mem>>
      %dma_start3A_1536 = tpu.memref_slice %arg3[%add3A_386] : memref<2129920xi32, #tpu.memory_space<hbm>> -> memref<1040xi32, #tpu.memory_space<hbm>>
      %dma_start3A_1537 = tpu.memref_slice %arg3[%add3A_386] : memref<2129920xi32, #tpu.memory_space<hbm>> -> memref<1040xi32, #tpu.memory_space<hbm>>
      tpu.enqueue_dma source(%dma_start3A_1537 : memref<1040xi32, #tpu.memory_space<hbm>>) target(%arg10 : memref<1040xi32, #tpu.memory_space<vmem>>) target_semaphore(%run_scoped3A : memref<!tpu.dma_semaphore, #tpu.memory_space<semaphore_mem>>)
      %dma_wait3A_1538 = tpu.memref_slice %arg3[%add3A_386] : memref<2129920xi32, #tpu.memory_space<hbm>> -> memref<1040xi32, #tpu.memory_space<hbm>>
      %dma_wait3A_1539 = tpu.memref_slice %arg3[%add3A_386] : memref<2129920xi32, #tpu.memory_space<hbm>> -> memref<1040xi32, #tpu.memory_space<hbm>>
      tpu.wait_dma2 semaphore(%run_scoped3A : memref<!tpu.dma_semaphore, #tpu.memory_space<semaphore_mem>>) src(%dma_wait3A_1539 : memref<1040xi32, #tpu.memory_space<hbm>>) dst(%arg10 : memref<1040xi32, #tpu.memory_space<vmem>>)
      tpu.yield
    }) : () -> ()
    %scan3A_387 = arith.constant 0 : i32
    %scan3A_388 = arith.constant 0 : i32
    %scan3A_389 = arith.constant 65 : i32
    %scan3A_390 = arith.addi %scan3A_388, %scan3A_389 : i32
    %scan3A_391 = arith.constant 1 : i32
    scf.for %scan3A_1536 = %scan3A_388 to %scan3A_390 step %scan3A_391  : i32 {
      %mul3A_1537 = arith.constant 16 : i32
      %mul3A_1538 = arith.muli %scan3A_1536, %mul3A_1537 : i32
      %multiple_of3A = tpu.assume_multiple %mul3A_1538, 16 : i32
      %get3A = arith.index_cast %multiple_of3A : i32 to index
      %get3A_1539 = tpu.vector_load %arg10[%get3A] {strides = array<i32>} : memref<1040xi32, #tpu.memory_space<vmem>>, vector<16xi32>,
      %get3A_1540 = vector.shape_cast %get3A_1539 : vector<16xi32> to vector<16xi32>
      %get3A_1541 = arith.index_cast %multiple_of3A : i32 to index
      %get3A_1542 = tpu.vector_load %arg6[%get3A_1541] {strides = array<i32>} : memref<1040xi32, #tpu.memory_space<vmem>>, vector<16xi32>,
      %get3A_1543 = vector.shape_cast %get3A_1542 : vector<16xi32> to vector<16xi32>
      %add3A_1544 = arith.addi %get3A_1540, %get3A_1543 : vector<16xi32>
      %swap3A = arith.index_cast %multiple_of3A : i32 to index
      %swap3A_1545 = tpu.vector_load %arg10[%swap3A] {strides = array<i32>} : memref<1040xi32, #tpu.memory_space<vmem>>, vector<16xi32>,
      %swap3A_1546 = vector.shape_cast %swap3A_1545 : vector<16xi32> to vector<16xi32>
      %swap3A_1547 = vector.shape_cast %add3A_1544 : vector<16xi32> to vector<16xi32>
      tpu.vector_store %arg10[%swap3A], %swap3A_1547 {strides = array<i32>} : memref<1040xi32, #tpu.memory_space<vmem>>, vector<16xi32>,
    }
    %scan3A_392 = arith.constant 65 : i32
    %dma_wait3A_393 = arith.constant 0 : i32
    %dma_wait3A_394 = tpu.memref_slice %arg5[%add3A_356, %dma_wait3A_393] : memref<2129920x16xf32, #tpu.memory_space<hbm>> -> memref<1040x16xf32, #tpu.memory_space<hbm>>
    %dma_wait3A_395 = arith.constant 0 : i32
    %dma_wait3A_396 = tpu.memref_slice %arg5[%add3A_356, %dma_wait3A_395] : memref<2129920x16xf32, #tpu.memory_space<hbm>> -> memref<1040x16xf32, #tpu.memory_space<hbm>>
    tpu.wait_dma2 semaphore(%arg25 : memref<!tpu.dma_semaphore, #tpu.memory_space<semaphore_mem>>) src(%arg15 : memref<1040x16xf32, #tpu.memory_space<vmem>>) dst(%dma_wait3A_396 : memref<1040x16xf32, #tpu.memory_space<hbm>>)
    %dma_start3A_397 = arith.constant 0 : i32
    %dma_start3A_398 = arith.constant 0 : i32
    %dma_start3A_399 = tpu.memref_slice %arg2[%dma_start3A_397, %dma_start3A_398] : memref<2600000x16xf32, #tpu.memory_space<hbm>> -> memref<2600000x16xf32, #tpu.memory_space<hbm>>
    tpu.enqueue_indirect_dma source(%dma_start3A_399 : memref<2600000x16xf32, #tpu.memory_space<hbm>>) target(%arg15 : memref<1040x16xf32, #tpu.memory_space<vmem>>) offsets(%arg10 : memref<1040xi32, #tpu.memory_space<vmem>>) semaphore(%arg20 : memref<!tpu.dma_semaphore, #tpu.memory_space<semaphore_mem>>)
    %dma_wait3A_400 = arith.constant 0 : i32
    %dma_wait3A_401 = arith.constant 0 : i32
    %dma_wait3A_402 = tpu.memref_slice %arg2[%dma_wait3A_400, %dma_wait3A_401] : memref<2600000x16xf32, #tpu.memory_space<hbm>> -> memref<2600000x16xf32, #tpu.memory_space<hbm>>
    tpu.wait_indirect_dma semaphore(%arg17 : memref<!tpu.dma_semaphore, #tpu.memory_space<semaphore_mem>>) src(%dma_wait3A_402 : memref<2600000x16xf32, #tpu.memory_space<hbm>>) dst(%arg12 : memref<1040x16xf32, #tpu.memory_space<vmem>>)
    %add3A_403 = arith.constant 15600 : i32
    %add3A_404 = arith.addi %mul3A_2, %add3A_403 : i32
    %dma_start3A_405 = arith.constant 0 : i32
    %dma_start3A_406 = tpu.memref_slice %arg5[%add3A_404, %dma_start3A_405] : memref<2129920x16xf32, #tpu.memory_space<hbm>> -> memref<1040x16xf32, #tpu.memory_space<hbm>>
    %dma_start3A_407 = arith.constant 0 : i32
    %dma_start3A_408 = tpu.memref_slice %arg5[%add3A_404, %dma_start3A_407] : memref<2129920x16xf32, #tpu.memory_space<hbm>> -> memref<1040x16xf32, #tpu.memory_space<hbm>>
    tpu.enqueue_dma source(%arg12 : memref<1040x16xf32, #tpu.memory_space<vmem>>) target(%dma_start3A_408 : memref<1040x16xf32, #tpu.memory_space<hbm>>) target_semaphore(%arg22 : memref<!tpu.dma_semaphore, #tpu.memory_space<semaphore_mem>>)
    %add3A_409 = arith.constant 19760 : i32
    %add3A_410 = arith.addi %mul3A_2, %add3A_409 : i32
    "tpu.region"() ({
      %run_scoped3A = tpu.sem_alloc : memref<!tpu.dma_semaphore, #tpu.memory_space<semaphore_mem>>
      %dma_start3A_1536 = tpu.memref_slice %arg3[%add3A_410] : memref<2129920xi32, #tpu.memory_space<hbm>> -> memref<1040xi32, #tpu.memory_space<hbm>>
      %dma_start3A_1537 = tpu.memref_slice %arg3[%add3A_410] : memref<2129920xi32, #tpu.memory_space<hbm>> -> memref<1040xi32, #tpu.memory_space<hbm>>
      tpu.enqueue_dma source(%dma_start3A_1537 : memref<1040xi32, #tpu.memory_space<hbm>>) target(%arg11 : memref<1040xi32, #tpu.memory_space<vmem>>) target_semaphore(%run_scoped3A : memref<!tpu.dma_semaphore, #tpu.memory_space<semaphore_mem>>)
      %dma_wait3A_1538 = tpu.memref_slice %arg3[%add3A_410] : memref<2129920xi32, #tpu.memory_space<hbm>> -> memref<1040xi32, #tpu.memory_space<hbm>>
      %dma_wait3A_1539 = tpu.memref_slice %arg3[%add3A_410] : memref<2129920xi32, #tpu.memory_space<hbm>> -> memref<1040xi32, #tpu.memory_space<hbm>>
      tpu.wait_dma2 semaphore(%run_scoped3A : memref<!tpu.dma_semaphore, #tpu.memory_space<semaphore_mem>>) src(%dma_wait3A_1539 : memref<1040xi32, #tpu.memory_space<hbm>>) dst(%arg11 : memref<1040xi32, #tpu.memory_space<vmem>>)
      tpu.yield
    }) : () -> ()
    %scan3A_411 = arith.constant 0 : i32
    %scan3A_412 = arith.constant 0 : i32
    %scan3A_413 = arith.constant 65 : i32
    %scan3A_414 = arith.addi %scan3A_412, %scan3A_413 : i32
    %scan3A_415 = arith.constant 1 : i32
    scf.for %scan3A_1536 = %scan3A_412 to %scan3A_414 step %scan3A_415  : i32 {
      %mul3A_1537 = arith.constant 16 : i32
      %mul3A_1538 = arith.muli %scan3A_1536, %mul3A_1537 : i32
      %multiple_of3A = tpu.assume_multiple %mul3A_1538, 16 : i32
      %get3A = arith.index_cast %multiple_of3A : i32 to index
      %get3A_1539 = tpu.vector_load %arg11[%get3A] {strides = array<i32>} : memref<1040xi32, #tpu.memory_space<vmem>>, vector<16xi32>,
      %get3A_1540 = vector.shape_cast %get3A_1539 : vector<16xi32> to vector<16xi32>
      %get3A_1541 = arith.index_cast %multiple_of3A : i32 to index
      %get3A_1542 = tpu.vector_load %arg6[%get3A_1541] {strides = array<i32>} : memref<1040xi32, #tpu.memory_space<vmem>>, vector<16xi32>,
      %get3A_1543 = vector.shape_cast %get3A_1542 : vector<16xi32> to vector<16xi32>
      %add3A_1544 = arith.addi %get3A_1540, %get3A_1543 : vector<16xi32>
      %swap3A = arith.index_cast %multiple_of3A : i32 to index
      %swap3A_1545 = tpu.vector_load %arg11[%swap3A] {strides = array<i32>} : memref<1040xi32, #tpu.memory_space<vmem>>, vector<16xi32>,
      %swap3A_1546 = vector.shape_cast %swap3A_1545 : vector<16xi32> to vector<16xi32>
      %swap3A_1547 = vector.shape_cast %add3A_1544 : vector<16xi32> to vector<16xi32>
      tpu.vector_store %arg11[%swap3A], %swap3A_1547 {strides = array<i32>} : memref<1040xi32, #tpu.memory_space<vmem>>, vector<16xi32>,
    }
    %scan3A_416 = arith.constant 65 : i32
    %dma_wait3A_417 = arith.constant 0 : i32
    %dma_wait3A_418 = tpu.memref_slice %arg5[%add3A_380, %dma_wait3A_417] : memref<2129920x16xf32, #tpu.memory_space<hbm>> -> memref<1040x16xf32, #tpu.memory_space<hbm>>
    %dma_wait3A_419 = arith.constant 0 : i32
    %dma_wait3A_420 = tpu.memref_slice %arg5[%add3A_380, %dma_wait3A_419] : memref<2129920x16xf32, #tpu.memory_space<hbm>> -> memref<1040x16xf32, #tpu.memory_space<hbm>>
    tpu.wait_dma2 semaphore(%arg26 : memref<!tpu.dma_semaphore, #tpu.memory_space<semaphore_mem>>) src(%arg16 : memref<1040x16xf32, #tpu.memory_space<vmem>>) dst(%dma_wait3A_420 : memref<1040x16xf32, #tpu.memory_space<hbm>>)
    %dma_start3A_421 = arith.constant 0 : i32
    %dma_start3A_422 = arith.constant 0 : i32
    %dma_start3A_423 = tpu.memref_slice %arg2[%dma_start3A_421, %dma_start3A_422] : memref<2600000x16xf32, #tpu.memory_space<hbm>> -> memref<2600000x16xf32, #tpu.memory_space<hbm>>
    tpu.enqueue_indirect_dma source(%dma_start3A_423 : memref<2600000x16xf32, #tpu.memory_space<hbm>>) target(%arg16 : memref<1040x16xf32, #tpu.memory_space<vmem>>) offsets(%arg11 : memref<1040xi32, #tpu.memory_space<vmem>>) semaphore(%arg21 : memref<!tpu.dma_semaphore, #tpu.memory_space<semaphore_mem>>)
    %dma_wait3A_424 = arith.constant 0 : i32
    %dma_wait3A_425 = arith.constant 0 : i32
    %dma_wait3A_426 = tpu.memref_slice %arg2[%dma_wait3A_424, %dma_wait3A_425] : memref<2600000x16xf32, #tpu.memory_space<hbm>> -> memref<2600000x16xf32, #tpu.memory_space<hbm>>
    tpu.wait_indirect_dma semaphore(%arg18 : memref<!tpu.dma_semaphore, #tpu.memory_space<semaphore_mem>>) src(%dma_wait3A_426 : memref<2600000x16xf32, #tpu.memory_space<hbm>>) dst(%arg13 : memref<1040x16xf32, #tpu.memory_space<vmem>>)
    %add3A_427 = arith.constant 16640 : i32
    %add3A_428 = arith.addi %mul3A_2, %add3A_427 : i32
    %dma_start3A_429 = arith.constant 0 : i32
    %dma_start3A_430 = tpu.memref_slice %arg5[%add3A_428, %dma_start3A_429] : memref<2129920x16xf32, #tpu.memory_space<hbm>> -> memref<1040x16xf32, #tpu.memory_space<hbm>>
    %dma_start3A_431 = arith.constant 0 : i32
    %dma_start3A_432 = tpu.memref_slice %arg5[%add3A_428, %dma_start3A_431] : memref<2129920x16xf32, #tpu.memory_space<hbm>> -> memref<1040x16xf32, #tpu.memory_space<hbm>>
    tpu.enqueue_dma source(%arg13 : memref<1040x16xf32, #tpu.memory_space<vmem>>) target(%dma_start3A_432 : memref<1040x16xf32, #tpu.memory_space<hbm>>) target_semaphore(%arg23 : memref<!tpu.dma_semaphore, #tpu.memory_space<semaphore_mem>>)
    %add3A_433 = arith.constant 20800 : i32
    %add3A_434 = arith.addi %mul3A_2, %add3A_433 : i32
    "tpu.region"() ({
      %run_scoped3A = tpu.sem_alloc : memref<!tpu.dma_semaphore, #tpu.memory_space<semaphore_mem>>
      %dma_start3A_1536 = tpu.memref_slice %arg3[%add3A_434] : memref<2129920xi32, #tpu.memory_space<hbm>> -> memref<1040xi32, #tpu.memory_space<hbm>>
      %dma_start3A_1537 = tpu.memref_slice %arg3[%add3A_434] : memref<2129920xi32, #tpu.memory_space<hbm>> -> memref<1040xi32, #tpu.memory_space<hbm>>
      tpu.enqueue_dma source(%dma_start3A_1537 : memref<1040xi32, #tpu.memory_space<hbm>>) target(%arg7 : memref<1040xi32, #tpu.memory_space<vmem>>) target_semaphore(%run_scoped3A : memref<!tpu.dma_semaphore, #tpu.memory_space<semaphore_mem>>)
      %dma_wait3A_1538 = tpu.memref_slice %arg3[%add3A_434] : memref<2129920xi32, #tpu.memory_space<hbm>> -> memref<1040xi32, #tpu.memory_space<hbm>>
      %dma_wait3A_1539 = tpu.memref_slice %arg3[%add3A_434] : memref<2129920xi32, #tpu.memory_space<hbm>> -> memref<1040xi32, #tpu.memory_space<hbm>>
      tpu.wait_dma2 semaphore(%run_scoped3A : memref<!tpu.dma_semaphore, #tpu.memory_space<semaphore_mem>>) src(%dma_wait3A_1539 : memref<1040xi32, #tpu.memory_space<hbm>>) dst(%arg7 : memref<1040xi32, #tpu.memory_space<vmem>>)
      tpu.yield
    }) : () -> ()
    %scan3A_435 = arith.constant 0 : i32
    %scan3A_436 = arith.constant 0 : i32
    %scan3A_437 = arith.constant 65 : i32
    %scan3A_438 = arith.addi %scan3A_436, %scan3A_437 : i32
    %scan3A_439 = arith.constant 1 : i32
    scf.for %scan3A_1536 = %scan3A_436 to %scan3A_438 step %scan3A_439  : i32 {
      %mul3A_1537 = arith.constant 16 : i32
      %mul3A_1538 = arith.muli %scan3A_1536, %mul3A_1537 : i32
      %multiple_of3A = tpu.assume_multiple %mul3A_1538, 16 : i32
      %get3A = arith.index_cast %multiple_of3A : i32 to index
      %get3A_1539 = tpu.vector_load %arg7[%get3A] {strides = array<i32>} : memref<1040xi32, #tpu.memory_space<vmem>>, vector<16xi32>,
      %get3A_1540 = vector.shape_cast %get3A_1539 : vector<16xi32> to vector<16xi32>
      %get3A_1541 = arith.index_cast %multiple_of3A : i32 to index
      %get3A_1542 = tpu.vector_load %arg6[%get3A_1541] {strides = array<i32>} : memref<1040xi32, #tpu.memory_space<vmem>>, vector<16xi32>,
      %get3A_1543 = vector.shape_cast %get3A_1542 : vector<16xi32> to vector<16xi32>
      %add3A_1544 = arith.addi %get3A_1540, %get3A_1543 : vector<16xi32>
      %swap3A = arith.index_cast %multiple_of3A : i32 to index
      %swap3A_1545 = tpu.vector_load %arg7[%swap3A] {strides = array<i32>} : memref<1040xi32, #tpu.memory_space<vmem>>, vector<16xi32>,
      %swap3A_1546 = vector.shape_cast %swap3A_1545 : vector<16xi32> to vector<16xi32>
      %swap3A_1547 = vector.shape_cast %add3A_1544 : vector<16xi32> to vector<16xi32>
      tpu.vector_store %arg7[%swap3A], %swap3A_1547 {strides = array<i32>} : memref<1040xi32, #tpu.memory_space<vmem>>, vector<16xi32>,
    }
    %scan3A_440 = arith.constant 65 : i32
    %dma_wait3A_441 = arith.constant 0 : i32
    %dma_wait3A_442 = tpu.memref_slice %arg5[%add3A_404, %dma_wait3A_441] : memref<2129920x16xf32, #tpu.memory_space<hbm>> -> memref<1040x16xf32, #tpu.memory_space<hbm>>
    %dma_wait3A_443 = arith.constant 0 : i32
    %dma_wait3A_444 = tpu.memref_slice %arg5[%add3A_404, %dma_wait3A_443] : memref<2129920x16xf32, #tpu.memory_space<hbm>> -> memref<1040x16xf32, #tpu.memory_space<hbm>>
    tpu.wait_dma2 semaphore(%arg22 : memref<!tpu.dma_semaphore, #tpu.memory_space<semaphore_mem>>) src(%arg12 : memref<1040x16xf32, #tpu.memory_space<vmem>>) dst(%dma_wait3A_444 : memref<1040x16xf32, #tpu.memory_space<hbm>>)
    %dma_start3A_445 = arith.constant 0 : i32
    %dma_start3A_446 = arith.constant 0 : i32
    %dma_start3A_447 = tpu.memref_slice %arg2[%dma_start3A_445, %dma_start3A_446] : memref<2600000x16xf32, #tpu.memory_space<hbm>> -> memref<2600000x16xf32, #tpu.memory_space<hbm>>
    tpu.enqueue_indirect_dma source(%dma_start3A_447 : memref<2600000x16xf32, #tpu.memory_space<hbm>>) target(%arg12 : memref<1040x16xf32, #tpu.memory_space<vmem>>) offsets(%arg7 : memref<1040xi32, #tpu.memory_space<vmem>>) semaphore(%arg17 : memref<!tpu.dma_semaphore, #tpu.memory_space<semaphore_mem>>)
    %dma_wait3A_448 = arith.constant 0 : i32
    %dma_wait3A_449 = arith.constant 0 : i32
    %dma_wait3A_450 = tpu.memref_slice %arg2[%dma_wait3A_448, %dma_wait3A_449] : memref<2600000x16xf32, #tpu.memory_space<hbm>> -> memref<2600000x16xf32, #tpu.memory_space<hbm>>
    tpu.wait_indirect_dma semaphore(%arg19 : memref<!tpu.dma_semaphore, #tpu.memory_space<semaphore_mem>>) src(%dma_wait3A_450 : memref<2600000x16xf32, #tpu.memory_space<hbm>>) dst(%arg14 : memref<1040x16xf32, #tpu.memory_space<vmem>>)
    %add3A_451 = arith.constant 17680 : i32
    %add3A_452 = arith.addi %mul3A_2, %add3A_451 : i32
    %dma_start3A_453 = arith.constant 0 : i32
    %dma_start3A_454 = tpu.memref_slice %arg5[%add3A_452, %dma_start3A_453] : memref<2129920x16xf32, #tpu.memory_space<hbm>> -> memref<1040x16xf32, #tpu.memory_space<hbm>>
    %dma_start3A_455 = arith.constant 0 : i32
    %dma_start3A_456 = tpu.memref_slice %arg5[%add3A_452, %dma_start3A_455] : memref<2129920x16xf32, #tpu.memory_space<hbm>> -> memref<1040x16xf32, #tpu.memory_space<hbm>>
    tpu.enqueue_dma source(%arg14 : memref<1040x16xf32, #tpu.memory_space<vmem>>) target(%dma_start3A_456 : memref<1040x16xf32, #tpu.memory_space<hbm>>) target_semaphore(%arg24 : memref<!tpu.dma_semaphore, #tpu.memory_space<semaphore_mem>>)
    %add3A_457 = arith.constant 21840 : i32
    %add3A_458 = arith.addi %mul3A_2, %add3A_457 : i32
    "tpu.region"() ({
      %run_scoped3A = tpu.sem_alloc : memref<!tpu.dma_semaphore, #tpu.memory_space<semaphore_mem>>
      %dma_start3A_1536 = tpu.memref_slice %arg3[%add3A_458] : memref<2129920xi32, #tpu.memory_space<hbm>> -> memref<1040xi32, #tpu.memory_space<hbm>>
      %dma_start3A_1537 = tpu.memref_slice %arg3[%add3A_458] : memref<2129920xi32, #tpu.memory_space<hbm>> -> memref<1040xi32, #tpu.memory_space<hbm>>
      tpu.enqueue_dma source(%dma_start3A_1537 : memref<1040xi32, #tpu.memory_space<hbm>>) target(%arg8 : memref<1040xi32, #tpu.memory_space<vmem>>) target_semaphore(%run_scoped3A : memref<!tpu.dma_semaphore, #tpu.memory_space<semaphore_mem>>)
      %dma_wait3A_1538 = tpu.memref_slice %arg3[%add3A_458] : memref<2129920xi32, #tpu.memory_space<hbm>> -> memref<1040xi32, #tpu.memory_space<hbm>>
      %dma_wait3A_1539 = tpu.memref_slice %arg3[%add3A_458] : memref<2129920xi32, #tpu.memory_space<hbm>> -> memref<1040xi32, #tpu.memory_space<hbm>>
      tpu.wait_dma2 semaphore(%run_scoped3A : memref<!tpu.dma_semaphore, #tpu.memory_space<semaphore_mem>>) src(%dma_wait3A_1539 : memref<1040xi32, #tpu.memory_space<hbm>>) dst(%arg8 : memref<1040xi32, #tpu.memory_space<vmem>>)
      tpu.yield
    }) : () -> ()
    %scan3A_459 = arith.constant 0 : i32
    %scan3A_460 = arith.constant 0 : i32
    %scan3A_461 = arith.constant 65 : i32
    %scan3A_462 = arith.addi %scan3A_460, %scan3A_461 : i32
    %scan3A_463 = arith.constant 1 : i32
    scf.for %scan3A_1536 = %scan3A_460 to %scan3A_462 step %scan3A_463  : i32 {
      %mul3A_1537 = arith.constant 16 : i32
      %mul3A_1538 = arith.muli %scan3A_1536, %mul3A_1537 : i32
      %multiple_of3A = tpu.assume_multiple %mul3A_1538, 16 : i32
      %get3A = arith.index_cast %multiple_of3A : i32 to index
      %get3A_1539 = tpu.vector_load %arg8[%get3A] {strides = array<i32>} : memref<1040xi32, #tpu.memory_space<vmem>>, vector<16xi32>,
      %get3A_1540 = vector.shape_cast %get3A_1539 : vector<16xi32> to vector<16xi32>
      %get3A_1541 = arith.index_cast %multiple_of3A : i32 to index
      %get3A_1542 = tpu.vector_load %arg6[%get3A_1541] {strides = array<i32>} : memref<1040xi32, #tpu.memory_space<vmem>>, vector<16xi32>,
      %get3A_1543 = vector.shape_cast %get3A_1542 : vector<16xi32> to vector<16xi32>
      %add3A_1544 = arith.addi %get3A_1540, %get3A_1543 : vector<16xi32>
      %swap3A = arith.index_cast %multiple_of3A : i32 to index
      %swap3A_1545 = tpu.vector_load %arg8[%swap3A] {strides = array<i32>} : memref<1040xi32, #tpu.memory_space<vmem>>, vector<16xi32>,
      %swap3A_1546 = vector.shape_cast %swap3A_1545 : vector<16xi32> to vector<16xi32>
      %swap3A_1547 = vector.shape_cast %add3A_1544 : vector<16xi32> to vector<16xi32>
      tpu.vector_store %arg8[%swap3A], %swap3A_1547 {strides = array<i32>} : memref<1040xi32, #tpu.memory_space<vmem>>, vector<16xi32>,
    }
    %scan3A_464 = arith.constant 65 : i32
    %dma_wait3A_465 = arith.constant 0 : i32
    %dma_wait3A_466 = tpu.memref_slice %arg5[%add3A_428, %dma_wait3A_465] : memref<2129920x16xf32, #tpu.memory_space<hbm>> -> memref<1040x16xf32, #tpu.memory_space<hbm>>
    %dma_wait3A_467 = arith.constant 0 : i32
    %dma_wait3A_468 = tpu.memref_slice %arg5[%add3A_428, %dma_wait3A_467] : memref<2129920x16xf32, #tpu.memory_space<hbm>> -> memref<1040x16xf32, #tpu.memory_space<hbm>>
    tpu.wait_dma2 semaphore(%arg23 : memref<!tpu.dma_semaphore, #tpu.memory_space<semaphore_mem>>) src(%arg13 : memref<1040x16xf32, #tpu.memory_space<vmem>>) dst(%dma_wait3A_468 : memref<1040x16xf32, #tpu.memory_space<hbm>>)
    %dma_start3A_469 = arith.constant 0 : i32
    %dma_start3A_470 = arith.constant 0 : i32
    %dma_start3A_471 = tpu.memref_slice %arg2[%dma_start3A_469, %dma_start3A_470] : memref<2600000x16xf32, #tpu.memory_space<hbm>> -> memref<2600000x16xf32, #tpu.memory_space<hbm>>
    tpu.enqueue_indirect_dma source(%dma_start3A_471 : memref<2600000x16xf32, #tpu.memory_space<hbm>>) target(%arg13 : memref<1040x16xf32, #tpu.memory_space<vmem>>) offsets(%arg8 : memref<1040xi32, #tpu.memory_space<vmem>>) semaphore(%arg18 : memref<!tpu.dma_semaphore, #tpu.memory_space<semaphore_mem>>)
    %dma_wait3A_472 = arith.constant 0 : i32
    %dma_wait3A_473 = arith.constant 0 : i32
    %dma_wait3A_474 = tpu.memref_slice %arg2[%dma_wait3A_472, %dma_wait3A_473] : memref<2600000x16xf32, #tpu.memory_space<hbm>> -> memref<2600000x16xf32, #tpu.memory_space<hbm>>
    tpu.wait_indirect_dma semaphore(%arg20 : memref<!tpu.dma_semaphore, #tpu.memory_space<semaphore_mem>>) src(%dma_wait3A_474 : memref<2600000x16xf32, #tpu.memory_space<hbm>>) dst(%arg15 : memref<1040x16xf32, #tpu.memory_space<vmem>>)
    %add3A_475 = arith.constant 18720 : i32
    %add3A_476 = arith.addi %mul3A_2, %add3A_475 : i32
    %dma_start3A_477 = arith.constant 0 : i32
    %dma_start3A_478 = tpu.memref_slice %arg5[%add3A_476, %dma_start3A_477] : memref<2129920x16xf32, #tpu.memory_space<hbm>> -> memref<1040x16xf32, #tpu.memory_space<hbm>>
    %dma_start3A_479 = arith.constant 0 : i32
    %dma_start3A_480 = tpu.memref_slice %arg5[%add3A_476, %dma_start3A_479] : memref<2129920x16xf32, #tpu.memory_space<hbm>> -> memref<1040x16xf32, #tpu.memory_space<hbm>>
    tpu.enqueue_dma source(%arg15 : memref<1040x16xf32, #tpu.memory_space<vmem>>) target(%dma_start3A_480 : memref<1040x16xf32, #tpu.memory_space<hbm>>) target_semaphore(%arg25 : memref<!tpu.dma_semaphore, #tpu.memory_space<semaphore_mem>>)
    %add3A_481 = arith.constant 22880 : i32
    %add3A_482 = arith.addi %mul3A_2, %add3A_481 : i32
    "tpu.region"() ({
      %run_scoped3A = tpu.sem_alloc : memref<!tpu.dma_semaphore, #tpu.memory_space<semaphore_mem>>
      %dma_start3A_1536 = tpu.memref_slice %arg3[%add3A_482] : memref<2129920xi32, #tpu.memory_space<hbm>> -> memref<1040xi32, #tpu.memory_space<hbm>>
      %dma_start3A_1537 = tpu.memref_slice %arg3[%add3A_482] : memref<2129920xi32, #tpu.memory_space<hbm>> -> memref<1040xi32, #tpu.memory_space<hbm>>
      tpu.enqueue_dma source(%dma_start3A_1537 : memref<1040xi32, #tpu.memory_space<hbm>>) target(%arg9 : memref<1040xi32, #tpu.memory_space<vmem>>) target_semaphore(%run_scoped3A : memref<!tpu.dma_semaphore, #tpu.memory_space<semaphore_mem>>)
      %dma_wait3A_1538 = tpu.memref_slice %arg3[%add3A_482] : memref<2129920xi32, #tpu.memory_space<hbm>> -> memref<1040xi32, #tpu.memory_space<hbm>>
      %dma_wait3A_1539 = tpu.memref_slice %arg3[%add3A_482] : memref<2129920xi32, #tpu.memory_space<hbm>> -> memref<1040xi32, #tpu.memory_space<hbm>>
      tpu.wait_dma2 semaphore(%run_scoped3A : memref<!tpu.dma_semaphore, #tpu.memory_space<semaphore_mem>>) src(%dma_wait3A_1539 : memref<1040xi32, #tpu.memory_space<hbm>>) dst(%arg9 : memref<1040xi32, #tpu.memory_space<vmem>>)
      tpu.yield
    }) : () -> ()
    %scan3A_483 = arith.constant 0 : i32
    %scan3A_484 = arith.constant 0 : i32
    %scan3A_485 = arith.constant 65 : i32
    %scan3A_486 = arith.addi %scan3A_484, %scan3A_485 : i32
    %scan3A_487 = arith.constant 1 : i32
    scf.for %scan3A_1536 = %scan3A_484 to %scan3A_486 step %scan3A_487  : i32 {
      %mul3A_1537 = arith.constant 16 : i32
      %mul3A_1538 = arith.muli %scan3A_1536, %mul3A_1537 : i32
      %multiple_of3A = tpu.assume_multiple %mul3A_1538, 16 : i32
      %get3A = arith.index_cast %multiple_of3A : i32 to index
      %get3A_1539 = tpu.vector_load %arg9[%get3A] {strides = array<i32>} : memref<1040xi32, #tpu.memory_space<vmem>>, vector<16xi32>,
      %get3A_1540 = vector.shape_cast %get3A_1539 : vector<16xi32> to vector<16xi32>
      %get3A_1541 = arith.index_cast %multiple_of3A : i32 to index
      %get3A_1542 = tpu.vector_load %arg6[%get3A_1541] {strides = array<i32>} : memref<1040xi32, #tpu.memory_space<vmem>>, vector<16xi32>,
      %get3A_1543 = vector.shape_cast %get3A_1542 : vector<16xi32> to vector<16xi32>
      %add3A_1544 = arith.addi %get3A_1540, %get3A_1543 : vector<16xi32>
      %swap3A = arith.index_cast %multiple_of3A : i32 to index
      %swap3A_1545 = tpu.vector_load %arg9[%swap3A] {strides = array<i32>} : memref<1040xi32, #tpu.memory_space<vmem>>, vector<16xi32>,
      %swap3A_1546 = vector.shape_cast %swap3A_1545 : vector<16xi32> to vector<16xi32>
      %swap3A_1547 = vector.shape_cast %add3A_1544 : vector<16xi32> to vector<16xi32>
      tpu.vector_store %arg9[%swap3A], %swap3A_1547 {strides = array<i32>} : memref<1040xi32, #tpu.memory_space<vmem>>, vector<16xi32>,
    }
    %scan3A_488 = arith.constant 65 : i32
    %dma_wait3A_489 = arith.constant 0 : i32
    %dma_wait3A_490 = tpu.memref_slice %arg5[%add3A_452, %dma_wait3A_489] : memref<2129920x16xf32, #tpu.memory_space<hbm>> -> memref<1040x16xf32, #tpu.memory_space<hbm>>
    %dma_wait3A_491 = arith.constant 0 : i32
    %dma_wait3A_492 = tpu.memref_slice %arg5[%add3A_452, %dma_wait3A_491] : memref<2129920x16xf32, #tpu.memory_space<hbm>> -> memref<1040x16xf32, #tpu.memory_space<hbm>>
    tpu.wait_dma2 semaphore(%arg24 : memref<!tpu.dma_semaphore, #tpu.memory_space<semaphore_mem>>) src(%arg14 : memref<1040x16xf32, #tpu.memory_space<vmem>>) dst(%dma_wait3A_492 : memref<1040x16xf32, #tpu.memory_space<hbm>>)
    %dma_start3A_493 = arith.constant 0 : i32
    %dma_start3A_494 = arith.constant 0 : i32
    %dma_start3A_495 = tpu.memref_slice %arg2[%dma_start3A_493, %dma_start3A_494] : memref<2600000x16xf32, #tpu.memory_space<hbm>> -> memref<2600000x16xf32, #tpu.memory_space<hbm>>
    tpu.enqueue_indirect_dma source(%dma_start3A_495 : memref<2600000x16xf32, #tpu.memory_space<hbm>>) target(%arg14 : memref<1040x16xf32, #tpu.memory_space<vmem>>) offsets(%arg9 : memref<1040xi32, #tpu.memory_space<vmem>>) semaphore(%arg19 : memref<!tpu.dma_semaphore, #tpu.memory_space<semaphore_mem>>)
    %dma_wait3A_496 = arith.constant 0 : i32
    %dma_wait3A_497 = arith.constant 0 : i32
    %dma_wait3A_498 = tpu.memref_slice %arg2[%dma_wait3A_496, %dma_wait3A_497] : memref<2600000x16xf32, #tpu.memory_space<hbm>> -> memref<2600000x16xf32, #tpu.memory_space<hbm>>
    tpu.wait_indirect_dma semaphore(%arg21 : memref<!tpu.dma_semaphore, #tpu.memory_space<semaphore_mem>>) src(%dma_wait3A_498 : memref<2600000x16xf32, #tpu.memory_space<hbm>>) dst(%arg16 : memref<1040x16xf32, #tpu.memory_space<vmem>>)
    %add3A_499 = arith.constant 19760 : i32
    %add3A_500 = arith.addi %mul3A_2, %add3A_499 : i32
    %dma_start3A_501 = arith.constant 0 : i32
    %dma_start3A_502 = tpu.memref_slice %arg5[%add3A_500, %dma_start3A_501] : memref<2129920x16xf32, #tpu.memory_space<hbm>> -> memref<1040x16xf32, #tpu.memory_space<hbm>>
    %dma_start3A_503 = arith.constant 0 : i32
    %dma_start3A_504 = tpu.memref_slice %arg5[%add3A_500, %dma_start3A_503] : memref<2129920x16xf32, #tpu.memory_space<hbm>> -> memref<1040x16xf32, #tpu.memory_space<hbm>>
    tpu.enqueue_dma source(%arg16 : memref<1040x16xf32, #tpu.memory_space<vmem>>) target(%dma_start3A_504 : memref<1040x16xf32, #tpu.memory_space<hbm>>) target_semaphore(%arg26 : memref<!tpu.dma_semaphore, #tpu.memory_space<semaphore_mem>>)
    %add3A_505 = arith.constant 23920 : i32
    %add3A_506 = arith.addi %mul3A_2, %add3A_505 : i32
    "tpu.region"() ({
      %run_scoped3A = tpu.sem_alloc : memref<!tpu.dma_semaphore, #tpu.memory_space<semaphore_mem>>
      %dma_start3A_1536 = tpu.memref_slice %arg3[%add3A_506] : memref<2129920xi32, #tpu.memory_space<hbm>> -> memref<1040xi32, #tpu.memory_space<hbm>>
      %dma_start3A_1537 = tpu.memref_slice %arg3[%add3A_506] : memref<2129920xi32, #tpu.memory_space<hbm>> -> memref<1040xi32, #tpu.memory_space<hbm>>
      tpu.enqueue_dma source(%dma_start3A_1537 : memref<1040xi32, #tpu.memory_space<hbm>>) target(%arg10 : memref<1040xi32, #tpu.memory_space<vmem>>) target_semaphore(%run_scoped3A : memref<!tpu.dma_semaphore, #tpu.memory_space<semaphore_mem>>)
      %dma_wait3A_1538 = tpu.memref_slice %arg3[%add3A_506] : memref<2129920xi32, #tpu.memory_space<hbm>> -> memref<1040xi32, #tpu.memory_space<hbm>>
      %dma_wait3A_1539 = tpu.memref_slice %arg3[%add3A_506] : memref<2129920xi32, #tpu.memory_space<hbm>> -> memref<1040xi32, #tpu.memory_space<hbm>>
      tpu.wait_dma2 semaphore(%run_scoped3A : memref<!tpu.dma_semaphore, #tpu.memory_space<semaphore_mem>>) src(%dma_wait3A_1539 : memref<1040xi32, #tpu.memory_space<hbm>>) dst(%arg10 : memref<1040xi32, #tpu.memory_space<vmem>>)
      tpu.yield
    }) : () -> ()
    %scan3A_507 = arith.constant 0 : i32
    %scan3A_508 = arith.constant 0 : i32
    %scan3A_509 = arith.constant 65 : i32
    %scan3A_510 = arith.addi %scan3A_508, %scan3A_509 : i32
    %scan3A_511 = arith.constant 1 : i32
    scf.for %scan3A_1536 = %scan3A_508 to %scan3A_510 step %scan3A_511  : i32 {
      %mul3A_1537 = arith.constant 16 : i32
      %mul3A_1538 = arith.muli %scan3A_1536, %mul3A_1537 : i32
      %multiple_of3A = tpu.assume_multiple %mul3A_1538, 16 : i32
      %get3A = arith.index_cast %multiple_of3A : i32 to index
      %get3A_1539 = tpu.vector_load %arg10[%get3A] {strides = array<i32>} : memref<1040xi32, #tpu.memory_space<vmem>>, vector<16xi32>,
      %get3A_1540 = vector.shape_cast %get3A_1539 : vector<16xi32> to vector<16xi32>
      %get3A_1541 = arith.index_cast %multiple_of3A : i32 to index
      %get3A_1542 = tpu.vector_load %arg6[%get3A_1541] {strides = array<i32>} : memref<1040xi32, #tpu.memory_space<vmem>>, vector<16xi32>,
      %get3A_1543 = vector.shape_cast %get3A_1542 : vector<16xi32> to vector<16xi32>
      %add3A_1544 = arith.addi %get3A_1540, %get3A_1543 : vector<16xi32>
      %swap3A = arith.index_cast %multiple_of3A : i32 to index
      %swap3A_1545 = tpu.vector_load %arg10[%swap3A] {strides = array<i32>} : memref<1040xi32, #tpu.memory_space<vmem>>, vector<16xi32>,
      %swap3A_1546 = vector.shape_cast %swap3A_1545 : vector<16xi32> to vector<16xi32>
      %swap3A_1547 = vector.shape_cast %add3A_1544 : vector<16xi32> to vector<16xi32>
      tpu.vector_store %arg10[%swap3A], %swap3A_1547 {strides = array<i32>} : memref<1040xi32, #tpu.memory_space<vmem>>, vector<16xi32>,
    }
    %scan3A_512 = arith.constant 65 : i32
    %dma_wait3A_513 = arith.constant 0 : i32
    %dma_wait3A_514 = tpu.memref_slice %arg5[%add3A_476, %dma_wait3A_513] : memref<2129920x16xf32, #tpu.memory_space<hbm>> -> memref<1040x16xf32, #tpu.memory_space<hbm>>
    %dma_wait3A_515 = arith.constant 0 : i32
    %dma_wait3A_516 = tpu.memref_slice %arg5[%add3A_476, %dma_wait3A_515] : memref<2129920x16xf32, #tpu.memory_space<hbm>> -> memref<1040x16xf32, #tpu.memory_space<hbm>>
    tpu.wait_dma2 semaphore(%arg25 : memref<!tpu.dma_semaphore, #tpu.memory_space<semaphore_mem>>) src(%arg15 : memref<1040x16xf32, #tpu.memory_space<vmem>>) dst(%dma_wait3A_516 : memref<1040x16xf32, #tpu.memory_space<hbm>>)
    %dma_start3A_517 = arith.constant 0 : i32
    %dma_start3A_518 = arith.constant 0 : i32
    %dma_start3A_519 = tpu.memref_slice %arg2[%dma_start3A_517, %dma_start3A_518] : memref<2600000x16xf32, #tpu.memory_space<hbm>> -> memref<2600000x16xf32, #tpu.memory_space<hbm>>
    tpu.enqueue_indirect_dma source(%dma_start3A_519 : memref<2600000x16xf32, #tpu.memory_space<hbm>>) target(%arg15 : memref<1040x16xf32, #tpu.memory_space<vmem>>) offsets(%arg10 : memref<1040xi32, #tpu.memory_space<vmem>>) semaphore(%arg20 : memref<!tpu.dma_semaphore, #tpu.memory_space<semaphore_mem>>)
    %dma_wait3A_520 = arith.constant 0 : i32
    %dma_wait3A_521 = arith.constant 0 : i32
    %dma_wait3A_522 = tpu.memref_slice %arg2[%dma_wait3A_520, %dma_wait3A_521] : memref<2600000x16xf32, #tpu.memory_space<hbm>> -> memref<2600000x16xf32, #tpu.memory_space<hbm>>
    tpu.wait_indirect_dma semaphore(%arg17 : memref<!tpu.dma_semaphore, #tpu.memory_space<semaphore_mem>>) src(%dma_wait3A_522 : memref<2600000x16xf32, #tpu.memory_space<hbm>>) dst(%arg12 : memref<1040x16xf32, #tpu.memory_space<vmem>>)
    %add3A_523 = arith.constant 20800 : i32
    %add3A_524 = arith.addi %mul3A_2, %add3A_523 : i32
    %dma_start3A_525 = arith.constant 0 : i32
    %dma_start3A_526 = tpu.memref_slice %arg5[%add3A_524, %dma_start3A_525] : memref<2129920x16xf32, #tpu.memory_space<hbm>> -> memref<1040x16xf32, #tpu.memory_space<hbm>>
    %dma_start3A_527 = arith.constant 0 : i32
    %dma_start3A_528 = tpu.memref_slice %arg5[%add3A_524, %dma_start3A_527] : memref<2129920x16xf32, #tpu.memory_space<hbm>> -> memref<1040x16xf32, #tpu.memory_space<hbm>>
    tpu.enqueue_dma source(%arg12 : memref<1040x16xf32, #tpu.memory_space<vmem>>) target(%dma_start3A_528 : memref<1040x16xf32, #tpu.memory_space<hbm>>) target_semaphore(%arg22 : memref<!tpu.dma_semaphore, #tpu.memory_space<semaphore_mem>>)
    %add3A_529 = arith.constant 24960 : i32
    %add3A_530 = arith.addi %mul3A_2, %add3A_529 : i32
    "tpu.region"() ({
      %run_scoped3A = tpu.sem_alloc : memref<!tpu.dma_semaphore, #tpu.memory_space<semaphore_mem>>
      %dma_start3A_1536 = tpu.memref_slice %arg3[%add3A_530] : memref<2129920xi32, #tpu.memory_space<hbm>> -> memref<1040xi32, #tpu.memory_space<hbm>>
      %dma_start3A_1537 = tpu.memref_slice %arg3[%add3A_530] : memref<2129920xi32, #tpu.memory_space<hbm>> -> memref<1040xi32, #tpu.memory_space<hbm>>
      tpu.enqueue_dma source(%dma_start3A_1537 : memref<1040xi32, #tpu.memory_space<hbm>>) target(%arg11 : memref<1040xi32, #tpu.memory_space<vmem>>) target_semaphore(%run_scoped3A : memref<!tpu.dma_semaphore, #tpu.memory_space<semaphore_mem>>)
      %dma_wait3A_1538 = tpu.memref_slice %arg3[%add3A_530] : memref<2129920xi32, #tpu.memory_space<hbm>> -> memref<1040xi32, #tpu.memory_space<hbm>>
      %dma_wait3A_1539 = tpu.memref_slice %arg3[%add3A_530] : memref<2129920xi32, #tpu.memory_space<hbm>> -> memref<1040xi32, #tpu.memory_space<hbm>>
      tpu.wait_dma2 semaphore(%run_scoped3A : memref<!tpu.dma_semaphore, #tpu.memory_space<semaphore_mem>>) src(%dma_wait3A_1539 : memref<1040xi32, #tpu.memory_space<hbm>>) dst(%arg11 : memref<1040xi32, #tpu.memory_space<vmem>>)
      tpu.yield
    }) : () -> ()
    %scan3A_531 = arith.constant 0 : i32
    %scan3A_532 = arith.constant 0 : i32
    %scan3A_533 = arith.constant 65 : i32
    %scan3A_534 = arith.addi %scan3A_532, %scan3A_533 : i32
    %scan3A_535 = arith.constant 1 : i32
    scf.for %scan3A_1536 = %scan3A_532 to %scan3A_534 step %scan3A_535  : i32 {
      %mul3A_1537 = arith.constant 16 : i32
      %mul3A_1538 = arith.muli %scan3A_1536, %mul3A_1537 : i32
      %multiple_of3A = tpu.assume_multiple %mul3A_1538, 16 : i32
      %get3A = arith.index_cast %multiple_of3A : i32 to index
      %get3A_1539 = tpu.vector_load %arg11[%get3A] {strides = array<i32>} : memref<1040xi32, #tpu.memory_space<vmem>>, vector<16xi32>,
      %get3A_1540 = vector.shape_cast %get3A_1539 : vector<16xi32> to vector<16xi32>
      %get3A_1541 = arith.index_cast %multiple_of3A : i32 to index
      %get3A_1542 = tpu.vector_load %arg6[%get3A_1541] {strides = array<i32>} : memref<1040xi32, #tpu.memory_space<vmem>>, vector<16xi32>,
      %get3A_1543 = vector.shape_cast %get3A_1542 : vector<16xi32> to vector<16xi32>
      %add3A_1544 = arith.addi %get3A_1540, %get3A_1543 : vector<16xi32>
      %swap3A = arith.index_cast %multiple_of3A : i32 to index
      %swap3A_1545 = tpu.vector_load %arg11[%swap3A] {strides = array<i32>} : memref<1040xi32, #tpu.memory_space<vmem>>, vector<16xi32>,
      %swap3A_1546 = vector.shape_cast %swap3A_1545 : vector<16xi32> to vector<16xi32>
      %swap3A_1547 = vector.shape_cast %add3A_1544 : vector<16xi32> to vector<16xi32>
      tpu.vector_store %arg11[%swap3A], %swap3A_1547 {strides = array<i32>} : memref<1040xi32, #tpu.memory_space<vmem>>, vector<16xi32>,
    }
    %scan3A_536 = arith.constant 65 : i32
    %dma_wait3A_537 = arith.constant 0 : i32
    %dma_wait3A_538 = tpu.memref_slice %arg5[%add3A_500, %dma_wait3A_537] : memref<2129920x16xf32, #tpu.memory_space<hbm>> -> memref<1040x16xf32, #tpu.memory_space<hbm>>
    %dma_wait3A_539 = arith.constant 0 : i32
    %dma_wait3A_540 = tpu.memref_slice %arg5[%add3A_500, %dma_wait3A_539] : memref<2129920x16xf32, #tpu.memory_space<hbm>> -> memref<1040x16xf32, #tpu.memory_space<hbm>>
    tpu.wait_dma2 semaphore(%arg26 : memref<!tpu.dma_semaphore, #tpu.memory_space<semaphore_mem>>) src(%arg16 : memref<1040x16xf32, #tpu.memory_space<vmem>>) dst(%dma_wait3A_540 : memref<1040x16xf32, #tpu.memory_space<hbm>>)
    %dma_start3A_541 = arith.constant 0 : i32
    %dma_start3A_542 = arith.constant 0 : i32
    %dma_start3A_543 = tpu.memref_slice %arg2[%dma_start3A_541, %dma_start3A_542] : memref<2600000x16xf32, #tpu.memory_space<hbm>> -> memref<2600000x16xf32, #tpu.memory_space<hbm>>
    tpu.enqueue_indirect_dma source(%dma_start3A_543 : memref<2600000x16xf32, #tpu.memory_space<hbm>>) target(%arg16 : memref<1040x16xf32, #tpu.memory_space<vmem>>) offsets(%arg11 : memref<1040xi32, #tpu.memory_space<vmem>>) semaphore(%arg21 : memref<!tpu.dma_semaphore, #tpu.memory_space<semaphore_mem>>)
    %dma_wait3A_544 = arith.constant 0 : i32
    %dma_wait3A_545 = arith.constant 0 : i32
    %dma_wait3A_546 = tpu.memref_slice %arg2[%dma_wait3A_544, %dma_wait3A_545] : memref<2600000x16xf32, #tpu.memory_space<hbm>> -> memref<2600000x16xf32, #tpu.memory_space<hbm>>
    tpu.wait_indirect_dma semaphore(%arg18 : memref<!tpu.dma_semaphore, #tpu.memory_space<semaphore_mem>>) src(%dma_wait3A_546 : memref<2600000x16xf32, #tpu.memory_space<hbm>>) dst(%arg13 : memref<1040x16xf32, #tpu.memory_space<vmem>>)
    %add3A_547 = arith.constant 21840 : i32
    %add3A_548 = arith.addi %mul3A_2, %add3A_547 : i32
    %dma_start3A_549 = arith.constant 0 : i32
    %dma_start3A_550 = tpu.memref_slice %arg5[%add3A_548, %dma_start3A_549] : memref<2129920x16xf32, #tpu.memory_space<hbm>> -> memref<1040x16xf32, #tpu.memory_space<hbm>>
    %dma_start3A_551 = arith.constant 0 : i32
    %dma_start3A_552 = tpu.memref_slice %arg5[%add3A_548, %dma_start3A_551] : memref<2129920x16xf32, #tpu.memory_space<hbm>> -> memref<1040x16xf32, #tpu.memory_space<hbm>>
    tpu.enqueue_dma source(%arg13 : memref<1040x16xf32, #tpu.memory_space<vmem>>) target(%dma_start3A_552 : memref<1040x16xf32, #tpu.memory_space<hbm>>) target_semaphore(%arg23 : memref<!tpu.dma_semaphore, #tpu.memory_space<semaphore_mem>>)
    %add3A_553 = arith.constant 26000 : i32
    %add3A_554 = arith.addi %mul3A_2, %add3A_553 : i32
    "tpu.region"() ({
      %run_scoped3A = tpu.sem_alloc : memref<!tpu.dma_semaphore, #tpu.memory_space<semaphore_mem>>
      %dma_start3A_1536 = tpu.memref_slice %arg3[%add3A_554] : memref<2129920xi32, #tpu.memory_space<hbm>> -> memref<1040xi32, #tpu.memory_space<hbm>>
      %dma_start3A_1537 = tpu.memref_slice %arg3[%add3A_554] : memref<2129920xi32, #tpu.memory_space<hbm>> -> memref<1040xi32, #tpu.memory_space<hbm>>
      tpu.enqueue_dma source(%dma_start3A_1537 : memref<1040xi32, #tpu.memory_space<hbm>>) target(%arg7 : memref<1040xi32, #tpu.memory_space<vmem>>) target_semaphore(%run_scoped3A : memref<!tpu.dma_semaphore, #tpu.memory_space<semaphore_mem>>)
      %dma_wait3A_1538 = tpu.memref_slice %arg3[%add3A_554] : memref<2129920xi32, #tpu.memory_space<hbm>> -> memref<1040xi32, #tpu.memory_space<hbm>>
      %dma_wait3A_1539 = tpu.memref_slice %arg3[%add3A_554] : memref<2129920xi32, #tpu.memory_space<hbm>> -> memref<1040xi32, #tpu.memory_space<hbm>>
      tpu.wait_dma2 semaphore(%run_scoped3A : memref<!tpu.dma_semaphore, #tpu.memory_space<semaphore_mem>>) src(%dma_wait3A_1539 : memref<1040xi32, #tpu.memory_space<hbm>>) dst(%arg7 : memref<1040xi32, #tpu.memory_space<vmem>>)
      tpu.yield
    }) : () -> ()
    %scan3A_555 = arith.constant 0 : i32
    %scan3A_556 = arith.constant 0 : i32
    %scan3A_557 = arith.constant 65 : i32
    %scan3A_558 = arith.addi %scan3A_556, %scan3A_557 : i32
    %scan3A_559 = arith.constant 1 : i32
    scf.for %scan3A_1536 = %scan3A_556 to %scan3A_558 step %scan3A_559  : i32 {
      %mul3A_1537 = arith.constant 16 : i32
      %mul3A_1538 = arith.muli %scan3A_1536, %mul3A_1537 : i32
      %multiple_of3A = tpu.assume_multiple %mul3A_1538, 16 : i32
      %get3A = arith.index_cast %multiple_of3A : i32 to index
      %get3A_1539 = tpu.vector_load %arg7[%get3A] {strides = array<i32>} : memref<1040xi32, #tpu.memory_space<vmem>>, vector<16xi32>,
      %get3A_1540 = vector.shape_cast %get3A_1539 : vector<16xi32> to vector<16xi32>
      %get3A_1541 = arith.index_cast %multiple_of3A : i32 to index
      %get3A_1542 = tpu.vector_load %arg6[%get3A_1541] {strides = array<i32>} : memref<1040xi32, #tpu.memory_space<vmem>>, vector<16xi32>,
      %get3A_1543 = vector.shape_cast %get3A_1542 : vector<16xi32> to vector<16xi32>
      %add3A_1544 = arith.addi %get3A_1540, %get3A_1543 : vector<16xi32>
      %swap3A = arith.index_cast %multiple_of3A : i32 to index
      %swap3A_1545 = tpu.vector_load %arg7[%swap3A] {strides = array<i32>} : memref<1040xi32, #tpu.memory_space<vmem>>, vector<16xi32>,
      %swap3A_1546 = vector.shape_cast %swap3A_1545 : vector<16xi32> to vector<16xi32>
      %swap3A_1547 = vector.shape_cast %add3A_1544 : vector<16xi32> to vector<16xi32>
      tpu.vector_store %arg7[%swap3A], %swap3A_1547 {strides = array<i32>} : memref<1040xi32, #tpu.memory_space<vmem>>, vector<16xi32>,
    }
    %scan3A_560 = arith.constant 65 : i32
    %dma_wait3A_561 = arith.constant 0 : i32
    %dma_wait3A_562 = tpu.memref_slice %arg5[%add3A_524, %dma_wait3A_561] : memref<2129920x16xf32, #tpu.memory_space<hbm>> -> memref<1040x16xf32, #tpu.memory_space<hbm>>
    %dma_wait3A_563 = arith.constant 0 : i32
    %dma_wait3A_564 = tpu.memref_slice %arg5[%add3A_524, %dma_wait3A_563] : memref<2129920x16xf32, #tpu.memory_space<hbm>> -> memref<1040x16xf32, #tpu.memory_space<hbm>>
    tpu.wait_dma2 semaphore(%arg22 : memref<!tpu.dma_semaphore, #tpu.memory_space<semaphore_mem>>) src(%arg12 : memref<1040x16xf32, #tpu.memory_space<vmem>>) dst(%dma_wait3A_564 : memref<1040x16xf32, #tpu.memory_space<hbm>>)
    %dma_start3A_565 = arith.constant 0 : i32
    %dma_start3A_566 = arith.constant 0 : i32
    %dma_start3A_567 = tpu.memref_slice %arg2[%dma_start3A_565, %dma_start3A_566] : memref<2600000x16xf32, #tpu.memory_space<hbm>> -> memref<2600000x16xf32, #tpu.memory_space<hbm>>
    tpu.enqueue_indirect_dma source(%dma_start3A_567 : memref<2600000x16xf32, #tpu.memory_space<hbm>>) target(%arg12 : memref<1040x16xf32, #tpu.memory_space<vmem>>) offsets(%arg7 : memref<1040xi32, #tpu.memory_space<vmem>>) semaphore(%arg17 : memref<!tpu.dma_semaphore, #tpu.memory_space<semaphore_mem>>)
    %dma_wait3A_568 = arith.constant 0 : i32
    %dma_wait3A_569 = arith.constant 0 : i32
    %dma_wait3A_570 = tpu.memref_slice %arg2[%dma_wait3A_568, %dma_wait3A_569] : memref<2600000x16xf32, #tpu.memory_space<hbm>> -> memref<2600000x16xf32, #tpu.memory_space<hbm>>
    tpu.wait_indirect_dma semaphore(%arg19 : memref<!tpu.dma_semaphore, #tpu.memory_space<semaphore_mem>>) src(%dma_wait3A_570 : memref<2600000x16xf32, #tpu.memory_space<hbm>>) dst(%arg14 : memref<1040x16xf32, #tpu.memory_space<vmem>>)
    %add3A_571 = arith.constant 22880 : i32
    %add3A_572 = arith.addi %mul3A_2, %add3A_571 : i32
    %dma_start3A_573 = arith.constant 0 : i32
    %dma_start3A_574 = tpu.memref_slice %arg5[%add3A_572, %dma_start3A_573] : memref<2129920x16xf32, #tpu.memory_space<hbm>> -> memref<1040x16xf32, #tpu.memory_space<hbm>>
    %dma_start3A_575 = arith.constant 0 : i32
    %dma_start3A_576 = tpu.memref_slice %arg5[%add3A_572, %dma_start3A_575] : memref<2129920x16xf32, #tpu.memory_space<hbm>> -> memref<1040x16xf32, #tpu.memory_space<hbm>>
    tpu.enqueue_dma source(%arg14 : memref<1040x16xf32, #tpu.memory_space<vmem>>) target(%dma_start3A_576 : memref<1040x16xf32, #tpu.memory_space<hbm>>) target_semaphore(%arg24 : memref<!tpu.dma_semaphore, #tpu.memory_space<semaphore_mem>>)
    %add3A_577 = arith.constant 27040 : i32
    %add3A_578 = arith.addi %mul3A_2, %add3A_577 : i32
    "tpu.region"() ({
      %run_scoped3A = tpu.sem_alloc : memref<!tpu.dma_semaphore, #tpu.memory_space<semaphore_mem>>
      %dma_start3A_1536 = tpu.memref_slice %arg3[%add3A_578] : memref<2129920xi32, #tpu.memory_space<hbm>> -> memref<1040xi32, #tpu.memory_space<hbm>>
      %dma_start3A_1537 = tpu.memref_slice %arg3[%add3A_578] : memref<2129920xi32, #tpu.memory_space<hbm>> -> memref<1040xi32, #tpu.memory_space<hbm>>
      tpu.enqueue_dma source(%dma_start3A_1537 : memref<1040xi32, #tpu.memory_space<hbm>>) target(%arg8 : memref<1040xi32, #tpu.memory_space<vmem>>) target_semaphore(%run_scoped3A : memref<!tpu.dma_semaphore, #tpu.memory_space<semaphore_mem>>)
      %dma_wait3A_1538 = tpu.memref_slice %arg3[%add3A_578] : memref<2129920xi32, #tpu.memory_space<hbm>> -> memref<1040xi32, #tpu.memory_space<hbm>>
      %dma_wait3A_1539 = tpu.memref_slice %arg3[%add3A_578] : memref<2129920xi32, #tpu.memory_space<hbm>> -> memref<1040xi32, #tpu.memory_space<hbm>>
      tpu.wait_dma2 semaphore(%run_scoped3A : memref<!tpu.dma_semaphore, #tpu.memory_space<semaphore_mem>>) src(%dma_wait3A_1539 : memref<1040xi32, #tpu.memory_space<hbm>>) dst(%arg8 : memref<1040xi32, #tpu.memory_space<vmem>>)
      tpu.yield
    }) : () -> ()
    %scan3A_579 = arith.constant 0 : i32
    %scan3A_580 = arith.constant 0 : i32
    %scan3A_581 = arith.constant 65 : i32
    %scan3A_582 = arith.addi %scan3A_580, %scan3A_581 : i32
    %scan3A_583 = arith.constant 1 : i32
    scf.for %scan3A_1536 = %scan3A_580 to %scan3A_582 step %scan3A_583  : i32 {
      %mul3A_1537 = arith.constant 16 : i32
      %mul3A_1538 = arith.muli %scan3A_1536, %mul3A_1537 : i32
      %multiple_of3A = tpu.assume_multiple %mul3A_1538, 16 : i32
      %get3A = arith.index_cast %multiple_of3A : i32 to index
      %get3A_1539 = tpu.vector_load %arg8[%get3A] {strides = array<i32>} : memref<1040xi32, #tpu.memory_space<vmem>>, vector<16xi32>,
      %get3A_1540 = vector.shape_cast %get3A_1539 : vector<16xi32> to vector<16xi32>
      %get3A_1541 = arith.index_cast %multiple_of3A : i32 to index
      %get3A_1542 = tpu.vector_load %arg6[%get3A_1541] {strides = array<i32>} : memref<1040xi32, #tpu.memory_space<vmem>>, vector<16xi32>,
      %get3A_1543 = vector.shape_cast %get3A_1542 : vector<16xi32> to vector<16xi32>
      %add3A_1544 = arith.addi %get3A_1540, %get3A_1543 : vector<16xi32>
      %swap3A = arith.index_cast %multiple_of3A : i32 to index
      %swap3A_1545 = tpu.vector_load %arg8[%swap3A] {strides = array<i32>} : memref<1040xi32, #tpu.memory_space<vmem>>, vector<16xi32>,
      %swap3A_1546 = vector.shape_cast %swap3A_1545 : vector<16xi32> to vector<16xi32>
      %swap3A_1547 = vector.shape_cast %add3A_1544 : vector<16xi32> to vector<16xi32>
      tpu.vector_store %arg8[%swap3A], %swap3A_1547 {strides = array<i32>} : memref<1040xi32, #tpu.memory_space<vmem>>, vector<16xi32>,
    }
    %scan3A_584 = arith.constant 65 : i32
    %dma_wait3A_585 = arith.constant 0 : i32
    %dma_wait3A_586 = tpu.memref_slice %arg5[%add3A_548, %dma_wait3A_585] : memref<2129920x16xf32, #tpu.memory_space<hbm>> -> memref<1040x16xf32, #tpu.memory_space<hbm>>
    %dma_wait3A_587 = arith.constant 0 : i32
    %dma_wait3A_588 = tpu.memref_slice %arg5[%add3A_548, %dma_wait3A_587] : memref<2129920x16xf32, #tpu.memory_space<hbm>> -> memref<1040x16xf32, #tpu.memory_space<hbm>>
    tpu.wait_dma2 semaphore(%arg23 : memref<!tpu.dma_semaphore, #tpu.memory_space<semaphore_mem>>) src(%arg13 : memref<1040x16xf32, #tpu.memory_space<vmem>>) dst(%dma_wait3A_588 : memref<1040x16xf32, #tpu.memory_space<hbm>>)
    %dma_start3A_589 = arith.constant 0 : i32
    %dma_start3A_590 = arith.constant 0 : i32
    %dma_start3A_591 = tpu.memref_slice %arg2[%dma_start3A_589, %dma_start3A_590] : memref<2600000x16xf32, #tpu.memory_space<hbm>> -> memref<2600000x16xf32, #tpu.memory_space<hbm>>
    tpu.enqueue_indirect_dma source(%dma_start3A_591 : memref<2600000x16xf32, #tpu.memory_space<hbm>>) target(%arg13 : memref<1040x16xf32, #tpu.memory_space<vmem>>) offsets(%arg8 : memref<1040xi32, #tpu.memory_space<vmem>>) semaphore(%arg18 : memref<!tpu.dma_semaphore, #tpu.memory_space<semaphore_mem>>)
    %dma_wait3A_592 = arith.constant 0 : i32
    %dma_wait3A_593 = arith.constant 0 : i32
    %dma_wait3A_594 = tpu.memref_slice %arg2[%dma_wait3A_592, %dma_wait3A_593] : memref<2600000x16xf32, #tpu.memory_space<hbm>> -> memref<2600000x16xf32, #tpu.memory_space<hbm>>
    tpu.wait_indirect_dma semaphore(%arg20 : memref<!tpu.dma_semaphore, #tpu.memory_space<semaphore_mem>>) src(%dma_wait3A_594 : memref<2600000x16xf32, #tpu.memory_space<hbm>>) dst(%arg15 : memref<1040x16xf32, #tpu.memory_space<vmem>>)
    %add3A_595 = arith.constant 23920 : i32
    %add3A_596 = arith.addi %mul3A_2, %add3A_595 : i32
    %dma_start3A_597 = arith.constant 0 : i32
    %dma_start3A_598 = tpu.memref_slice %arg5[%add3A_596, %dma_start3A_597] : memref<2129920x16xf32, #tpu.memory_space<hbm>> -> memref<1040x16xf32, #tpu.memory_space<hbm>>
    %dma_start3A_599 = arith.constant 0 : i32
    %dma_start3A_600 = tpu.memref_slice %arg5[%add3A_596, %dma_start3A_599] : memref<2129920x16xf32, #tpu.memory_space<hbm>> -> memref<1040x16xf32, #tpu.memory_space<hbm>>
    tpu.enqueue_dma source(%arg15 : memref<1040x16xf32, #tpu.memory_space<vmem>>) target(%dma_start3A_600 : memref<1040x16xf32, #tpu.memory_space<hbm>>) target_semaphore(%arg25 : memref<!tpu.dma_semaphore, #tpu.memory_space<semaphore_mem>>)
    %add3A_601 = arith.constant 28080 : i32
    %add3A_602 = arith.addi %mul3A_2, %add3A_601 : i32
    "tpu.region"() ({
      %run_scoped3A = tpu.sem_alloc : memref<!tpu.dma_semaphore, #tpu.memory_space<semaphore_mem>>
      %dma_start3A_1536 = tpu.memref_slice %arg3[%add3A_602] : memref<2129920xi32, #tpu.memory_space<hbm>> -> memref<1040xi32, #tpu.memory_space<hbm>>
      %dma_start3A_1537 = tpu.memref_slice %arg3[%add3A_602] : memref<2129920xi32, #tpu.memory_space<hbm>> -> memref<1040xi32, #tpu.memory_space<hbm>>
      tpu.enqueue_dma source(%dma_start3A_1537 : memref<1040xi32, #tpu.memory_space<hbm>>) target(%arg9 : memref<1040xi32, #tpu.memory_space<vmem>>) target_semaphore(%run_scoped3A : memref<!tpu.dma_semaphore, #tpu.memory_space<semaphore_mem>>)
      %dma_wait3A_1538 = tpu.memref_slice %arg3[%add3A_602] : memref<2129920xi32, #tpu.memory_space<hbm>> -> memref<1040xi32, #tpu.memory_space<hbm>>
      %dma_wait3A_1539 = tpu.memref_slice %arg3[%add3A_602] : memref<2129920xi32, #tpu.memory_space<hbm>> -> memref<1040xi32, #tpu.memory_space<hbm>>
      tpu.wait_dma2 semaphore(%run_scoped3A : memref<!tpu.dma_semaphore, #tpu.memory_space<semaphore_mem>>) src(%dma_wait3A_1539 : memref<1040xi32, #tpu.memory_space<hbm>>) dst(%arg9 : memref<1040xi32, #tpu.memory_space<vmem>>)
      tpu.yield
    }) : () -> ()
    %scan3A_603 = arith.constant 0 : i32
    %scan3A_604 = arith.constant 0 : i32
    %scan3A_605 = arith.constant 65 : i32
    %scan3A_606 = arith.addi %scan3A_604, %scan3A_605 : i32
    %scan3A_607 = arith.constant 1 : i32
    scf.for %scan3A_1536 = %scan3A_604 to %scan3A_606 step %scan3A_607  : i32 {
      %mul3A_1537 = arith.constant 16 : i32
      %mul3A_1538 = arith.muli %scan3A_1536, %mul3A_1537 : i32
      %multiple_of3A = tpu.assume_multiple %mul3A_1538, 16 : i32
      %get3A = arith.index_cast %multiple_of3A : i32 to index
      %get3A_1539 = tpu.vector_load %arg9[%get3A] {strides = array<i32>} : memref<1040xi32, #tpu.memory_space<vmem>>, vector<16xi32>,
      %get3A_1540 = vector.shape_cast %get3A_1539 : vector<16xi32> to vector<16xi32>
      %get3A_1541 = arith.index_cast %multiple_of3A : i32 to index
      %get3A_1542 = tpu.vector_load %arg6[%get3A_1541] {strides = array<i32>} : memref<1040xi32, #tpu.memory_space<vmem>>, vector<16xi32>,
      %get3A_1543 = vector.shape_cast %get3A_1542 : vector<16xi32> to vector<16xi32>
      %add3A_1544 = arith.addi %get3A_1540, %get3A_1543 : vector<16xi32>
      %swap3A = arith.index_cast %multiple_of3A : i32 to index
      %swap3A_1545 = tpu.vector_load %arg9[%swap3A] {strides = array<i32>} : memref<1040xi32, #tpu.memory_space<vmem>>, vector<16xi32>,
      %swap3A_1546 = vector.shape_cast %swap3A_1545 : vector<16xi32> to vector<16xi32>
      %swap3A_1547 = vector.shape_cast %add3A_1544 : vector<16xi32> to vector<16xi32>
      tpu.vector_store %arg9[%swap3A], %swap3A_1547 {strides = array<i32>} : memref<1040xi32, #tpu.memory_space<vmem>>, vector<16xi32>,
    }
    %scan3A_608 = arith.constant 65 : i32
    %dma_wait3A_609 = arith.constant 0 : i32
    %dma_wait3A_610 = tpu.memref_slice %arg5[%add3A_572, %dma_wait3A_609] : memref<2129920x16xf32, #tpu.memory_space<hbm>> -> memref<1040x16xf32, #tpu.memory_space<hbm>>
    %dma_wait3A_611 = arith.constant 0 : i32
    %dma_wait3A_612 = tpu.memref_slice %arg5[%add3A_572, %dma_wait3A_611] : memref<2129920x16xf32, #tpu.memory_space<hbm>> -> memref<1040x16xf32, #tpu.memory_space<hbm>>
    tpu.wait_dma2 semaphore(%arg24 : memref<!tpu.dma_semaphore, #tpu.memory_space<semaphore_mem>>) src(%arg14 : memref<1040x16xf32, #tpu.memory_space<vmem>>) dst(%dma_wait3A_612 : memref<1040x16xf32, #tpu.memory_space<hbm>>)
    %dma_start3A_613 = arith.constant 0 : i32
    %dma_start3A_614 = arith.constant 0 : i32
    %dma_start3A_615 = tpu.memref_slice %arg2[%dma_start3A_613, %dma_start3A_614] : memref<2600000x16xf32, #tpu.memory_space<hbm>> -> memref<2600000x16xf32, #tpu.memory_space<hbm>>
    tpu.enqueue_indirect_dma source(%dma_start3A_615 : memref<2600000x16xf32, #tpu.memory_space<hbm>>) target(%arg14 : memref<1040x16xf32, #tpu.memory_space<vmem>>) offsets(%arg9 : memref<1040xi32, #tpu.memory_space<vmem>>) semaphore(%arg19 : memref<!tpu.dma_semaphore, #tpu.memory_space<semaphore_mem>>)
    %dma_wait3A_616 = arith.constant 0 : i32
    %dma_wait3A_617 = arith.constant 0 : i32
    %dma_wait3A_618 = tpu.memref_slice %arg2[%dma_wait3A_616, %dma_wait3A_617] : memref<2600000x16xf32, #tpu.memory_space<hbm>> -> memref<2600000x16xf32, #tpu.memory_space<hbm>>
    tpu.wait_indirect_dma semaphore(%arg21 : memref<!tpu.dma_semaphore, #tpu.memory_space<semaphore_mem>>) src(%dma_wait3A_618 : memref<2600000x16xf32, #tpu.memory_space<hbm>>) dst(%arg16 : memref<1040x16xf32, #tpu.memory_space<vmem>>)
    %add3A_619 = arith.constant 24960 : i32
    %add3A_620 = arith.addi %mul3A_2, %add3A_619 : i32
    %dma_start3A_621 = arith.constant 0 : i32
    %dma_start3A_622 = tpu.memref_slice %arg5[%add3A_620, %dma_start3A_621] : memref<2129920x16xf32, #tpu.memory_space<hbm>> -> memref<1040x16xf32, #tpu.memory_space<hbm>>
    %dma_start3A_623 = arith.constant 0 : i32
    %dma_start3A_624 = tpu.memref_slice %arg5[%add3A_620, %dma_start3A_623] : memref<2129920x16xf32, #tpu.memory_space<hbm>> -> memref<1040x16xf32, #tpu.memory_space<hbm>>
    tpu.enqueue_dma source(%arg16 : memref<1040x16xf32, #tpu.memory_space<vmem>>) target(%dma_start3A_624 : memref<1040x16xf32, #tpu.memory_space<hbm>>) target_semaphore(%arg26 : memref<!tpu.dma_semaphore, #tpu.memory_space<semaphore_mem>>)
    %add3A_625 = arith.constant 29120 : i32
    %add3A_626 = arith.addi %mul3A_2, %add3A_625 : i32
    "tpu.region"() ({
      %run_scoped3A = tpu.sem_alloc : memref<!tpu.dma_semaphore, #tpu.memory_space<semaphore_mem>>
      %dma_start3A_1536 = tpu.memref_slice %arg3[%add3A_626] : memref<2129920xi32, #tpu.memory_space<hbm>> -> memref<1040xi32, #tpu.memory_space<hbm>>
      %dma_start3A_1537 = tpu.memref_slice %arg3[%add3A_626] : memref<2129920xi32, #tpu.memory_space<hbm>> -> memref<1040xi32, #tpu.memory_space<hbm>>
      tpu.enqueue_dma source(%dma_start3A_1537 : memref<1040xi32, #tpu.memory_space<hbm>>) target(%arg10 : memref<1040xi32, #tpu.memory_space<vmem>>) target_semaphore(%run_scoped3A : memref<!tpu.dma_semaphore, #tpu.memory_space<semaphore_mem>>)
      %dma_wait3A_1538 = tpu.memref_slice %arg3[%add3A_626] : memref<2129920xi32, #tpu.memory_space<hbm>> -> memref<1040xi32, #tpu.memory_space<hbm>>
      %dma_wait3A_1539 = tpu.memref_slice %arg3[%add3A_626] : memref<2129920xi32, #tpu.memory_space<hbm>> -> memref<1040xi32, #tpu.memory_space<hbm>>
      tpu.wait_dma2 semaphore(%run_scoped3A : memref<!tpu.dma_semaphore, #tpu.memory_space<semaphore_mem>>) src(%dma_wait3A_1539 : memref<1040xi32, #tpu.memory_space<hbm>>) dst(%arg10 : memref<1040xi32, #tpu.memory_space<vmem>>)
      tpu.yield
    }) : () -> ()
    %scan3A_627 = arith.constant 0 : i32
    %scan3A_628 = arith.constant 0 : i32
    %scan3A_629 = arith.constant 65 : i32
    %scan3A_630 = arith.addi %scan3A_628, %scan3A_629 : i32
    %scan3A_631 = arith.constant 1 : i32
    scf.for %scan3A_1536 = %scan3A_628 to %scan3A_630 step %scan3A_631  : i32 {
      %mul3A_1537 = arith.constant 16 : i32
      %mul3A_1538 = arith.muli %scan3A_1536, %mul3A_1537 : i32
      %multiple_of3A = tpu.assume_multiple %mul3A_1538, 16 : i32
      %get3A = arith.index_cast %multiple_of3A : i32 to index
      %get3A_1539 = tpu.vector_load %arg10[%get3A] {strides = array<i32>} : memref<1040xi32, #tpu.memory_space<vmem>>, vector<16xi32>,
      %get3A_1540 = vector.shape_cast %get3A_1539 : vector<16xi32> to vector<16xi32>
      %get3A_1541 = arith.index_cast %multiple_of3A : i32 to index
      %get3A_1542 = tpu.vector_load %arg6[%get3A_1541] {strides = array<i32>} : memref<1040xi32, #tpu.memory_space<vmem>>, vector<16xi32>,
      %get3A_1543 = vector.shape_cast %get3A_1542 : vector<16xi32> to vector<16xi32>
      %add3A_1544 = arith.addi %get3A_1540, %get3A_1543 : vector<16xi32>
      %swap3A = arith.index_cast %multiple_of3A : i32 to index
      %swap3A_1545 = tpu.vector_load %arg10[%swap3A] {strides = array<i32>} : memref<1040xi32, #tpu.memory_space<vmem>>, vector<16xi32>,
      %swap3A_1546 = vector.shape_cast %swap3A_1545 : vector<16xi32> to vector<16xi32>
      %swap3A_1547 = vector.shape_cast %add3A_1544 : vector<16xi32> to vector<16xi32>
      tpu.vector_store %arg10[%swap3A], %swap3A_1547 {strides = array<i32>} : memref<1040xi32, #tpu.memory_space<vmem>>, vector<16xi32>,
    }
    %scan3A_632 = arith.constant 65 : i32
    %dma_wait3A_633 = arith.constant 0 : i32
    %dma_wait3A_634 = tpu.memref_slice %arg5[%add3A_596, %dma_wait3A_633] : memref<2129920x16xf32, #tpu.memory_space<hbm>> -> memref<1040x16xf32, #tpu.memory_space<hbm>>
    %dma_wait3A_635 = arith.constant 0 : i32
    %dma_wait3A_636 = tpu.memref_slice %arg5[%add3A_596, %dma_wait3A_635] : memref<2129920x16xf32, #tpu.memory_space<hbm>> -> memref<1040x16xf32, #tpu.memory_space<hbm>>
    tpu.wait_dma2 semaphore(%arg25 : memref<!tpu.dma_semaphore, #tpu.memory_space<semaphore_mem>>) src(%arg15 : memref<1040x16xf32, #tpu.memory_space<vmem>>) dst(%dma_wait3A_636 : memref<1040x16xf32, #tpu.memory_space<hbm>>)
    %dma_start3A_637 = arith.constant 0 : i32
    %dma_start3A_638 = arith.constant 0 : i32
    %dma_start3A_639 = tpu.memref_slice %arg2[%dma_start3A_637, %dma_start3A_638] : memref<2600000x16xf32, #tpu.memory_space<hbm>> -> memref<2600000x16xf32, #tpu.memory_space<hbm>>
    tpu.enqueue_indirect_dma source(%dma_start3A_639 : memref<2600000x16xf32, #tpu.memory_space<hbm>>) target(%arg15 : memref<1040x16xf32, #tpu.memory_space<vmem>>) offsets(%arg10 : memref<1040xi32, #tpu.memory_space<vmem>>) semaphore(%arg20 : memref<!tpu.dma_semaphore, #tpu.memory_space<semaphore_mem>>)
    %dma_wait3A_640 = arith.constant 0 : i32
    %dma_wait3A_641 = arith.constant 0 : i32
    %dma_wait3A_642 = tpu.memref_slice %arg2[%dma_wait3A_640, %dma_wait3A_641] : memref<2600000x16xf32, #tpu.memory_space<hbm>> -> memref<2600000x16xf32, #tpu.memory_space<hbm>>
    tpu.wait_indirect_dma semaphore(%arg17 : memref<!tpu.dma_semaphore, #tpu.memory_space<semaphore_mem>>) src(%dma_wait3A_642 : memref<2600000x16xf32, #tpu.memory_space<hbm>>) dst(%arg12 : memref<1040x16xf32, #tpu.memory_space<vmem>>)
    %add3A_643 = arith.constant 26000 : i32
    %add3A_644 = arith.addi %mul3A_2, %add3A_643 : i32
    %dma_start3A_645 = arith.constant 0 : i32
    %dma_start3A_646 = tpu.memref_slice %arg5[%add3A_644, %dma_start3A_645] : memref<2129920x16xf32, #tpu.memory_space<hbm>> -> memref<1040x16xf32, #tpu.memory_space<hbm>>
    %dma_start3A_647 = arith.constant 0 : i32
    %dma_start3A_648 = tpu.memref_slice %arg5[%add3A_644, %dma_start3A_647] : memref<2129920x16xf32, #tpu.memory_space<hbm>> -> memref<1040x16xf32, #tpu.memory_space<hbm>>
    tpu.enqueue_dma source(%arg12 : memref<1040x16xf32, #tpu.memory_space<vmem>>) target(%dma_start3A_648 : memref<1040x16xf32, #tpu.memory_space<hbm>>) target_semaphore(%arg22 : memref<!tpu.dma_semaphore, #tpu.memory_space<semaphore_mem>>)
    %add3A_649 = arith.constant 30160 : i32
    %add3A_650 = arith.addi %mul3A_2, %add3A_649 : i32
    "tpu.region"() ({
      %run_scoped3A = tpu.sem_alloc : memref<!tpu.dma_semaphore, #tpu.memory_space<semaphore_mem>>
      %dma_start3A_1536 = tpu.memref_slice %arg3[%add3A_650] : memref<2129920xi32, #tpu.memory_space<hbm>> -> memref<1040xi32, #tpu.memory_space<hbm>>
      %dma_start3A_1537 = tpu.memref_slice %arg3[%add3A_650] : memref<2129920xi32, #tpu.memory_space<hbm>> -> memref<1040xi32, #tpu.memory_space<hbm>>
      tpu.enqueue_dma source(%dma_start3A_1537 : memref<1040xi32, #tpu.memory_space<hbm>>) target(%arg11 : memref<1040xi32, #tpu.memory_space<vmem>>) target_semaphore(%run_scoped3A : memref<!tpu.dma_semaphore, #tpu.memory_space<semaphore_mem>>)
      %dma_wait3A_1538 = tpu.memref_slice %arg3[%add3A_650] : memref<2129920xi32, #tpu.memory_space<hbm>> -> memref<1040xi32, #tpu.memory_space<hbm>>
      %dma_wait3A_1539 = tpu.memref_slice %arg3[%add3A_650] : memref<2129920xi32, #tpu.memory_space<hbm>> -> memref<1040xi32, #tpu.memory_space<hbm>>
      tpu.wait_dma2 semaphore(%run_scoped3A : memref<!tpu.dma_semaphore, #tpu.memory_space<semaphore_mem>>) src(%dma_wait3A_1539 : memref<1040xi32, #tpu.memory_space<hbm>>) dst(%arg11 : memref<1040xi32, #tpu.memory_space<vmem>>)
      tpu.yield
    }) : () -> ()
    %scan3A_651 = arith.constant 0 : i32
    %scan3A_652 = arith.constant 0 : i32
    %scan3A_653 = arith.constant 65 : i32
    %scan3A_654 = arith.addi %scan3A_652, %scan3A_653 : i32
    %scan3A_655 = arith.constant 1 : i32
    scf.for %scan3A_1536 = %scan3A_652 to %scan3A_654 step %scan3A_655  : i32 {
      %mul3A_1537 = arith.constant 16 : i32
      %mul3A_1538 = arith.muli %scan3A_1536, %mul3A_1537 : i32
      %multiple_of3A = tpu.assume_multiple %mul3A_1538, 16 : i32
      %get3A = arith.index_cast %multiple_of3A : i32 to index
      %get3A_1539 = tpu.vector_load %arg11[%get3A] {strides = array<i32>} : memref<1040xi32, #tpu.memory_space<vmem>>, vector<16xi32>,
      %get3A_1540 = vector.shape_cast %get3A_1539 : vector<16xi32> to vector<16xi32>
      %get3A_1541 = arith.index_cast %multiple_of3A : i32 to index
      %get3A_1542 = tpu.vector_load %arg6[%get3A_1541] {strides = array<i32>} : memref<1040xi32, #tpu.memory_space<vmem>>, vector<16xi32>,
      %get3A_1543 = vector.shape_cast %get3A_1542 : vector<16xi32> to vector<16xi32>
      %add3A_1544 = arith.addi %get3A_1540, %get3A_1543 : vector<16xi32>
      %swap3A = arith.index_cast %multiple_of3A : i32 to index
      %swap3A_1545 = tpu.vector_load %arg11[%swap3A] {strides = array<i32>} : memref<1040xi32, #tpu.memory_space<vmem>>, vector<16xi32>,
      %swap3A_1546 = vector.shape_cast %swap3A_1545 : vector<16xi32> to vector<16xi32>
      %swap3A_1547 = vector.shape_cast %add3A_1544 : vector<16xi32> to vector<16xi32>
      tpu.vector_store %arg11[%swap3A], %swap3A_1547 {strides = array<i32>} : memref<1040xi32, #tpu.memory_space<vmem>>, vector<16xi32>,
    }
    %scan3A_656 = arith.constant 65 : i32
    %dma_wait3A_657 = arith.constant 0 : i32
    %dma_wait3A_658 = tpu.memref_slice %arg5[%add3A_620, %dma_wait3A_657] : memref<2129920x16xf32, #tpu.memory_space<hbm>> -> memref<1040x16xf32, #tpu.memory_space<hbm>>
    %dma_wait3A_659 = arith.constant 0 : i32
    %dma_wait3A_660 = tpu.memref_slice %arg5[%add3A_620, %dma_wait3A_659] : memref<2129920x16xf32, #tpu.memory_space<hbm>> -> memref<1040x16xf32, #tpu.memory_space<hbm>>
    tpu.wait_dma2 semaphore(%arg26 : memref<!tpu.dma_semaphore, #tpu.memory_space<semaphore_mem>>) src(%arg16 : memref<1040x16xf32, #tpu.memory_space<vmem>>) dst(%dma_wait3A_660 : memref<1040x16xf32, #tpu.memory_space<hbm>>)
    %dma_start3A_661 = arith.constant 0 : i32
    %dma_start3A_662 = arith.constant 0 : i32
    %dma_start3A_663 = tpu.memref_slice %arg2[%dma_start3A_661, %dma_start3A_662] : memref<2600000x16xf32, #tpu.memory_space<hbm>> -> memref<2600000x16xf32, #tpu.memory_space<hbm>>
    tpu.enqueue_indirect_dma source(%dma_start3A_663 : memref<2600000x16xf32, #tpu.memory_space<hbm>>) target(%arg16 : memref<1040x16xf32, #tpu.memory_space<vmem>>) offsets(%arg11 : memref<1040xi32, #tpu.memory_space<vmem>>) semaphore(%arg21 : memref<!tpu.dma_semaphore, #tpu.memory_space<semaphore_mem>>)
    %dma_wait3A_664 = arith.constant 0 : i32
    %dma_wait3A_665 = arith.constant 0 : i32
    %dma_wait3A_666 = tpu.memref_slice %arg2[%dma_wait3A_664, %dma_wait3A_665] : memref<2600000x16xf32, #tpu.memory_space<hbm>> -> memref<2600000x16xf32, #tpu.memory_space<hbm>>
    tpu.wait_indirect_dma semaphore(%arg18 : memref<!tpu.dma_semaphore, #tpu.memory_space<semaphore_mem>>) src(%dma_wait3A_666 : memref<2600000x16xf32, #tpu.memory_space<hbm>>) dst(%arg13 : memref<1040x16xf32, #tpu.memory_space<vmem>>)
    %add3A_667 = arith.constant 27040 : i32
    %add3A_668 = arith.addi %mul3A_2, %add3A_667 : i32
    %dma_start3A_669 = arith.constant 0 : i32
    %dma_start3A_670 = tpu.memref_slice %arg5[%add3A_668, %dma_start3A_669] : memref<2129920x16xf32, #tpu.memory_space<hbm>> -> memref<1040x16xf32, #tpu.memory_space<hbm>>
    %dma_start3A_671 = arith.constant 0 : i32
    %dma_start3A_672 = tpu.memref_slice %arg5[%add3A_668, %dma_start3A_671] : memref<2129920x16xf32, #tpu.memory_space<hbm>> -> memref<1040x16xf32, #tpu.memory_space<hbm>>
    tpu.enqueue_dma source(%arg13 : memref<1040x16xf32, #tpu.memory_space<vmem>>) target(%dma_start3A_672 : memref<1040x16xf32, #tpu.memory_space<hbm>>) target_semaphore(%arg23 : memref<!tpu.dma_semaphore, #tpu.memory_space<semaphore_mem>>)
    %add3A_673 = arith.constant 31200 : i32
    %add3A_674 = arith.addi %mul3A_2, %add3A_673 : i32
    "tpu.region"() ({
      %run_scoped3A = tpu.sem_alloc : memref<!tpu.dma_semaphore, #tpu.memory_space<semaphore_mem>>
      %dma_start3A_1536 = tpu.memref_slice %arg3[%add3A_674] : memref<2129920xi32, #tpu.memory_space<hbm>> -> memref<1040xi32, #tpu.memory_space<hbm>>
      %dma_start3A_1537 = tpu.memref_slice %arg3[%add3A_674] : memref<2129920xi32, #tpu.memory_space<hbm>> -> memref<1040xi32, #tpu.memory_space<hbm>>
      tpu.enqueue_dma source(%dma_start3A_1537 : memref<1040xi32, #tpu.memory_space<hbm>>) target(%arg7 : memref<1040xi32, #tpu.memory_space<vmem>>) target_semaphore(%run_scoped3A : memref<!tpu.dma_semaphore, #tpu.memory_space<semaphore_mem>>)
      %dma_wait3A_1538 = tpu.memref_slice %arg3[%add3A_674] : memref<2129920xi32, #tpu.memory_space<hbm>> -> memref<1040xi32, #tpu.memory_space<hbm>>
      %dma_wait3A_1539 = tpu.memref_slice %arg3[%add3A_674] : memref<2129920xi32, #tpu.memory_space<hbm>> -> memref<1040xi32, #tpu.memory_space<hbm>>
      tpu.wait_dma2 semaphore(%run_scoped3A : memref<!tpu.dma_semaphore, #tpu.memory_space<semaphore_mem>>) src(%dma_wait3A_1539 : memref<1040xi32, #tpu.memory_space<hbm>>) dst(%arg7 : memref<1040xi32, #tpu.memory_space<vmem>>)
      tpu.yield
    }) : () -> ()
    %scan3A_675 = arith.constant 0 : i32
    %scan3A_676 = arith.constant 0 : i32
    %scan3A_677 = arith.constant 65 : i32
    %scan3A_678 = arith.addi %scan3A_676, %scan3A_677 : i32
    %scan3A_679 = arith.constant 1 : i32
    scf.for %scan3A_1536 = %scan3A_676 to %scan3A_678 step %scan3A_679  : i32 {
      %mul3A_1537 = arith.constant 16 : i32
      %mul3A_1538 = arith.muli %scan3A_1536, %mul3A_1537 : i32
      %multiple_of3A = tpu.assume_multiple %mul3A_1538, 16 : i32
      %get3A = arith.index_cast %multiple_of3A : i32 to index
      %get3A_1539 = tpu.vector_load %arg7[%get3A] {strides = array<i32>} : memref<1040xi32, #tpu.memory_space<vmem>>, vector<16xi32>,
      %get3A_1540 = vector.shape_cast %get3A_1539 : vector<16xi32> to vector<16xi32>
      %get3A_1541 = arith.index_cast %multiple_of3A : i32 to index
      %get3A_1542 = tpu.vector_load %arg6[%get3A_1541] {strides = array<i32>} : memref<1040xi32, #tpu.memory_space<vmem>>, vector<16xi32>,
      %get3A_1543 = vector.shape_cast %get3A_1542 : vector<16xi32> to vector<16xi32>
      %add3A_1544 = arith.addi %get3A_1540, %get3A_1543 : vector<16xi32>
      %swap3A = arith.index_cast %multiple_of3A : i32 to index
      %swap3A_1545 = tpu.vector_load %arg7[%swap3A] {strides = array<i32>} : memref<1040xi32, #tpu.memory_space<vmem>>, vector<16xi32>,
      %swap3A_1546 = vector.shape_cast %swap3A_1545 : vector<16xi32> to vector<16xi32>
      %swap3A_1547 = vector.shape_cast %add3A_1544 : vector<16xi32> to vector<16xi32>
      tpu.vector_store %arg7[%swap3A], %swap3A_1547 {strides = array<i32>} : memref<1040xi32, #tpu.memory_space<vmem>>, vector<16xi32>,
    }
    %scan3A_680 = arith.constant 65 : i32
    %dma_wait3A_681 = arith.constant 0 : i32
    %dma_wait3A_682 = tpu.memref_slice %arg5[%add3A_644, %dma_wait3A_681] : memref<2129920x16xf32, #tpu.memory_space<hbm>> -> memref<1040x16xf32, #tpu.memory_space<hbm>>
    %dma_wait3A_683 = arith.constant 0 : i32
    %dma_wait3A_684 = tpu.memref_slice %arg5[%add3A_644, %dma_wait3A_683] : memref<2129920x16xf32, #tpu.memory_space<hbm>> -> memref<1040x16xf32, #tpu.memory_space<hbm>>
    tpu.wait_dma2 semaphore(%arg22 : memref<!tpu.dma_semaphore, #tpu.memory_space<semaphore_mem>>) src(%arg12 : memref<1040x16xf32, #tpu.memory_space<vmem>>) dst(%dma_wait3A_684 : memref<1040x16xf32, #tpu.memory_space<hbm>>)
    %dma_start3A_685 = arith.constant 0 : i32
    %dma_start3A_686 = arith.constant 0 : i32
    %dma_start3A_687 = tpu.memref_slice %arg2[%dma_start3A_685, %dma_start3A_686] : memref<2600000x16xf32, #tpu.memory_space<hbm>> -> memref<2600000x16xf32, #tpu.memory_space<hbm>>
    tpu.enqueue_indirect_dma source(%dma_start3A_687 : memref<2600000x16xf32, #tpu.memory_space<hbm>>) target(%arg12 : memref<1040x16xf32, #tpu.memory_space<vmem>>) offsets(%arg7 : memref<1040xi32, #tpu.memory_space<vmem>>) semaphore(%arg17 : memref<!tpu.dma_semaphore, #tpu.memory_space<semaphore_mem>>)
    %dma_wait3A_688 = arith.constant 0 : i32
    %dma_wait3A_689 = arith.constant 0 : i32
    %dma_wait3A_690 = tpu.memref_slice %arg2[%dma_wait3A_688, %dma_wait3A_689] : memref<2600000x16xf32, #tpu.memory_space<hbm>> -> memref<2600000x16xf32, #tpu.memory_space<hbm>>
    tpu.wait_indirect_dma semaphore(%arg19 : memref<!tpu.dma_semaphore, #tpu.memory_space<semaphore_mem>>) src(%dma_wait3A_690 : memref<2600000x16xf32, #tpu.memory_space<hbm>>) dst(%arg14 : memref<1040x16xf32, #tpu.memory_space<vmem>>)
    %add3A_691 = arith.constant 28080 : i32
    %add3A_692 = arith.addi %mul3A_2, %add3A_691 : i32
    %dma_start3A_693 = arith.constant 0 : i32
    %dma_start3A_694 = tpu.memref_slice %arg5[%add3A_692, %dma_start3A_693] : memref<2129920x16xf32, #tpu.memory_space<hbm>> -> memref<1040x16xf32, #tpu.memory_space<hbm>>
    %dma_start3A_695 = arith.constant 0 : i32
    %dma_start3A_696 = tpu.memref_slice %arg5[%add3A_692, %dma_start3A_695] : memref<2129920x16xf32, #tpu.memory_space<hbm>> -> memref<1040x16xf32, #tpu.memory_space<hbm>>
    tpu.enqueue_dma source(%arg14 : memref<1040x16xf32, #tpu.memory_space<vmem>>) target(%dma_start3A_696 : memref<1040x16xf32, #tpu.memory_space<hbm>>) target_semaphore(%arg24 : memref<!tpu.dma_semaphore, #tpu.memory_space<semaphore_mem>>)
    %add3A_697 = arith.constant 32240 : i32
    %add3A_698 = arith.addi %mul3A_2, %add3A_697 : i32
    "tpu.region"() ({
      %run_scoped3A = tpu.sem_alloc : memref<!tpu.dma_semaphore, #tpu.memory_space<semaphore_mem>>
      %dma_start3A_1536 = tpu.memref_slice %arg3[%add3A_698] : memref<2129920xi32, #tpu.memory_space<hbm>> -> memref<1040xi32, #tpu.memory_space<hbm>>
      %dma_start3A_1537 = tpu.memref_slice %arg3[%add3A_698] : memref<2129920xi32, #tpu.memory_space<hbm>> -> memref<1040xi32, #tpu.memory_space<hbm>>
      tpu.enqueue_dma source(%dma_start3A_1537 : memref<1040xi32, #tpu.memory_space<hbm>>) target(%arg8 : memref<1040xi32, #tpu.memory_space<vmem>>) target_semaphore(%run_scoped3A : memref<!tpu.dma_semaphore, #tpu.memory_space<semaphore_mem>>)
      %dma_wait3A_1538 = tpu.memref_slice %arg3[%add3A_698] : memref<2129920xi32, #tpu.memory_space<hbm>> -> memref<1040xi32, #tpu.memory_space<hbm>>
      %dma_wait3A_1539 = tpu.memref_slice %arg3[%add3A_698] : memref<2129920xi32, #tpu.memory_space<hbm>> -> memref<1040xi32, #tpu.memory_space<hbm>>
      tpu.wait_dma2 semaphore(%run_scoped3A : memref<!tpu.dma_semaphore, #tpu.memory_space<semaphore_mem>>) src(%dma_wait3A_1539 : memref<1040xi32, #tpu.memory_space<hbm>>) dst(%arg8 : memref<1040xi32, #tpu.memory_space<vmem>>)
      tpu.yield
    }) : () -> ()
    %scan3A_699 = arith.constant 0 : i32
    %scan3A_700 = arith.constant 0 : i32
    %scan3A_701 = arith.constant 65 : i32
    %scan3A_702 = arith.addi %scan3A_700, %scan3A_701 : i32
    %scan3A_703 = arith.constant 1 : i32
    scf.for %scan3A_1536 = %scan3A_700 to %scan3A_702 step %scan3A_703  : i32 {
      %mul3A_1537 = arith.constant 16 : i32
      %mul3A_1538 = arith.muli %scan3A_1536, %mul3A_1537 : i32
      %multiple_of3A = tpu.assume_multiple %mul3A_1538, 16 : i32
      %get3A = arith.index_cast %multiple_of3A : i32 to index
      %get3A_1539 = tpu.vector_load %arg8[%get3A] {strides = array<i32>} : memref<1040xi32, #tpu.memory_space<vmem>>, vector<16xi32>,
      %get3A_1540 = vector.shape_cast %get3A_1539 : vector<16xi32> to vector<16xi32>
      %get3A_1541 = arith.index_cast %multiple_of3A : i32 to index
      %get3A_1542 = tpu.vector_load %arg6[%get3A_1541] {strides = array<i32>} : memref<1040xi32, #tpu.memory_space<vmem>>, vector<16xi32>,
      %get3A_1543 = vector.shape_cast %get3A_1542 : vector<16xi32> to vector<16xi32>
      %add3A_1544 = arith.addi %get3A_1540, %get3A_1543 : vector<16xi32>
      %swap3A = arith.index_cast %multiple_of3A : i32 to index
      %swap3A_1545 = tpu.vector_load %arg8[%swap3A] {strides = array<i32>} : memref<1040xi32, #tpu.memory_space<vmem>>, vector<16xi32>,
      %swap3A_1546 = vector.shape_cast %swap3A_1545 : vector<16xi32> to vector<16xi32>
      %swap3A_1547 = vector.shape_cast %add3A_1544 : vector<16xi32> to vector<16xi32>
      tpu.vector_store %arg8[%swap3A], %swap3A_1547 {strides = array<i32>} : memref<1040xi32, #tpu.memory_space<vmem>>, vector<16xi32>,
    }
    %scan3A_704 = arith.constant 65 : i32
    %dma_wait3A_705 = arith.constant 0 : i32
    %dma_wait3A_706 = tpu.memref_slice %arg5[%add3A_668, %dma_wait3A_705] : memref<2129920x16xf32, #tpu.memory_space<hbm>> -> memref<1040x16xf32, #tpu.memory_space<hbm>>
    %dma_wait3A_707 = arith.constant 0 : i32
    %dma_wait3A_708 = tpu.memref_slice %arg5[%add3A_668, %dma_wait3A_707] : memref<2129920x16xf32, #tpu.memory_space<hbm>> -> memref<1040x16xf32, #tpu.memory_space<hbm>>
    tpu.wait_dma2 semaphore(%arg23 : memref<!tpu.dma_semaphore, #tpu.memory_space<semaphore_mem>>) src(%arg13 : memref<1040x16xf32, #tpu.memory_space<vmem>>) dst(%dma_wait3A_708 : memref<1040x16xf32, #tpu.memory_space<hbm>>)
    %dma_start3A_709 = arith.constant 0 : i32
    %dma_start3A_710 = arith.constant 0 : i32
    %dma_start3A_711 = tpu.memref_slice %arg2[%dma_start3A_709, %dma_start3A_710] : memref<2600000x16xf32, #tpu.memory_space<hbm>> -> memref<2600000x16xf32, #tpu.memory_space<hbm>>
    tpu.enqueue_indirect_dma source(%dma_start3A_711 : memref<2600000x16xf32, #tpu.memory_space<hbm>>) target(%arg13 : memref<1040x16xf32, #tpu.memory_space<vmem>>) offsets(%arg8 : memref<1040xi32, #tpu.memory_space<vmem>>) semaphore(%arg18 : memref<!tpu.dma_semaphore, #tpu.memory_space<semaphore_mem>>)
    %dma_wait3A_712 = arith.constant 0 : i32
    %dma_wait3A_713 = arith.constant 0 : i32
    %dma_wait3A_714 = tpu.memref_slice %arg2[%dma_wait3A_712, %dma_wait3A_713] : memref<2600000x16xf32, #tpu.memory_space<hbm>> -> memref<2600000x16xf32, #tpu.memory_space<hbm>>
    tpu.wait_indirect_dma semaphore(%arg20 : memref<!tpu.dma_semaphore, #tpu.memory_space<semaphore_mem>>) src(%dma_wait3A_714 : memref<2600000x16xf32, #tpu.memory_space<hbm>>) dst(%arg15 : memref<1040x16xf32, #tpu.memory_space<vmem>>)
    %add3A_715 = arith.constant 29120 : i32
    %add3A_716 = arith.addi %mul3A_2, %add3A_715 : i32
    %dma_start3A_717 = arith.constant 0 : i32
    %dma_start3A_718 = tpu.memref_slice %arg5[%add3A_716, %dma_start3A_717] : memref<2129920x16xf32, #tpu.memory_space<hbm>> -> memref<1040x16xf32, #tpu.memory_space<hbm>>
    %dma_start3A_719 = arith.constant 0 : i32
    %dma_start3A_720 = tpu.memref_slice %arg5[%add3A_716, %dma_start3A_719] : memref<2129920x16xf32, #tpu.memory_space<hbm>> -> memref<1040x16xf32, #tpu.memory_space<hbm>>
    tpu.enqueue_dma source(%arg15 : memref<1040x16xf32, #tpu.memory_space<vmem>>) target(%dma_start3A_720 : memref<1040x16xf32, #tpu.memory_space<hbm>>) target_semaphore(%arg25 : memref<!tpu.dma_semaphore, #tpu.memory_space<semaphore_mem>>)
    %add3A_721 = arith.constant 33280 : i32
    %add3A_722 = arith.addi %mul3A_2, %add3A_721 : i32
    "tpu.region"() ({
      %run_scoped3A = tpu.sem_alloc : memref<!tpu.dma_semaphore, #tpu.memory_space<semaphore_mem>>
      %dma_start3A_1536 = tpu.memref_slice %arg3[%add3A_722] : memref<2129920xi32, #tpu.memory_space<hbm>> -> memref<1040xi32, #tpu.memory_space<hbm>>
      %dma_start3A_1537 = tpu.memref_slice %arg3[%add3A_722] : memref<2129920xi32, #tpu.memory_space<hbm>> -> memref<1040xi32, #tpu.memory_space<hbm>>
      tpu.enqueue_dma source(%dma_start3A_1537 : memref<1040xi32, #tpu.memory_space<hbm>>) target(%arg9 : memref<1040xi32, #tpu.memory_space<vmem>>) target_semaphore(%run_scoped3A : memref<!tpu.dma_semaphore, #tpu.memory_space<semaphore_mem>>)
      %dma_wait3A_1538 = tpu.memref_slice %arg3[%add3A_722] : memref<2129920xi32, #tpu.memory_space<hbm>> -> memref<1040xi32, #tpu.memory_space<hbm>>
      %dma_wait3A_1539 = tpu.memref_slice %arg3[%add3A_722] : memref<2129920xi32, #tpu.memory_space<hbm>> -> memref<1040xi32, #tpu.memory_space<hbm>>
      tpu.wait_dma2 semaphore(%run_scoped3A : memref<!tpu.dma_semaphore, #tpu.memory_space<semaphore_mem>>) src(%dma_wait3A_1539 : memref<1040xi32, #tpu.memory_space<hbm>>) dst(%arg9 : memref<1040xi32, #tpu.memory_space<vmem>>)
      tpu.yield
    }) : () -> ()
    %scan3A_723 = arith.constant 0 : i32
    %scan3A_724 = arith.constant 0 : i32
    %scan3A_725 = arith.constant 65 : i32
    %scan3A_726 = arith.addi %scan3A_724, %scan3A_725 : i32
    %scan3A_727 = arith.constant 1 : i32
    scf.for %scan3A_1536 = %scan3A_724 to %scan3A_726 step %scan3A_727  : i32 {
      %mul3A_1537 = arith.constant 16 : i32
      %mul3A_1538 = arith.muli %scan3A_1536, %mul3A_1537 : i32
      %multiple_of3A = tpu.assume_multiple %mul3A_1538, 16 : i32
      %get3A = arith.index_cast %multiple_of3A : i32 to index
      %get3A_1539 = tpu.vector_load %arg9[%get3A] {strides = array<i32>} : memref<1040xi32, #tpu.memory_space<vmem>>, vector<16xi32>,
      %get3A_1540 = vector.shape_cast %get3A_1539 : vector<16xi32> to vector<16xi32>
      %get3A_1541 = arith.index_cast %multiple_of3A : i32 to index
      %get3A_1542 = tpu.vector_load %arg6[%get3A_1541] {strides = array<i32>} : memref<1040xi32, #tpu.memory_space<vmem>>, vector<16xi32>,
      %get3A_1543 = vector.shape_cast %get3A_1542 : vector<16xi32> to vector<16xi32>
      %add3A_1544 = arith.addi %get3A_1540, %get3A_1543 : vector<16xi32>
      %swap3A = arith.index_cast %multiple_of3A : i32 to index
      %swap3A_1545 = tpu.vector_load %arg9[%swap3A] {strides = array<i32>} : memref<1040xi32, #tpu.memory_space<vmem>>, vector<16xi32>,
      %swap3A_1546 = vector.shape_cast %swap3A_1545 : vector<16xi32> to vector<16xi32>
      %swap3A_1547 = vector.shape_cast %add3A_1544 : vector<16xi32> to vector<16xi32>
      tpu.vector_store %arg9[%swap3A], %swap3A_1547 {strides = array<i32>} : memref<1040xi32, #tpu.memory_space<vmem>>, vector<16xi32>,
    }
    %scan3A_728 = arith.constant 65 : i32
    %dma_wait3A_729 = arith.constant 0 : i32
    %dma_wait3A_730 = tpu.memref_slice %arg5[%add3A_692, %dma_wait3A_729] : memref<2129920x16xf32, #tpu.memory_space<hbm>> -> memref<1040x16xf32, #tpu.memory_space<hbm>>
    %dma_wait3A_731 = arith.constant 0 : i32
    %dma_wait3A_732 = tpu.memref_slice %arg5[%add3A_692, %dma_wait3A_731] : memref<2129920x16xf32, #tpu.memory_space<hbm>> -> memref<1040x16xf32, #tpu.memory_space<hbm>>
    tpu.wait_dma2 semaphore(%arg24 : memref<!tpu.dma_semaphore, #tpu.memory_space<semaphore_mem>>) src(%arg14 : memref<1040x16xf32, #tpu.memory_space<vmem>>) dst(%dma_wait3A_732 : memref<1040x16xf32, #tpu.memory_space<hbm>>)
    %dma_start3A_733 = arith.constant 0 : i32
    %dma_start3A_734 = arith.constant 0 : i32
    %dma_start3A_735 = tpu.memref_slice %arg2[%dma_start3A_733, %dma_start3A_734] : memref<2600000x16xf32, #tpu.memory_space<hbm>> -> memref<2600000x16xf32, #tpu.memory_space<hbm>>
    tpu.enqueue_indirect_dma source(%dma_start3A_735 : memref<2600000x16xf32, #tpu.memory_space<hbm>>) target(%arg14 : memref<1040x16xf32, #tpu.memory_space<vmem>>) offsets(%arg9 : memref<1040xi32, #tpu.memory_space<vmem>>) semaphore(%arg19 : memref<!tpu.dma_semaphore, #tpu.memory_space<semaphore_mem>>)
    %dma_wait3A_736 = arith.constant 0 : i32
    %dma_wait3A_737 = arith.constant 0 : i32
    %dma_wait3A_738 = tpu.memref_slice %arg2[%dma_wait3A_736, %dma_wait3A_737] : memref<2600000x16xf32, #tpu.memory_space<hbm>> -> memref<2600000x16xf32, #tpu.memory_space<hbm>>
    tpu.wait_indirect_dma semaphore(%arg21 : memref<!tpu.dma_semaphore, #tpu.memory_space<semaphore_mem>>) src(%dma_wait3A_738 : memref<2600000x16xf32, #tpu.memory_space<hbm>>) dst(%arg16 : memref<1040x16xf32, #tpu.memory_space<vmem>>)
    %add3A_739 = arith.constant 30160 : i32
    %add3A_740 = arith.addi %mul3A_2, %add3A_739 : i32
    %dma_start3A_741 = arith.constant 0 : i32
    %dma_start3A_742 = tpu.memref_slice %arg5[%add3A_740, %dma_start3A_741] : memref<2129920x16xf32, #tpu.memory_space<hbm>> -> memref<1040x16xf32, #tpu.memory_space<hbm>>
    %dma_start3A_743 = arith.constant 0 : i32
    %dma_start3A_744 = tpu.memref_slice %arg5[%add3A_740, %dma_start3A_743] : memref<2129920x16xf32, #tpu.memory_space<hbm>> -> memref<1040x16xf32, #tpu.memory_space<hbm>>
    tpu.enqueue_dma source(%arg16 : memref<1040x16xf32, #tpu.memory_space<vmem>>) target(%dma_start3A_744 : memref<1040x16xf32, #tpu.memory_space<hbm>>) target_semaphore(%arg26 : memref<!tpu.dma_semaphore, #tpu.memory_space<semaphore_mem>>)
    %add3A_745 = arith.constant 34320 : i32
    %add3A_746 = arith.addi %mul3A_2, %add3A_745 : i32
    "tpu.region"() ({
      %run_scoped3A = tpu.sem_alloc : memref<!tpu.dma_semaphore, #tpu.memory_space<semaphore_mem>>
      %dma_start3A_1536 = tpu.memref_slice %arg3[%add3A_746] : memref<2129920xi32, #tpu.memory_space<hbm>> -> memref<1040xi32, #tpu.memory_space<hbm>>
      %dma_start3A_1537 = tpu.memref_slice %arg3[%add3A_746] : memref<2129920xi32, #tpu.memory_space<hbm>> -> memref<1040xi32, #tpu.memory_space<hbm>>
      tpu.enqueue_dma source(%dma_start3A_1537 : memref<1040xi32, #tpu.memory_space<hbm>>) target(%arg10 : memref<1040xi32, #tpu.memory_space<vmem>>) target_semaphore(%run_scoped3A : memref<!tpu.dma_semaphore, #tpu.memory_space<semaphore_mem>>)
      %dma_wait3A_1538 = tpu.memref_slice %arg3[%add3A_746] : memref<2129920xi32, #tpu.memory_space<hbm>> -> memref<1040xi32, #tpu.memory_space<hbm>>
      %dma_wait3A_1539 = tpu.memref_slice %arg3[%add3A_746] : memref<2129920xi32, #tpu.memory_space<hbm>> -> memref<1040xi32, #tpu.memory_space<hbm>>
      tpu.wait_dma2 semaphore(%run_scoped3A : memref<!tpu.dma_semaphore, #tpu.memory_space<semaphore_mem>>) src(%dma_wait3A_1539 : memref<1040xi32, #tpu.memory_space<hbm>>) dst(%arg10 : memref<1040xi32, #tpu.memory_space<vmem>>)
      tpu.yield
    }) : () -> ()
    %scan3A_747 = arith.constant 0 : i32
    %scan3A_748 = arith.constant 0 : i32
    %scan3A_749 = arith.constant 65 : i32
    %scan3A_750 = arith.addi %scan3A_748, %scan3A_749 : i32
    %scan3A_751 = arith.constant 1 : i32
    scf.for %scan3A_1536 = %scan3A_748 to %scan3A_750 step %scan3A_751  : i32 {
      %mul3A_1537 = arith.constant 16 : i32
      %mul3A_1538 = arith.muli %scan3A_1536, %mul3A_1537 : i32
      %multiple_of3A = tpu.assume_multiple %mul3A_1538, 16 : i32
      %get3A = arith.index_cast %multiple_of3A : i32 to index
      %get3A_1539 = tpu.vector_load %arg10[%get3A] {strides = array<i32>} : memref<1040xi32, #tpu.memory_space<vmem>>, vector<16xi32>,
      %get3A_1540 = vector.shape_cast %get3A_1539 : vector<16xi32> to vector<16xi32>
      %get3A_1541 = arith.index_cast %multiple_of3A : i32 to index
      %get3A_1542 = tpu.vector_load %arg6[%get3A_1541] {strides = array<i32>} : memref<1040xi32, #tpu.memory_space<vmem>>, vector<16xi32>,
      %get3A_1543 = vector.shape_cast %get3A_1542 : vector<16xi32> to vector<16xi32>
      %add3A_1544 = arith.addi %get3A_1540, %get3A_1543 : vector<16xi32>
      %swap3A = arith.index_cast %multiple_of3A : i32 to index
      %swap3A_1545 = tpu.vector_load %arg10[%swap3A] {strides = array<i32>} : memref<1040xi32, #tpu.memory_space<vmem>>, vector<16xi32>,
      %swap3A_1546 = vector.shape_cast %swap3A_1545 : vector<16xi32> to vector<16xi32>
      %swap3A_1547 = vector.shape_cast %add3A_1544 : vector<16xi32> to vector<16xi32>
      tpu.vector_store %arg10[%swap3A], %swap3A_1547 {strides = array<i32>} : memref<1040xi32, #tpu.memory_space<vmem>>, vector<16xi32>,
    }
    %scan3A_752 = arith.constant 65 : i32
    %dma_wait3A_753 = arith.constant 0 : i32
    %dma_wait3A_754 = tpu.memref_slice %arg5[%add3A_716, %dma_wait3A_753] : memref<2129920x16xf32, #tpu.memory_space<hbm>> -> memref<1040x16xf32, #tpu.memory_space<hbm>>
    %dma_wait3A_755 = arith.constant 0 : i32
    %dma_wait3A_756 = tpu.memref_slice %arg5[%add3A_716, %dma_wait3A_755] : memref<2129920x16xf32, #tpu.memory_space<hbm>> -> memref<1040x16xf32, #tpu.memory_space<hbm>>
    tpu.wait_dma2 semaphore(%arg25 : memref<!tpu.dma_semaphore, #tpu.memory_space<semaphore_mem>>) src(%arg15 : memref<1040x16xf32, #tpu.memory_space<vmem>>) dst(%dma_wait3A_756 : memref<1040x16xf32, #tpu.memory_space<hbm>>)
    %dma_start3A_757 = arith.constant 0 : i32
    %dma_start3A_758 = arith.constant 0 : i32
    %dma_start3A_759 = tpu.memref_slice %arg2[%dma_start3A_757, %dma_start3A_758] : memref<2600000x16xf32, #tpu.memory_space<hbm>> -> memref<2600000x16xf32, #tpu.memory_space<hbm>>
    tpu.enqueue_indirect_dma source(%dma_start3A_759 : memref<2600000x16xf32, #tpu.memory_space<hbm>>) target(%arg15 : memref<1040x16xf32, #tpu.memory_space<vmem>>) offsets(%arg10 : memref<1040xi32, #tpu.memory_space<vmem>>) semaphore(%arg20 : memref<!tpu.dma_semaphore, #tpu.memory_space<semaphore_mem>>)
    %dma_wait3A_760 = arith.constant 0 : i32
    %dma_wait3A_761 = arith.constant 0 : i32
    %dma_wait3A_762 = tpu.memref_slice %arg2[%dma_wait3A_760, %dma_wait3A_761] : memref<2600000x16xf32, #tpu.memory_space<hbm>> -> memref<2600000x16xf32, #tpu.memory_space<hbm>>
    tpu.wait_indirect_dma semaphore(%arg17 : memref<!tpu.dma_semaphore, #tpu.memory_space<semaphore_mem>>) src(%dma_wait3A_762 : memref<2600000x16xf32, #tpu.memory_space<hbm>>) dst(%arg12 : memref<1040x16xf32, #tpu.memory_space<vmem>>)
    %add3A_763 = arith.constant 31200 : i32
    %add3A_764 = arith.addi %mul3A_2, %add3A_763 : i32
    %dma_start3A_765 = arith.constant 0 : i32
    %dma_start3A_766 = tpu.memref_slice %arg5[%add3A_764, %dma_start3A_765] : memref<2129920x16xf32, #tpu.memory_space<hbm>> -> memref<1040x16xf32, #tpu.memory_space<hbm>>
    %dma_start3A_767 = arith.constant 0 : i32
    %dma_start3A_768 = tpu.memref_slice %arg5[%add3A_764, %dma_start3A_767] : memref<2129920x16xf32, #tpu.memory_space<hbm>> -> memref<1040x16xf32, #tpu.memory_space<hbm>>
    tpu.enqueue_dma source(%arg12 : memref<1040x16xf32, #tpu.memory_space<vmem>>) target(%dma_start3A_768 : memref<1040x16xf32, #tpu.memory_space<hbm>>) target_semaphore(%arg22 : memref<!tpu.dma_semaphore, #tpu.memory_space<semaphore_mem>>)
    %add3A_769 = arith.constant 35360 : i32
    %add3A_770 = arith.addi %mul3A_2, %add3A_769 : i32
    "tpu.region"() ({
      %run_scoped3A = tpu.sem_alloc : memref<!tpu.dma_semaphore, #tpu.memory_space<semaphore_mem>>
      %dma_start3A_1536 = tpu.memref_slice %arg3[%add3A_770] : memref<2129920xi32, #tpu.memory_space<hbm>> -> memref<1040xi32, #tpu.memory_space<hbm>>
      %dma_start3A_1537 = tpu.memref_slice %arg3[%add3A_770] : memref<2129920xi32, #tpu.memory_space<hbm>> -> memref<1040xi32, #tpu.memory_space<hbm>>
      tpu.enqueue_dma source(%dma_start3A_1537 : memref<1040xi32, #tpu.memory_space<hbm>>) target(%arg11 : memref<1040xi32, #tpu.memory_space<vmem>>) target_semaphore(%run_scoped3A : memref<!tpu.dma_semaphore, #tpu.memory_space<semaphore_mem>>)
      %dma_wait3A_1538 = tpu.memref_slice %arg3[%add3A_770] : memref<2129920xi32, #tpu.memory_space<hbm>> -> memref<1040xi32, #tpu.memory_space<hbm>>
      %dma_wait3A_1539 = tpu.memref_slice %arg3[%add3A_770] : memref<2129920xi32, #tpu.memory_space<hbm>> -> memref<1040xi32, #tpu.memory_space<hbm>>
      tpu.wait_dma2 semaphore(%run_scoped3A : memref<!tpu.dma_semaphore, #tpu.memory_space<semaphore_mem>>) src(%dma_wait3A_1539 : memref<1040xi32, #tpu.memory_space<hbm>>) dst(%arg11 : memref<1040xi32, #tpu.memory_space<vmem>>)
      tpu.yield
    }) : () -> ()
    %scan3A_771 = arith.constant 0 : i32
    %scan3A_772 = arith.constant 0 : i32
    %scan3A_773 = arith.constant 65 : i32
    %scan3A_774 = arith.addi %scan3A_772, %scan3A_773 : i32
    %scan3A_775 = arith.constant 1 : i32
    scf.for %scan3A_1536 = %scan3A_772 to %scan3A_774 step %scan3A_775  : i32 {
      %mul3A_1537 = arith.constant 16 : i32
      %mul3A_1538 = arith.muli %scan3A_1536, %mul3A_1537 : i32
      %multiple_of3A = tpu.assume_multiple %mul3A_1538, 16 : i32
      %get3A = arith.index_cast %multiple_of3A : i32 to index
      %get3A_1539 = tpu.vector_load %arg11[%get3A] {strides = array<i32>} : memref<1040xi32, #tpu.memory_space<vmem>>, vector<16xi32>,
      %get3A_1540 = vector.shape_cast %get3A_1539 : vector<16xi32> to vector<16xi32>
      %get3A_1541 = arith.index_cast %multiple_of3A : i32 to index
      %get3A_1542 = tpu.vector_load %arg6[%get3A_1541] {strides = array<i32>} : memref<1040xi32, #tpu.memory_space<vmem>>, vector<16xi32>,
      %get3A_1543 = vector.shape_cast %get3A_1542 : vector<16xi32> to vector<16xi32>
      %add3A_1544 = arith.addi %get3A_1540, %get3A_1543 : vector<16xi32>
      %swap3A = arith.index_cast %multiple_of3A : i32 to index
      %swap3A_1545 = tpu.vector_load %arg11[%swap3A] {strides = array<i32>} : memref<1040xi32, #tpu.memory_space<vmem>>, vector<16xi32>,
      %swap3A_1546 = vector.shape_cast %swap3A_1545 : vector<16xi32> to vector<16xi32>
      %swap3A_1547 = vector.shape_cast %add3A_1544 : vector<16xi32> to vector<16xi32>
      tpu.vector_store %arg11[%swap3A], %swap3A_1547 {strides = array<i32>} : memref<1040xi32, #tpu.memory_space<vmem>>, vector<16xi32>,
    }
    %scan3A_776 = arith.constant 65 : i32
    %dma_wait3A_777 = arith.constant 0 : i32
    %dma_wait3A_778 = tpu.memref_slice %arg5[%add3A_740, %dma_wait3A_777] : memref<2129920x16xf32, #tpu.memory_space<hbm>> -> memref<1040x16xf32, #tpu.memory_space<hbm>>
    %dma_wait3A_779 = arith.constant 0 : i32
    %dma_wait3A_780 = tpu.memref_slice %arg5[%add3A_740, %dma_wait3A_779] : memref<2129920x16xf32, #tpu.memory_space<hbm>> -> memref<1040x16xf32, #tpu.memory_space<hbm>>
    tpu.wait_dma2 semaphore(%arg26 : memref<!tpu.dma_semaphore, #tpu.memory_space<semaphore_mem>>) src(%arg16 : memref<1040x16xf32, #tpu.memory_space<vmem>>) dst(%dma_wait3A_780 : memref<1040x16xf32, #tpu.memory_space<hbm>>)
    %dma_start3A_781 = arith.constant 0 : i32
    %dma_start3A_782 = arith.constant 0 : i32
    %dma_start3A_783 = tpu.memref_slice %arg2[%dma_start3A_781, %dma_start3A_782] : memref<2600000x16xf32, #tpu.memory_space<hbm>> -> memref<2600000x16xf32, #tpu.memory_space<hbm>>
    tpu.enqueue_indirect_dma source(%dma_start3A_783 : memref<2600000x16xf32, #tpu.memory_space<hbm>>) target(%arg16 : memref<1040x16xf32, #tpu.memory_space<vmem>>) offsets(%arg11 : memref<1040xi32, #tpu.memory_space<vmem>>) semaphore(%arg21 : memref<!tpu.dma_semaphore, #tpu.memory_space<semaphore_mem>>)
    %dma_wait3A_784 = arith.constant 0 : i32
    %dma_wait3A_785 = arith.constant 0 : i32
    %dma_wait3A_786 = tpu.memref_slice %arg2[%dma_wait3A_784, %dma_wait3A_785] : memref<2600000x16xf32, #tpu.memory_space<hbm>> -> memref<2600000x16xf32, #tpu.memory_space<hbm>>
    tpu.wait_indirect_dma semaphore(%arg18 : memref<!tpu.dma_semaphore, #tpu.memory_space<semaphore_mem>>) src(%dma_wait3A_786 : memref<2600000x16xf32, #tpu.memory_space<hbm>>) dst(%arg13 : memref<1040x16xf32, #tpu.memory_space<vmem>>)
    %add3A_787 = arith.constant 32240 : i32
    %add3A_788 = arith.addi %mul3A_2, %add3A_787 : i32
    %dma_start3A_789 = arith.constant 0 : i32
    %dma_start3A_790 = tpu.memref_slice %arg5[%add3A_788, %dma_start3A_789] : memref<2129920x16xf32, #tpu.memory_space<hbm>> -> memref<1040x16xf32, #tpu.memory_space<hbm>>
    %dma_start3A_791 = arith.constant 0 : i32
    %dma_start3A_792 = tpu.memref_slice %arg5[%add3A_788, %dma_start3A_791] : memref<2129920x16xf32, #tpu.memory_space<hbm>> -> memref<1040x16xf32, #tpu.memory_space<hbm>>
    tpu.enqueue_dma source(%arg13 : memref<1040x16xf32, #tpu.memory_space<vmem>>) target(%dma_start3A_792 : memref<1040x16xf32, #tpu.memory_space<hbm>>) target_semaphore(%arg23 : memref<!tpu.dma_semaphore, #tpu.memory_space<semaphore_mem>>)
    %add3A_793 = arith.constant 36400 : i32
    %add3A_794 = arith.addi %mul3A_2, %add3A_793 : i32
    "tpu.region"() ({
      %run_scoped3A = tpu.sem_alloc : memref<!tpu.dma_semaphore, #tpu.memory_space<semaphore_mem>>
      %dma_start3A_1536 = tpu.memref_slice %arg3[%add3A_794] : memref<2129920xi32, #tpu.memory_space<hbm>> -> memref<1040xi32, #tpu.memory_space<hbm>>
      %dma_start3A_1537 = tpu.memref_slice %arg3[%add3A_794] : memref<2129920xi32, #tpu.memory_space<hbm>> -> memref<1040xi32, #tpu.memory_space<hbm>>
      tpu.enqueue_dma source(%dma_start3A_1537 : memref<1040xi32, #tpu.memory_space<hbm>>) target(%arg7 : memref<1040xi32, #tpu.memory_space<vmem>>) target_semaphore(%run_scoped3A : memref<!tpu.dma_semaphore, #tpu.memory_space<semaphore_mem>>)
      %dma_wait3A_1538 = tpu.memref_slice %arg3[%add3A_794] : memref<2129920xi32, #tpu.memory_space<hbm>> -> memref<1040xi32, #tpu.memory_space<hbm>>
      %dma_wait3A_1539 = tpu.memref_slice %arg3[%add3A_794] : memref<2129920xi32, #tpu.memory_space<hbm>> -> memref<1040xi32, #tpu.memory_space<hbm>>
      tpu.wait_dma2 semaphore(%run_scoped3A : memref<!tpu.dma_semaphore, #tpu.memory_space<semaphore_mem>>) src(%dma_wait3A_1539 : memref<1040xi32, #tpu.memory_space<hbm>>) dst(%arg7 : memref<1040xi32, #tpu.memory_space<vmem>>)
      tpu.yield
    }) : () -> ()
    %scan3A_795 = arith.constant 0 : i32
    %scan3A_796 = arith.constant 0 : i32
    %scan3A_797 = arith.constant 65 : i32
    %scan3A_798 = arith.addi %scan3A_796, %scan3A_797 : i32
    %scan3A_799 = arith.constant 1 : i32
    scf.for %scan3A_1536 = %scan3A_796 to %scan3A_798 step %scan3A_799  : i32 {
      %mul3A_1537 = arith.constant 16 : i32
      %mul3A_1538 = arith.muli %scan3A_1536, %mul3A_1537 : i32
      %multiple_of3A = tpu.assume_multiple %mul3A_1538, 16 : i32
      %get3A = arith.index_cast %multiple_of3A : i32 to index
      %get3A_1539 = tpu.vector_load %arg7[%get3A] {strides = array<i32>} : memref<1040xi32, #tpu.memory_space<vmem>>, vector<16xi32>,
      %get3A_1540 = vector.shape_cast %get3A_1539 : vector<16xi32> to vector<16xi32>
      %get3A_1541 = arith.index_cast %multiple_of3A : i32 to index
      %get3A_1542 = tpu.vector_load %arg6[%get3A_1541] {strides = array<i32>} : memref<1040xi32, #tpu.memory_space<vmem>>, vector<16xi32>,
      %get3A_1543 = vector.shape_cast %get3A_1542 : vector<16xi32> to vector<16xi32>
      %add3A_1544 = arith.addi %get3A_1540, %get3A_1543 : vector<16xi32>
      %swap3A = arith.index_cast %multiple_of3A : i32 to index
      %swap3A_1545 = tpu.vector_load %arg7[%swap3A] {strides = array<i32>} : memref<1040xi32, #tpu.memory_space<vmem>>, vector<16xi32>,
      %swap3A_1546 = vector.shape_cast %swap3A_1545 : vector<16xi32> to vector<16xi32>
      %swap3A_1547 = vector.shape_cast %add3A_1544 : vector<16xi32> to vector<16xi32>
      tpu.vector_store %arg7[%swap3A], %swap3A_1547 {strides = array<i32>} : memref<1040xi32, #tpu.memory_space<vmem>>, vector<16xi32>,
    }
    %scan3A_800 = arith.constant 65 : i32
    %dma_wait3A_801 = arith.constant 0 : i32
    %dma_wait3A_802 = tpu.memref_slice %arg5[%add3A_764, %dma_wait3A_801] : memref<2129920x16xf32, #tpu.memory_space<hbm>> -> memref<1040x16xf32, #tpu.memory_space<hbm>>
    %dma_wait3A_803 = arith.constant 0 : i32
    %dma_wait3A_804 = tpu.memref_slice %arg5[%add3A_764, %dma_wait3A_803] : memref<2129920x16xf32, #tpu.memory_space<hbm>> -> memref<1040x16xf32, #tpu.memory_space<hbm>>
    tpu.wait_dma2 semaphore(%arg22 : memref<!tpu.dma_semaphore, #tpu.memory_space<semaphore_mem>>) src(%arg12 : memref<1040x16xf32, #tpu.memory_space<vmem>>) dst(%dma_wait3A_804 : memref<1040x16xf32, #tpu.memory_space<hbm>>)
    %dma_start3A_805 = arith.constant 0 : i32
    %dma_start3A_806 = arith.constant 0 : i32
    %dma_start3A_807 = tpu.memref_slice %arg2[%dma_start3A_805, %dma_start3A_806] : memref<2600000x16xf32, #tpu.memory_space<hbm>> -> memref<2600000x16xf32, #tpu.memory_space<hbm>>
    tpu.enqueue_indirect_dma source(%dma_start3A_807 : memref<2600000x16xf32, #tpu.memory_space<hbm>>) target(%arg12 : memref<1040x16xf32, #tpu.memory_space<vmem>>) offsets(%arg7 : memref<1040xi32, #tpu.memory_space<vmem>>) semaphore(%arg17 : memref<!tpu.dma_semaphore, #tpu.memory_space<semaphore_mem>>)
    %dma_wait3A_808 = arith.constant 0 : i32
    %dma_wait3A_809 = arith.constant 0 : i32
    %dma_wait3A_810 = tpu.memref_slice %arg2[%dma_wait3A_808, %dma_wait3A_809] : memref<2600000x16xf32, #tpu.memory_space<hbm>> -> memref<2600000x16xf32, #tpu.memory_space<hbm>>
    tpu.wait_indirect_dma semaphore(%arg19 : memref<!tpu.dma_semaphore, #tpu.memory_space<semaphore_mem>>) src(%dma_wait3A_810 : memref<2600000x16xf32, #tpu.memory_space<hbm>>) dst(%arg14 : memref<1040x16xf32, #tpu.memory_space<vmem>>)
    %add3A_811 = arith.constant 33280 : i32
    %add3A_812 = arith.addi %mul3A_2, %add3A_811 : i32
    %dma_start3A_813 = arith.constant 0 : i32
    %dma_start3A_814 = tpu.memref_slice %arg5[%add3A_812, %dma_start3A_813] : memref<2129920x16xf32, #tpu.memory_space<hbm>> -> memref<1040x16xf32, #tpu.memory_space<hbm>>
    %dma_start3A_815 = arith.constant 0 : i32
    %dma_start3A_816 = tpu.memref_slice %arg5[%add3A_812, %dma_start3A_815] : memref<2129920x16xf32, #tpu.memory_space<hbm>> -> memref<1040x16xf32, #tpu.memory_space<hbm>>
    tpu.enqueue_dma source(%arg14 : memref<1040x16xf32, #tpu.memory_space<vmem>>) target(%dma_start3A_816 : memref<1040x16xf32, #tpu.memory_space<hbm>>) target_semaphore(%arg24 : memref<!tpu.dma_semaphore, #tpu.memory_space<semaphore_mem>>)
    %add3A_817 = arith.constant 37440 : i32
    %add3A_818 = arith.addi %mul3A_2, %add3A_817 : i32
    "tpu.region"() ({
      %run_scoped3A = tpu.sem_alloc : memref<!tpu.dma_semaphore, #tpu.memory_space<semaphore_mem>>
      %dma_start3A_1536 = tpu.memref_slice %arg3[%add3A_818] : memref<2129920xi32, #tpu.memory_space<hbm>> -> memref<1040xi32, #tpu.memory_space<hbm>>
      %dma_start3A_1537 = tpu.memref_slice %arg3[%add3A_818] : memref<2129920xi32, #tpu.memory_space<hbm>> -> memref<1040xi32, #tpu.memory_space<hbm>>
      tpu.enqueue_dma source(%dma_start3A_1537 : memref<1040xi32, #tpu.memory_space<hbm>>) target(%arg8 : memref<1040xi32, #tpu.memory_space<vmem>>) target_semaphore(%run_scoped3A : memref<!tpu.dma_semaphore, #tpu.memory_space<semaphore_mem>>)
      %dma_wait3A_1538 = tpu.memref_slice %arg3[%add3A_818] : memref<2129920xi32, #tpu.memory_space<hbm>> -> memref<1040xi32, #tpu.memory_space<hbm>>
      %dma_wait3A_1539 = tpu.memref_slice %arg3[%add3A_818] : memref<2129920xi32, #tpu.memory_space<hbm>> -> memref<1040xi32, #tpu.memory_space<hbm>>
      tpu.wait_dma2 semaphore(%run_scoped3A : memref<!tpu.dma_semaphore, #tpu.memory_space<semaphore_mem>>) src(%dma_wait3A_1539 : memref<1040xi32, #tpu.memory_space<hbm>>) dst(%arg8 : memref<1040xi32, #tpu.memory_space<vmem>>)
      tpu.yield
    }) : () -> ()
    %scan3A_819 = arith.constant 0 : i32
    %scan3A_820 = arith.constant 0 : i32
    %scan3A_821 = arith.constant 65 : i32
    %scan3A_822 = arith.addi %scan3A_820, %scan3A_821 : i32
    %scan3A_823 = arith.constant 1 : i32
    scf.for %scan3A_1536 = %scan3A_820 to %scan3A_822 step %scan3A_823  : i32 {
      %mul3A_1537 = arith.constant 16 : i32
      %mul3A_1538 = arith.muli %scan3A_1536, %mul3A_1537 : i32
      %multiple_of3A = tpu.assume_multiple %mul3A_1538, 16 : i32
      %get3A = arith.index_cast %multiple_of3A : i32 to index
      %get3A_1539 = tpu.vector_load %arg8[%get3A] {strides = array<i32>} : memref<1040xi32, #tpu.memory_space<vmem>>, vector<16xi32>,
      %get3A_1540 = vector.shape_cast %get3A_1539 : vector<16xi32> to vector<16xi32>
      %get3A_1541 = arith.index_cast %multiple_of3A : i32 to index
      %get3A_1542 = tpu.vector_load %arg6[%get3A_1541] {strides = array<i32>} : memref<1040xi32, #tpu.memory_space<vmem>>, vector<16xi32>,
      %get3A_1543 = vector.shape_cast %get3A_1542 : vector<16xi32> to vector<16xi32>
      %add3A_1544 = arith.addi %get3A_1540, %get3A_1543 : vector<16xi32>
      %swap3A = arith.index_cast %multiple_of3A : i32 to index
      %swap3A_1545 = tpu.vector_load %arg8[%swap3A] {strides = array<i32>} : memref<1040xi32, #tpu.memory_space<vmem>>, vector<16xi32>,
      %swap3A_1546 = vector.shape_cast %swap3A_1545 : vector<16xi32> to vector<16xi32>
      %swap3A_1547 = vector.shape_cast %add3A_1544 : vector<16xi32> to vector<16xi32>
      tpu.vector_store %arg8[%swap3A], %swap3A_1547 {strides = array<i32>} : memref<1040xi32, #tpu.memory_space<vmem>>, vector<16xi32>,
    }
    %scan3A_824 = arith.constant 65 : i32
    %dma_wait3A_825 = arith.constant 0 : i32
    %dma_wait3A_826 = tpu.memref_slice %arg5[%add3A_788, %dma_wait3A_825] : memref<2129920x16xf32, #tpu.memory_space<hbm>> -> memref<1040x16xf32, #tpu.memory_space<hbm>>
    %dma_wait3A_827 = arith.constant 0 : i32
    %dma_wait3A_828 = tpu.memref_slice %arg5[%add3A_788, %dma_wait3A_827] : memref<2129920x16xf32, #tpu.memory_space<hbm>> -> memref<1040x16xf32, #tpu.memory_space<hbm>>
    tpu.wait_dma2 semaphore(%arg23 : memref<!tpu.dma_semaphore, #tpu.memory_space<semaphore_mem>>) src(%arg13 : memref<1040x16xf32, #tpu.memory_space<vmem>>) dst(%dma_wait3A_828 : memref<1040x16xf32, #tpu.memory_space<hbm>>)
    %dma_start3A_829 = arith.constant 0 : i32
    %dma_start3A_830 = arith.constant 0 : i32
    %dma_start3A_831 = tpu.memref_slice %arg2[%dma_start3A_829, %dma_start3A_830] : memref<2600000x16xf32, #tpu.memory_space<hbm>> -> memref<2600000x16xf32, #tpu.memory_space<hbm>>
    tpu.enqueue_indirect_dma source(%dma_start3A_831 : memref<2600000x16xf32, #tpu.memory_space<hbm>>) target(%arg13 : memref<1040x16xf32, #tpu.memory_space<vmem>>) offsets(%arg8 : memref<1040xi32, #tpu.memory_space<vmem>>) semaphore(%arg18 : memref<!tpu.dma_semaphore, #tpu.memory_space<semaphore_mem>>)
    %dma_wait3A_832 = arith.constant 0 : i32
    %dma_wait3A_833 = arith.constant 0 : i32
    %dma_wait3A_834 = tpu.memref_slice %arg2[%dma_wait3A_832, %dma_wait3A_833] : memref<2600000x16xf32, #tpu.memory_space<hbm>> -> memref<2600000x16xf32, #tpu.memory_space<hbm>>
    tpu.wait_indirect_dma semaphore(%arg20 : memref<!tpu.dma_semaphore, #tpu.memory_space<semaphore_mem>>) src(%dma_wait3A_834 : memref<2600000x16xf32, #tpu.memory_space<hbm>>) dst(%arg15 : memref<1040x16xf32, #tpu.memory_space<vmem>>)
    %add3A_835 = arith.constant 34320 : i32
    %add3A_836 = arith.addi %mul3A_2, %add3A_835 : i32
    %dma_start3A_837 = arith.constant 0 : i32
    %dma_start3A_838 = tpu.memref_slice %arg5[%add3A_836, %dma_start3A_837] : memref<2129920x16xf32, #tpu.memory_space<hbm>> -> memref<1040x16xf32, #tpu.memory_space<hbm>>
    %dma_start3A_839 = arith.constant 0 : i32
    %dma_start3A_840 = tpu.memref_slice %arg5[%add3A_836, %dma_start3A_839] : memref<2129920x16xf32, #tpu.memory_space<hbm>> -> memref<1040x16xf32, #tpu.memory_space<hbm>>
    tpu.enqueue_dma source(%arg15 : memref<1040x16xf32, #tpu.memory_space<vmem>>) target(%dma_start3A_840 : memref<1040x16xf32, #tpu.memory_space<hbm>>) target_semaphore(%arg25 : memref<!tpu.dma_semaphore, #tpu.memory_space<semaphore_mem>>)
    %add3A_841 = arith.constant 38480 : i32
    %add3A_842 = arith.addi %mul3A_2, %add3A_841 : i32
    "tpu.region"() ({
      %run_scoped3A = tpu.sem_alloc : memref<!tpu.dma_semaphore, #tpu.memory_space<semaphore_mem>>
      %dma_start3A_1536 = tpu.memref_slice %arg3[%add3A_842] : memref<2129920xi32, #tpu.memory_space<hbm>> -> memref<1040xi32, #tpu.memory_space<hbm>>
      %dma_start3A_1537 = tpu.memref_slice %arg3[%add3A_842] : memref<2129920xi32, #tpu.memory_space<hbm>> -> memref<1040xi32, #tpu.memory_space<hbm>>
      tpu.enqueue_dma source(%dma_start3A_1537 : memref<1040xi32, #tpu.memory_space<hbm>>) target(%arg9 : memref<1040xi32, #tpu.memory_space<vmem>>) target_semaphore(%run_scoped3A : memref<!tpu.dma_semaphore, #tpu.memory_space<semaphore_mem>>)
      %dma_wait3A_1538 = tpu.memref_slice %arg3[%add3A_842] : memref<2129920xi32, #tpu.memory_space<hbm>> -> memref<1040xi32, #tpu.memory_space<hbm>>
      %dma_wait3A_1539 = tpu.memref_slice %arg3[%add3A_842] : memref<2129920xi32, #tpu.memory_space<hbm>> -> memref<1040xi32, #tpu.memory_space<hbm>>
      tpu.wait_dma2 semaphore(%run_scoped3A : memref<!tpu.dma_semaphore, #tpu.memory_space<semaphore_mem>>) src(%dma_wait3A_1539 : memref<1040xi32, #tpu.memory_space<hbm>>) dst(%arg9 : memref<1040xi32, #tpu.memory_space<vmem>>)
      tpu.yield
    }) : () -> ()
    %scan3A_843 = arith.constant 0 : i32
    %scan3A_844 = arith.constant 0 : i32
    %scan3A_845 = arith.constant 65 : i32
    %scan3A_846 = arith.addi %scan3A_844, %scan3A_845 : i32
    %scan3A_847 = arith.constant 1 : i32
    scf.for %scan3A_1536 = %scan3A_844 to %scan3A_846 step %scan3A_847  : i32 {
      %mul3A_1537 = arith.constant 16 : i32
      %mul3A_1538 = arith.muli %scan3A_1536, %mul3A_1537 : i32
      %multiple_of3A = tpu.assume_multiple %mul3A_1538, 16 : i32
      %get3A = arith.index_cast %multiple_of3A : i32 to index
      %get3A_1539 = tpu.vector_load %arg9[%get3A] {strides = array<i32>} : memref<1040xi32, #tpu.memory_space<vmem>>, vector<16xi32>,
      %get3A_1540 = vector.shape_cast %get3A_1539 : vector<16xi32> to vector<16xi32>
      %get3A_1541 = arith.index_cast %multiple_of3A : i32 to index
      %get3A_1542 = tpu.vector_load %arg6[%get3A_1541] {strides = array<i32>} : memref<1040xi32, #tpu.memory_space<vmem>>, vector<16xi32>,
      %get3A_1543 = vector.shape_cast %get3A_1542 : vector<16xi32> to vector<16xi32>
      %add3A_1544 = arith.addi %get3A_1540, %get3A_1543 : vector<16xi32>
      %swap3A = arith.index_cast %multiple_of3A : i32 to index
      %swap3A_1545 = tpu.vector_load %arg9[%swap3A] {strides = array<i32>} : memref<1040xi32, #tpu.memory_space<vmem>>, vector<16xi32>,
      %swap3A_1546 = vector.shape_cast %swap3A_1545 : vector<16xi32> to vector<16xi32>
      %swap3A_1547 = vector.shape_cast %add3A_1544 : vector<16xi32> to vector<16xi32>
      tpu.vector_store %arg9[%swap3A], %swap3A_1547 {strides = array<i32>} : memref<1040xi32, #tpu.memory_space<vmem>>, vector<16xi32>,
    }
    %scan3A_848 = arith.constant 65 : i32
    %dma_wait3A_849 = arith.constant 0 : i32
    %dma_wait3A_850 = tpu.memref_slice %arg5[%add3A_812, %dma_wait3A_849] : memref<2129920x16xf32, #tpu.memory_space<hbm>> -> memref<1040x16xf32, #tpu.memory_space<hbm>>
    %dma_wait3A_851 = arith.constant 0 : i32
    %dma_wait3A_852 = tpu.memref_slice %arg5[%add3A_812, %dma_wait3A_851] : memref<2129920x16xf32, #tpu.memory_space<hbm>> -> memref<1040x16xf32, #tpu.memory_space<hbm>>
    tpu.wait_dma2 semaphore(%arg24 : memref<!tpu.dma_semaphore, #tpu.memory_space<semaphore_mem>>) src(%arg14 : memref<1040x16xf32, #tpu.memory_space<vmem>>) dst(%dma_wait3A_852 : memref<1040x16xf32, #tpu.memory_space<hbm>>)
    %dma_start3A_853 = arith.constant 0 : i32
    %dma_start3A_854 = arith.constant 0 : i32
    %dma_start3A_855 = tpu.memref_slice %arg2[%dma_start3A_853, %dma_start3A_854] : memref<2600000x16xf32, #tpu.memory_space<hbm>> -> memref<2600000x16xf32, #tpu.memory_space<hbm>>
    tpu.enqueue_indirect_dma source(%dma_start3A_855 : memref<2600000x16xf32, #tpu.memory_space<hbm>>) target(%arg14 : memref<1040x16xf32, #tpu.memory_space<vmem>>) offsets(%arg9 : memref<1040xi32, #tpu.memory_space<vmem>>) semaphore(%arg19 : memref<!tpu.dma_semaphore, #tpu.memory_space<semaphore_mem>>)
    %dma_wait3A_856 = arith.constant 0 : i32
    %dma_wait3A_857 = arith.constant 0 : i32
    %dma_wait3A_858 = tpu.memref_slice %arg2[%dma_wait3A_856, %dma_wait3A_857] : memref<2600000x16xf32, #tpu.memory_space<hbm>> -> memref<2600000x16xf32, #tpu.memory_space<hbm>>
    tpu.wait_indirect_dma semaphore(%arg21 : memref<!tpu.dma_semaphore, #tpu.memory_space<semaphore_mem>>) src(%dma_wait3A_858 : memref<2600000x16xf32, #tpu.memory_space<hbm>>) dst(%arg16 : memref<1040x16xf32, #tpu.memory_space<vmem>>)
    %add3A_859 = arith.constant 35360 : i32
    %add3A_860 = arith.addi %mul3A_2, %add3A_859 : i32
    %dma_start3A_861 = arith.constant 0 : i32
    %dma_start3A_862 = tpu.memref_slice %arg5[%add3A_860, %dma_start3A_861] : memref<2129920x16xf32, #tpu.memory_space<hbm>> -> memref<1040x16xf32, #tpu.memory_space<hbm>>
    %dma_start3A_863 = arith.constant 0 : i32
    %dma_start3A_864 = tpu.memref_slice %arg5[%add3A_860, %dma_start3A_863] : memref<2129920x16xf32, #tpu.memory_space<hbm>> -> memref<1040x16xf32, #tpu.memory_space<hbm>>
    tpu.enqueue_dma source(%arg16 : memref<1040x16xf32, #tpu.memory_space<vmem>>) target(%dma_start3A_864 : memref<1040x16xf32, #tpu.memory_space<hbm>>) target_semaphore(%arg26 : memref<!tpu.dma_semaphore, #tpu.memory_space<semaphore_mem>>)
    %add3A_865 = arith.constant 39520 : i32
    %add3A_866 = arith.addi %mul3A_2, %add3A_865 : i32
    "tpu.region"() ({
      %run_scoped3A = tpu.sem_alloc : memref<!tpu.dma_semaphore, #tpu.memory_space<semaphore_mem>>
      %dma_start3A_1536 = tpu.memref_slice %arg3[%add3A_866] : memref<2129920xi32, #tpu.memory_space<hbm>> -> memref<1040xi32, #tpu.memory_space<hbm>>
      %dma_start3A_1537 = tpu.memref_slice %arg3[%add3A_866] : memref<2129920xi32, #tpu.memory_space<hbm>> -> memref<1040xi32, #tpu.memory_space<hbm>>
      tpu.enqueue_dma source(%dma_start3A_1537 : memref<1040xi32, #tpu.memory_space<hbm>>) target(%arg10 : memref<1040xi32, #tpu.memory_space<vmem>>) target_semaphore(%run_scoped3A : memref<!tpu.dma_semaphore, #tpu.memory_space<semaphore_mem>>)
      %dma_wait3A_1538 = tpu.memref_slice %arg3[%add3A_866] : memref<2129920xi32, #tpu.memory_space<hbm>> -> memref<1040xi32, #tpu.memory_space<hbm>>
      %dma_wait3A_1539 = tpu.memref_slice %arg3[%add3A_866] : memref<2129920xi32, #tpu.memory_space<hbm>> -> memref<1040xi32, #tpu.memory_space<hbm>>
      tpu.wait_dma2 semaphore(%run_scoped3A : memref<!tpu.dma_semaphore, #tpu.memory_space<semaphore_mem>>) src(%dma_wait3A_1539 : memref<1040xi32, #tpu.memory_space<hbm>>) dst(%arg10 : memref<1040xi32, #tpu.memory_space<vmem>>)
      tpu.yield
    }) : () -> ()
    %scan3A_867 = arith.constant 0 : i32
    %scan3A_868 = arith.constant 0 : i32
    %scan3A_869 = arith.constant 65 : i32
    %scan3A_870 = arith.addi %scan3A_868, %scan3A_869 : i32
    %scan3A_871 = arith.constant 1 : i32
    scf.for %scan3A_1536 = %scan3A_868 to %scan3A_870 step %scan3A_871  : i32 {
      %mul3A_1537 = arith.constant 16 : i32
      %mul3A_1538 = arith.muli %scan3A_1536, %mul3A_1537 : i32
      %multiple_of3A = tpu.assume_multiple %mul3A_1538, 16 : i32
      %get3A = arith.index_cast %multiple_of3A : i32 to index
      %get3A_1539 = tpu.vector_load %arg10[%get3A] {strides = array<i32>} : memref<1040xi32, #tpu.memory_space<vmem>>, vector<16xi32>,
      %get3A_1540 = vector.shape_cast %get3A_1539 : vector<16xi32> to vector<16xi32>
      %get3A_1541 = arith.index_cast %multiple_of3A : i32 to index
      %get3A_1542 = tpu.vector_load %arg6[%get3A_1541] {strides = array<i32>} : memref<1040xi32, #tpu.memory_space<vmem>>, vector<16xi32>,
      %get3A_1543 = vector.shape_cast %get3A_1542 : vector<16xi32> to vector<16xi32>
      %add3A_1544 = arith.addi %get3A_1540, %get3A_1543 : vector<16xi32>
      %swap3A = arith.index_cast %multiple_of3A : i32 to index
      %swap3A_1545 = tpu.vector_load %arg10[%swap3A] {strides = array<i32>} : memref<1040xi32, #tpu.memory_space<vmem>>, vector<16xi32>,
      %swap3A_1546 = vector.shape_cast %swap3A_1545 : vector<16xi32> to vector<16xi32>
      %swap3A_1547 = vector.shape_cast %add3A_1544 : vector<16xi32> to vector<16xi32>
      tpu.vector_store %arg10[%swap3A], %swap3A_1547 {strides = array<i32>} : memref<1040xi32, #tpu.memory_space<vmem>>, vector<16xi32>,
    }
    %scan3A_872 = arith.constant 65 : i32
    %dma_wait3A_873 = arith.constant 0 : i32
    %dma_wait3A_874 = tpu.memref_slice %arg5[%add3A_836, %dma_wait3A_873] : memref<2129920x16xf32, #tpu.memory_space<hbm>> -> memref<1040x16xf32, #tpu.memory_space<hbm>>
    %dma_wait3A_875 = arith.constant 0 : i32
    %dma_wait3A_876 = tpu.memref_slice %arg5[%add3A_836, %dma_wait3A_875] : memref<2129920x16xf32, #tpu.memory_space<hbm>> -> memref<1040x16xf32, #tpu.memory_space<hbm>>
    tpu.wait_dma2 semaphore(%arg25 : memref<!tpu.dma_semaphore, #tpu.memory_space<semaphore_mem>>) src(%arg15 : memref<1040x16xf32, #tpu.memory_space<vmem>>) dst(%dma_wait3A_876 : memref<1040x16xf32, #tpu.memory_space<hbm>>)
    %dma_start3A_877 = arith.constant 0 : i32
    %dma_start3A_878 = arith.constant 0 : i32
    %dma_start3A_879 = tpu.memref_slice %arg2[%dma_start3A_877, %dma_start3A_878] : memref<2600000x16xf32, #tpu.memory_space<hbm>> -> memref<2600000x16xf32, #tpu.memory_space<hbm>>
    tpu.enqueue_indirect_dma source(%dma_start3A_879 : memref<2600000x16xf32, #tpu.memory_space<hbm>>) target(%arg15 : memref<1040x16xf32, #tpu.memory_space<vmem>>) offsets(%arg10 : memref<1040xi32, #tpu.memory_space<vmem>>) semaphore(%arg20 : memref<!tpu.dma_semaphore, #tpu.memory_space<semaphore_mem>>)
    %dma_wait3A_880 = arith.constant 0 : i32
    %dma_wait3A_881 = arith.constant 0 : i32
    %dma_wait3A_882 = tpu.memref_slice %arg2[%dma_wait3A_880, %dma_wait3A_881] : memref<2600000x16xf32, #tpu.memory_space<hbm>> -> memref<2600000x16xf32, #tpu.memory_space<hbm>>
    tpu.wait_indirect_dma semaphore(%arg17 : memref<!tpu.dma_semaphore, #tpu.memory_space<semaphore_mem>>) src(%dma_wait3A_882 : memref<2600000x16xf32, #tpu.memory_space<hbm>>) dst(%arg12 : memref<1040x16xf32, #tpu.memory_space<vmem>>)
    %add3A_883 = arith.constant 36400 : i32
    %add3A_884 = arith.addi %mul3A_2, %add3A_883 : i32
    %dma_start3A_885 = arith.constant 0 : i32
    %dma_start3A_886 = tpu.memref_slice %arg5[%add3A_884, %dma_start3A_885] : memref<2129920x16xf32, #tpu.memory_space<hbm>> -> memref<1040x16xf32, #tpu.memory_space<hbm>>
    %dma_start3A_887 = arith.constant 0 : i32
    %dma_start3A_888 = tpu.memref_slice %arg5[%add3A_884, %dma_start3A_887] : memref<2129920x16xf32, #tpu.memory_space<hbm>> -> memref<1040x16xf32, #tpu.memory_space<hbm>>
    tpu.enqueue_dma source(%arg12 : memref<1040x16xf32, #tpu.memory_space<vmem>>) target(%dma_start3A_888 : memref<1040x16xf32, #tpu.memory_space<hbm>>) target_semaphore(%arg22 : memref<!tpu.dma_semaphore, #tpu.memory_space<semaphore_mem>>)
    %add3A_889 = arith.constant 40560 : i32
    %add3A_890 = arith.addi %mul3A_2, %add3A_889 : i32
    "tpu.region"() ({
      %run_scoped3A = tpu.sem_alloc : memref<!tpu.dma_semaphore, #tpu.memory_space<semaphore_mem>>
      %dma_start3A_1536 = tpu.memref_slice %arg3[%add3A_890] : memref<2129920xi32, #tpu.memory_space<hbm>> -> memref<1040xi32, #tpu.memory_space<hbm>>
      %dma_start3A_1537 = tpu.memref_slice %arg3[%add3A_890] : memref<2129920xi32, #tpu.memory_space<hbm>> -> memref<1040xi32, #tpu.memory_space<hbm>>
      tpu.enqueue_dma source(%dma_start3A_1537 : memref<1040xi32, #tpu.memory_space<hbm>>) target(%arg11 : memref<1040xi32, #tpu.memory_space<vmem>>) target_semaphore(%run_scoped3A : memref<!tpu.dma_semaphore, #tpu.memory_space<semaphore_mem>>)
      %dma_wait3A_1538 = tpu.memref_slice %arg3[%add3A_890] : memref<2129920xi32, #tpu.memory_space<hbm>> -> memref<1040xi32, #tpu.memory_space<hbm>>
      %dma_wait3A_1539 = tpu.memref_slice %arg3[%add3A_890] : memref<2129920xi32, #tpu.memory_space<hbm>> -> memref<1040xi32, #tpu.memory_space<hbm>>
      tpu.wait_dma2 semaphore(%run_scoped3A : memref<!tpu.dma_semaphore, #tpu.memory_space<semaphore_mem>>) src(%dma_wait3A_1539 : memref<1040xi32, #tpu.memory_space<hbm>>) dst(%arg11 : memref<1040xi32, #tpu.memory_space<vmem>>)
      tpu.yield
    }) : () -> ()
    %scan3A_891 = arith.constant 0 : i32
    %scan3A_892 = arith.constant 0 : i32
    %scan3A_893 = arith.constant 65 : i32
    %scan3A_894 = arith.addi %scan3A_892, %scan3A_893 : i32
    %scan3A_895 = arith.constant 1 : i32
    scf.for %scan3A_1536 = %scan3A_892 to %scan3A_894 step %scan3A_895  : i32 {
      %mul3A_1537 = arith.constant 16 : i32
      %mul3A_1538 = arith.muli %scan3A_1536, %mul3A_1537 : i32
      %multiple_of3A = tpu.assume_multiple %mul3A_1538, 16 : i32
      %get3A = arith.index_cast %multiple_of3A : i32 to index
      %get3A_1539 = tpu.vector_load %arg11[%get3A] {strides = array<i32>} : memref<1040xi32, #tpu.memory_space<vmem>>, vector<16xi32>,
      %get3A_1540 = vector.shape_cast %get3A_1539 : vector<16xi32> to vector<16xi32>
      %get3A_1541 = arith.index_cast %multiple_of3A : i32 to index
      %get3A_1542 = tpu.vector_load %arg6[%get3A_1541] {strides = array<i32>} : memref<1040xi32, #tpu.memory_space<vmem>>, vector<16xi32>,
      %get3A_1543 = vector.shape_cast %get3A_1542 : vector<16xi32> to vector<16xi32>
      %add3A_1544 = arith.addi %get3A_1540, %get3A_1543 : vector<16xi32>
      %swap3A = arith.index_cast %multiple_of3A : i32 to index
      %swap3A_1545 = tpu.vector_load %arg11[%swap3A] {strides = array<i32>} : memref<1040xi32, #tpu.memory_space<vmem>>, vector<16xi32>,
      %swap3A_1546 = vector.shape_cast %swap3A_1545 : vector<16xi32> to vector<16xi32>
      %swap3A_1547 = vector.shape_cast %add3A_1544 : vector<16xi32> to vector<16xi32>
      tpu.vector_store %arg11[%swap3A], %swap3A_1547 {strides = array<i32>} : memref<1040xi32, #tpu.memory_space<vmem>>, vector<16xi32>,
    }
    %scan3A_896 = arith.constant 65 : i32
    %dma_wait3A_897 = arith.constant 0 : i32
    %dma_wait3A_898 = tpu.memref_slice %arg5[%add3A_860, %dma_wait3A_897] : memref<2129920x16xf32, #tpu.memory_space<hbm>> -> memref<1040x16xf32, #tpu.memory_space<hbm>>
    %dma_wait3A_899 = arith.constant 0 : i32
    %dma_wait3A_900 = tpu.memref_slice %arg5[%add3A_860, %dma_wait3A_899] : memref<2129920x16xf32, #tpu.memory_space<hbm>> -> memref<1040x16xf32, #tpu.memory_space<hbm>>
    tpu.wait_dma2 semaphore(%arg26 : memref<!tpu.dma_semaphore, #tpu.memory_space<semaphore_mem>>) src(%arg16 : memref<1040x16xf32, #tpu.memory_space<vmem>>) dst(%dma_wait3A_900 : memref<1040x16xf32, #tpu.memory_space<hbm>>)
    %dma_start3A_901 = arith.constant 0 : i32
    %dma_start3A_902 = arith.constant 0 : i32
    %dma_start3A_903 = tpu.memref_slice %arg2[%dma_start3A_901, %dma_start3A_902] : memref<2600000x16xf32, #tpu.memory_space<hbm>> -> memref<2600000x16xf32, #tpu.memory_space<hbm>>
    tpu.enqueue_indirect_dma source(%dma_start3A_903 : memref<2600000x16xf32, #tpu.memory_space<hbm>>) target(%arg16 : memref<1040x16xf32, #tpu.memory_space<vmem>>) offsets(%arg11 : memref<1040xi32, #tpu.memory_space<vmem>>) semaphore(%arg21 : memref<!tpu.dma_semaphore, #tpu.memory_space<semaphore_mem>>)
    %dma_wait3A_904 = arith.constant 0 : i32
    %dma_wait3A_905 = arith.constant 0 : i32
    %dma_wait3A_906 = tpu.memref_slice %arg2[%dma_wait3A_904, %dma_wait3A_905] : memref<2600000x16xf32, #tpu.memory_space<hbm>> -> memref<2600000x16xf32, #tpu.memory_space<hbm>>
    tpu.wait_indirect_dma semaphore(%arg18 : memref<!tpu.dma_semaphore, #tpu.memory_space<semaphore_mem>>) src(%dma_wait3A_906 : memref<2600000x16xf32, #tpu.memory_space<hbm>>) dst(%arg13 : memref<1040x16xf32, #tpu.memory_space<vmem>>)
    %add3A_907 = arith.constant 37440 : i32
    %add3A_908 = arith.addi %mul3A_2, %add3A_907 : i32
    %dma_start3A_909 = arith.constant 0 : i32
    %dma_start3A_910 = tpu.memref_slice %arg5[%add3A_908, %dma_start3A_909] : memref<2129920x16xf32, #tpu.memory_space<hbm>> -> memref<1040x16xf32, #tpu.memory_space<hbm>>
    %dma_start3A_911 = arith.constant 0 : i32
    %dma_start3A_912 = tpu.memref_slice %arg5[%add3A_908, %dma_start3A_911] : memref<2129920x16xf32, #tpu.memory_space<hbm>> -> memref<1040x16xf32, #tpu.memory_space<hbm>>
    tpu.enqueue_dma source(%arg13 : memref<1040x16xf32, #tpu.memory_space<vmem>>) target(%dma_start3A_912 : memref<1040x16xf32, #tpu.memory_space<hbm>>) target_semaphore(%arg23 : memref<!tpu.dma_semaphore, #tpu.memory_space<semaphore_mem>>)
    %add3A_913 = arith.constant 41600 : i32
    %add3A_914 = arith.addi %mul3A_2, %add3A_913 : i32
    "tpu.region"() ({
      %run_scoped3A = tpu.sem_alloc : memref<!tpu.dma_semaphore, #tpu.memory_space<semaphore_mem>>
      %dma_start3A_1536 = tpu.memref_slice %arg3[%add3A_914] : memref<2129920xi32, #tpu.memory_space<hbm>> -> memref<1040xi32, #tpu.memory_space<hbm>>
      %dma_start3A_1537 = tpu.memref_slice %arg3[%add3A_914] : memref<2129920xi32, #tpu.memory_space<hbm>> -> memref<1040xi32, #tpu.memory_space<hbm>>
      tpu.enqueue_dma source(%dma_start3A_1537 : memref<1040xi32, #tpu.memory_space<hbm>>) target(%arg7 : memref<1040xi32, #tpu.memory_space<vmem>>) target_semaphore(%run_scoped3A : memref<!tpu.dma_semaphore, #tpu.memory_space<semaphore_mem>>)
      %dma_wait3A_1538 = tpu.memref_slice %arg3[%add3A_914] : memref<2129920xi32, #tpu.memory_space<hbm>> -> memref<1040xi32, #tpu.memory_space<hbm>>
      %dma_wait3A_1539 = tpu.memref_slice %arg3[%add3A_914] : memref<2129920xi32, #tpu.memory_space<hbm>> -> memref<1040xi32, #tpu.memory_space<hbm>>
      tpu.wait_dma2 semaphore(%run_scoped3A : memref<!tpu.dma_semaphore, #tpu.memory_space<semaphore_mem>>) src(%dma_wait3A_1539 : memref<1040xi32, #tpu.memory_space<hbm>>) dst(%arg7 : memref<1040xi32, #tpu.memory_space<vmem>>)
      tpu.yield
    }) : () -> ()
    %scan3A_915 = arith.constant 0 : i32
    %scan3A_916 = arith.constant 0 : i32
    %scan3A_917 = arith.constant 65 : i32
    %scan3A_918 = arith.addi %scan3A_916, %scan3A_917 : i32
    %scan3A_919 = arith.constant 1 : i32
    scf.for %scan3A_1536 = %scan3A_916 to %scan3A_918 step %scan3A_919  : i32 {
      %mul3A_1537 = arith.constant 16 : i32
      %mul3A_1538 = arith.muli %scan3A_1536, %mul3A_1537 : i32
      %multiple_of3A = tpu.assume_multiple %mul3A_1538, 16 : i32
      %get3A = arith.index_cast %multiple_of3A : i32 to index
      %get3A_1539 = tpu.vector_load %arg7[%get3A] {strides = array<i32>} : memref<1040xi32, #tpu.memory_space<vmem>>, vector<16xi32>,
      %get3A_1540 = vector.shape_cast %get3A_1539 : vector<16xi32> to vector<16xi32>
      %get3A_1541 = arith.index_cast %multiple_of3A : i32 to index
      %get3A_1542 = tpu.vector_load %arg6[%get3A_1541] {strides = array<i32>} : memref<1040xi32, #tpu.memory_space<vmem>>, vector<16xi32>,
      %get3A_1543 = vector.shape_cast %get3A_1542 : vector<16xi32> to vector<16xi32>
      %add3A_1544 = arith.addi %get3A_1540, %get3A_1543 : vector<16xi32>
      %swap3A = arith.index_cast %multiple_of3A : i32 to index
      %swap3A_1545 = tpu.vector_load %arg7[%swap3A] {strides = array<i32>} : memref<1040xi32, #tpu.memory_space<vmem>>, vector<16xi32>,
      %swap3A_1546 = vector.shape_cast %swap3A_1545 : vector<16xi32> to vector<16xi32>
      %swap3A_1547 = vector.shape_cast %add3A_1544 : vector<16xi32> to vector<16xi32>
      tpu.vector_store %arg7[%swap3A], %swap3A_1547 {strides = array<i32>} : memref<1040xi32, #tpu.memory_space<vmem>>, vector<16xi32>,
    }
    %scan3A_920 = arith.constant 65 : i32
    %dma_wait3A_921 = arith.constant 0 : i32
    %dma_wait3A_922 = tpu.memref_slice %arg5[%add3A_884, %dma_wait3A_921] : memref<2129920x16xf32, #tpu.memory_space<hbm>> -> memref<1040x16xf32, #tpu.memory_space<hbm>>
    %dma_wait3A_923 = arith.constant 0 : i32
    %dma_wait3A_924 = tpu.memref_slice %arg5[%add3A_884, %dma_wait3A_923] : memref<2129920x16xf32, #tpu.memory_space<hbm>> -> memref<1040x16xf32, #tpu.memory_space<hbm>>
    tpu.wait_dma2 semaphore(%arg22 : memref<!tpu.dma_semaphore, #tpu.memory_space<semaphore_mem>>) src(%arg12 : memref<1040x16xf32, #tpu.memory_space<vmem>>) dst(%dma_wait3A_924 : memref<1040x16xf32, #tpu.memory_space<hbm>>)
    %dma_start3A_925 = arith.constant 0 : i32
    %dma_start3A_926 = arith.constant 0 : i32
    %dma_start3A_927 = tpu.memref_slice %arg2[%dma_start3A_925, %dma_start3A_926] : memref<2600000x16xf32, #tpu.memory_space<hbm>> -> memref<2600000x16xf32, #tpu.memory_space<hbm>>
    tpu.enqueue_indirect_dma source(%dma_start3A_927 : memref<2600000x16xf32, #tpu.memory_space<hbm>>) target(%arg12 : memref<1040x16xf32, #tpu.memory_space<vmem>>) offsets(%arg7 : memref<1040xi32, #tpu.memory_space<vmem>>) semaphore(%arg17 : memref<!tpu.dma_semaphore, #tpu.memory_space<semaphore_mem>>)
    %dma_wait3A_928 = arith.constant 0 : i32
    %dma_wait3A_929 = arith.constant 0 : i32
    %dma_wait3A_930 = tpu.memref_slice %arg2[%dma_wait3A_928, %dma_wait3A_929] : memref<2600000x16xf32, #tpu.memory_space<hbm>> -> memref<2600000x16xf32, #tpu.memory_space<hbm>>
    tpu.wait_indirect_dma semaphore(%arg19 : memref<!tpu.dma_semaphore, #tpu.memory_space<semaphore_mem>>) src(%dma_wait3A_930 : memref<2600000x16xf32, #tpu.memory_space<hbm>>) dst(%arg14 : memref<1040x16xf32, #tpu.memory_space<vmem>>)
    %add3A_931 = arith.constant 38480 : i32
    %add3A_932 = arith.addi %mul3A_2, %add3A_931 : i32
    %dma_start3A_933 = arith.constant 0 : i32
    %dma_start3A_934 = tpu.memref_slice %arg5[%add3A_932, %dma_start3A_933] : memref<2129920x16xf32, #tpu.memory_space<hbm>> -> memref<1040x16xf32, #tpu.memory_space<hbm>>
    %dma_start3A_935 = arith.constant 0 : i32
    %dma_start3A_936 = tpu.memref_slice %arg5[%add3A_932, %dma_start3A_935] : memref<2129920x16xf32, #tpu.memory_space<hbm>> -> memref<1040x16xf32, #tpu.memory_space<hbm>>
    tpu.enqueue_dma source(%arg14 : memref<1040x16xf32, #tpu.memory_space<vmem>>) target(%dma_start3A_936 : memref<1040x16xf32, #tpu.memory_space<hbm>>) target_semaphore(%arg24 : memref<!tpu.dma_semaphore, #tpu.memory_space<semaphore_mem>>)
    %add3A_937 = arith.constant 42640 : i32
    %add3A_938 = arith.addi %mul3A_2, %add3A_937 : i32
    "tpu.region"() ({
      %run_scoped3A = tpu.sem_alloc : memref<!tpu.dma_semaphore, #tpu.memory_space<semaphore_mem>>
      %dma_start3A_1536 = tpu.memref_slice %arg3[%add3A_938] : memref<2129920xi32, #tpu.memory_space<hbm>> -> memref<1040xi32, #tpu.memory_space<hbm>>
      %dma_start3A_1537 = tpu.memref_slice %arg3[%add3A_938] : memref<2129920xi32, #tpu.memory_space<hbm>> -> memref<1040xi32, #tpu.memory_space<hbm>>
      tpu.enqueue_dma source(%dma_start3A_1537 : memref<1040xi32, #tpu.memory_space<hbm>>) target(%arg8 : memref<1040xi32, #tpu.memory_space<vmem>>) target_semaphore(%run_scoped3A : memref<!tpu.dma_semaphore, #tpu.memory_space<semaphore_mem>>)
      %dma_wait3A_1538 = tpu.memref_slice %arg3[%add3A_938] : memref<2129920xi32, #tpu.memory_space<hbm>> -> memref<1040xi32, #tpu.memory_space<hbm>>
      %dma_wait3A_1539 = tpu.memref_slice %arg3[%add3A_938] : memref<2129920xi32, #tpu.memory_space<hbm>> -> memref<1040xi32, #tpu.memory_space<hbm>>
      tpu.wait_dma2 semaphore(%run_scoped3A : memref<!tpu.dma_semaphore, #tpu.memory_space<semaphore_mem>>) src(%dma_wait3A_1539 : memref<1040xi32, #tpu.memory_space<hbm>>) dst(%arg8 : memref<1040xi32, #tpu.memory_space<vmem>>)
      tpu.yield
    }) : () -> ()
    %scan3A_939 = arith.constant 0 : i32
    %scan3A_940 = arith.constant 0 : i32
    %scan3A_941 = arith.constant 65 : i32
    %scan3A_942 = arith.addi %scan3A_940, %scan3A_941 : i32
    %scan3A_943 = arith.constant 1 : i32
    scf.for %scan3A_1536 = %scan3A_940 to %scan3A_942 step %scan3A_943  : i32 {
      %mul3A_1537 = arith.constant 16 : i32
      %mul3A_1538 = arith.muli %scan3A_1536, %mul3A_1537 : i32
      %multiple_of3A = tpu.assume_multiple %mul3A_1538, 16 : i32
      %get3A = arith.index_cast %multiple_of3A : i32 to index
      %get3A_1539 = tpu.vector_load %arg8[%get3A] {strides = array<i32>} : memref<1040xi32, #tpu.memory_space<vmem>>, vector<16xi32>,
      %get3A_1540 = vector.shape_cast %get3A_1539 : vector<16xi32> to vector<16xi32>
      %get3A_1541 = arith.index_cast %multiple_of3A : i32 to index
      %get3A_1542 = tpu.vector_load %arg6[%get3A_1541] {strides = array<i32>} : memref<1040xi32, #tpu.memory_space<vmem>>, vector<16xi32>,
      %get3A_1543 = vector.shape_cast %get3A_1542 : vector<16xi32> to vector<16xi32>
      %add3A_1544 = arith.addi %get3A_1540, %get3A_1543 : vector<16xi32>
      %swap3A = arith.index_cast %multiple_of3A : i32 to index
      %swap3A_1545 = tpu.vector_load %arg8[%swap3A] {strides = array<i32>} : memref<1040xi32, #tpu.memory_space<vmem>>, vector<16xi32>,
      %swap3A_1546 = vector.shape_cast %swap3A_1545 : vector<16xi32> to vector<16xi32>
      %swap3A_1547 = vector.shape_cast %add3A_1544 : vector<16xi32> to vector<16xi32>
      tpu.vector_store %arg8[%swap3A], %swap3A_1547 {strides = array<i32>} : memref<1040xi32, #tpu.memory_space<vmem>>, vector<16xi32>,
    }
    %scan3A_944 = arith.constant 65 : i32
    %dma_wait3A_945 = arith.constant 0 : i32
    %dma_wait3A_946 = tpu.memref_slice %arg5[%add3A_908, %dma_wait3A_945] : memref<2129920x16xf32, #tpu.memory_space<hbm>> -> memref<1040x16xf32, #tpu.memory_space<hbm>>
    %dma_wait3A_947 = arith.constant 0 : i32
    %dma_wait3A_948 = tpu.memref_slice %arg5[%add3A_908, %dma_wait3A_947] : memref<2129920x16xf32, #tpu.memory_space<hbm>> -> memref<1040x16xf32, #tpu.memory_space<hbm>>
    tpu.wait_dma2 semaphore(%arg23 : memref<!tpu.dma_semaphore, #tpu.memory_space<semaphore_mem>>) src(%arg13 : memref<1040x16xf32, #tpu.memory_space<vmem>>) dst(%dma_wait3A_948 : memref<1040x16xf32, #tpu.memory_space<hbm>>)
    %dma_start3A_949 = arith.constant 0 : i32
    %dma_start3A_950 = arith.constant 0 : i32
    %dma_start3A_951 = tpu.memref_slice %arg2[%dma_start3A_949, %dma_start3A_950] : memref<2600000x16xf32, #tpu.memory_space<hbm>> -> memref<2600000x16xf32, #tpu.memory_space<hbm>>
    tpu.enqueue_indirect_dma source(%dma_start3A_951 : memref<2600000x16xf32, #tpu.memory_space<hbm>>) target(%arg13 : memref<1040x16xf32, #tpu.memory_space<vmem>>) offsets(%arg8 : memref<1040xi32, #tpu.memory_space<vmem>>) semaphore(%arg18 : memref<!tpu.dma_semaphore, #tpu.memory_space<semaphore_mem>>)
    %dma_wait3A_952 = arith.constant 0 : i32
    %dma_wait3A_953 = arith.constant 0 : i32
    %dma_wait3A_954 = tpu.memref_slice %arg2[%dma_wait3A_952, %dma_wait3A_953] : memref<2600000x16xf32, #tpu.memory_space<hbm>> -> memref<2600000x16xf32, #tpu.memory_space<hbm>>
    tpu.wait_indirect_dma semaphore(%arg20 : memref<!tpu.dma_semaphore, #tpu.memory_space<semaphore_mem>>) src(%dma_wait3A_954 : memref<2600000x16xf32, #tpu.memory_space<hbm>>) dst(%arg15 : memref<1040x16xf32, #tpu.memory_space<vmem>>)
    %add3A_955 = arith.constant 39520 : i32
    %add3A_956 = arith.addi %mul3A_2, %add3A_955 : i32
    %dma_start3A_957 = arith.constant 0 : i32
    %dma_start3A_958 = tpu.memref_slice %arg5[%add3A_956, %dma_start3A_957] : memref<2129920x16xf32, #tpu.memory_space<hbm>> -> memref<1040x16xf32, #tpu.memory_space<hbm>>
    %dma_start3A_959 = arith.constant 0 : i32
    %dma_start3A_960 = tpu.memref_slice %arg5[%add3A_956, %dma_start3A_959] : memref<2129920x16xf32, #tpu.memory_space<hbm>> -> memref<1040x16xf32, #tpu.memory_space<hbm>>
    tpu.enqueue_dma source(%arg15 : memref<1040x16xf32, #tpu.memory_space<vmem>>) target(%dma_start3A_960 : memref<1040x16xf32, #tpu.memory_space<hbm>>) target_semaphore(%arg25 : memref<!tpu.dma_semaphore, #tpu.memory_space<semaphore_mem>>)
    %add3A_961 = arith.constant 43680 : i32
    %add3A_962 = arith.addi %mul3A_2, %add3A_961 : i32
    "tpu.region"() ({
      %run_scoped3A = tpu.sem_alloc : memref<!tpu.dma_semaphore, #tpu.memory_space<semaphore_mem>>
      %dma_start3A_1536 = tpu.memref_slice %arg3[%add3A_962] : memref<2129920xi32, #tpu.memory_space<hbm>> -> memref<1040xi32, #tpu.memory_space<hbm>>
      %dma_start3A_1537 = tpu.memref_slice %arg3[%add3A_962] : memref<2129920xi32, #tpu.memory_space<hbm>> -> memref<1040xi32, #tpu.memory_space<hbm>>
      tpu.enqueue_dma source(%dma_start3A_1537 : memref<1040xi32, #tpu.memory_space<hbm>>) target(%arg9 : memref<1040xi32, #tpu.memory_space<vmem>>) target_semaphore(%run_scoped3A : memref<!tpu.dma_semaphore, #tpu.memory_space<semaphore_mem>>)
      %dma_wait3A_1538 = tpu.memref_slice %arg3[%add3A_962] : memref<2129920xi32, #tpu.memory_space<hbm>> -> memref<1040xi32, #tpu.memory_space<hbm>>
      %dma_wait3A_1539 = tpu.memref_slice %arg3[%add3A_962] : memref<2129920xi32, #tpu.memory_space<hbm>> -> memref<1040xi32, #tpu.memory_space<hbm>>
      tpu.wait_dma2 semaphore(%run_scoped3A : memref<!tpu.dma_semaphore, #tpu.memory_space<semaphore_mem>>) src(%dma_wait3A_1539 : memref<1040xi32, #tpu.memory_space<hbm>>) dst(%arg9 : memref<1040xi32, #tpu.memory_space<vmem>>)
      tpu.yield
    }) : () -> ()
    %scan3A_963 = arith.constant 0 : i32
    %scan3A_964 = arith.constant 0 : i32
    %scan3A_965 = arith.constant 65 : i32
    %scan3A_966 = arith.addi %scan3A_964, %scan3A_965 : i32
    %scan3A_967 = arith.constant 1 : i32
    scf.for %scan3A_1536 = %scan3A_964 to %scan3A_966 step %scan3A_967  : i32 {
      %mul3A_1537 = arith.constant 16 : i32
      %mul3A_1538 = arith.muli %scan3A_1536, %mul3A_1537 : i32
      %multiple_of3A = tpu.assume_multiple %mul3A_1538, 16 : i32
      %get3A = arith.index_cast %multiple_of3A : i32 to index
      %get3A_1539 = tpu.vector_load %arg9[%get3A] {strides = array<i32>} : memref<1040xi32, #tpu.memory_space<vmem>>, vector<16xi32>,
      %get3A_1540 = vector.shape_cast %get3A_1539 : vector<16xi32> to vector<16xi32>
      %get3A_1541 = arith.index_cast %multiple_of3A : i32 to index
      %get3A_1542 = tpu.vector_load %arg6[%get3A_1541] {strides = array<i32>} : memref<1040xi32, #tpu.memory_space<vmem>>, vector<16xi32>,
      %get3A_1543 = vector.shape_cast %get3A_1542 : vector<16xi32> to vector<16xi32>
      %add3A_1544 = arith.addi %get3A_1540, %get3A_1543 : vector<16xi32>
      %swap3A = arith.index_cast %multiple_of3A : i32 to index
      %swap3A_1545 = tpu.vector_load %arg9[%swap3A] {strides = array<i32>} : memref<1040xi32, #tpu.memory_space<vmem>>, vector<16xi32>,
      %swap3A_1546 = vector.shape_cast %swap3A_1545 : vector<16xi32> to vector<16xi32>
      %swap3A_1547 = vector.shape_cast %add3A_1544 : vector<16xi32> to vector<16xi32>
      tpu.vector_store %arg9[%swap3A], %swap3A_1547 {strides = array<i32>} : memref<1040xi32, #tpu.memory_space<vmem>>, vector<16xi32>,
    }
    %scan3A_968 = arith.constant 65 : i32
    %dma_wait3A_969 = arith.constant 0 : i32
    %dma_wait3A_970 = tpu.memref_slice %arg5[%add3A_932, %dma_wait3A_969] : memref<2129920x16xf32, #tpu.memory_space<hbm>> -> memref<1040x16xf32, #tpu.memory_space<hbm>>
    %dma_wait3A_971 = arith.constant 0 : i32
    %dma_wait3A_972 = tpu.memref_slice %arg5[%add3A_932, %dma_wait3A_971] : memref<2129920x16xf32, #tpu.memory_space<hbm>> -> memref<1040x16xf32, #tpu.memory_space<hbm>>
    tpu.wait_dma2 semaphore(%arg24 : memref<!tpu.dma_semaphore, #tpu.memory_space<semaphore_mem>>) src(%arg14 : memref<1040x16xf32, #tpu.memory_space<vmem>>) dst(%dma_wait3A_972 : memref<1040x16xf32, #tpu.memory_space<hbm>>)
    %dma_start3A_973 = arith.constant 0 : i32
    %dma_start3A_974 = arith.constant 0 : i32
    %dma_start3A_975 = tpu.memref_slice %arg2[%dma_start3A_973, %dma_start3A_974] : memref<2600000x16xf32, #tpu.memory_space<hbm>> -> memref<2600000x16xf32, #tpu.memory_space<hbm>>
    tpu.enqueue_indirect_dma source(%dma_start3A_975 : memref<2600000x16xf32, #tpu.memory_space<hbm>>) target(%arg14 : memref<1040x16xf32, #tpu.memory_space<vmem>>) offsets(%arg9 : memref<1040xi32, #tpu.memory_space<vmem>>) semaphore(%arg19 : memref<!tpu.dma_semaphore, #tpu.memory_space<semaphore_mem>>)
    %dma_wait3A_976 = arith.constant 0 : i32
    %dma_wait3A_977 = arith.constant 0 : i32
    %dma_wait3A_978 = tpu.memref_slice %arg2[%dma_wait3A_976, %dma_wait3A_977] : memref<2600000x16xf32, #tpu.memory_space<hbm>> -> memref<2600000x16xf32, #tpu.memory_space<hbm>>
    tpu.wait_indirect_dma semaphore(%arg21 : memref<!tpu.dma_semaphore, #tpu.memory_space<semaphore_mem>>) src(%dma_wait3A_978 : memref<2600000x16xf32, #tpu.memory_space<hbm>>) dst(%arg16 : memref<1040x16xf32, #tpu.memory_space<vmem>>)
    %add3A_979 = arith.constant 40560 : i32
    %add3A_980 = arith.addi %mul3A_2, %add3A_979 : i32
    %dma_start3A_981 = arith.constant 0 : i32
    %dma_start3A_982 = tpu.memref_slice %arg5[%add3A_980, %dma_start3A_981] : memref<2129920x16xf32, #tpu.memory_space<hbm>> -> memref<1040x16xf32, #tpu.memory_space<hbm>>
    %dma_start3A_983 = arith.constant 0 : i32
    %dma_start3A_984 = tpu.memref_slice %arg5[%add3A_980, %dma_start3A_983] : memref<2129920x16xf32, #tpu.memory_space<hbm>> -> memref<1040x16xf32, #tpu.memory_space<hbm>>
    tpu.enqueue_dma source(%arg16 : memref<1040x16xf32, #tpu.memory_space<vmem>>) target(%dma_start3A_984 : memref<1040x16xf32, #tpu.memory_space<hbm>>) target_semaphore(%arg26 : memref<!tpu.dma_semaphore, #tpu.memory_space<semaphore_mem>>)
    %add3A_985 = arith.constant 44720 : i32
    %add3A_986 = arith.addi %mul3A_2, %add3A_985 : i32
    "tpu.region"() ({
      %run_scoped3A = tpu.sem_alloc : memref<!tpu.dma_semaphore, #tpu.memory_space<semaphore_mem>>
      %dma_start3A_1536 = tpu.memref_slice %arg3[%add3A_986] : memref<2129920xi32, #tpu.memory_space<hbm>> -> memref<1040xi32, #tpu.memory_space<hbm>>
      %dma_start3A_1537 = tpu.memref_slice %arg3[%add3A_986] : memref<2129920xi32, #tpu.memory_space<hbm>> -> memref<1040xi32, #tpu.memory_space<hbm>>
      tpu.enqueue_dma source(%dma_start3A_1537 : memref<1040xi32, #tpu.memory_space<hbm>>) target(%arg10 : memref<1040xi32, #tpu.memory_space<vmem>>) target_semaphore(%run_scoped3A : memref<!tpu.dma_semaphore, #tpu.memory_space<semaphore_mem>>)
      %dma_wait3A_1538 = tpu.memref_slice %arg3[%add3A_986] : memref<2129920xi32, #tpu.memory_space<hbm>> -> memref<1040xi32, #tpu.memory_space<hbm>>
      %dma_wait3A_1539 = tpu.memref_slice %arg3[%add3A_986] : memref<2129920xi32, #tpu.memory_space<hbm>> -> memref<1040xi32, #tpu.memory_space<hbm>>
      tpu.wait_dma2 semaphore(%run_scoped3A : memref<!tpu.dma_semaphore, #tpu.memory_space<semaphore_mem>>) src(%dma_wait3A_1539 : memref<1040xi32, #tpu.memory_space<hbm>>) dst(%arg10 : memref<1040xi32, #tpu.memory_space<vmem>>)
      tpu.yield
    }) : () -> ()
    %scan3A_987 = arith.constant 0 : i32
    %scan3A_988 = arith.constant 0 : i32
    %scan3A_989 = arith.constant 65 : i32
    %scan3A_990 = arith.addi %scan3A_988, %scan3A_989 : i32
    %scan3A_991 = arith.constant 1 : i32
    scf.for %scan3A_1536 = %scan3A_988 to %scan3A_990 step %scan3A_991  : i32 {
      %mul3A_1537 = arith.constant 16 : i32
      %mul3A_1538 = arith.muli %scan3A_1536, %mul3A_1537 : i32
      %multiple_of3A = tpu.assume_multiple %mul3A_1538, 16 : i32
      %get3A = arith.index_cast %multiple_of3A : i32 to index
      %get3A_1539 = tpu.vector_load %arg10[%get3A] {strides = array<i32>} : memref<1040xi32, #tpu.memory_space<vmem>>, vector<16xi32>,
      %get3A_1540 = vector.shape_cast %get3A_1539 : vector<16xi32> to vector<16xi32>
      %get3A_1541 = arith.index_cast %multiple_of3A : i32 to index
      %get3A_1542 = tpu.vector_load %arg6[%get3A_1541] {strides = array<i32>} : memref<1040xi32, #tpu.memory_space<vmem>>, vector<16xi32>,
      %get3A_1543 = vector.shape_cast %get3A_1542 : vector<16xi32> to vector<16xi32>
      %add3A_1544 = arith.addi %get3A_1540, %get3A_1543 : vector<16xi32>
      %swap3A = arith.index_cast %multiple_of3A : i32 to index
      %swap3A_1545 = tpu.vector_load %arg10[%swap3A] {strides = array<i32>} : memref<1040xi32, #tpu.memory_space<vmem>>, vector<16xi32>,
      %swap3A_1546 = vector.shape_cast %swap3A_1545 : vector<16xi32> to vector<16xi32>
      %swap3A_1547 = vector.shape_cast %add3A_1544 : vector<16xi32> to vector<16xi32>
      tpu.vector_store %arg10[%swap3A], %swap3A_1547 {strides = array<i32>} : memref<1040xi32, #tpu.memory_space<vmem>>, vector<16xi32>,
    }
    %scan3A_992 = arith.constant 65 : i32
    %dma_wait3A_993 = arith.constant 0 : i32
    %dma_wait3A_994 = tpu.memref_slice %arg5[%add3A_956, %dma_wait3A_993] : memref<2129920x16xf32, #tpu.memory_space<hbm>> -> memref<1040x16xf32, #tpu.memory_space<hbm>>
    %dma_wait3A_995 = arith.constant 0 : i32
    %dma_wait3A_996 = tpu.memref_slice %arg5[%add3A_956, %dma_wait3A_995] : memref<2129920x16xf32, #tpu.memory_space<hbm>> -> memref<1040x16xf32, #tpu.memory_space<hbm>>
    tpu.wait_dma2 semaphore(%arg25 : memref<!tpu.dma_semaphore, #tpu.memory_space<semaphore_mem>>) src(%arg15 : memref<1040x16xf32, #tpu.memory_space<vmem>>) dst(%dma_wait3A_996 : memref<1040x16xf32, #tpu.memory_space<hbm>>)
    %dma_start3A_997 = arith.constant 0 : i32
    %dma_start3A_998 = arith.constant 0 : i32
    %dma_start3A_999 = tpu.memref_slice %arg2[%dma_start3A_997, %dma_start3A_998] : memref<2600000x16xf32, #tpu.memory_space<hbm>> -> memref<2600000x16xf32, #tpu.memory_space<hbm>>
    tpu.enqueue_indirect_dma source(%dma_start3A_999 : memref<2600000x16xf32, #tpu.memory_space<hbm>>) target(%arg15 : memref<1040x16xf32, #tpu.memory_space<vmem>>) offsets(%arg10 : memref<1040xi32, #tpu.memory_space<vmem>>) semaphore(%arg20 : memref<!tpu.dma_semaphore, #tpu.memory_space<semaphore_mem>>)
    %dma_wait3A_1000 = arith.constant 0 : i32
    %dma_wait3A_1001 = arith.constant 0 : i32
    %dma_wait3A_1002 = tpu.memref_slice %arg2[%dma_wait3A_1000, %dma_wait3A_1001] : memref<2600000x16xf32, #tpu.memory_space<hbm>> -> memref<2600000x16xf32, #tpu.memory_space<hbm>>
    tpu.wait_indirect_dma semaphore(%arg17 : memref<!tpu.dma_semaphore, #tpu.memory_space<semaphore_mem>>) src(%dma_wait3A_1002 : memref<2600000x16xf32, #tpu.memory_space<hbm>>) dst(%arg12 : memref<1040x16xf32, #tpu.memory_space<vmem>>)
    %add3A_1003 = arith.constant 41600 : i32
    %add3A_1004 = arith.addi %mul3A_2, %add3A_1003 : i32
    %dma_start3A_1005 = arith.constant 0 : i32
    %dma_start3A_1006 = tpu.memref_slice %arg5[%add3A_1004, %dma_start3A_1005] : memref<2129920x16xf32, #tpu.memory_space<hbm>> -> memref<1040x16xf32, #tpu.memory_space<hbm>>
    %dma_start3A_1007 = arith.constant 0 : i32
    %dma_start3A_1008 = tpu.memref_slice %arg5[%add3A_1004, %dma_start3A_1007] : memref<2129920x16xf32, #tpu.memory_space<hbm>> -> memref<1040x16xf32, #tpu.memory_space<hbm>>
    tpu.enqueue_dma source(%arg12 : memref<1040x16xf32, #tpu.memory_space<vmem>>) target(%dma_start3A_1008 : memref<1040x16xf32, #tpu.memory_space<hbm>>) target_semaphore(%arg22 : memref<!tpu.dma_semaphore, #tpu.memory_space<semaphore_mem>>)
    %add3A_1009 = arith.constant 45760 : i32
    %add3A_1010 = arith.addi %mul3A_2, %add3A_1009 : i32
    "tpu.region"() ({
      %run_scoped3A = tpu.sem_alloc : memref<!tpu.dma_semaphore, #tpu.memory_space<semaphore_mem>>
      %dma_start3A_1536 = tpu.memref_slice %arg3[%add3A_1010] : memref<2129920xi32, #tpu.memory_space<hbm>> -> memref<1040xi32, #tpu.memory_space<hbm>>
      %dma_start3A_1537 = tpu.memref_slice %arg3[%add3A_1010] : memref<2129920xi32, #tpu.memory_space<hbm>> -> memref<1040xi32, #tpu.memory_space<hbm>>
      tpu.enqueue_dma source(%dma_start3A_1537 : memref<1040xi32, #tpu.memory_space<hbm>>) target(%arg11 : memref<1040xi32, #tpu.memory_space<vmem>>) target_semaphore(%run_scoped3A : memref<!tpu.dma_semaphore, #tpu.memory_space<semaphore_mem>>)
      %dma_wait3A_1538 = tpu.memref_slice %arg3[%add3A_1010] : memref<2129920xi32, #tpu.memory_space<hbm>> -> memref<1040xi32, #tpu.memory_space<hbm>>
      %dma_wait3A_1539 = tpu.memref_slice %arg3[%add3A_1010] : memref<2129920xi32, #tpu.memory_space<hbm>> -> memref<1040xi32, #tpu.memory_space<hbm>>
      tpu.wait_dma2 semaphore(%run_scoped3A : memref<!tpu.dma_semaphore, #tpu.memory_space<semaphore_mem>>) src(%dma_wait3A_1539 : memref<1040xi32, #tpu.memory_space<hbm>>) dst(%arg11 : memref<1040xi32, #tpu.memory_space<vmem>>)
      tpu.yield
    }) : () -> ()
    %scan3A_1011 = arith.constant 0 : i32
    %scan3A_1012 = arith.constant 0 : i32
    %scan3A_1013 = arith.constant 65 : i32
    %scan3A_1014 = arith.addi %scan3A_1012, %scan3A_1013 : i32
    %scan3A_1015 = arith.constant 1 : i32
    scf.for %scan3A_1536 = %scan3A_1012 to %scan3A_1014 step %scan3A_1015  : i32 {
      %mul3A_1537 = arith.constant 16 : i32
      %mul3A_1538 = arith.muli %scan3A_1536, %mul3A_1537 : i32
      %multiple_of3A = tpu.assume_multiple %mul3A_1538, 16 : i32
      %get3A = arith.index_cast %multiple_of3A : i32 to index
      %get3A_1539 = tpu.vector_load %arg11[%get3A] {strides = array<i32>} : memref<1040xi32, #tpu.memory_space<vmem>>, vector<16xi32>,
      %get3A_1540 = vector.shape_cast %get3A_1539 : vector<16xi32> to vector<16xi32>
      %get3A_1541 = arith.index_cast %multiple_of3A : i32 to index
      %get3A_1542 = tpu.vector_load %arg6[%get3A_1541] {strides = array<i32>} : memref<1040xi32, #tpu.memory_space<vmem>>, vector<16xi32>,
      %get3A_1543 = vector.shape_cast %get3A_1542 : vector<16xi32> to vector<16xi32>
      %add3A_1544 = arith.addi %get3A_1540, %get3A_1543 : vector<16xi32>
      %swap3A = arith.index_cast %multiple_of3A : i32 to index
      %swap3A_1545 = tpu.vector_load %arg11[%swap3A] {strides = array<i32>} : memref<1040xi32, #tpu.memory_space<vmem>>, vector<16xi32>,
      %swap3A_1546 = vector.shape_cast %swap3A_1545 : vector<16xi32> to vector<16xi32>
      %swap3A_1547 = vector.shape_cast %add3A_1544 : vector<16xi32> to vector<16xi32>
      tpu.vector_store %arg11[%swap3A], %swap3A_1547 {strides = array<i32>} : memref<1040xi32, #tpu.memory_space<vmem>>, vector<16xi32>,
    }
    %scan3A_1016 = arith.constant 65 : i32
    %dma_wait3A_1017 = arith.constant 0 : i32
    %dma_wait3A_1018 = tpu.memref_slice %arg5[%add3A_980, %dma_wait3A_1017] : memref<2129920x16xf32, #tpu.memory_space<hbm>> -> memref<1040x16xf32, #tpu.memory_space<hbm>>
    %dma_wait3A_1019 = arith.constant 0 : i32
    %dma_wait3A_1020 = tpu.memref_slice %arg5[%add3A_980, %dma_wait3A_1019] : memref<2129920x16xf32, #tpu.memory_space<hbm>> -> memref<1040x16xf32, #tpu.memory_space<hbm>>
    tpu.wait_dma2 semaphore(%arg26 : memref<!tpu.dma_semaphore, #tpu.memory_space<semaphore_mem>>) src(%arg16 : memref<1040x16xf32, #tpu.memory_space<vmem>>) dst(%dma_wait3A_1020 : memref<1040x16xf32, #tpu.memory_space<hbm>>)
    %dma_start3A_1021 = arith.constant 0 : i32
    %dma_start3A_1022 = arith.constant 0 : i32
    %dma_start3A_1023 = tpu.memref_slice %arg2[%dma_start3A_1021, %dma_start3A_1022] : memref<2600000x16xf32, #tpu.memory_space<hbm>> -> memref<2600000x16xf32, #tpu.memory_space<hbm>>
    tpu.enqueue_indirect_dma source(%dma_start3A_1023 : memref<2600000x16xf32, #tpu.memory_space<hbm>>) target(%arg16 : memref<1040x16xf32, #tpu.memory_space<vmem>>) offsets(%arg11 : memref<1040xi32, #tpu.memory_space<vmem>>) semaphore(%arg21 : memref<!tpu.dma_semaphore, #tpu.memory_space<semaphore_mem>>)
    %dma_wait3A_1024 = arith.constant 0 : i32
    %dma_wait3A_1025 = arith.constant 0 : i32
    %dma_wait3A_1026 = tpu.memref_slice %arg2[%dma_wait3A_1024, %dma_wait3A_1025] : memref<2600000x16xf32, #tpu.memory_space<hbm>> -> memref<2600000x16xf32, #tpu.memory_space<hbm>>
    tpu.wait_indirect_dma semaphore(%arg18 : memref<!tpu.dma_semaphore, #tpu.memory_space<semaphore_mem>>) src(%dma_wait3A_1026 : memref<2600000x16xf32, #tpu.memory_space<hbm>>) dst(%arg13 : memref<1040x16xf32, #tpu.memory_space<vmem>>)
    %add3A_1027 = arith.constant 42640 : i32
    %add3A_1028 = arith.addi %mul3A_2, %add3A_1027 : i32
    %dma_start3A_1029 = arith.constant 0 : i32
    %dma_start3A_1030 = tpu.memref_slice %arg5[%add3A_1028, %dma_start3A_1029] : memref<2129920x16xf32, #tpu.memory_space<hbm>> -> memref<1040x16xf32, #tpu.memory_space<hbm>>
    %dma_start3A_1031 = arith.constant 0 : i32
    %dma_start3A_1032 = tpu.memref_slice %arg5[%add3A_1028, %dma_start3A_1031] : memref<2129920x16xf32, #tpu.memory_space<hbm>> -> memref<1040x16xf32, #tpu.memory_space<hbm>>
    tpu.enqueue_dma source(%arg13 : memref<1040x16xf32, #tpu.memory_space<vmem>>) target(%dma_start3A_1032 : memref<1040x16xf32, #tpu.memory_space<hbm>>) target_semaphore(%arg23 : memref<!tpu.dma_semaphore, #tpu.memory_space<semaphore_mem>>)
    %add3A_1033 = arith.constant 46800 : i32
    %add3A_1034 = arith.addi %mul3A_2, %add3A_1033 : i32
    "tpu.region"() ({
      %run_scoped3A = tpu.sem_alloc : memref<!tpu.dma_semaphore, #tpu.memory_space<semaphore_mem>>
      %dma_start3A_1536 = tpu.memref_slice %arg3[%add3A_1034] : memref<2129920xi32, #tpu.memory_space<hbm>> -> memref<1040xi32, #tpu.memory_space<hbm>>
      %dma_start3A_1537 = tpu.memref_slice %arg3[%add3A_1034] : memref<2129920xi32, #tpu.memory_space<hbm>> -> memref<1040xi32, #tpu.memory_space<hbm>>
      tpu.enqueue_dma source(%dma_start3A_1537 : memref<1040xi32, #tpu.memory_space<hbm>>) target(%arg7 : memref<1040xi32, #tpu.memory_space<vmem>>) target_semaphore(%run_scoped3A : memref<!tpu.dma_semaphore, #tpu.memory_space<semaphore_mem>>)
      %dma_wait3A_1538 = tpu.memref_slice %arg3[%add3A_1034] : memref<2129920xi32, #tpu.memory_space<hbm>> -> memref<1040xi32, #tpu.memory_space<hbm>>
      %dma_wait3A_1539 = tpu.memref_slice %arg3[%add3A_1034] : memref<2129920xi32, #tpu.memory_space<hbm>> -> memref<1040xi32, #tpu.memory_space<hbm>>
      tpu.wait_dma2 semaphore(%run_scoped3A : memref<!tpu.dma_semaphore, #tpu.memory_space<semaphore_mem>>) src(%dma_wait3A_1539 : memref<1040xi32, #tpu.memory_space<hbm>>) dst(%arg7 : memref<1040xi32, #tpu.memory_space<vmem>>)
      tpu.yield
    }) : () -> ()
    %scan3A_1035 = arith.constant 0 : i32
    %scan3A_1036 = arith.constant 0 : i32
    %scan3A_1037 = arith.constant 65 : i32
    %scan3A_1038 = arith.addi %scan3A_1036, %scan3A_1037 : i32
    %scan3A_1039 = arith.constant 1 : i32
    scf.for %scan3A_1536 = %scan3A_1036 to %scan3A_1038 step %scan3A_1039  : i32 {
      %mul3A_1537 = arith.constant 16 : i32
      %mul3A_1538 = arith.muli %scan3A_1536, %mul3A_1537 : i32
      %multiple_of3A = tpu.assume_multiple %mul3A_1538, 16 : i32
      %get3A = arith.index_cast %multiple_of3A : i32 to index
      %get3A_1539 = tpu.vector_load %arg7[%get3A] {strides = array<i32>} : memref<1040xi32, #tpu.memory_space<vmem>>, vector<16xi32>,
      %get3A_1540 = vector.shape_cast %get3A_1539 : vector<16xi32> to vector<16xi32>
      %get3A_1541 = arith.index_cast %multiple_of3A : i32 to index
      %get3A_1542 = tpu.vector_load %arg6[%get3A_1541] {strides = array<i32>} : memref<1040xi32, #tpu.memory_space<vmem>>, vector<16xi32>,
      %get3A_1543 = vector.shape_cast %get3A_1542 : vector<16xi32> to vector<16xi32>
      %add3A_1544 = arith.addi %get3A_1540, %get3A_1543 : vector<16xi32>
      %swap3A = arith.index_cast %multiple_of3A : i32 to index
      %swap3A_1545 = tpu.vector_load %arg7[%swap3A] {strides = array<i32>} : memref<1040xi32, #tpu.memory_space<vmem>>, vector<16xi32>,
      %swap3A_1546 = vector.shape_cast %swap3A_1545 : vector<16xi32> to vector<16xi32>
      %swap3A_1547 = vector.shape_cast %add3A_1544 : vector<16xi32> to vector<16xi32>
      tpu.vector_store %arg7[%swap3A], %swap3A_1547 {strides = array<i32>} : memref<1040xi32, #tpu.memory_space<vmem>>, vector<16xi32>,
    }
    %scan3A_1040 = arith.constant 65 : i32
    %dma_wait3A_1041 = arith.constant 0 : i32
    %dma_wait3A_1042 = tpu.memref_slice %arg5[%add3A_1004, %dma_wait3A_1041] : memref<2129920x16xf32, #tpu.memory_space<hbm>> -> memref<1040x16xf32, #tpu.memory_space<hbm>>
    %dma_wait3A_1043 = arith.constant 0 : i32
    %dma_wait3A_1044 = tpu.memref_slice %arg5[%add3A_1004, %dma_wait3A_1043] : memref<2129920x16xf32, #tpu.memory_space<hbm>> -> memref<1040x16xf32, #tpu.memory_space<hbm>>
    tpu.wait_dma2 semaphore(%arg22 : memref<!tpu.dma_semaphore, #tpu.memory_space<semaphore_mem>>) src(%arg12 : memref<1040x16xf32, #tpu.memory_space<vmem>>) dst(%dma_wait3A_1044 : memref<1040x16xf32, #tpu.memory_space<hbm>>)
    %dma_start3A_1045 = arith.constant 0 : i32
    %dma_start3A_1046 = arith.constant 0 : i32
    %dma_start3A_1047 = tpu.memref_slice %arg2[%dma_start3A_1045, %dma_start3A_1046] : memref<2600000x16xf32, #tpu.memory_space<hbm>> -> memref<2600000x16xf32, #tpu.memory_space<hbm>>
    tpu.enqueue_indirect_dma source(%dma_start3A_1047 : memref<2600000x16xf32, #tpu.memory_space<hbm>>) target(%arg12 : memref<1040x16xf32, #tpu.memory_space<vmem>>) offsets(%arg7 : memref<1040xi32, #tpu.memory_space<vmem>>) semaphore(%arg17 : memref<!tpu.dma_semaphore, #tpu.memory_space<semaphore_mem>>)
    %dma_wait3A_1048 = arith.constant 0 : i32
    %dma_wait3A_1049 = arith.constant 0 : i32
    %dma_wait3A_1050 = tpu.memref_slice %arg2[%dma_wait3A_1048, %dma_wait3A_1049] : memref<2600000x16xf32, #tpu.memory_space<hbm>> -> memref<2600000x16xf32, #tpu.memory_space<hbm>>
    tpu.wait_indirect_dma semaphore(%arg19 : memref<!tpu.dma_semaphore, #tpu.memory_space<semaphore_mem>>) src(%dma_wait3A_1050 : memref<2600000x16xf32, #tpu.memory_space<hbm>>) dst(%arg14 : memref<1040x16xf32, #tpu.memory_space<vmem>>)
    %add3A_1051 = arith.constant 43680 : i32
    %add3A_1052 = arith.addi %mul3A_2, %add3A_1051 : i32
    %dma_start3A_1053 = arith.constant 0 : i32
    %dma_start3A_1054 = tpu.memref_slice %arg5[%add3A_1052, %dma_start3A_1053] : memref<2129920x16xf32, #tpu.memory_space<hbm>> -> memref<1040x16xf32, #tpu.memory_space<hbm>>
    %dma_start3A_1055 = arith.constant 0 : i32
    %dma_start3A_1056 = tpu.memref_slice %arg5[%add3A_1052, %dma_start3A_1055] : memref<2129920x16xf32, #tpu.memory_space<hbm>> -> memref<1040x16xf32, #tpu.memory_space<hbm>>
    tpu.enqueue_dma source(%arg14 : memref<1040x16xf32, #tpu.memory_space<vmem>>) target(%dma_start3A_1056 : memref<1040x16xf32, #tpu.memory_space<hbm>>) target_semaphore(%arg24 : memref<!tpu.dma_semaphore, #tpu.memory_space<semaphore_mem>>)
    %add3A_1057 = arith.constant 47840 : i32
    %add3A_1058 = arith.addi %mul3A_2, %add3A_1057 : i32
    "tpu.region"() ({
      %run_scoped3A = tpu.sem_alloc : memref<!tpu.dma_semaphore, #tpu.memory_space<semaphore_mem>>
      %dma_start3A_1536 = tpu.memref_slice %arg3[%add3A_1058] : memref<2129920xi32, #tpu.memory_space<hbm>> -> memref<1040xi32, #tpu.memory_space<hbm>>
      %dma_start3A_1537 = tpu.memref_slice %arg3[%add3A_1058] : memref<2129920xi32, #tpu.memory_space<hbm>> -> memref<1040xi32, #tpu.memory_space<hbm>>
      tpu.enqueue_dma source(%dma_start3A_1537 : memref<1040xi32, #tpu.memory_space<hbm>>) target(%arg8 : memref<1040xi32, #tpu.memory_space<vmem>>) target_semaphore(%run_scoped3A : memref<!tpu.dma_semaphore, #tpu.memory_space<semaphore_mem>>)
      %dma_wait3A_1538 = tpu.memref_slice %arg3[%add3A_1058] : memref<2129920xi32, #tpu.memory_space<hbm>> -> memref<1040xi32, #tpu.memory_space<hbm>>
      %dma_wait3A_1539 = tpu.memref_slice %arg3[%add3A_1058] : memref<2129920xi32, #tpu.memory_space<hbm>> -> memref<1040xi32, #tpu.memory_space<hbm>>
      tpu.wait_dma2 semaphore(%run_scoped3A : memref<!tpu.dma_semaphore, #tpu.memory_space<semaphore_mem>>) src(%dma_wait3A_1539 : memref<1040xi32, #tpu.memory_space<hbm>>) dst(%arg8 : memref<1040xi32, #tpu.memory_space<vmem>>)
      tpu.yield
    }) : () -> ()
    %scan3A_1059 = arith.constant 0 : i32
    %scan3A_1060 = arith.constant 0 : i32
    %scan3A_1061 = arith.constant 65 : i32
    %scan3A_1062 = arith.addi %scan3A_1060, %scan3A_1061 : i32
    %scan3A_1063 = arith.constant 1 : i32
    scf.for %scan3A_1536 = %scan3A_1060 to %scan3A_1062 step %scan3A_1063  : i32 {
      %mul3A_1537 = arith.constant 16 : i32
      %mul3A_1538 = arith.muli %scan3A_1536, %mul3A_1537 : i32
      %multiple_of3A = tpu.assume_multiple %mul3A_1538, 16 : i32
      %get3A = arith.index_cast %multiple_of3A : i32 to index
      %get3A_1539 = tpu.vector_load %arg8[%get3A] {strides = array<i32>} : memref<1040xi32, #tpu.memory_space<vmem>>, vector<16xi32>,
      %get3A_1540 = vector.shape_cast %get3A_1539 : vector<16xi32> to vector<16xi32>
      %get3A_1541 = arith.index_cast %multiple_of3A : i32 to index
      %get3A_1542 = tpu.vector_load %arg6[%get3A_1541] {strides = array<i32>} : memref<1040xi32, #tpu.memory_space<vmem>>, vector<16xi32>,
      %get3A_1543 = vector.shape_cast %get3A_1542 : vector<16xi32> to vector<16xi32>
      %add3A_1544 = arith.addi %get3A_1540, %get3A_1543 : vector<16xi32>
      %swap3A = arith.index_cast %multiple_of3A : i32 to index
      %swap3A_1545 = tpu.vector_load %arg8[%swap3A] {strides = array<i32>} : memref<1040xi32, #tpu.memory_space<vmem>>, vector<16xi32>,
      %swap3A_1546 = vector.shape_cast %swap3A_1545 : vector<16xi32> to vector<16xi32>
      %swap3A_1547 = vector.shape_cast %add3A_1544 : vector<16xi32> to vector<16xi32>
      tpu.vector_store %arg8[%swap3A], %swap3A_1547 {strides = array<i32>} : memref<1040xi32, #tpu.memory_space<vmem>>, vector<16xi32>,
    }
    %scan3A_1064 = arith.constant 65 : i32
    %dma_wait3A_1065 = arith.constant 0 : i32
    %dma_wait3A_1066 = tpu.memref_slice %arg5[%add3A_1028, %dma_wait3A_1065] : memref<2129920x16xf32, #tpu.memory_space<hbm>> -> memref<1040x16xf32, #tpu.memory_space<hbm>>
    %dma_wait3A_1067 = arith.constant 0 : i32
    %dma_wait3A_1068 = tpu.memref_slice %arg5[%add3A_1028, %dma_wait3A_1067] : memref<2129920x16xf32, #tpu.memory_space<hbm>> -> memref<1040x16xf32, #tpu.memory_space<hbm>>
    tpu.wait_dma2 semaphore(%arg23 : memref<!tpu.dma_semaphore, #tpu.memory_space<semaphore_mem>>) src(%arg13 : memref<1040x16xf32, #tpu.memory_space<vmem>>) dst(%dma_wait3A_1068 : memref<1040x16xf32, #tpu.memory_space<hbm>>)
    %dma_start3A_1069 = arith.constant 0 : i32
    %dma_start3A_1070 = arith.constant 0 : i32
    %dma_start3A_1071 = tpu.memref_slice %arg2[%dma_start3A_1069, %dma_start3A_1070] : memref<2600000x16xf32, #tpu.memory_space<hbm>> -> memref<2600000x16xf32, #tpu.memory_space<hbm>>
    tpu.enqueue_indirect_dma source(%dma_start3A_1071 : memref<2600000x16xf32, #tpu.memory_space<hbm>>) target(%arg13 : memref<1040x16xf32, #tpu.memory_space<vmem>>) offsets(%arg8 : memref<1040xi32, #tpu.memory_space<vmem>>) semaphore(%arg18 : memref<!tpu.dma_semaphore, #tpu.memory_space<semaphore_mem>>)
    %dma_wait3A_1072 = arith.constant 0 : i32
    %dma_wait3A_1073 = arith.constant 0 : i32
    %dma_wait3A_1074 = tpu.memref_slice %arg2[%dma_wait3A_1072, %dma_wait3A_1073] : memref<2600000x16xf32, #tpu.memory_space<hbm>> -> memref<2600000x16xf32, #tpu.memory_space<hbm>>
    tpu.wait_indirect_dma semaphore(%arg20 : memref<!tpu.dma_semaphore, #tpu.memory_space<semaphore_mem>>) src(%dma_wait3A_1074 : memref<2600000x16xf32, #tpu.memory_space<hbm>>) dst(%arg15 : memref<1040x16xf32, #tpu.memory_space<vmem>>)
    %add3A_1075 = arith.constant 44720 : i32
    %add3A_1076 = arith.addi %mul3A_2, %add3A_1075 : i32
    %dma_start3A_1077 = arith.constant 0 : i32
    %dma_start3A_1078 = tpu.memref_slice %arg5[%add3A_1076, %dma_start3A_1077] : memref<2129920x16xf32, #tpu.memory_space<hbm>> -> memref<1040x16xf32, #tpu.memory_space<hbm>>
    %dma_start3A_1079 = arith.constant 0 : i32
    %dma_start3A_1080 = tpu.memref_slice %arg5[%add3A_1076, %dma_start3A_1079] : memref<2129920x16xf32, #tpu.memory_space<hbm>> -> memref<1040x16xf32, #tpu.memory_space<hbm>>
    tpu.enqueue_dma source(%arg15 : memref<1040x16xf32, #tpu.memory_space<vmem>>) target(%dma_start3A_1080 : memref<1040x16xf32, #tpu.memory_space<hbm>>) target_semaphore(%arg25 : memref<!tpu.dma_semaphore, #tpu.memory_space<semaphore_mem>>)
    %add3A_1081 = arith.constant 48880 : i32
    %add3A_1082 = arith.addi %mul3A_2, %add3A_1081 : i32
    "tpu.region"() ({
      %run_scoped3A = tpu.sem_alloc : memref<!tpu.dma_semaphore, #tpu.memory_space<semaphore_mem>>
      %dma_start3A_1536 = tpu.memref_slice %arg3[%add3A_1082] : memref<2129920xi32, #tpu.memory_space<hbm>> -> memref<1040xi32, #tpu.memory_space<hbm>>
      %dma_start3A_1537 = tpu.memref_slice %arg3[%add3A_1082] : memref<2129920xi32, #tpu.memory_space<hbm>> -> memref<1040xi32, #tpu.memory_space<hbm>>
      tpu.enqueue_dma source(%dma_start3A_1537 : memref<1040xi32, #tpu.memory_space<hbm>>) target(%arg9 : memref<1040xi32, #tpu.memory_space<vmem>>) target_semaphore(%run_scoped3A : memref<!tpu.dma_semaphore, #tpu.memory_space<semaphore_mem>>)
      %dma_wait3A_1538 = tpu.memref_slice %arg3[%add3A_1082] : memref<2129920xi32, #tpu.memory_space<hbm>> -> memref<1040xi32, #tpu.memory_space<hbm>>
      %dma_wait3A_1539 = tpu.memref_slice %arg3[%add3A_1082] : memref<2129920xi32, #tpu.memory_space<hbm>> -> memref<1040xi32, #tpu.memory_space<hbm>>
      tpu.wait_dma2 semaphore(%run_scoped3A : memref<!tpu.dma_semaphore, #tpu.memory_space<semaphore_mem>>) src(%dma_wait3A_1539 : memref<1040xi32, #tpu.memory_space<hbm>>) dst(%arg9 : memref<1040xi32, #tpu.memory_space<vmem>>)
      tpu.yield
    }) : () -> ()
    %scan3A_1083 = arith.constant 0 : i32
    %scan3A_1084 = arith.constant 0 : i32
    %scan3A_1085 = arith.constant 65 : i32
    %scan3A_1086 = arith.addi %scan3A_1084, %scan3A_1085 : i32
    %scan3A_1087 = arith.constant 1 : i32
    scf.for %scan3A_1536 = %scan3A_1084 to %scan3A_1086 step %scan3A_1087  : i32 {
      %mul3A_1537 = arith.constant 16 : i32
      %mul3A_1538 = arith.muli %scan3A_1536, %mul3A_1537 : i32
      %multiple_of3A = tpu.assume_multiple %mul3A_1538, 16 : i32
      %get3A = arith.index_cast %multiple_of3A : i32 to index
      %get3A_1539 = tpu.vector_load %arg9[%get3A] {strides = array<i32>} : memref<1040xi32, #tpu.memory_space<vmem>>, vector<16xi32>,
      %get3A_1540 = vector.shape_cast %get3A_1539 : vector<16xi32> to vector<16xi32>
      %get3A_1541 = arith.index_cast %multiple_of3A : i32 to index
      %get3A_1542 = tpu.vector_load %arg6[%get3A_1541] {strides = array<i32>} : memref<1040xi32, #tpu.memory_space<vmem>>, vector<16xi32>,
      %get3A_1543 = vector.shape_cast %get3A_1542 : vector<16xi32> to vector<16xi32>
      %add3A_1544 = arith.addi %get3A_1540, %get3A_1543 : vector<16xi32>
      %swap3A = arith.index_cast %multiple_of3A : i32 to index
      %swap3A_1545 = tpu.vector_load %arg9[%swap3A] {strides = array<i32>} : memref<1040xi32, #tpu.memory_space<vmem>>, vector<16xi32>,
      %swap3A_1546 = vector.shape_cast %swap3A_1545 : vector<16xi32> to vector<16xi32>
      %swap3A_1547 = vector.shape_cast %add3A_1544 : vector<16xi32> to vector<16xi32>
      tpu.vector_store %arg9[%swap3A], %swap3A_1547 {strides = array<i32>} : memref<1040xi32, #tpu.memory_space<vmem>>, vector<16xi32>,
    }
    %scan3A_1088 = arith.constant 65 : i32
    %dma_wait3A_1089 = arith.constant 0 : i32
    %dma_wait3A_1090 = tpu.memref_slice %arg5[%add3A_1052, %dma_wait3A_1089] : memref<2129920x16xf32, #tpu.memory_space<hbm>> -> memref<1040x16xf32, #tpu.memory_space<hbm>>
    %dma_wait3A_1091 = arith.constant 0 : i32
    %dma_wait3A_1092 = tpu.memref_slice %arg5[%add3A_1052, %dma_wait3A_1091] : memref<2129920x16xf32, #tpu.memory_space<hbm>> -> memref<1040x16xf32, #tpu.memory_space<hbm>>
    tpu.wait_dma2 semaphore(%arg24 : memref<!tpu.dma_semaphore, #tpu.memory_space<semaphore_mem>>) src(%arg14 : memref<1040x16xf32, #tpu.memory_space<vmem>>) dst(%dma_wait3A_1092 : memref<1040x16xf32, #tpu.memory_space<hbm>>)
    %dma_start3A_1093 = arith.constant 0 : i32
    %dma_start3A_1094 = arith.constant 0 : i32
    %dma_start3A_1095 = tpu.memref_slice %arg2[%dma_start3A_1093, %dma_start3A_1094] : memref<2600000x16xf32, #tpu.memory_space<hbm>> -> memref<2600000x16xf32, #tpu.memory_space<hbm>>
    tpu.enqueue_indirect_dma source(%dma_start3A_1095 : memref<2600000x16xf32, #tpu.memory_space<hbm>>) target(%arg14 : memref<1040x16xf32, #tpu.memory_space<vmem>>) offsets(%arg9 : memref<1040xi32, #tpu.memory_space<vmem>>) semaphore(%arg19 : memref<!tpu.dma_semaphore, #tpu.memory_space<semaphore_mem>>)
    %dma_wait3A_1096 = arith.constant 0 : i32
    %dma_wait3A_1097 = arith.constant 0 : i32
    %dma_wait3A_1098 = tpu.memref_slice %arg2[%dma_wait3A_1096, %dma_wait3A_1097] : memref<2600000x16xf32, #tpu.memory_space<hbm>> -> memref<2600000x16xf32, #tpu.memory_space<hbm>>
    tpu.wait_indirect_dma semaphore(%arg21 : memref<!tpu.dma_semaphore, #tpu.memory_space<semaphore_mem>>) src(%dma_wait3A_1098 : memref<2600000x16xf32, #tpu.memory_space<hbm>>) dst(%arg16 : memref<1040x16xf32, #tpu.memory_space<vmem>>)
    %add3A_1099 = arith.constant 45760 : i32
    %add3A_1100 = arith.addi %mul3A_2, %add3A_1099 : i32
    %dma_start3A_1101 = arith.constant 0 : i32
    %dma_start3A_1102 = tpu.memref_slice %arg5[%add3A_1100, %dma_start3A_1101] : memref<2129920x16xf32, #tpu.memory_space<hbm>> -> memref<1040x16xf32, #tpu.memory_space<hbm>>
    %dma_start3A_1103 = arith.constant 0 : i32
    %dma_start3A_1104 = tpu.memref_slice %arg5[%add3A_1100, %dma_start3A_1103] : memref<2129920x16xf32, #tpu.memory_space<hbm>> -> memref<1040x16xf32, #tpu.memory_space<hbm>>
    tpu.enqueue_dma source(%arg16 : memref<1040x16xf32, #tpu.memory_space<vmem>>) target(%dma_start3A_1104 : memref<1040x16xf32, #tpu.memory_space<hbm>>) target_semaphore(%arg26 : memref<!tpu.dma_semaphore, #tpu.memory_space<semaphore_mem>>)
    %add3A_1105 = arith.constant 49920 : i32
    %add3A_1106 = arith.addi %mul3A_2, %add3A_1105 : i32
    "tpu.region"() ({
      %run_scoped3A = tpu.sem_alloc : memref<!tpu.dma_semaphore, #tpu.memory_space<semaphore_mem>>
      %dma_start3A_1536 = tpu.memref_slice %arg3[%add3A_1106] : memref<2129920xi32, #tpu.memory_space<hbm>> -> memref<1040xi32, #tpu.memory_space<hbm>>
      %dma_start3A_1537 = tpu.memref_slice %arg3[%add3A_1106] : memref<2129920xi32, #tpu.memory_space<hbm>> -> memref<1040xi32, #tpu.memory_space<hbm>>
      tpu.enqueue_dma source(%dma_start3A_1537 : memref<1040xi32, #tpu.memory_space<hbm>>) target(%arg10 : memref<1040xi32, #tpu.memory_space<vmem>>) target_semaphore(%run_scoped3A : memref<!tpu.dma_semaphore, #tpu.memory_space<semaphore_mem>>)
      %dma_wait3A_1538 = tpu.memref_slice %arg3[%add3A_1106] : memref<2129920xi32, #tpu.memory_space<hbm>> -> memref<1040xi32, #tpu.memory_space<hbm>>
      %dma_wait3A_1539 = tpu.memref_slice %arg3[%add3A_1106] : memref<2129920xi32, #tpu.memory_space<hbm>> -> memref<1040xi32, #tpu.memory_space<hbm>>
      tpu.wait_dma2 semaphore(%run_scoped3A : memref<!tpu.dma_semaphore, #tpu.memory_space<semaphore_mem>>) src(%dma_wait3A_1539 : memref<1040xi32, #tpu.memory_space<hbm>>) dst(%arg10 : memref<1040xi32, #tpu.memory_space<vmem>>)
      tpu.yield
    }) : () -> ()
    %scan3A_1107 = arith.constant 0 : i32
    %scan3A_1108 = arith.constant 0 : i32
    %scan3A_1109 = arith.constant 65 : i32
    %scan3A_1110 = arith.addi %scan3A_1108, %scan3A_1109 : i32
    %scan3A_1111 = arith.constant 1 : i32
    scf.for %scan3A_1536 = %scan3A_1108 to %scan3A_1110 step %scan3A_1111  : i32 {
      %mul3A_1537 = arith.constant 16 : i32
      %mul3A_1538 = arith.muli %scan3A_1536, %mul3A_1537 : i32
      %multiple_of3A = tpu.assume_multiple %mul3A_1538, 16 : i32
      %get3A = arith.index_cast %multiple_of3A : i32 to index
      %get3A_1539 = tpu.vector_load %arg10[%get3A] {strides = array<i32>} : memref<1040xi32, #tpu.memory_space<vmem>>, vector<16xi32>,
      %get3A_1540 = vector.shape_cast %get3A_1539 : vector<16xi32> to vector<16xi32>
      %get3A_1541 = arith.index_cast %multiple_of3A : i32 to index
      %get3A_1542 = tpu.vector_load %arg6[%get3A_1541] {strides = array<i32>} : memref<1040xi32, #tpu.memory_space<vmem>>, vector<16xi32>,
      %get3A_1543 = vector.shape_cast %get3A_1542 : vector<16xi32> to vector<16xi32>
      %add3A_1544 = arith.addi %get3A_1540, %get3A_1543 : vector<16xi32>
      %swap3A = arith.index_cast %multiple_of3A : i32 to index
      %swap3A_1545 = tpu.vector_load %arg10[%swap3A] {strides = array<i32>} : memref<1040xi32, #tpu.memory_space<vmem>>, vector<16xi32>,
      %swap3A_1546 = vector.shape_cast %swap3A_1545 : vector<16xi32> to vector<16xi32>
      %swap3A_1547 = vector.shape_cast %add3A_1544 : vector<16xi32> to vector<16xi32>
      tpu.vector_store %arg10[%swap3A], %swap3A_1547 {strides = array<i32>} : memref<1040xi32, #tpu.memory_space<vmem>>, vector<16xi32>,
    }
    %scan3A_1112 = arith.constant 65 : i32
    %dma_wait3A_1113 = arith.constant 0 : i32
    %dma_wait3A_1114 = tpu.memref_slice %arg5[%add3A_1076, %dma_wait3A_1113] : memref<2129920x16xf32, #tpu.memory_space<hbm>> -> memref<1040x16xf32, #tpu.memory_space<hbm>>
    %dma_wait3A_1115 = arith.constant 0 : i32
    %dma_wait3A_1116 = tpu.memref_slice %arg5[%add3A_1076, %dma_wait3A_1115] : memref<2129920x16xf32, #tpu.memory_space<hbm>> -> memref<1040x16xf32, #tpu.memory_space<hbm>>
    tpu.wait_dma2 semaphore(%arg25 : memref<!tpu.dma_semaphore, #tpu.memory_space<semaphore_mem>>) src(%arg15 : memref<1040x16xf32, #tpu.memory_space<vmem>>) dst(%dma_wait3A_1116 : memref<1040x16xf32, #tpu.memory_space<hbm>>)
    %dma_start3A_1117 = arith.constant 0 : i32
    %dma_start3A_1118 = arith.constant 0 : i32
    %dma_start3A_1119 = tpu.memref_slice %arg2[%dma_start3A_1117, %dma_start3A_1118] : memref<2600000x16xf32, #tpu.memory_space<hbm>> -> memref<2600000x16xf32, #tpu.memory_space<hbm>>
    tpu.enqueue_indirect_dma source(%dma_start3A_1119 : memref<2600000x16xf32, #tpu.memory_space<hbm>>) target(%arg15 : memref<1040x16xf32, #tpu.memory_space<vmem>>) offsets(%arg10 : memref<1040xi32, #tpu.memory_space<vmem>>) semaphore(%arg20 : memref<!tpu.dma_semaphore, #tpu.memory_space<semaphore_mem>>)
    %dma_wait3A_1120 = arith.constant 0 : i32
    %dma_wait3A_1121 = arith.constant 0 : i32
    %dma_wait3A_1122 = tpu.memref_slice %arg2[%dma_wait3A_1120, %dma_wait3A_1121] : memref<2600000x16xf32, #tpu.memory_space<hbm>> -> memref<2600000x16xf32, #tpu.memory_space<hbm>>
    tpu.wait_indirect_dma semaphore(%arg17 : memref<!tpu.dma_semaphore, #tpu.memory_space<semaphore_mem>>) src(%dma_wait3A_1122 : memref<2600000x16xf32, #tpu.memory_space<hbm>>) dst(%arg12 : memref<1040x16xf32, #tpu.memory_space<vmem>>)
    %add3A_1123 = arith.constant 46800 : i32
    %add3A_1124 = arith.addi %mul3A_2, %add3A_1123 : i32
    %dma_start3A_1125 = arith.constant 0 : i32
    %dma_start3A_1126 = tpu.memref_slice %arg5[%add3A_1124, %dma_start3A_1125] : memref<2129920x16xf32, #tpu.memory_space<hbm>> -> memref<1040x16xf32, #tpu.memory_space<hbm>>
    %dma_start3A_1127 = arith.constant 0 : i32
    %dma_start3A_1128 = tpu.memref_slice %arg5[%add3A_1124, %dma_start3A_1127] : memref<2129920x16xf32, #tpu.memory_space<hbm>> -> memref<1040x16xf32, #tpu.memory_space<hbm>>
    tpu.enqueue_dma source(%arg12 : memref<1040x16xf32, #tpu.memory_space<vmem>>) target(%dma_start3A_1128 : memref<1040x16xf32, #tpu.memory_space<hbm>>) target_semaphore(%arg22 : memref<!tpu.dma_semaphore, #tpu.memory_space<semaphore_mem>>)
    %add3A_1129 = arith.constant 50960 : i32
    %add3A_1130 = arith.addi %mul3A_2, %add3A_1129 : i32
    "tpu.region"() ({
      %run_scoped3A = tpu.sem_alloc : memref<!tpu.dma_semaphore, #tpu.memory_space<semaphore_mem>>
      %dma_start3A_1536 = tpu.memref_slice %arg3[%add3A_1130] : memref<2129920xi32, #tpu.memory_space<hbm>> -> memref<1040xi32, #tpu.memory_space<hbm>>
      %dma_start3A_1537 = tpu.memref_slice %arg3[%add3A_1130] : memref<2129920xi32, #tpu.memory_space<hbm>> -> memref<1040xi32, #tpu.memory_space<hbm>>
      tpu.enqueue_dma source(%dma_start3A_1537 : memref<1040xi32, #tpu.memory_space<hbm>>) target(%arg11 : memref<1040xi32, #tpu.memory_space<vmem>>) target_semaphore(%run_scoped3A : memref<!tpu.dma_semaphore, #tpu.memory_space<semaphore_mem>>)
      %dma_wait3A_1538 = tpu.memref_slice %arg3[%add3A_1130] : memref<2129920xi32, #tpu.memory_space<hbm>> -> memref<1040xi32, #tpu.memory_space<hbm>>
      %dma_wait3A_1539 = tpu.memref_slice %arg3[%add3A_1130] : memref<2129920xi32, #tpu.memory_space<hbm>> -> memref<1040xi32, #tpu.memory_space<hbm>>
      tpu.wait_dma2 semaphore(%run_scoped3A : memref<!tpu.dma_semaphore, #tpu.memory_space<semaphore_mem>>) src(%dma_wait3A_1539 : memref<1040xi32, #tpu.memory_space<hbm>>) dst(%arg11 : memref<1040xi32, #tpu.memory_space<vmem>>)
      tpu.yield
    }) : () -> ()
    %scan3A_1131 = arith.constant 0 : i32
    %scan3A_1132 = arith.constant 0 : i32
    %scan3A_1133 = arith.constant 65 : i32
    %scan3A_1134 = arith.addi %scan3A_1132, %scan3A_1133 : i32
    %scan3A_1135 = arith.constant 1 : i32
    scf.for %scan3A_1536 = %scan3A_1132 to %scan3A_1134 step %scan3A_1135  : i32 {
      %mul3A_1537 = arith.constant 16 : i32
      %mul3A_1538 = arith.muli %scan3A_1536, %mul3A_1537 : i32
      %multiple_of3A = tpu.assume_multiple %mul3A_1538, 16 : i32
      %get3A = arith.index_cast %multiple_of3A : i32 to index
      %get3A_1539 = tpu.vector_load %arg11[%get3A] {strides = array<i32>} : memref<1040xi32, #tpu.memory_space<vmem>>, vector<16xi32>,
      %get3A_1540 = vector.shape_cast %get3A_1539 : vector<16xi32> to vector<16xi32>
      %get3A_1541 = arith.index_cast %multiple_of3A : i32 to index
      %get3A_1542 = tpu.vector_load %arg6[%get3A_1541] {strides = array<i32>} : memref<1040xi32, #tpu.memory_space<vmem>>, vector<16xi32>,
      %get3A_1543 = vector.shape_cast %get3A_1542 : vector<16xi32> to vector<16xi32>
      %add3A_1544 = arith.addi %get3A_1540, %get3A_1543 : vector<16xi32>
      %swap3A = arith.index_cast %multiple_of3A : i32 to index
      %swap3A_1545 = tpu.vector_load %arg11[%swap3A] {strides = array<i32>} : memref<1040xi32, #tpu.memory_space<vmem>>, vector<16xi32>,
      %swap3A_1546 = vector.shape_cast %swap3A_1545 : vector<16xi32> to vector<16xi32>
      %swap3A_1547 = vector.shape_cast %add3A_1544 : vector<16xi32> to vector<16xi32>
      tpu.vector_store %arg11[%swap3A], %swap3A_1547 {strides = array<i32>} : memref<1040xi32, #tpu.memory_space<vmem>>, vector<16xi32>,
    }
    %scan3A_1136 = arith.constant 65 : i32
    %dma_wait3A_1137 = arith.constant 0 : i32
    %dma_wait3A_1138 = tpu.memref_slice %arg5[%add3A_1100, %dma_wait3A_1137] : memref<2129920x16xf32, #tpu.memory_space<hbm>> -> memref<1040x16xf32, #tpu.memory_space<hbm>>
    %dma_wait3A_1139 = arith.constant 0 : i32
    %dma_wait3A_1140 = tpu.memref_slice %arg5[%add3A_1100, %dma_wait3A_1139] : memref<2129920x16xf32, #tpu.memory_space<hbm>> -> memref<1040x16xf32, #tpu.memory_space<hbm>>
    tpu.wait_dma2 semaphore(%arg26 : memref<!tpu.dma_semaphore, #tpu.memory_space<semaphore_mem>>) src(%arg16 : memref<1040x16xf32, #tpu.memory_space<vmem>>) dst(%dma_wait3A_1140 : memref<1040x16xf32, #tpu.memory_space<hbm>>)
    %dma_start3A_1141 = arith.constant 0 : i32
    %dma_start3A_1142 = arith.constant 0 : i32
    %dma_start3A_1143 = tpu.memref_slice %arg2[%dma_start3A_1141, %dma_start3A_1142] : memref<2600000x16xf32, #tpu.memory_space<hbm>> -> memref<2600000x16xf32, #tpu.memory_space<hbm>>
    tpu.enqueue_indirect_dma source(%dma_start3A_1143 : memref<2600000x16xf32, #tpu.memory_space<hbm>>) target(%arg16 : memref<1040x16xf32, #tpu.memory_space<vmem>>) offsets(%arg11 : memref<1040xi32, #tpu.memory_space<vmem>>) semaphore(%arg21 : memref<!tpu.dma_semaphore, #tpu.memory_space<semaphore_mem>>)
    %dma_wait3A_1144 = arith.constant 0 : i32
    %dma_wait3A_1145 = arith.constant 0 : i32
    %dma_wait3A_1146 = tpu.memref_slice %arg2[%dma_wait3A_1144, %dma_wait3A_1145] : memref<2600000x16xf32, #tpu.memory_space<hbm>> -> memref<2600000x16xf32, #tpu.memory_space<hbm>>
    tpu.wait_indirect_dma semaphore(%arg18 : memref<!tpu.dma_semaphore, #tpu.memory_space<semaphore_mem>>) src(%dma_wait3A_1146 : memref<2600000x16xf32, #tpu.memory_space<hbm>>) dst(%arg13 : memref<1040x16xf32, #tpu.memory_space<vmem>>)
    %add3A_1147 = arith.constant 47840 : i32
    %add3A_1148 = arith.addi %mul3A_2, %add3A_1147 : i32
    %dma_start3A_1149 = arith.constant 0 : i32
    %dma_start3A_1150 = tpu.memref_slice %arg5[%add3A_1148, %dma_start3A_1149] : memref<2129920x16xf32, #tpu.memory_space<hbm>> -> memref<1040x16xf32, #tpu.memory_space<hbm>>
    %dma_start3A_1151 = arith.constant 0 : i32
    %dma_start3A_1152 = tpu.memref_slice %arg5[%add3A_1148, %dma_start3A_1151] : memref<2129920x16xf32, #tpu.memory_space<hbm>> -> memref<1040x16xf32, #tpu.memory_space<hbm>>
    tpu.enqueue_dma source(%arg13 : memref<1040x16xf32, #tpu.memory_space<vmem>>) target(%dma_start3A_1152 : memref<1040x16xf32, #tpu.memory_space<hbm>>) target_semaphore(%arg23 : memref<!tpu.dma_semaphore, #tpu.memory_space<semaphore_mem>>)
    %add3A_1153 = arith.constant 52000 : i32
    %add3A_1154 = arith.addi %mul3A_2, %add3A_1153 : i32
    "tpu.region"() ({
      %run_scoped3A = tpu.sem_alloc : memref<!tpu.dma_semaphore, #tpu.memory_space<semaphore_mem>>
      %dma_start3A_1536 = tpu.memref_slice %arg3[%add3A_1154] : memref<2129920xi32, #tpu.memory_space<hbm>> -> memref<1040xi32, #tpu.memory_space<hbm>>
      %dma_start3A_1537 = tpu.memref_slice %arg3[%add3A_1154] : memref<2129920xi32, #tpu.memory_space<hbm>> -> memref<1040xi32, #tpu.memory_space<hbm>>
      tpu.enqueue_dma source(%dma_start3A_1537 : memref<1040xi32, #tpu.memory_space<hbm>>) target(%arg7 : memref<1040xi32, #tpu.memory_space<vmem>>) target_semaphore(%run_scoped3A : memref<!tpu.dma_semaphore, #tpu.memory_space<semaphore_mem>>)
      %dma_wait3A_1538 = tpu.memref_slice %arg3[%add3A_1154] : memref<2129920xi32, #tpu.memory_space<hbm>> -> memref<1040xi32, #tpu.memory_space<hbm>>
      %dma_wait3A_1539 = tpu.memref_slice %arg3[%add3A_1154] : memref<2129920xi32, #tpu.memory_space<hbm>> -> memref<1040xi32, #tpu.memory_space<hbm>>
      tpu.wait_dma2 semaphore(%run_scoped3A : memref<!tpu.dma_semaphore, #tpu.memory_space<semaphore_mem>>) src(%dma_wait3A_1539 : memref<1040xi32, #tpu.memory_space<hbm>>) dst(%arg7 : memref<1040xi32, #tpu.memory_space<vmem>>)
      tpu.yield
    }) : () -> ()
    %scan3A_1155 = arith.constant 0 : i32
    %scan3A_1156 = arith.constant 0 : i32
    %scan3A_1157 = arith.constant 65 : i32
    %scan3A_1158 = arith.addi %scan3A_1156, %scan3A_1157 : i32
    %scan3A_1159 = arith.constant 1 : i32
    scf.for %scan3A_1536 = %scan3A_1156 to %scan3A_1158 step %scan3A_1159  : i32 {
      %mul3A_1537 = arith.constant 16 : i32
      %mul3A_1538 = arith.muli %scan3A_1536, %mul3A_1537 : i32
      %multiple_of3A = tpu.assume_multiple %mul3A_1538, 16 : i32
      %get3A = arith.index_cast %multiple_of3A : i32 to index
      %get3A_1539 = tpu.vector_load %arg7[%get3A] {strides = array<i32>} : memref<1040xi32, #tpu.memory_space<vmem>>, vector<16xi32>,
      %get3A_1540 = vector.shape_cast %get3A_1539 : vector<16xi32> to vector<16xi32>
      %get3A_1541 = arith.index_cast %multiple_of3A : i32 to index
      %get3A_1542 = tpu.vector_load %arg6[%get3A_1541] {strides = array<i32>} : memref<1040xi32, #tpu.memory_space<vmem>>, vector<16xi32>,
      %get3A_1543 = vector.shape_cast %get3A_1542 : vector<16xi32> to vector<16xi32>
      %add3A_1544 = arith.addi %get3A_1540, %get3A_1543 : vector<16xi32>
      %swap3A = arith.index_cast %multiple_of3A : i32 to index
      %swap3A_1545 = tpu.vector_load %arg7[%swap3A] {strides = array<i32>} : memref<1040xi32, #tpu.memory_space<vmem>>, vector<16xi32>,
      %swap3A_1546 = vector.shape_cast %swap3A_1545 : vector<16xi32> to vector<16xi32>
      %swap3A_1547 = vector.shape_cast %add3A_1544 : vector<16xi32> to vector<16xi32>
      tpu.vector_store %arg7[%swap3A], %swap3A_1547 {strides = array<i32>} : memref<1040xi32, #tpu.memory_space<vmem>>, vector<16xi32>,
    }
    %scan3A_1160 = arith.constant 65 : i32
    %dma_wait3A_1161 = arith.constant 0 : i32
    %dma_wait3A_1162 = tpu.memref_slice %arg5[%add3A_1124, %dma_wait3A_1161] : memref<2129920x16xf32, #tpu.memory_space<hbm>> -> memref<1040x16xf32, #tpu.memory_space<hbm>>
    %dma_wait3A_1163 = arith.constant 0 : i32
    %dma_wait3A_1164 = tpu.memref_slice %arg5[%add3A_1124, %dma_wait3A_1163] : memref<2129920x16xf32, #tpu.memory_space<hbm>> -> memref<1040x16xf32, #tpu.memory_space<hbm>>
    tpu.wait_dma2 semaphore(%arg22 : memref<!tpu.dma_semaphore, #tpu.memory_space<semaphore_mem>>) src(%arg12 : memref<1040x16xf32, #tpu.memory_space<vmem>>) dst(%dma_wait3A_1164 : memref<1040x16xf32, #tpu.memory_space<hbm>>)
    %dma_start3A_1165 = arith.constant 0 : i32
    %dma_start3A_1166 = arith.constant 0 : i32
    %dma_start3A_1167 = tpu.memref_slice %arg2[%dma_start3A_1165, %dma_start3A_1166] : memref<2600000x16xf32, #tpu.memory_space<hbm>> -> memref<2600000x16xf32, #tpu.memory_space<hbm>>
    tpu.enqueue_indirect_dma source(%dma_start3A_1167 : memref<2600000x16xf32, #tpu.memory_space<hbm>>) target(%arg12 : memref<1040x16xf32, #tpu.memory_space<vmem>>) offsets(%arg7 : memref<1040xi32, #tpu.memory_space<vmem>>) semaphore(%arg17 : memref<!tpu.dma_semaphore, #tpu.memory_space<semaphore_mem>>)
    %dma_wait3A_1168 = arith.constant 0 : i32
    %dma_wait3A_1169 = arith.constant 0 : i32
    %dma_wait3A_1170 = tpu.memref_slice %arg2[%dma_wait3A_1168, %dma_wait3A_1169] : memref<2600000x16xf32, #tpu.memory_space<hbm>> -> memref<2600000x16xf32, #tpu.memory_space<hbm>>
    tpu.wait_indirect_dma semaphore(%arg19 : memref<!tpu.dma_semaphore, #tpu.memory_space<semaphore_mem>>) src(%dma_wait3A_1170 : memref<2600000x16xf32, #tpu.memory_space<hbm>>) dst(%arg14 : memref<1040x16xf32, #tpu.memory_space<vmem>>)
    %add3A_1171 = arith.constant 48880 : i32
    %add3A_1172 = arith.addi %mul3A_2, %add3A_1171 : i32
    %dma_start3A_1173 = arith.constant 0 : i32
    %dma_start3A_1174 = tpu.memref_slice %arg5[%add3A_1172, %dma_start3A_1173] : memref<2129920x16xf32, #tpu.memory_space<hbm>> -> memref<1040x16xf32, #tpu.memory_space<hbm>>
    %dma_start3A_1175 = arith.constant 0 : i32
    %dma_start3A_1176 = tpu.memref_slice %arg5[%add3A_1172, %dma_start3A_1175] : memref<2129920x16xf32, #tpu.memory_space<hbm>> -> memref<1040x16xf32, #tpu.memory_space<hbm>>
    tpu.enqueue_dma source(%arg14 : memref<1040x16xf32, #tpu.memory_space<vmem>>) target(%dma_start3A_1176 : memref<1040x16xf32, #tpu.memory_space<hbm>>) target_semaphore(%arg24 : memref<!tpu.dma_semaphore, #tpu.memory_space<semaphore_mem>>)
    %add3A_1177 = arith.constant 53040 : i32
    %add3A_1178 = arith.addi %mul3A_2, %add3A_1177 : i32
    "tpu.region"() ({
      %run_scoped3A = tpu.sem_alloc : memref<!tpu.dma_semaphore, #tpu.memory_space<semaphore_mem>>
      %dma_start3A_1536 = tpu.memref_slice %arg3[%add3A_1178] : memref<2129920xi32, #tpu.memory_space<hbm>> -> memref<1040xi32, #tpu.memory_space<hbm>>
      %dma_start3A_1537 = tpu.memref_slice %arg3[%add3A_1178] : memref<2129920xi32, #tpu.memory_space<hbm>> -> memref<1040xi32, #tpu.memory_space<hbm>>
      tpu.enqueue_dma source(%dma_start3A_1537 : memref<1040xi32, #tpu.memory_space<hbm>>) target(%arg8 : memref<1040xi32, #tpu.memory_space<vmem>>) target_semaphore(%run_scoped3A : memref<!tpu.dma_semaphore, #tpu.memory_space<semaphore_mem>>)
      %dma_wait3A_1538 = tpu.memref_slice %arg3[%add3A_1178] : memref<2129920xi32, #tpu.memory_space<hbm>> -> memref<1040xi32, #tpu.memory_space<hbm>>
      %dma_wait3A_1539 = tpu.memref_slice %arg3[%add3A_1178] : memref<2129920xi32, #tpu.memory_space<hbm>> -> memref<1040xi32, #tpu.memory_space<hbm>>
      tpu.wait_dma2 semaphore(%run_scoped3A : memref<!tpu.dma_semaphore, #tpu.memory_space<semaphore_mem>>) src(%dma_wait3A_1539 : memref<1040xi32, #tpu.memory_space<hbm>>) dst(%arg8 : memref<1040xi32, #tpu.memory_space<vmem>>)
      tpu.yield
    }) : () -> ()
    %scan3A_1179 = arith.constant 0 : i32
    %scan3A_1180 = arith.constant 0 : i32
    %scan3A_1181 = arith.constant 65 : i32
    %scan3A_1182 = arith.addi %scan3A_1180, %scan3A_1181 : i32
    %scan3A_1183 = arith.constant 1 : i32
    scf.for %scan3A_1536 = %scan3A_1180 to %scan3A_1182 step %scan3A_1183  : i32 {
      %mul3A_1537 = arith.constant 16 : i32
      %mul3A_1538 = arith.muli %scan3A_1536, %mul3A_1537 : i32
      %multiple_of3A = tpu.assume_multiple %mul3A_1538, 16 : i32
      %get3A = arith.index_cast %multiple_of3A : i32 to index
      %get3A_1539 = tpu.vector_load %arg8[%get3A] {strides = array<i32>} : memref<1040xi32, #tpu.memory_space<vmem>>, vector<16xi32>,
      %get3A_1540 = vector.shape_cast %get3A_1539 : vector<16xi32> to vector<16xi32>
      %get3A_1541 = arith.index_cast %multiple_of3A : i32 to index
      %get3A_1542 = tpu.vector_load %arg6[%get3A_1541] {strides = array<i32>} : memref<1040xi32, #tpu.memory_space<vmem>>, vector<16xi32>,
      %get3A_1543 = vector.shape_cast %get3A_1542 : vector<16xi32> to vector<16xi32>
      %add3A_1544 = arith.addi %get3A_1540, %get3A_1543 : vector<16xi32>
      %swap3A = arith.index_cast %multiple_of3A : i32 to index
      %swap3A_1545 = tpu.vector_load %arg8[%swap3A] {strides = array<i32>} : memref<1040xi32, #tpu.memory_space<vmem>>, vector<16xi32>,
      %swap3A_1546 = vector.shape_cast %swap3A_1545 : vector<16xi32> to vector<16xi32>
      %swap3A_1547 = vector.shape_cast %add3A_1544 : vector<16xi32> to vector<16xi32>
      tpu.vector_store %arg8[%swap3A], %swap3A_1547 {strides = array<i32>} : memref<1040xi32, #tpu.memory_space<vmem>>, vector<16xi32>,
    }
    %scan3A_1184 = arith.constant 65 : i32
    %dma_wait3A_1185 = arith.constant 0 : i32
    %dma_wait3A_1186 = tpu.memref_slice %arg5[%add3A_1148, %dma_wait3A_1185] : memref<2129920x16xf32, #tpu.memory_space<hbm>> -> memref<1040x16xf32, #tpu.memory_space<hbm>>
    %dma_wait3A_1187 = arith.constant 0 : i32
    %dma_wait3A_1188 = tpu.memref_slice %arg5[%add3A_1148, %dma_wait3A_1187] : memref<2129920x16xf32, #tpu.memory_space<hbm>> -> memref<1040x16xf32, #tpu.memory_space<hbm>>
    tpu.wait_dma2 semaphore(%arg23 : memref<!tpu.dma_semaphore, #tpu.memory_space<semaphore_mem>>) src(%arg13 : memref<1040x16xf32, #tpu.memory_space<vmem>>) dst(%dma_wait3A_1188 : memref<1040x16xf32, #tpu.memory_space<hbm>>)
    %dma_start3A_1189 = arith.constant 0 : i32
    %dma_start3A_1190 = arith.constant 0 : i32
    %dma_start3A_1191 = tpu.memref_slice %arg2[%dma_start3A_1189, %dma_start3A_1190] : memref<2600000x16xf32, #tpu.memory_space<hbm>> -> memref<2600000x16xf32, #tpu.memory_space<hbm>>
    tpu.enqueue_indirect_dma source(%dma_start3A_1191 : memref<2600000x16xf32, #tpu.memory_space<hbm>>) target(%arg13 : memref<1040x16xf32, #tpu.memory_space<vmem>>) offsets(%arg8 : memref<1040xi32, #tpu.memory_space<vmem>>) semaphore(%arg18 : memref<!tpu.dma_semaphore, #tpu.memory_space<semaphore_mem>>)
    %dma_wait3A_1192 = arith.constant 0 : i32
    %dma_wait3A_1193 = arith.constant 0 : i32
    %dma_wait3A_1194 = tpu.memref_slice %arg2[%dma_wait3A_1192, %dma_wait3A_1193] : memref<2600000x16xf32, #tpu.memory_space<hbm>> -> memref<2600000x16xf32, #tpu.memory_space<hbm>>
    tpu.wait_indirect_dma semaphore(%arg20 : memref<!tpu.dma_semaphore, #tpu.memory_space<semaphore_mem>>) src(%dma_wait3A_1194 : memref<2600000x16xf32, #tpu.memory_space<hbm>>) dst(%arg15 : memref<1040x16xf32, #tpu.memory_space<vmem>>)
    %add3A_1195 = arith.constant 49920 : i32
    %add3A_1196 = arith.addi %mul3A_2, %add3A_1195 : i32
    %dma_start3A_1197 = arith.constant 0 : i32
    %dma_start3A_1198 = tpu.memref_slice %arg5[%add3A_1196, %dma_start3A_1197] : memref<2129920x16xf32, #tpu.memory_space<hbm>> -> memref<1040x16xf32, #tpu.memory_space<hbm>>
    %dma_start3A_1199 = arith.constant 0 : i32
    %dma_start3A_1200 = tpu.memref_slice %arg5[%add3A_1196, %dma_start3A_1199] : memref<2129920x16xf32, #tpu.memory_space<hbm>> -> memref<1040x16xf32, #tpu.memory_space<hbm>>
    tpu.enqueue_dma source(%arg15 : memref<1040x16xf32, #tpu.memory_space<vmem>>) target(%dma_start3A_1200 : memref<1040x16xf32, #tpu.memory_space<hbm>>) target_semaphore(%arg25 : memref<!tpu.dma_semaphore, #tpu.memory_space<semaphore_mem>>)
    %add3A_1201 = arith.constant 54080 : i32
    %add3A_1202 = arith.addi %mul3A_2, %add3A_1201 : i32
    "tpu.region"() ({
      %run_scoped3A = tpu.sem_alloc : memref<!tpu.dma_semaphore, #tpu.memory_space<semaphore_mem>>
      %dma_start3A_1536 = tpu.memref_slice %arg3[%add3A_1202] : memref<2129920xi32, #tpu.memory_space<hbm>> -> memref<1040xi32, #tpu.memory_space<hbm>>
      %dma_start3A_1537 = tpu.memref_slice %arg3[%add3A_1202] : memref<2129920xi32, #tpu.memory_space<hbm>> -> memref<1040xi32, #tpu.memory_space<hbm>>
      tpu.enqueue_dma source(%dma_start3A_1537 : memref<1040xi32, #tpu.memory_space<hbm>>) target(%arg9 : memref<1040xi32, #tpu.memory_space<vmem>>) target_semaphore(%run_scoped3A : memref<!tpu.dma_semaphore, #tpu.memory_space<semaphore_mem>>)
      %dma_wait3A_1538 = tpu.memref_slice %arg3[%add3A_1202] : memref<2129920xi32, #tpu.memory_space<hbm>> -> memref<1040xi32, #tpu.memory_space<hbm>>
      %dma_wait3A_1539 = tpu.memref_slice %arg3[%add3A_1202] : memref<2129920xi32, #tpu.memory_space<hbm>> -> memref<1040xi32, #tpu.memory_space<hbm>>
      tpu.wait_dma2 semaphore(%run_scoped3A : memref<!tpu.dma_semaphore, #tpu.memory_space<semaphore_mem>>) src(%dma_wait3A_1539 : memref<1040xi32, #tpu.memory_space<hbm>>) dst(%arg9 : memref<1040xi32, #tpu.memory_space<vmem>>)
      tpu.yield
    }) : () -> ()
    %scan3A_1203 = arith.constant 0 : i32
    %scan3A_1204 = arith.constant 0 : i32
    %scan3A_1205 = arith.constant 65 : i32
    %scan3A_1206 = arith.addi %scan3A_1204, %scan3A_1205 : i32
    %scan3A_1207 = arith.constant 1 : i32
    scf.for %scan3A_1536 = %scan3A_1204 to %scan3A_1206 step %scan3A_1207  : i32 {
      %mul3A_1537 = arith.constant 16 : i32
      %mul3A_1538 = arith.muli %scan3A_1536, %mul3A_1537 : i32
      %multiple_of3A = tpu.assume_multiple %mul3A_1538, 16 : i32
      %get3A = arith.index_cast %multiple_of3A : i32 to index
      %get3A_1539 = tpu.vector_load %arg9[%get3A] {strides = array<i32>} : memref<1040xi32, #tpu.memory_space<vmem>>, vector<16xi32>,
      %get3A_1540 = vector.shape_cast %get3A_1539 : vector<16xi32> to vector<16xi32>
      %get3A_1541 = arith.index_cast %multiple_of3A : i32 to index
      %get3A_1542 = tpu.vector_load %arg6[%get3A_1541] {strides = array<i32>} : memref<1040xi32, #tpu.memory_space<vmem>>, vector<16xi32>,
      %get3A_1543 = vector.shape_cast %get3A_1542 : vector<16xi32> to vector<16xi32>
      %add3A_1544 = arith.addi %get3A_1540, %get3A_1543 : vector<16xi32>
      %swap3A = arith.index_cast %multiple_of3A : i32 to index
      %swap3A_1545 = tpu.vector_load %arg9[%swap3A] {strides = array<i32>} : memref<1040xi32, #tpu.memory_space<vmem>>, vector<16xi32>,
      %swap3A_1546 = vector.shape_cast %swap3A_1545 : vector<16xi32> to vector<16xi32>
      %swap3A_1547 = vector.shape_cast %add3A_1544 : vector<16xi32> to vector<16xi32>
      tpu.vector_store %arg9[%swap3A], %swap3A_1547 {strides = array<i32>} : memref<1040xi32, #tpu.memory_space<vmem>>, vector<16xi32>,
    }
    %scan3A_1208 = arith.constant 65 : i32
    %dma_wait3A_1209 = arith.constant 0 : i32
    %dma_wait3A_1210 = tpu.memref_slice %arg5[%add3A_1172, %dma_wait3A_1209] : memref<2129920x16xf32, #tpu.memory_space<hbm>> -> memref<1040x16xf32, #tpu.memory_space<hbm>>
    %dma_wait3A_1211 = arith.constant 0 : i32
    %dma_wait3A_1212 = tpu.memref_slice %arg5[%add3A_1172, %dma_wait3A_1211] : memref<2129920x16xf32, #tpu.memory_space<hbm>> -> memref<1040x16xf32, #tpu.memory_space<hbm>>
    tpu.wait_dma2 semaphore(%arg24 : memref<!tpu.dma_semaphore, #tpu.memory_space<semaphore_mem>>) src(%arg14 : memref<1040x16xf32, #tpu.memory_space<vmem>>) dst(%dma_wait3A_1212 : memref<1040x16xf32, #tpu.memory_space<hbm>>)
    %dma_start3A_1213 = arith.constant 0 : i32
    %dma_start3A_1214 = arith.constant 0 : i32
    %dma_start3A_1215 = tpu.memref_slice %arg2[%dma_start3A_1213, %dma_start3A_1214] : memref<2600000x16xf32, #tpu.memory_space<hbm>> -> memref<2600000x16xf32, #tpu.memory_space<hbm>>
    tpu.enqueue_indirect_dma source(%dma_start3A_1215 : memref<2600000x16xf32, #tpu.memory_space<hbm>>) target(%arg14 : memref<1040x16xf32, #tpu.memory_space<vmem>>) offsets(%arg9 : memref<1040xi32, #tpu.memory_space<vmem>>) semaphore(%arg19 : memref<!tpu.dma_semaphore, #tpu.memory_space<semaphore_mem>>)
    %dma_wait3A_1216 = arith.constant 0 : i32
    %dma_wait3A_1217 = arith.constant 0 : i32
    %dma_wait3A_1218 = tpu.memref_slice %arg2[%dma_wait3A_1216, %dma_wait3A_1217] : memref<2600000x16xf32, #tpu.memory_space<hbm>> -> memref<2600000x16xf32, #tpu.memory_space<hbm>>
    tpu.wait_indirect_dma semaphore(%arg21 : memref<!tpu.dma_semaphore, #tpu.memory_space<semaphore_mem>>) src(%dma_wait3A_1218 : memref<2600000x16xf32, #tpu.memory_space<hbm>>) dst(%arg16 : memref<1040x16xf32, #tpu.memory_space<vmem>>)
    %add3A_1219 = arith.constant 50960 : i32
    %add3A_1220 = arith.addi %mul3A_2, %add3A_1219 : i32
    %dma_start3A_1221 = arith.constant 0 : i32
    %dma_start3A_1222 = tpu.memref_slice %arg5[%add3A_1220, %dma_start3A_1221] : memref<2129920x16xf32, #tpu.memory_space<hbm>> -> memref<1040x16xf32, #tpu.memory_space<hbm>>
    %dma_start3A_1223 = arith.constant 0 : i32
    %dma_start3A_1224 = tpu.memref_slice %arg5[%add3A_1220, %dma_start3A_1223] : memref<2129920x16xf32, #tpu.memory_space<hbm>> -> memref<1040x16xf32, #tpu.memory_space<hbm>>
    tpu.enqueue_dma source(%arg16 : memref<1040x16xf32, #tpu.memory_space<vmem>>) target(%dma_start3A_1224 : memref<1040x16xf32, #tpu.memory_space<hbm>>) target_semaphore(%arg26 : memref<!tpu.dma_semaphore, #tpu.memory_space<semaphore_mem>>)
    %add3A_1225 = arith.constant 55120 : i32
    %add3A_1226 = arith.addi %mul3A_2, %add3A_1225 : i32
    "tpu.region"() ({
      %run_scoped3A = tpu.sem_alloc : memref<!tpu.dma_semaphore, #tpu.memory_space<semaphore_mem>>
      %dma_start3A_1536 = tpu.memref_slice %arg3[%add3A_1226] : memref<2129920xi32, #tpu.memory_space<hbm>> -> memref<1040xi32, #tpu.memory_space<hbm>>
      %dma_start3A_1537 = tpu.memref_slice %arg3[%add3A_1226] : memref<2129920xi32, #tpu.memory_space<hbm>> -> memref<1040xi32, #tpu.memory_space<hbm>>
      tpu.enqueue_dma source(%dma_start3A_1537 : memref<1040xi32, #tpu.memory_space<hbm>>) target(%arg10 : memref<1040xi32, #tpu.memory_space<vmem>>) target_semaphore(%run_scoped3A : memref<!tpu.dma_semaphore, #tpu.memory_space<semaphore_mem>>)
      %dma_wait3A_1538 = tpu.memref_slice %arg3[%add3A_1226] : memref<2129920xi32, #tpu.memory_space<hbm>> -> memref<1040xi32, #tpu.memory_space<hbm>>
      %dma_wait3A_1539 = tpu.memref_slice %arg3[%add3A_1226] : memref<2129920xi32, #tpu.memory_space<hbm>> -> memref<1040xi32, #tpu.memory_space<hbm>>
      tpu.wait_dma2 semaphore(%run_scoped3A : memref<!tpu.dma_semaphore, #tpu.memory_space<semaphore_mem>>) src(%dma_wait3A_1539 : memref<1040xi32, #tpu.memory_space<hbm>>) dst(%arg10 : memref<1040xi32, #tpu.memory_space<vmem>>)
      tpu.yield
    }) : () -> ()
    %scan3A_1227 = arith.constant 0 : i32
    %scan3A_1228 = arith.constant 0 : i32
    %scan3A_1229 = arith.constant 65 : i32
    %scan3A_1230 = arith.addi %scan3A_1228, %scan3A_1229 : i32
    %scan3A_1231 = arith.constant 1 : i32
    scf.for %scan3A_1536 = %scan3A_1228 to %scan3A_1230 step %scan3A_1231  : i32 {
      %mul3A_1537 = arith.constant 16 : i32
      %mul3A_1538 = arith.muli %scan3A_1536, %mul3A_1537 : i32
      %multiple_of3A = tpu.assume_multiple %mul3A_1538, 16 : i32
      %get3A = arith.index_cast %multiple_of3A : i32 to index
      %get3A_1539 = tpu.vector_load %arg10[%get3A] {strides = array<i32>} : memref<1040xi32, #tpu.memory_space<vmem>>, vector<16xi32>,
      %get3A_1540 = vector.shape_cast %get3A_1539 : vector<16xi32> to vector<16xi32>
      %get3A_1541 = arith.index_cast %multiple_of3A : i32 to index
      %get3A_1542 = tpu.vector_load %arg6[%get3A_1541] {strides = array<i32>} : memref<1040xi32, #tpu.memory_space<vmem>>, vector<16xi32>,
      %get3A_1543 = vector.shape_cast %get3A_1542 : vector<16xi32> to vector<16xi32>
      %add3A_1544 = arith.addi %get3A_1540, %get3A_1543 : vector<16xi32>
      %swap3A = arith.index_cast %multiple_of3A : i32 to index
      %swap3A_1545 = tpu.vector_load %arg10[%swap3A] {strides = array<i32>} : memref<1040xi32, #tpu.memory_space<vmem>>, vector<16xi32>,
      %swap3A_1546 = vector.shape_cast %swap3A_1545 : vector<16xi32> to vector<16xi32>
      %swap3A_1547 = vector.shape_cast %add3A_1544 : vector<16xi32> to vector<16xi32>
      tpu.vector_store %arg10[%swap3A], %swap3A_1547 {strides = array<i32>} : memref<1040xi32, #tpu.memory_space<vmem>>, vector<16xi32>,
    }
    %scan3A_1232 = arith.constant 65 : i32
    %dma_wait3A_1233 = arith.constant 0 : i32
    %dma_wait3A_1234 = tpu.memref_slice %arg5[%add3A_1196, %dma_wait3A_1233] : memref<2129920x16xf32, #tpu.memory_space<hbm>> -> memref<1040x16xf32, #tpu.memory_space<hbm>>
    %dma_wait3A_1235 = arith.constant 0 : i32
    %dma_wait3A_1236 = tpu.memref_slice %arg5[%add3A_1196, %dma_wait3A_1235] : memref<2129920x16xf32, #tpu.memory_space<hbm>> -> memref<1040x16xf32, #tpu.memory_space<hbm>>
    tpu.wait_dma2 semaphore(%arg25 : memref<!tpu.dma_semaphore, #tpu.memory_space<semaphore_mem>>) src(%arg15 : memref<1040x16xf32, #tpu.memory_space<vmem>>) dst(%dma_wait3A_1236 : memref<1040x16xf32, #tpu.memory_space<hbm>>)
    %dma_start3A_1237 = arith.constant 0 : i32
    %dma_start3A_1238 = arith.constant 0 : i32
    %dma_start3A_1239 = tpu.memref_slice %arg2[%dma_start3A_1237, %dma_start3A_1238] : memref<2600000x16xf32, #tpu.memory_space<hbm>> -> memref<2600000x16xf32, #tpu.memory_space<hbm>>
    tpu.enqueue_indirect_dma source(%dma_start3A_1239 : memref<2600000x16xf32, #tpu.memory_space<hbm>>) target(%arg15 : memref<1040x16xf32, #tpu.memory_space<vmem>>) offsets(%arg10 : memref<1040xi32, #tpu.memory_space<vmem>>) semaphore(%arg20 : memref<!tpu.dma_semaphore, #tpu.memory_space<semaphore_mem>>)
    %dma_wait3A_1240 = arith.constant 0 : i32
    %dma_wait3A_1241 = arith.constant 0 : i32
    %dma_wait3A_1242 = tpu.memref_slice %arg2[%dma_wait3A_1240, %dma_wait3A_1241] : memref<2600000x16xf32, #tpu.memory_space<hbm>> -> memref<2600000x16xf32, #tpu.memory_space<hbm>>
    tpu.wait_indirect_dma semaphore(%arg17 : memref<!tpu.dma_semaphore, #tpu.memory_space<semaphore_mem>>) src(%dma_wait3A_1242 : memref<2600000x16xf32, #tpu.memory_space<hbm>>) dst(%arg12 : memref<1040x16xf32, #tpu.memory_space<vmem>>)
    %add3A_1243 = arith.constant 52000 : i32
    %add3A_1244 = arith.addi %mul3A_2, %add3A_1243 : i32
    %dma_start3A_1245 = arith.constant 0 : i32
    %dma_start3A_1246 = tpu.memref_slice %arg5[%add3A_1244, %dma_start3A_1245] : memref<2129920x16xf32, #tpu.memory_space<hbm>> -> memref<1040x16xf32, #tpu.memory_space<hbm>>
    %dma_start3A_1247 = arith.constant 0 : i32
    %dma_start3A_1248 = tpu.memref_slice %arg5[%add3A_1244, %dma_start3A_1247] : memref<2129920x16xf32, #tpu.memory_space<hbm>> -> memref<1040x16xf32, #tpu.memory_space<hbm>>
    tpu.enqueue_dma source(%arg12 : memref<1040x16xf32, #tpu.memory_space<vmem>>) target(%dma_start3A_1248 : memref<1040x16xf32, #tpu.memory_space<hbm>>) target_semaphore(%arg22 : memref<!tpu.dma_semaphore, #tpu.memory_space<semaphore_mem>>)
    %add3A_1249 = arith.constant 56160 : i32
    %add3A_1250 = arith.addi %mul3A_2, %add3A_1249 : i32
    "tpu.region"() ({
      %run_scoped3A = tpu.sem_alloc : memref<!tpu.dma_semaphore, #tpu.memory_space<semaphore_mem>>
      %dma_start3A_1536 = tpu.memref_slice %arg3[%add3A_1250] : memref<2129920xi32, #tpu.memory_space<hbm>> -> memref<1040xi32, #tpu.memory_space<hbm>>
      %dma_start3A_1537 = tpu.memref_slice %arg3[%add3A_1250] : memref<2129920xi32, #tpu.memory_space<hbm>> -> memref<1040xi32, #tpu.memory_space<hbm>>
      tpu.enqueue_dma source(%dma_start3A_1537 : memref<1040xi32, #tpu.memory_space<hbm>>) target(%arg11 : memref<1040xi32, #tpu.memory_space<vmem>>) target_semaphore(%run_scoped3A : memref<!tpu.dma_semaphore, #tpu.memory_space<semaphore_mem>>)
      %dma_wait3A_1538 = tpu.memref_slice %arg3[%add3A_1250] : memref<2129920xi32, #tpu.memory_space<hbm>> -> memref<1040xi32, #tpu.memory_space<hbm>>
      %dma_wait3A_1539 = tpu.memref_slice %arg3[%add3A_1250] : memref<2129920xi32, #tpu.memory_space<hbm>> -> memref<1040xi32, #tpu.memory_space<hbm>>
      tpu.wait_dma2 semaphore(%run_scoped3A : memref<!tpu.dma_semaphore, #tpu.memory_space<semaphore_mem>>) src(%dma_wait3A_1539 : memref<1040xi32, #tpu.memory_space<hbm>>) dst(%arg11 : memref<1040xi32, #tpu.memory_space<vmem>>)
      tpu.yield
    }) : () -> ()
    %scan3A_1251 = arith.constant 0 : i32
    %scan3A_1252 = arith.constant 0 : i32
    %scan3A_1253 = arith.constant 65 : i32
    %scan3A_1254 = arith.addi %scan3A_1252, %scan3A_1253 : i32
    %scan3A_1255 = arith.constant 1 : i32
    scf.for %scan3A_1536 = %scan3A_1252 to %scan3A_1254 step %scan3A_1255  : i32 {
      %mul3A_1537 = arith.constant 16 : i32
      %mul3A_1538 = arith.muli %scan3A_1536, %mul3A_1537 : i32
      %multiple_of3A = tpu.assume_multiple %mul3A_1538, 16 : i32
      %get3A = arith.index_cast %multiple_of3A : i32 to index
      %get3A_1539 = tpu.vector_load %arg11[%get3A] {strides = array<i32>} : memref<1040xi32, #tpu.memory_space<vmem>>, vector<16xi32>,
      %get3A_1540 = vector.shape_cast %get3A_1539 : vector<16xi32> to vector<16xi32>
      %get3A_1541 = arith.index_cast %multiple_of3A : i32 to index
      %get3A_1542 = tpu.vector_load %arg6[%get3A_1541] {strides = array<i32>} : memref<1040xi32, #tpu.memory_space<vmem>>, vector<16xi32>,
      %get3A_1543 = vector.shape_cast %get3A_1542 : vector<16xi32> to vector<16xi32>
      %add3A_1544 = arith.addi %get3A_1540, %get3A_1543 : vector<16xi32>
      %swap3A = arith.index_cast %multiple_of3A : i32 to index
      %swap3A_1545 = tpu.vector_load %arg11[%swap3A] {strides = array<i32>} : memref<1040xi32, #tpu.memory_space<vmem>>, vector<16xi32>,
      %swap3A_1546 = vector.shape_cast %swap3A_1545 : vector<16xi32> to vector<16xi32>
      %swap3A_1547 = vector.shape_cast %add3A_1544 : vector<16xi32> to vector<16xi32>
      tpu.vector_store %arg11[%swap3A], %swap3A_1547 {strides = array<i32>} : memref<1040xi32, #tpu.memory_space<vmem>>, vector<16xi32>,
    }
    %scan3A_1256 = arith.constant 65 : i32
    %dma_wait3A_1257 = arith.constant 0 : i32
    %dma_wait3A_1258 = tpu.memref_slice %arg5[%add3A_1220, %dma_wait3A_1257] : memref<2129920x16xf32, #tpu.memory_space<hbm>> -> memref<1040x16xf32, #tpu.memory_space<hbm>>
    %dma_wait3A_1259 = arith.constant 0 : i32
    %dma_wait3A_1260 = tpu.memref_slice %arg5[%add3A_1220, %dma_wait3A_1259] : memref<2129920x16xf32, #tpu.memory_space<hbm>> -> memref<1040x16xf32, #tpu.memory_space<hbm>>
    tpu.wait_dma2 semaphore(%arg26 : memref<!tpu.dma_semaphore, #tpu.memory_space<semaphore_mem>>) src(%arg16 : memref<1040x16xf32, #tpu.memory_space<vmem>>) dst(%dma_wait3A_1260 : memref<1040x16xf32, #tpu.memory_space<hbm>>)
    %dma_start3A_1261 = arith.constant 0 : i32
    %dma_start3A_1262 = arith.constant 0 : i32
    %dma_start3A_1263 = tpu.memref_slice %arg2[%dma_start3A_1261, %dma_start3A_1262] : memref<2600000x16xf32, #tpu.memory_space<hbm>> -> memref<2600000x16xf32, #tpu.memory_space<hbm>>
    tpu.enqueue_indirect_dma source(%dma_start3A_1263 : memref<2600000x16xf32, #tpu.memory_space<hbm>>) target(%arg16 : memref<1040x16xf32, #tpu.memory_space<vmem>>) offsets(%arg11 : memref<1040xi32, #tpu.memory_space<vmem>>) semaphore(%arg21 : memref<!tpu.dma_semaphore, #tpu.memory_space<semaphore_mem>>)
    %dma_wait3A_1264 = arith.constant 0 : i32
    %dma_wait3A_1265 = arith.constant 0 : i32
    %dma_wait3A_1266 = tpu.memref_slice %arg2[%dma_wait3A_1264, %dma_wait3A_1265] : memref<2600000x16xf32, #tpu.memory_space<hbm>> -> memref<2600000x16xf32, #tpu.memory_space<hbm>>
    tpu.wait_indirect_dma semaphore(%arg18 : memref<!tpu.dma_semaphore, #tpu.memory_space<semaphore_mem>>) src(%dma_wait3A_1266 : memref<2600000x16xf32, #tpu.memory_space<hbm>>) dst(%arg13 : memref<1040x16xf32, #tpu.memory_space<vmem>>)
    %add3A_1267 = arith.constant 53040 : i32
    %add3A_1268 = arith.addi %mul3A_2, %add3A_1267 : i32
    %dma_start3A_1269 = arith.constant 0 : i32
    %dma_start3A_1270 = tpu.memref_slice %arg5[%add3A_1268, %dma_start3A_1269] : memref<2129920x16xf32, #tpu.memory_space<hbm>> -> memref<1040x16xf32, #tpu.memory_space<hbm>>
    %dma_start3A_1271 = arith.constant 0 : i32
    %dma_start3A_1272 = tpu.memref_slice %arg5[%add3A_1268, %dma_start3A_1271] : memref<2129920x16xf32, #tpu.memory_space<hbm>> -> memref<1040x16xf32, #tpu.memory_space<hbm>>
    tpu.enqueue_dma source(%arg13 : memref<1040x16xf32, #tpu.memory_space<vmem>>) target(%dma_start3A_1272 : memref<1040x16xf32, #tpu.memory_space<hbm>>) target_semaphore(%arg23 : memref<!tpu.dma_semaphore, #tpu.memory_space<semaphore_mem>>)
    %add3A_1273 = arith.constant 57200 : i32
    %add3A_1274 = arith.addi %mul3A_2, %add3A_1273 : i32
    "tpu.region"() ({
      %run_scoped3A = tpu.sem_alloc : memref<!tpu.dma_semaphore, #tpu.memory_space<semaphore_mem>>
      %dma_start3A_1536 = tpu.memref_slice %arg3[%add3A_1274] : memref<2129920xi32, #tpu.memory_space<hbm>> -> memref<1040xi32, #tpu.memory_space<hbm>>
      %dma_start3A_1537 = tpu.memref_slice %arg3[%add3A_1274] : memref<2129920xi32, #tpu.memory_space<hbm>> -> memref<1040xi32, #tpu.memory_space<hbm>>
      tpu.enqueue_dma source(%dma_start3A_1537 : memref<1040xi32, #tpu.memory_space<hbm>>) target(%arg7 : memref<1040xi32, #tpu.memory_space<vmem>>) target_semaphore(%run_scoped3A : memref<!tpu.dma_semaphore, #tpu.memory_space<semaphore_mem>>)
      %dma_wait3A_1538 = tpu.memref_slice %arg3[%add3A_1274] : memref<2129920xi32, #tpu.memory_space<hbm>> -> memref<1040xi32, #tpu.memory_space<hbm>>
      %dma_wait3A_1539 = tpu.memref_slice %arg3[%add3A_1274] : memref<2129920xi32, #tpu.memory_space<hbm>> -> memref<1040xi32, #tpu.memory_space<hbm>>
      tpu.wait_dma2 semaphore(%run_scoped3A : memref<!tpu.dma_semaphore, #tpu.memory_space<semaphore_mem>>) src(%dma_wait3A_1539 : memref<1040xi32, #tpu.memory_space<hbm>>) dst(%arg7 : memref<1040xi32, #tpu.memory_space<vmem>>)
      tpu.yield
    }) : () -> ()
    %scan3A_1275 = arith.constant 0 : i32
    %scan3A_1276 = arith.constant 0 : i32
    %scan3A_1277 = arith.constant 65 : i32
    %scan3A_1278 = arith.addi %scan3A_1276, %scan3A_1277 : i32
    %scan3A_1279 = arith.constant 1 : i32
    scf.for %scan3A_1536 = %scan3A_1276 to %scan3A_1278 step %scan3A_1279  : i32 {
      %mul3A_1537 = arith.constant 16 : i32
      %mul3A_1538 = arith.muli %scan3A_1536, %mul3A_1537 : i32
      %multiple_of3A = tpu.assume_multiple %mul3A_1538, 16 : i32
      %get3A = arith.index_cast %multiple_of3A : i32 to index
      %get3A_1539 = tpu.vector_load %arg7[%get3A] {strides = array<i32>} : memref<1040xi32, #tpu.memory_space<vmem>>, vector<16xi32>,
      %get3A_1540 = vector.shape_cast %get3A_1539 : vector<16xi32> to vector<16xi32>
      %get3A_1541 = arith.index_cast %multiple_of3A : i32 to index
      %get3A_1542 = tpu.vector_load %arg6[%get3A_1541] {strides = array<i32>} : memref<1040xi32, #tpu.memory_space<vmem>>, vector<16xi32>,
      %get3A_1543 = vector.shape_cast %get3A_1542 : vector<16xi32> to vector<16xi32>
      %add3A_1544 = arith.addi %get3A_1540, %get3A_1543 : vector<16xi32>
      %swap3A = arith.index_cast %multiple_of3A : i32 to index
      %swap3A_1545 = tpu.vector_load %arg7[%swap3A] {strides = array<i32>} : memref<1040xi32, #tpu.memory_space<vmem>>, vector<16xi32>,
      %swap3A_1546 = vector.shape_cast %swap3A_1545 : vector<16xi32> to vector<16xi32>
      %swap3A_1547 = vector.shape_cast %add3A_1544 : vector<16xi32> to vector<16xi32>
      tpu.vector_store %arg7[%swap3A], %swap3A_1547 {strides = array<i32>} : memref<1040xi32, #tpu.memory_space<vmem>>, vector<16xi32>,
    }
    %scan3A_1280 = arith.constant 65 : i32
    %dma_wait3A_1281 = arith.constant 0 : i32
    %dma_wait3A_1282 = tpu.memref_slice %arg5[%add3A_1244, %dma_wait3A_1281] : memref<2129920x16xf32, #tpu.memory_space<hbm>> -> memref<1040x16xf32, #tpu.memory_space<hbm>>
    %dma_wait3A_1283 = arith.constant 0 : i32
    %dma_wait3A_1284 = tpu.memref_slice %arg5[%add3A_1244, %dma_wait3A_1283] : memref<2129920x16xf32, #tpu.memory_space<hbm>> -> memref<1040x16xf32, #tpu.memory_space<hbm>>
    tpu.wait_dma2 semaphore(%arg22 : memref<!tpu.dma_semaphore, #tpu.memory_space<semaphore_mem>>) src(%arg12 : memref<1040x16xf32, #tpu.memory_space<vmem>>) dst(%dma_wait3A_1284 : memref<1040x16xf32, #tpu.memory_space<hbm>>)
    %dma_start3A_1285 = arith.constant 0 : i32
    %dma_start3A_1286 = arith.constant 0 : i32
    %dma_start3A_1287 = tpu.memref_slice %arg2[%dma_start3A_1285, %dma_start3A_1286] : memref<2600000x16xf32, #tpu.memory_space<hbm>> -> memref<2600000x16xf32, #tpu.memory_space<hbm>>
    tpu.enqueue_indirect_dma source(%dma_start3A_1287 : memref<2600000x16xf32, #tpu.memory_space<hbm>>) target(%arg12 : memref<1040x16xf32, #tpu.memory_space<vmem>>) offsets(%arg7 : memref<1040xi32, #tpu.memory_space<vmem>>) semaphore(%arg17 : memref<!tpu.dma_semaphore, #tpu.memory_space<semaphore_mem>>)
    %dma_wait3A_1288 = arith.constant 0 : i32
    %dma_wait3A_1289 = arith.constant 0 : i32
    %dma_wait3A_1290 = tpu.memref_slice %arg2[%dma_wait3A_1288, %dma_wait3A_1289] : memref<2600000x16xf32, #tpu.memory_space<hbm>> -> memref<2600000x16xf32, #tpu.memory_space<hbm>>
    tpu.wait_indirect_dma semaphore(%arg19 : memref<!tpu.dma_semaphore, #tpu.memory_space<semaphore_mem>>) src(%dma_wait3A_1290 : memref<2600000x16xf32, #tpu.memory_space<hbm>>) dst(%arg14 : memref<1040x16xf32, #tpu.memory_space<vmem>>)
    %add3A_1291 = arith.constant 54080 : i32
    %add3A_1292 = arith.addi %mul3A_2, %add3A_1291 : i32
    %dma_start3A_1293 = arith.constant 0 : i32
    %dma_start3A_1294 = tpu.memref_slice %arg5[%add3A_1292, %dma_start3A_1293] : memref<2129920x16xf32, #tpu.memory_space<hbm>> -> memref<1040x16xf32, #tpu.memory_space<hbm>>
    %dma_start3A_1295 = arith.constant 0 : i32
    %dma_start3A_1296 = tpu.memref_slice %arg5[%add3A_1292, %dma_start3A_1295] : memref<2129920x16xf32, #tpu.memory_space<hbm>> -> memref<1040x16xf32, #tpu.memory_space<hbm>>
    tpu.enqueue_dma source(%arg14 : memref<1040x16xf32, #tpu.memory_space<vmem>>) target(%dma_start3A_1296 : memref<1040x16xf32, #tpu.memory_space<hbm>>) target_semaphore(%arg24 : memref<!tpu.dma_semaphore, #tpu.memory_space<semaphore_mem>>)
    %add3A_1297 = arith.constant 58240 : i32
    %add3A_1298 = arith.addi %mul3A_2, %add3A_1297 : i32
    "tpu.region"() ({
      %run_scoped3A = tpu.sem_alloc : memref<!tpu.dma_semaphore, #tpu.memory_space<semaphore_mem>>
      %dma_start3A_1536 = tpu.memref_slice %arg3[%add3A_1298] : memref<2129920xi32, #tpu.memory_space<hbm>> -> memref<1040xi32, #tpu.memory_space<hbm>>
      %dma_start3A_1537 = tpu.memref_slice %arg3[%add3A_1298] : memref<2129920xi32, #tpu.memory_space<hbm>> -> memref<1040xi32, #tpu.memory_space<hbm>>
      tpu.enqueue_dma source(%dma_start3A_1537 : memref<1040xi32, #tpu.memory_space<hbm>>) target(%arg8 : memref<1040xi32, #tpu.memory_space<vmem>>) target_semaphore(%run_scoped3A : memref<!tpu.dma_semaphore, #tpu.memory_space<semaphore_mem>>)
      %dma_wait3A_1538 = tpu.memref_slice %arg3[%add3A_1298] : memref<2129920xi32, #tpu.memory_space<hbm>> -> memref<1040xi32, #tpu.memory_space<hbm>>
      %dma_wait3A_1539 = tpu.memref_slice %arg3[%add3A_1298] : memref<2129920xi32, #tpu.memory_space<hbm>> -> memref<1040xi32, #tpu.memory_space<hbm>>
      tpu.wait_dma2 semaphore(%run_scoped3A : memref<!tpu.dma_semaphore, #tpu.memory_space<semaphore_mem>>) src(%dma_wait3A_1539 : memref<1040xi32, #tpu.memory_space<hbm>>) dst(%arg8 : memref<1040xi32, #tpu.memory_space<vmem>>)
      tpu.yield
    }) : () -> ()
    %scan3A_1299 = arith.constant 0 : i32
    %scan3A_1300 = arith.constant 0 : i32
    %scan3A_1301 = arith.constant 65 : i32
    %scan3A_1302 = arith.addi %scan3A_1300, %scan3A_1301 : i32
    %scan3A_1303 = arith.constant 1 : i32
    scf.for %scan3A_1536 = %scan3A_1300 to %scan3A_1302 step %scan3A_1303  : i32 {
      %mul3A_1537 = arith.constant 16 : i32
      %mul3A_1538 = arith.muli %scan3A_1536, %mul3A_1537 : i32
      %multiple_of3A = tpu.assume_multiple %mul3A_1538, 16 : i32
      %get3A = arith.index_cast %multiple_of3A : i32 to index
      %get3A_1539 = tpu.vector_load %arg8[%get3A] {strides = array<i32>} : memref<1040xi32, #tpu.memory_space<vmem>>, vector<16xi32>,
      %get3A_1540 = vector.shape_cast %get3A_1539 : vector<16xi32> to vector<16xi32>
      %get3A_1541 = arith.index_cast %multiple_of3A : i32 to index
      %get3A_1542 = tpu.vector_load %arg6[%get3A_1541] {strides = array<i32>} : memref<1040xi32, #tpu.memory_space<vmem>>, vector<16xi32>,
      %get3A_1543 = vector.shape_cast %get3A_1542 : vector<16xi32> to vector<16xi32>
      %add3A_1544 = arith.addi %get3A_1540, %get3A_1543 : vector<16xi32>
      %swap3A = arith.index_cast %multiple_of3A : i32 to index
      %swap3A_1545 = tpu.vector_load %arg8[%swap3A] {strides = array<i32>} : memref<1040xi32, #tpu.memory_space<vmem>>, vector<16xi32>,
      %swap3A_1546 = vector.shape_cast %swap3A_1545 : vector<16xi32> to vector<16xi32>
      %swap3A_1547 = vector.shape_cast %add3A_1544 : vector<16xi32> to vector<16xi32>
      tpu.vector_store %arg8[%swap3A], %swap3A_1547 {strides = array<i32>} : memref<1040xi32, #tpu.memory_space<vmem>>, vector<16xi32>,
    }
    %scan3A_1304 = arith.constant 65 : i32
    %dma_wait3A_1305 = arith.constant 0 : i32
    %dma_wait3A_1306 = tpu.memref_slice %arg5[%add3A_1268, %dma_wait3A_1305] : memref<2129920x16xf32, #tpu.memory_space<hbm>> -> memref<1040x16xf32, #tpu.memory_space<hbm>>
    %dma_wait3A_1307 = arith.constant 0 : i32
    %dma_wait3A_1308 = tpu.memref_slice %arg5[%add3A_1268, %dma_wait3A_1307] : memref<2129920x16xf32, #tpu.memory_space<hbm>> -> memref<1040x16xf32, #tpu.memory_space<hbm>>
    tpu.wait_dma2 semaphore(%arg23 : memref<!tpu.dma_semaphore, #tpu.memory_space<semaphore_mem>>) src(%arg13 : memref<1040x16xf32, #tpu.memory_space<vmem>>) dst(%dma_wait3A_1308 : memref<1040x16xf32, #tpu.memory_space<hbm>>)
    %dma_start3A_1309 = arith.constant 0 : i32
    %dma_start3A_1310 = arith.constant 0 : i32
    %dma_start3A_1311 = tpu.memref_slice %arg2[%dma_start3A_1309, %dma_start3A_1310] : memref<2600000x16xf32, #tpu.memory_space<hbm>> -> memref<2600000x16xf32, #tpu.memory_space<hbm>>
    tpu.enqueue_indirect_dma source(%dma_start3A_1311 : memref<2600000x16xf32, #tpu.memory_space<hbm>>) target(%arg13 : memref<1040x16xf32, #tpu.memory_space<vmem>>) offsets(%arg8 : memref<1040xi32, #tpu.memory_space<vmem>>) semaphore(%arg18 : memref<!tpu.dma_semaphore, #tpu.memory_space<semaphore_mem>>)
    %dma_wait3A_1312 = arith.constant 0 : i32
    %dma_wait3A_1313 = arith.constant 0 : i32
    %dma_wait3A_1314 = tpu.memref_slice %arg2[%dma_wait3A_1312, %dma_wait3A_1313] : memref<2600000x16xf32, #tpu.memory_space<hbm>> -> memref<2600000x16xf32, #tpu.memory_space<hbm>>
    tpu.wait_indirect_dma semaphore(%arg20 : memref<!tpu.dma_semaphore, #tpu.memory_space<semaphore_mem>>) src(%dma_wait3A_1314 : memref<2600000x16xf32, #tpu.memory_space<hbm>>) dst(%arg15 : memref<1040x16xf32, #tpu.memory_space<vmem>>)
    %add3A_1315 = arith.constant 55120 : i32
    %add3A_1316 = arith.addi %mul3A_2, %add3A_1315 : i32
    %dma_start3A_1317 = arith.constant 0 : i32
    %dma_start3A_1318 = tpu.memref_slice %arg5[%add3A_1316, %dma_start3A_1317] : memref<2129920x16xf32, #tpu.memory_space<hbm>> -> memref<1040x16xf32, #tpu.memory_space<hbm>>
    %dma_start3A_1319 = arith.constant 0 : i32
    %dma_start3A_1320 = tpu.memref_slice %arg5[%add3A_1316, %dma_start3A_1319] : memref<2129920x16xf32, #tpu.memory_space<hbm>> -> memref<1040x16xf32, #tpu.memory_space<hbm>>
    tpu.enqueue_dma source(%arg15 : memref<1040x16xf32, #tpu.memory_space<vmem>>) target(%dma_start3A_1320 : memref<1040x16xf32, #tpu.memory_space<hbm>>) target_semaphore(%arg25 : memref<!tpu.dma_semaphore, #tpu.memory_space<semaphore_mem>>)
    %add3A_1321 = arith.constant 59280 : i32
    %add3A_1322 = arith.addi %mul3A_2, %add3A_1321 : i32
    "tpu.region"() ({
      %run_scoped3A = tpu.sem_alloc : memref<!tpu.dma_semaphore, #tpu.memory_space<semaphore_mem>>
      %dma_start3A_1536 = tpu.memref_slice %arg3[%add3A_1322] : memref<2129920xi32, #tpu.memory_space<hbm>> -> memref<1040xi32, #tpu.memory_space<hbm>>
      %dma_start3A_1537 = tpu.memref_slice %arg3[%add3A_1322] : memref<2129920xi32, #tpu.memory_space<hbm>> -> memref<1040xi32, #tpu.memory_space<hbm>>
      tpu.enqueue_dma source(%dma_start3A_1537 : memref<1040xi32, #tpu.memory_space<hbm>>) target(%arg9 : memref<1040xi32, #tpu.memory_space<vmem>>) target_semaphore(%run_scoped3A : memref<!tpu.dma_semaphore, #tpu.memory_space<semaphore_mem>>)
      %dma_wait3A_1538 = tpu.memref_slice %arg3[%add3A_1322] : memref<2129920xi32, #tpu.memory_space<hbm>> -> memref<1040xi32, #tpu.memory_space<hbm>>
      %dma_wait3A_1539 = tpu.memref_slice %arg3[%add3A_1322] : memref<2129920xi32, #tpu.memory_space<hbm>> -> memref<1040xi32, #tpu.memory_space<hbm>>
      tpu.wait_dma2 semaphore(%run_scoped3A : memref<!tpu.dma_semaphore, #tpu.memory_space<semaphore_mem>>) src(%dma_wait3A_1539 : memref<1040xi32, #tpu.memory_space<hbm>>) dst(%arg9 : memref<1040xi32, #tpu.memory_space<vmem>>)
      tpu.yield
    }) : () -> ()
    %scan3A_1323 = arith.constant 0 : i32
    %scan3A_1324 = arith.constant 0 : i32
    %scan3A_1325 = arith.constant 65 : i32
    %scan3A_1326 = arith.addi %scan3A_1324, %scan3A_1325 : i32
    %scan3A_1327 = arith.constant 1 : i32
    scf.for %scan3A_1536 = %scan3A_1324 to %scan3A_1326 step %scan3A_1327  : i32 {
      %mul3A_1537 = arith.constant 16 : i32
      %mul3A_1538 = arith.muli %scan3A_1536, %mul3A_1537 : i32
      %multiple_of3A = tpu.assume_multiple %mul3A_1538, 16 : i32
      %get3A = arith.index_cast %multiple_of3A : i32 to index
      %get3A_1539 = tpu.vector_load %arg9[%get3A] {strides = array<i32>} : memref<1040xi32, #tpu.memory_space<vmem>>, vector<16xi32>,
      %get3A_1540 = vector.shape_cast %get3A_1539 : vector<16xi32> to vector<16xi32>
      %get3A_1541 = arith.index_cast %multiple_of3A : i32 to index
      %get3A_1542 = tpu.vector_load %arg6[%get3A_1541] {strides = array<i32>} : memref<1040xi32, #tpu.memory_space<vmem>>, vector<16xi32>,
      %get3A_1543 = vector.shape_cast %get3A_1542 : vector<16xi32> to vector<16xi32>
      %add3A_1544 = arith.addi %get3A_1540, %get3A_1543 : vector<16xi32>
      %swap3A = arith.index_cast %multiple_of3A : i32 to index
      %swap3A_1545 = tpu.vector_load %arg9[%swap3A] {strides = array<i32>} : memref<1040xi32, #tpu.memory_space<vmem>>, vector<16xi32>,
      %swap3A_1546 = vector.shape_cast %swap3A_1545 : vector<16xi32> to vector<16xi32>
      %swap3A_1547 = vector.shape_cast %add3A_1544 : vector<16xi32> to vector<16xi32>
      tpu.vector_store %arg9[%swap3A], %swap3A_1547 {strides = array<i32>} : memref<1040xi32, #tpu.memory_space<vmem>>, vector<16xi32>,
    }
    %scan3A_1328 = arith.constant 65 : i32
    %dma_wait3A_1329 = arith.constant 0 : i32
    %dma_wait3A_1330 = tpu.memref_slice %arg5[%add3A_1292, %dma_wait3A_1329] : memref<2129920x16xf32, #tpu.memory_space<hbm>> -> memref<1040x16xf32, #tpu.memory_space<hbm>>
    %dma_wait3A_1331 = arith.constant 0 : i32
    %dma_wait3A_1332 = tpu.memref_slice %arg5[%add3A_1292, %dma_wait3A_1331] : memref<2129920x16xf32, #tpu.memory_space<hbm>> -> memref<1040x16xf32, #tpu.memory_space<hbm>>
    tpu.wait_dma2 semaphore(%arg24 : memref<!tpu.dma_semaphore, #tpu.memory_space<semaphore_mem>>) src(%arg14 : memref<1040x16xf32, #tpu.memory_space<vmem>>) dst(%dma_wait3A_1332 : memref<1040x16xf32, #tpu.memory_space<hbm>>)
    %dma_start3A_1333 = arith.constant 0 : i32
    %dma_start3A_1334 = arith.constant 0 : i32
    %dma_start3A_1335 = tpu.memref_slice %arg2[%dma_start3A_1333, %dma_start3A_1334] : memref<2600000x16xf32, #tpu.memory_space<hbm>> -> memref<2600000x16xf32, #tpu.memory_space<hbm>>
    tpu.enqueue_indirect_dma source(%dma_start3A_1335 : memref<2600000x16xf32, #tpu.memory_space<hbm>>) target(%arg14 : memref<1040x16xf32, #tpu.memory_space<vmem>>) offsets(%arg9 : memref<1040xi32, #tpu.memory_space<vmem>>) semaphore(%arg19 : memref<!tpu.dma_semaphore, #tpu.memory_space<semaphore_mem>>)
    %dma_wait3A_1336 = arith.constant 0 : i32
    %dma_wait3A_1337 = arith.constant 0 : i32
    %dma_wait3A_1338 = tpu.memref_slice %arg2[%dma_wait3A_1336, %dma_wait3A_1337] : memref<2600000x16xf32, #tpu.memory_space<hbm>> -> memref<2600000x16xf32, #tpu.memory_space<hbm>>
    tpu.wait_indirect_dma semaphore(%arg21 : memref<!tpu.dma_semaphore, #tpu.memory_space<semaphore_mem>>) src(%dma_wait3A_1338 : memref<2600000x16xf32, #tpu.memory_space<hbm>>) dst(%arg16 : memref<1040x16xf32, #tpu.memory_space<vmem>>)
    %add3A_1339 = arith.constant 56160 : i32
    %add3A_1340 = arith.addi %mul3A_2, %add3A_1339 : i32
    %dma_start3A_1341 = arith.constant 0 : i32
    %dma_start3A_1342 = tpu.memref_slice %arg5[%add3A_1340, %dma_start3A_1341] : memref<2129920x16xf32, #tpu.memory_space<hbm>> -> memref<1040x16xf32, #tpu.memory_space<hbm>>
    %dma_start3A_1343 = arith.constant 0 : i32
    %dma_start3A_1344 = tpu.memref_slice %arg5[%add3A_1340, %dma_start3A_1343] : memref<2129920x16xf32, #tpu.memory_space<hbm>> -> memref<1040x16xf32, #tpu.memory_space<hbm>>
    tpu.enqueue_dma source(%arg16 : memref<1040x16xf32, #tpu.memory_space<vmem>>) target(%dma_start3A_1344 : memref<1040x16xf32, #tpu.memory_space<hbm>>) target_semaphore(%arg26 : memref<!tpu.dma_semaphore, #tpu.memory_space<semaphore_mem>>)
    %add3A_1345 = arith.constant 60320 : i32
    %add3A_1346 = arith.addi %mul3A_2, %add3A_1345 : i32
    "tpu.region"() ({
      %run_scoped3A = tpu.sem_alloc : memref<!tpu.dma_semaphore, #tpu.memory_space<semaphore_mem>>
      %dma_start3A_1536 = tpu.memref_slice %arg3[%add3A_1346] : memref<2129920xi32, #tpu.memory_space<hbm>> -> memref<1040xi32, #tpu.memory_space<hbm>>
      %dma_start3A_1537 = tpu.memref_slice %arg3[%add3A_1346] : memref<2129920xi32, #tpu.memory_space<hbm>> -> memref<1040xi32, #tpu.memory_space<hbm>>
      tpu.enqueue_dma source(%dma_start3A_1537 : memref<1040xi32, #tpu.memory_space<hbm>>) target(%arg10 : memref<1040xi32, #tpu.memory_space<vmem>>) target_semaphore(%run_scoped3A : memref<!tpu.dma_semaphore, #tpu.memory_space<semaphore_mem>>)
      %dma_wait3A_1538 = tpu.memref_slice %arg3[%add3A_1346] : memref<2129920xi32, #tpu.memory_space<hbm>> -> memref<1040xi32, #tpu.memory_space<hbm>>
      %dma_wait3A_1539 = tpu.memref_slice %arg3[%add3A_1346] : memref<2129920xi32, #tpu.memory_space<hbm>> -> memref<1040xi32, #tpu.memory_space<hbm>>
      tpu.wait_dma2 semaphore(%run_scoped3A : memref<!tpu.dma_semaphore, #tpu.memory_space<semaphore_mem>>) src(%dma_wait3A_1539 : memref<1040xi32, #tpu.memory_space<hbm>>) dst(%arg10 : memref<1040xi32, #tpu.memory_space<vmem>>)
      tpu.yield
    }) : () -> ()
    %scan3A_1347 = arith.constant 0 : i32
    %scan3A_1348 = arith.constant 0 : i32
    %scan3A_1349 = arith.constant 65 : i32
    %scan3A_1350 = arith.addi %scan3A_1348, %scan3A_1349 : i32
    %scan3A_1351 = arith.constant 1 : i32
    scf.for %scan3A_1536 = %scan3A_1348 to %scan3A_1350 step %scan3A_1351  : i32 {
      %mul3A_1537 = arith.constant 16 : i32
      %mul3A_1538 = arith.muli %scan3A_1536, %mul3A_1537 : i32
      %multiple_of3A = tpu.assume_multiple %mul3A_1538, 16 : i32
      %get3A = arith.index_cast %multiple_of3A : i32 to index
      %get3A_1539 = tpu.vector_load %arg10[%get3A] {strides = array<i32>} : memref<1040xi32, #tpu.memory_space<vmem>>, vector<16xi32>,
      %get3A_1540 = vector.shape_cast %get3A_1539 : vector<16xi32> to vector<16xi32>
      %get3A_1541 = arith.index_cast %multiple_of3A : i32 to index
      %get3A_1542 = tpu.vector_load %arg6[%get3A_1541] {strides = array<i32>} : memref<1040xi32, #tpu.memory_space<vmem>>, vector<16xi32>,
      %get3A_1543 = vector.shape_cast %get3A_1542 : vector<16xi32> to vector<16xi32>
      %add3A_1544 = arith.addi %get3A_1540, %get3A_1543 : vector<16xi32>
      %swap3A = arith.index_cast %multiple_of3A : i32 to index
      %swap3A_1545 = tpu.vector_load %arg10[%swap3A] {strides = array<i32>} : memref<1040xi32, #tpu.memory_space<vmem>>, vector<16xi32>,
      %swap3A_1546 = vector.shape_cast %swap3A_1545 : vector<16xi32> to vector<16xi32>
      %swap3A_1547 = vector.shape_cast %add3A_1544 : vector<16xi32> to vector<16xi32>
      tpu.vector_store %arg10[%swap3A], %swap3A_1547 {strides = array<i32>} : memref<1040xi32, #tpu.memory_space<vmem>>, vector<16xi32>,
    }
    %scan3A_1352 = arith.constant 65 : i32
    %dma_wait3A_1353 = arith.constant 0 : i32
    %dma_wait3A_1354 = tpu.memref_slice %arg5[%add3A_1316, %dma_wait3A_1353] : memref<2129920x16xf32, #tpu.memory_space<hbm>> -> memref<1040x16xf32, #tpu.memory_space<hbm>>
    %dma_wait3A_1355 = arith.constant 0 : i32
    %dma_wait3A_1356 = tpu.memref_slice %arg5[%add3A_1316, %dma_wait3A_1355] : memref<2129920x16xf32, #tpu.memory_space<hbm>> -> memref<1040x16xf32, #tpu.memory_space<hbm>>
    tpu.wait_dma2 semaphore(%arg25 : memref<!tpu.dma_semaphore, #tpu.memory_space<semaphore_mem>>) src(%arg15 : memref<1040x16xf32, #tpu.memory_space<vmem>>) dst(%dma_wait3A_1356 : memref<1040x16xf32, #tpu.memory_space<hbm>>)
    %dma_start3A_1357 = arith.constant 0 : i32
    %dma_start3A_1358 = arith.constant 0 : i32
    %dma_start3A_1359 = tpu.memref_slice %arg2[%dma_start3A_1357, %dma_start3A_1358] : memref<2600000x16xf32, #tpu.memory_space<hbm>> -> memref<2600000x16xf32, #tpu.memory_space<hbm>>
    tpu.enqueue_indirect_dma source(%dma_start3A_1359 : memref<2600000x16xf32, #tpu.memory_space<hbm>>) target(%arg15 : memref<1040x16xf32, #tpu.memory_space<vmem>>) offsets(%arg10 : memref<1040xi32, #tpu.memory_space<vmem>>) semaphore(%arg20 : memref<!tpu.dma_semaphore, #tpu.memory_space<semaphore_mem>>)
    %dma_wait3A_1360 = arith.constant 0 : i32
    %dma_wait3A_1361 = arith.constant 0 : i32
    %dma_wait3A_1362 = tpu.memref_slice %arg2[%dma_wait3A_1360, %dma_wait3A_1361] : memref<2600000x16xf32, #tpu.memory_space<hbm>> -> memref<2600000x16xf32, #tpu.memory_space<hbm>>
    tpu.wait_indirect_dma semaphore(%arg17 : memref<!tpu.dma_semaphore, #tpu.memory_space<semaphore_mem>>) src(%dma_wait3A_1362 : memref<2600000x16xf32, #tpu.memory_space<hbm>>) dst(%arg12 : memref<1040x16xf32, #tpu.memory_space<vmem>>)
    %add3A_1363 = arith.constant 57200 : i32
    %add3A_1364 = arith.addi %mul3A_2, %add3A_1363 : i32
    %dma_start3A_1365 = arith.constant 0 : i32
    %dma_start3A_1366 = tpu.memref_slice %arg5[%add3A_1364, %dma_start3A_1365] : memref<2129920x16xf32, #tpu.memory_space<hbm>> -> memref<1040x16xf32, #tpu.memory_space<hbm>>
    %dma_start3A_1367 = arith.constant 0 : i32
    %dma_start3A_1368 = tpu.memref_slice %arg5[%add3A_1364, %dma_start3A_1367] : memref<2129920x16xf32, #tpu.memory_space<hbm>> -> memref<1040x16xf32, #tpu.memory_space<hbm>>
    tpu.enqueue_dma source(%arg12 : memref<1040x16xf32, #tpu.memory_space<vmem>>) target(%dma_start3A_1368 : memref<1040x16xf32, #tpu.memory_space<hbm>>) target_semaphore(%arg22 : memref<!tpu.dma_semaphore, #tpu.memory_space<semaphore_mem>>)
    %add3A_1369 = arith.constant 61360 : i32
    %add3A_1370 = arith.addi %mul3A_2, %add3A_1369 : i32
    "tpu.region"() ({
      %run_scoped3A = tpu.sem_alloc : memref<!tpu.dma_semaphore, #tpu.memory_space<semaphore_mem>>
      %dma_start3A_1536 = tpu.memref_slice %arg3[%add3A_1370] : memref<2129920xi32, #tpu.memory_space<hbm>> -> memref<1040xi32, #tpu.memory_space<hbm>>
      %dma_start3A_1537 = tpu.memref_slice %arg3[%add3A_1370] : memref<2129920xi32, #tpu.memory_space<hbm>> -> memref<1040xi32, #tpu.memory_space<hbm>>
      tpu.enqueue_dma source(%dma_start3A_1537 : memref<1040xi32, #tpu.memory_space<hbm>>) target(%arg11 : memref<1040xi32, #tpu.memory_space<vmem>>) target_semaphore(%run_scoped3A : memref<!tpu.dma_semaphore, #tpu.memory_space<semaphore_mem>>)
      %dma_wait3A_1538 = tpu.memref_slice %arg3[%add3A_1370] : memref<2129920xi32, #tpu.memory_space<hbm>> -> memref<1040xi32, #tpu.memory_space<hbm>>
      %dma_wait3A_1539 = tpu.memref_slice %arg3[%add3A_1370] : memref<2129920xi32, #tpu.memory_space<hbm>> -> memref<1040xi32, #tpu.memory_space<hbm>>
      tpu.wait_dma2 semaphore(%run_scoped3A : memref<!tpu.dma_semaphore, #tpu.memory_space<semaphore_mem>>) src(%dma_wait3A_1539 : memref<1040xi32, #tpu.memory_space<hbm>>) dst(%arg11 : memref<1040xi32, #tpu.memory_space<vmem>>)
      tpu.yield
    }) : () -> ()
    %scan3A_1371 = arith.constant 0 : i32
    %scan3A_1372 = arith.constant 0 : i32
    %scan3A_1373 = arith.constant 65 : i32
    %scan3A_1374 = arith.addi %scan3A_1372, %scan3A_1373 : i32
    %scan3A_1375 = arith.constant 1 : i32
    scf.for %scan3A_1536 = %scan3A_1372 to %scan3A_1374 step %scan3A_1375  : i32 {
      %mul3A_1537 = arith.constant 16 : i32
      %mul3A_1538 = arith.muli %scan3A_1536, %mul3A_1537 : i32
      %multiple_of3A = tpu.assume_multiple %mul3A_1538, 16 : i32
      %get3A = arith.index_cast %multiple_of3A : i32 to index
      %get3A_1539 = tpu.vector_load %arg11[%get3A] {strides = array<i32>} : memref<1040xi32, #tpu.memory_space<vmem>>, vector<16xi32>,
      %get3A_1540 = vector.shape_cast %get3A_1539 : vector<16xi32> to vector<16xi32>
      %get3A_1541 = arith.index_cast %multiple_of3A : i32 to index
      %get3A_1542 = tpu.vector_load %arg6[%get3A_1541] {strides = array<i32>} : memref<1040xi32, #tpu.memory_space<vmem>>, vector<16xi32>,
      %get3A_1543 = vector.shape_cast %get3A_1542 : vector<16xi32> to vector<16xi32>
      %add3A_1544 = arith.addi %get3A_1540, %get3A_1543 : vector<16xi32>
      %swap3A = arith.index_cast %multiple_of3A : i32 to index
      %swap3A_1545 = tpu.vector_load %arg11[%swap3A] {strides = array<i32>} : memref<1040xi32, #tpu.memory_space<vmem>>, vector<16xi32>,
      %swap3A_1546 = vector.shape_cast %swap3A_1545 : vector<16xi32> to vector<16xi32>
      %swap3A_1547 = vector.shape_cast %add3A_1544 : vector<16xi32> to vector<16xi32>
      tpu.vector_store %arg11[%swap3A], %swap3A_1547 {strides = array<i32>} : memref<1040xi32, #tpu.memory_space<vmem>>, vector<16xi32>,
    }
    %scan3A_1376 = arith.constant 65 : i32
    %dma_wait3A_1377 = arith.constant 0 : i32
    %dma_wait3A_1378 = tpu.memref_slice %arg5[%add3A_1340, %dma_wait3A_1377] : memref<2129920x16xf32, #tpu.memory_space<hbm>> -> memref<1040x16xf32, #tpu.memory_space<hbm>>
    %dma_wait3A_1379 = arith.constant 0 : i32
    %dma_wait3A_1380 = tpu.memref_slice %arg5[%add3A_1340, %dma_wait3A_1379] : memref<2129920x16xf32, #tpu.memory_space<hbm>> -> memref<1040x16xf32, #tpu.memory_space<hbm>>
    tpu.wait_dma2 semaphore(%arg26 : memref<!tpu.dma_semaphore, #tpu.memory_space<semaphore_mem>>) src(%arg16 : memref<1040x16xf32, #tpu.memory_space<vmem>>) dst(%dma_wait3A_1380 : memref<1040x16xf32, #tpu.memory_space<hbm>>)
    %dma_start3A_1381 = arith.constant 0 : i32
    %dma_start3A_1382 = arith.constant 0 : i32
    %dma_start3A_1383 = tpu.memref_slice %arg2[%dma_start3A_1381, %dma_start3A_1382] : memref<2600000x16xf32, #tpu.memory_space<hbm>> -> memref<2600000x16xf32, #tpu.memory_space<hbm>>
    tpu.enqueue_indirect_dma source(%dma_start3A_1383 : memref<2600000x16xf32, #tpu.memory_space<hbm>>) target(%arg16 : memref<1040x16xf32, #tpu.memory_space<vmem>>) offsets(%arg11 : memref<1040xi32, #tpu.memory_space<vmem>>) semaphore(%arg21 : memref<!tpu.dma_semaphore, #tpu.memory_space<semaphore_mem>>)
    %dma_wait3A_1384 = arith.constant 0 : i32
    %dma_wait3A_1385 = arith.constant 0 : i32
    %dma_wait3A_1386 = tpu.memref_slice %arg2[%dma_wait3A_1384, %dma_wait3A_1385] : memref<2600000x16xf32, #tpu.memory_space<hbm>> -> memref<2600000x16xf32, #tpu.memory_space<hbm>>
    tpu.wait_indirect_dma semaphore(%arg18 : memref<!tpu.dma_semaphore, #tpu.memory_space<semaphore_mem>>) src(%dma_wait3A_1386 : memref<2600000x16xf32, #tpu.memory_space<hbm>>) dst(%arg13 : memref<1040x16xf32, #tpu.memory_space<vmem>>)
    %add3A_1387 = arith.constant 58240 : i32
    %add3A_1388 = arith.addi %mul3A_2, %add3A_1387 : i32
    %dma_start3A_1389 = arith.constant 0 : i32
    %dma_start3A_1390 = tpu.memref_slice %arg5[%add3A_1388, %dma_start3A_1389] : memref<2129920x16xf32, #tpu.memory_space<hbm>> -> memref<1040x16xf32, #tpu.memory_space<hbm>>
    %dma_start3A_1391 = arith.constant 0 : i32
    %dma_start3A_1392 = tpu.memref_slice %arg5[%add3A_1388, %dma_start3A_1391] : memref<2129920x16xf32, #tpu.memory_space<hbm>> -> memref<1040x16xf32, #tpu.memory_space<hbm>>
    tpu.enqueue_dma source(%arg13 : memref<1040x16xf32, #tpu.memory_space<vmem>>) target(%dma_start3A_1392 : memref<1040x16xf32, #tpu.memory_space<hbm>>) target_semaphore(%arg23 : memref<!tpu.dma_semaphore, #tpu.memory_space<semaphore_mem>>)
    %add3A_1393 = arith.constant 62400 : i32
    %add3A_1394 = arith.addi %mul3A_2, %add3A_1393 : i32
    "tpu.region"() ({
      %run_scoped3A = tpu.sem_alloc : memref<!tpu.dma_semaphore, #tpu.memory_space<semaphore_mem>>
      %dma_start3A_1536 = tpu.memref_slice %arg3[%add3A_1394] : memref<2129920xi32, #tpu.memory_space<hbm>> -> memref<1040xi32, #tpu.memory_space<hbm>>
      %dma_start3A_1537 = tpu.memref_slice %arg3[%add3A_1394] : memref<2129920xi32, #tpu.memory_space<hbm>> -> memref<1040xi32, #tpu.memory_space<hbm>>
      tpu.enqueue_dma source(%dma_start3A_1537 : memref<1040xi32, #tpu.memory_space<hbm>>) target(%arg7 : memref<1040xi32, #tpu.memory_space<vmem>>) target_semaphore(%run_scoped3A : memref<!tpu.dma_semaphore, #tpu.memory_space<semaphore_mem>>)
      %dma_wait3A_1538 = tpu.memref_slice %arg3[%add3A_1394] : memref<2129920xi32, #tpu.memory_space<hbm>> -> memref<1040xi32, #tpu.memory_space<hbm>>
      %dma_wait3A_1539 = tpu.memref_slice %arg3[%add3A_1394] : memref<2129920xi32, #tpu.memory_space<hbm>> -> memref<1040xi32, #tpu.memory_space<hbm>>
      tpu.wait_dma2 semaphore(%run_scoped3A : memref<!tpu.dma_semaphore, #tpu.memory_space<semaphore_mem>>) src(%dma_wait3A_1539 : memref<1040xi32, #tpu.memory_space<hbm>>) dst(%arg7 : memref<1040xi32, #tpu.memory_space<vmem>>)
      tpu.yield
    }) : () -> ()
    %scan3A_1395 = arith.constant 0 : i32
    %scan3A_1396 = arith.constant 0 : i32
    %scan3A_1397 = arith.constant 65 : i32
    %scan3A_1398 = arith.addi %scan3A_1396, %scan3A_1397 : i32
    %scan3A_1399 = arith.constant 1 : i32
    scf.for %scan3A_1536 = %scan3A_1396 to %scan3A_1398 step %scan3A_1399  : i32 {
      %mul3A_1537 = arith.constant 16 : i32
      %mul3A_1538 = arith.muli %scan3A_1536, %mul3A_1537 : i32
      %multiple_of3A = tpu.assume_multiple %mul3A_1538, 16 : i32
      %get3A = arith.index_cast %multiple_of3A : i32 to index
      %get3A_1539 = tpu.vector_load %arg7[%get3A] {strides = array<i32>} : memref<1040xi32, #tpu.memory_space<vmem>>, vector<16xi32>,
      %get3A_1540 = vector.shape_cast %get3A_1539 : vector<16xi32> to vector<16xi32>
      %get3A_1541 = arith.index_cast %multiple_of3A : i32 to index
      %get3A_1542 = tpu.vector_load %arg6[%get3A_1541] {strides = array<i32>} : memref<1040xi32, #tpu.memory_space<vmem>>, vector<16xi32>,
      %get3A_1543 = vector.shape_cast %get3A_1542 : vector<16xi32> to vector<16xi32>
      %add3A_1544 = arith.addi %get3A_1540, %get3A_1543 : vector<16xi32>
      %swap3A = arith.index_cast %multiple_of3A : i32 to index
      %swap3A_1545 = tpu.vector_load %arg7[%swap3A] {strides = array<i32>} : memref<1040xi32, #tpu.memory_space<vmem>>, vector<16xi32>,
      %swap3A_1546 = vector.shape_cast %swap3A_1545 : vector<16xi32> to vector<16xi32>
      %swap3A_1547 = vector.shape_cast %add3A_1544 : vector<16xi32> to vector<16xi32>
      tpu.vector_store %arg7[%swap3A], %swap3A_1547 {strides = array<i32>} : memref<1040xi32, #tpu.memory_space<vmem>>, vector<16xi32>,
    }
    %scan3A_1400 = arith.constant 65 : i32
    %dma_wait3A_1401 = arith.constant 0 : i32
    %dma_wait3A_1402 = tpu.memref_slice %arg5[%add3A_1364, %dma_wait3A_1401] : memref<2129920x16xf32, #tpu.memory_space<hbm>> -> memref<1040x16xf32, #tpu.memory_space<hbm>>
    %dma_wait3A_1403 = arith.constant 0 : i32
    %dma_wait3A_1404 = tpu.memref_slice %arg5[%add3A_1364, %dma_wait3A_1403] : memref<2129920x16xf32, #tpu.memory_space<hbm>> -> memref<1040x16xf32, #tpu.memory_space<hbm>>
    tpu.wait_dma2 semaphore(%arg22 : memref<!tpu.dma_semaphore, #tpu.memory_space<semaphore_mem>>) src(%arg12 : memref<1040x16xf32, #tpu.memory_space<vmem>>) dst(%dma_wait3A_1404 : memref<1040x16xf32, #tpu.memory_space<hbm>>)
    %dma_start3A_1405 = arith.constant 0 : i32
    %dma_start3A_1406 = arith.constant 0 : i32
    %dma_start3A_1407 = tpu.memref_slice %arg2[%dma_start3A_1405, %dma_start3A_1406] : memref<2600000x16xf32, #tpu.memory_space<hbm>> -> memref<2600000x16xf32, #tpu.memory_space<hbm>>
    tpu.enqueue_indirect_dma source(%dma_start3A_1407 : memref<2600000x16xf32, #tpu.memory_space<hbm>>) target(%arg12 : memref<1040x16xf32, #tpu.memory_space<vmem>>) offsets(%arg7 : memref<1040xi32, #tpu.memory_space<vmem>>) semaphore(%arg17 : memref<!tpu.dma_semaphore, #tpu.memory_space<semaphore_mem>>)
    %dma_wait3A_1408 = arith.constant 0 : i32
    %dma_wait3A_1409 = arith.constant 0 : i32
    %dma_wait3A_1410 = tpu.memref_slice %arg2[%dma_wait3A_1408, %dma_wait3A_1409] : memref<2600000x16xf32, #tpu.memory_space<hbm>> -> memref<2600000x16xf32, #tpu.memory_space<hbm>>
    tpu.wait_indirect_dma semaphore(%arg19 : memref<!tpu.dma_semaphore, #tpu.memory_space<semaphore_mem>>) src(%dma_wait3A_1410 : memref<2600000x16xf32, #tpu.memory_space<hbm>>) dst(%arg14 : memref<1040x16xf32, #tpu.memory_space<vmem>>)
    %add3A_1411 = arith.constant 59280 : i32
    %add3A_1412 = arith.addi %mul3A_2, %add3A_1411 : i32
    %dma_start3A_1413 = arith.constant 0 : i32
    %dma_start3A_1414 = tpu.memref_slice %arg5[%add3A_1412, %dma_start3A_1413] : memref<2129920x16xf32, #tpu.memory_space<hbm>> -> memref<1040x16xf32, #tpu.memory_space<hbm>>
    %dma_start3A_1415 = arith.constant 0 : i32
    %dma_start3A_1416 = tpu.memref_slice %arg5[%add3A_1412, %dma_start3A_1415] : memref<2129920x16xf32, #tpu.memory_space<hbm>> -> memref<1040x16xf32, #tpu.memory_space<hbm>>
    tpu.enqueue_dma source(%arg14 : memref<1040x16xf32, #tpu.memory_space<vmem>>) target(%dma_start3A_1416 : memref<1040x16xf32, #tpu.memory_space<hbm>>) target_semaphore(%arg24 : memref<!tpu.dma_semaphore, #tpu.memory_space<semaphore_mem>>)
    %add3A_1417 = arith.constant 63440 : i32
    %add3A_1418 = arith.addi %mul3A_2, %add3A_1417 : i32
    "tpu.region"() ({
      %run_scoped3A = tpu.sem_alloc : memref<!tpu.dma_semaphore, #tpu.memory_space<semaphore_mem>>
      %dma_start3A_1536 = tpu.memref_slice %arg3[%add3A_1418] : memref<2129920xi32, #tpu.memory_space<hbm>> -> memref<1040xi32, #tpu.memory_space<hbm>>
      %dma_start3A_1537 = tpu.memref_slice %arg3[%add3A_1418] : memref<2129920xi32, #tpu.memory_space<hbm>> -> memref<1040xi32, #tpu.memory_space<hbm>>
      tpu.enqueue_dma source(%dma_start3A_1537 : memref<1040xi32, #tpu.memory_space<hbm>>) target(%arg8 : memref<1040xi32, #tpu.memory_space<vmem>>) target_semaphore(%run_scoped3A : memref<!tpu.dma_semaphore, #tpu.memory_space<semaphore_mem>>)
      %dma_wait3A_1538 = tpu.memref_slice %arg3[%add3A_1418] : memref<2129920xi32, #tpu.memory_space<hbm>> -> memref<1040xi32, #tpu.memory_space<hbm>>
      %dma_wait3A_1539 = tpu.memref_slice %arg3[%add3A_1418] : memref<2129920xi32, #tpu.memory_space<hbm>> -> memref<1040xi32, #tpu.memory_space<hbm>>
      tpu.wait_dma2 semaphore(%run_scoped3A : memref<!tpu.dma_semaphore, #tpu.memory_space<semaphore_mem>>) src(%dma_wait3A_1539 : memref<1040xi32, #tpu.memory_space<hbm>>) dst(%arg8 : memref<1040xi32, #tpu.memory_space<vmem>>)
      tpu.yield
    }) : () -> ()
    %scan3A_1419 = arith.constant 0 : i32
    %scan3A_1420 = arith.constant 0 : i32
    %scan3A_1421 = arith.constant 65 : i32
    %scan3A_1422 = arith.addi %scan3A_1420, %scan3A_1421 : i32
    %scan3A_1423 = arith.constant 1 : i32
    scf.for %scan3A_1536 = %scan3A_1420 to %scan3A_1422 step %scan3A_1423  : i32 {
      %mul3A_1537 = arith.constant 16 : i32
      %mul3A_1538 = arith.muli %scan3A_1536, %mul3A_1537 : i32
      %multiple_of3A = tpu.assume_multiple %mul3A_1538, 16 : i32
      %get3A = arith.index_cast %multiple_of3A : i32 to index
      %get3A_1539 = tpu.vector_load %arg8[%get3A] {strides = array<i32>} : memref<1040xi32, #tpu.memory_space<vmem>>, vector<16xi32>,
      %get3A_1540 = vector.shape_cast %get3A_1539 : vector<16xi32> to vector<16xi32>
      %get3A_1541 = arith.index_cast %multiple_of3A : i32 to index
      %get3A_1542 = tpu.vector_load %arg6[%get3A_1541] {strides = array<i32>} : memref<1040xi32, #tpu.memory_space<vmem>>, vector<16xi32>,
      %get3A_1543 = vector.shape_cast %get3A_1542 : vector<16xi32> to vector<16xi32>
      %add3A_1544 = arith.addi %get3A_1540, %get3A_1543 : vector<16xi32>
      %swap3A = arith.index_cast %multiple_of3A : i32 to index
      %swap3A_1545 = tpu.vector_load %arg8[%swap3A] {strides = array<i32>} : memref<1040xi32, #tpu.memory_space<vmem>>, vector<16xi32>,
      %swap3A_1546 = vector.shape_cast %swap3A_1545 : vector<16xi32> to vector<16xi32>
      %swap3A_1547 = vector.shape_cast %add3A_1544 : vector<16xi32> to vector<16xi32>
      tpu.vector_store %arg8[%swap3A], %swap3A_1547 {strides = array<i32>} : memref<1040xi32, #tpu.memory_space<vmem>>, vector<16xi32>,
    }
    %scan3A_1424 = arith.constant 65 : i32
    %dma_wait3A_1425 = arith.constant 0 : i32
    %dma_wait3A_1426 = tpu.memref_slice %arg5[%add3A_1388, %dma_wait3A_1425] : memref<2129920x16xf32, #tpu.memory_space<hbm>> -> memref<1040x16xf32, #tpu.memory_space<hbm>>
    %dma_wait3A_1427 = arith.constant 0 : i32
    %dma_wait3A_1428 = tpu.memref_slice %arg5[%add3A_1388, %dma_wait3A_1427] : memref<2129920x16xf32, #tpu.memory_space<hbm>> -> memref<1040x16xf32, #tpu.memory_space<hbm>>
    tpu.wait_dma2 semaphore(%arg23 : memref<!tpu.dma_semaphore, #tpu.memory_space<semaphore_mem>>) src(%arg13 : memref<1040x16xf32, #tpu.memory_space<vmem>>) dst(%dma_wait3A_1428 : memref<1040x16xf32, #tpu.memory_space<hbm>>)
    %dma_start3A_1429 = arith.constant 0 : i32
    %dma_start3A_1430 = arith.constant 0 : i32
    %dma_start3A_1431 = tpu.memref_slice %arg2[%dma_start3A_1429, %dma_start3A_1430] : memref<2600000x16xf32, #tpu.memory_space<hbm>> -> memref<2600000x16xf32, #tpu.memory_space<hbm>>
    tpu.enqueue_indirect_dma source(%dma_start3A_1431 : memref<2600000x16xf32, #tpu.memory_space<hbm>>) target(%arg13 : memref<1040x16xf32, #tpu.memory_space<vmem>>) offsets(%arg8 : memref<1040xi32, #tpu.memory_space<vmem>>) semaphore(%arg18 : memref<!tpu.dma_semaphore, #tpu.memory_space<semaphore_mem>>)
    %dma_wait3A_1432 = arith.constant 0 : i32
    %dma_wait3A_1433 = arith.constant 0 : i32
    %dma_wait3A_1434 = tpu.memref_slice %arg2[%dma_wait3A_1432, %dma_wait3A_1433] : memref<2600000x16xf32, #tpu.memory_space<hbm>> -> memref<2600000x16xf32, #tpu.memory_space<hbm>>
    tpu.wait_indirect_dma semaphore(%arg20 : memref<!tpu.dma_semaphore, #tpu.memory_space<semaphore_mem>>) src(%dma_wait3A_1434 : memref<2600000x16xf32, #tpu.memory_space<hbm>>) dst(%arg15 : memref<1040x16xf32, #tpu.memory_space<vmem>>)
    %add3A_1435 = arith.constant 60320 : i32
    %add3A_1436 = arith.addi %mul3A_2, %add3A_1435 : i32
    %dma_start3A_1437 = arith.constant 0 : i32
    %dma_start3A_1438 = tpu.memref_slice %arg5[%add3A_1436, %dma_start3A_1437] : memref<2129920x16xf32, #tpu.memory_space<hbm>> -> memref<1040x16xf32, #tpu.memory_space<hbm>>
    %dma_start3A_1439 = arith.constant 0 : i32
    %dma_start3A_1440 = tpu.memref_slice %arg5[%add3A_1436, %dma_start3A_1439] : memref<2129920x16xf32, #tpu.memory_space<hbm>> -> memref<1040x16xf32, #tpu.memory_space<hbm>>
    tpu.enqueue_dma source(%arg15 : memref<1040x16xf32, #tpu.memory_space<vmem>>) target(%dma_start3A_1440 : memref<1040x16xf32, #tpu.memory_space<hbm>>) target_semaphore(%arg25 : memref<!tpu.dma_semaphore, #tpu.memory_space<semaphore_mem>>)
    %add3A_1441 = arith.constant 64480 : i32
    %add3A_1442 = arith.addi %mul3A_2, %add3A_1441 : i32
    "tpu.region"() ({
      %run_scoped3A = tpu.sem_alloc : memref<!tpu.dma_semaphore, #tpu.memory_space<semaphore_mem>>
      %dma_start3A_1536 = tpu.memref_slice %arg3[%add3A_1442] : memref<2129920xi32, #tpu.memory_space<hbm>> -> memref<1040xi32, #tpu.memory_space<hbm>>
      %dma_start3A_1537 = tpu.memref_slice %arg3[%add3A_1442] : memref<2129920xi32, #tpu.memory_space<hbm>> -> memref<1040xi32, #tpu.memory_space<hbm>>
      tpu.enqueue_dma source(%dma_start3A_1537 : memref<1040xi32, #tpu.memory_space<hbm>>) target(%arg9 : memref<1040xi32, #tpu.memory_space<vmem>>) target_semaphore(%run_scoped3A : memref<!tpu.dma_semaphore, #tpu.memory_space<semaphore_mem>>)
      %dma_wait3A_1538 = tpu.memref_slice %arg3[%add3A_1442] : memref<2129920xi32, #tpu.memory_space<hbm>> -> memref<1040xi32, #tpu.memory_space<hbm>>
      %dma_wait3A_1539 = tpu.memref_slice %arg3[%add3A_1442] : memref<2129920xi32, #tpu.memory_space<hbm>> -> memref<1040xi32, #tpu.memory_space<hbm>>
      tpu.wait_dma2 semaphore(%run_scoped3A : memref<!tpu.dma_semaphore, #tpu.memory_space<semaphore_mem>>) src(%dma_wait3A_1539 : memref<1040xi32, #tpu.memory_space<hbm>>) dst(%arg9 : memref<1040xi32, #tpu.memory_space<vmem>>)
      tpu.yield
    }) : () -> ()
    %scan3A_1443 = arith.constant 0 : i32
    %scan3A_1444 = arith.constant 0 : i32
    %scan3A_1445 = arith.constant 65 : i32
    %scan3A_1446 = arith.addi %scan3A_1444, %scan3A_1445 : i32
    %scan3A_1447 = arith.constant 1 : i32
    scf.for %scan3A_1536 = %scan3A_1444 to %scan3A_1446 step %scan3A_1447  : i32 {
      %mul3A_1537 = arith.constant 16 : i32
      %mul3A_1538 = arith.muli %scan3A_1536, %mul3A_1537 : i32
      %multiple_of3A = tpu.assume_multiple %mul3A_1538, 16 : i32
      %get3A = arith.index_cast %multiple_of3A : i32 to index
      %get3A_1539 = tpu.vector_load %arg9[%get3A] {strides = array<i32>} : memref<1040xi32, #tpu.memory_space<vmem>>, vector<16xi32>,
      %get3A_1540 = vector.shape_cast %get3A_1539 : vector<16xi32> to vector<16xi32>
      %get3A_1541 = arith.index_cast %multiple_of3A : i32 to index
      %get3A_1542 = tpu.vector_load %arg6[%get3A_1541] {strides = array<i32>} : memref<1040xi32, #tpu.memory_space<vmem>>, vector<16xi32>,
      %get3A_1543 = vector.shape_cast %get3A_1542 : vector<16xi32> to vector<16xi32>
      %add3A_1544 = arith.addi %get3A_1540, %get3A_1543 : vector<16xi32>
      %swap3A = arith.index_cast %multiple_of3A : i32 to index
      %swap3A_1545 = tpu.vector_load %arg9[%swap3A] {strides = array<i32>} : memref<1040xi32, #tpu.memory_space<vmem>>, vector<16xi32>,
      %swap3A_1546 = vector.shape_cast %swap3A_1545 : vector<16xi32> to vector<16xi32>
      %swap3A_1547 = vector.shape_cast %add3A_1544 : vector<16xi32> to vector<16xi32>
      tpu.vector_store %arg9[%swap3A], %swap3A_1547 {strides = array<i32>} : memref<1040xi32, #tpu.memory_space<vmem>>, vector<16xi32>,
    }
    %scan3A_1448 = arith.constant 65 : i32
    %dma_wait3A_1449 = arith.constant 0 : i32
    %dma_wait3A_1450 = tpu.memref_slice %arg5[%add3A_1412, %dma_wait3A_1449] : memref<2129920x16xf32, #tpu.memory_space<hbm>> -> memref<1040x16xf32, #tpu.memory_space<hbm>>
    %dma_wait3A_1451 = arith.constant 0 : i32
    %dma_wait3A_1452 = tpu.memref_slice %arg5[%add3A_1412, %dma_wait3A_1451] : memref<2129920x16xf32, #tpu.memory_space<hbm>> -> memref<1040x16xf32, #tpu.memory_space<hbm>>
    tpu.wait_dma2 semaphore(%arg24 : memref<!tpu.dma_semaphore, #tpu.memory_space<semaphore_mem>>) src(%arg14 : memref<1040x16xf32, #tpu.memory_space<vmem>>) dst(%dma_wait3A_1452 : memref<1040x16xf32, #tpu.memory_space<hbm>>)
    %dma_start3A_1453 = arith.constant 0 : i32
    %dma_start3A_1454 = arith.constant 0 : i32
    %dma_start3A_1455 = tpu.memref_slice %arg2[%dma_start3A_1453, %dma_start3A_1454] : memref<2600000x16xf32, #tpu.memory_space<hbm>> -> memref<2600000x16xf32, #tpu.memory_space<hbm>>
    tpu.enqueue_indirect_dma source(%dma_start3A_1455 : memref<2600000x16xf32, #tpu.memory_space<hbm>>) target(%arg14 : memref<1040x16xf32, #tpu.memory_space<vmem>>) offsets(%arg9 : memref<1040xi32, #tpu.memory_space<vmem>>) semaphore(%arg19 : memref<!tpu.dma_semaphore, #tpu.memory_space<semaphore_mem>>)
    %dma_wait3A_1456 = arith.constant 0 : i32
    %dma_wait3A_1457 = arith.constant 0 : i32
    %dma_wait3A_1458 = tpu.memref_slice %arg2[%dma_wait3A_1456, %dma_wait3A_1457] : memref<2600000x16xf32, #tpu.memory_space<hbm>> -> memref<2600000x16xf32, #tpu.memory_space<hbm>>
    tpu.wait_indirect_dma semaphore(%arg21 : memref<!tpu.dma_semaphore, #tpu.memory_space<semaphore_mem>>) src(%dma_wait3A_1458 : memref<2600000x16xf32, #tpu.memory_space<hbm>>) dst(%arg16 : memref<1040x16xf32, #tpu.memory_space<vmem>>)
    %add3A_1459 = arith.constant 61360 : i32
    %add3A_1460 = arith.addi %mul3A_2, %add3A_1459 : i32
    %dma_start3A_1461 = arith.constant 0 : i32
    %dma_start3A_1462 = tpu.memref_slice %arg5[%add3A_1460, %dma_start3A_1461] : memref<2129920x16xf32, #tpu.memory_space<hbm>> -> memref<1040x16xf32, #tpu.memory_space<hbm>>
    %dma_start3A_1463 = arith.constant 0 : i32
    %dma_start3A_1464 = tpu.memref_slice %arg5[%add3A_1460, %dma_start3A_1463] : memref<2129920x16xf32, #tpu.memory_space<hbm>> -> memref<1040x16xf32, #tpu.memory_space<hbm>>
    tpu.enqueue_dma source(%arg16 : memref<1040x16xf32, #tpu.memory_space<vmem>>) target(%dma_start3A_1464 : memref<1040x16xf32, #tpu.memory_space<hbm>>) target_semaphore(%arg26 : memref<!tpu.dma_semaphore, #tpu.memory_space<semaphore_mem>>)
    %add3A_1465 = arith.constant 65520 : i32
    %add3A_1466 = arith.addi %mul3A_2, %add3A_1465 : i32
    "tpu.region"() ({
      %run_scoped3A = tpu.sem_alloc : memref<!tpu.dma_semaphore, #tpu.memory_space<semaphore_mem>>
      %dma_start3A_1536 = tpu.memref_slice %arg3[%add3A_1466] : memref<2129920xi32, #tpu.memory_space<hbm>> -> memref<1040xi32, #tpu.memory_space<hbm>>
      %dma_start3A_1537 = tpu.memref_slice %arg3[%add3A_1466] : memref<2129920xi32, #tpu.memory_space<hbm>> -> memref<1040xi32, #tpu.memory_space<hbm>>
      tpu.enqueue_dma source(%dma_start3A_1537 : memref<1040xi32, #tpu.memory_space<hbm>>) target(%arg10 : memref<1040xi32, #tpu.memory_space<vmem>>) target_semaphore(%run_scoped3A : memref<!tpu.dma_semaphore, #tpu.memory_space<semaphore_mem>>)
      %dma_wait3A_1538 = tpu.memref_slice %arg3[%add3A_1466] : memref<2129920xi32, #tpu.memory_space<hbm>> -> memref<1040xi32, #tpu.memory_space<hbm>>
      %dma_wait3A_1539 = tpu.memref_slice %arg3[%add3A_1466] : memref<2129920xi32, #tpu.memory_space<hbm>> -> memref<1040xi32, #tpu.memory_space<hbm>>
      tpu.wait_dma2 semaphore(%run_scoped3A : memref<!tpu.dma_semaphore, #tpu.memory_space<semaphore_mem>>) src(%dma_wait3A_1539 : memref<1040xi32, #tpu.memory_space<hbm>>) dst(%arg10 : memref<1040xi32, #tpu.memory_space<vmem>>)
      tpu.yield
    }) : () -> ()
    %scan3A_1467 = arith.constant 0 : i32
    %scan3A_1468 = arith.constant 0 : i32
    %scan3A_1469 = arith.constant 65 : i32
    %scan3A_1470 = arith.addi %scan3A_1468, %scan3A_1469 : i32
    %scan3A_1471 = arith.constant 1 : i32
    scf.for %scan3A_1536 = %scan3A_1468 to %scan3A_1470 step %scan3A_1471  : i32 {
      %mul3A_1537 = arith.constant 16 : i32
      %mul3A_1538 = arith.muli %scan3A_1536, %mul3A_1537 : i32
      %multiple_of3A = tpu.assume_multiple %mul3A_1538, 16 : i32
      %get3A = arith.index_cast %multiple_of3A : i32 to index
      %get3A_1539 = tpu.vector_load %arg10[%get3A] {strides = array<i32>} : memref<1040xi32, #tpu.memory_space<vmem>>, vector<16xi32>,
      %get3A_1540 = vector.shape_cast %get3A_1539 : vector<16xi32> to vector<16xi32>
      %get3A_1541 = arith.index_cast %multiple_of3A : i32 to index
      %get3A_1542 = tpu.vector_load %arg6[%get3A_1541] {strides = array<i32>} : memref<1040xi32, #tpu.memory_space<vmem>>, vector<16xi32>,
      %get3A_1543 = vector.shape_cast %get3A_1542 : vector<16xi32> to vector<16xi32>
      %add3A_1544 = arith.addi %get3A_1540, %get3A_1543 : vector<16xi32>
      %swap3A = arith.index_cast %multiple_of3A : i32 to index
      %swap3A_1545 = tpu.vector_load %arg10[%swap3A] {strides = array<i32>} : memref<1040xi32, #tpu.memory_space<vmem>>, vector<16xi32>,
      %swap3A_1546 = vector.shape_cast %swap3A_1545 : vector<16xi32> to vector<16xi32>
      %swap3A_1547 = vector.shape_cast %add3A_1544 : vector<16xi32> to vector<16xi32>
      tpu.vector_store %arg10[%swap3A], %swap3A_1547 {strides = array<i32>} : memref<1040xi32, #tpu.memory_space<vmem>>, vector<16xi32>,
    }
    %scan3A_1472 = arith.constant 65 : i32
    %dma_wait3A_1473 = arith.constant 0 : i32
    %dma_wait3A_1474 = tpu.memref_slice %arg5[%add3A_1436, %dma_wait3A_1473] : memref<2129920x16xf32, #tpu.memory_space<hbm>> -> memref<1040x16xf32, #tpu.memory_space<hbm>>
    %dma_wait3A_1475 = arith.constant 0 : i32
    %dma_wait3A_1476 = tpu.memref_slice %arg5[%add3A_1436, %dma_wait3A_1475] : memref<2129920x16xf32, #tpu.memory_space<hbm>> -> memref<1040x16xf32, #tpu.memory_space<hbm>>
    tpu.wait_dma2 semaphore(%arg25 : memref<!tpu.dma_semaphore, #tpu.memory_space<semaphore_mem>>) src(%arg15 : memref<1040x16xf32, #tpu.memory_space<vmem>>) dst(%dma_wait3A_1476 : memref<1040x16xf32, #tpu.memory_space<hbm>>)
    %dma_start3A_1477 = arith.constant 0 : i32
    %dma_start3A_1478 = arith.constant 0 : i32
    %dma_start3A_1479 = tpu.memref_slice %arg2[%dma_start3A_1477, %dma_start3A_1478] : memref<2600000x16xf32, #tpu.memory_space<hbm>> -> memref<2600000x16xf32, #tpu.memory_space<hbm>>
    tpu.enqueue_indirect_dma source(%dma_start3A_1479 : memref<2600000x16xf32, #tpu.memory_space<hbm>>) target(%arg15 : memref<1040x16xf32, #tpu.memory_space<vmem>>) offsets(%arg10 : memref<1040xi32, #tpu.memory_space<vmem>>) semaphore(%arg20 : memref<!tpu.dma_semaphore, #tpu.memory_space<semaphore_mem>>)
    %dma_wait3A_1480 = arith.constant 0 : i32
    %dma_wait3A_1481 = arith.constant 0 : i32
    %dma_wait3A_1482 = tpu.memref_slice %arg2[%dma_wait3A_1480, %dma_wait3A_1481] : memref<2600000x16xf32, #tpu.memory_space<hbm>> -> memref<2600000x16xf32, #tpu.memory_space<hbm>>
    tpu.wait_indirect_dma semaphore(%arg17 : memref<!tpu.dma_semaphore, #tpu.memory_space<semaphore_mem>>) src(%dma_wait3A_1482 : memref<2600000x16xf32, #tpu.memory_space<hbm>>) dst(%arg12 : memref<1040x16xf32, #tpu.memory_space<vmem>>)
    %add3A_1483 = arith.constant 62400 : i32
    %add3A_1484 = arith.addi %mul3A_2, %add3A_1483 : i32
    %dma_start3A_1485 = arith.constant 0 : i32
    %dma_start3A_1486 = tpu.memref_slice %arg5[%add3A_1484, %dma_start3A_1485] : memref<2129920x16xf32, #tpu.memory_space<hbm>> -> memref<1040x16xf32, #tpu.memory_space<hbm>>
    %dma_start3A_1487 = arith.constant 0 : i32
    %dma_start3A_1488 = tpu.memref_slice %arg5[%add3A_1484, %dma_start3A_1487] : memref<2129920x16xf32, #tpu.memory_space<hbm>> -> memref<1040x16xf32, #tpu.memory_space<hbm>>
    tpu.enqueue_dma source(%arg12 : memref<1040x16xf32, #tpu.memory_space<vmem>>) target(%dma_start3A_1488 : memref<1040x16xf32, #tpu.memory_space<hbm>>) target_semaphore(%arg22 : memref<!tpu.dma_semaphore, #tpu.memory_space<semaphore_mem>>)
    %dma_wait3A_1489 = arith.constant 0 : i32
    %dma_wait3A_1490 = arith.constant 0 : i32
    %dma_wait3A_1491 = tpu.memref_slice %arg2[%dma_wait3A_1489, %dma_wait3A_1490] : memref<2600000x16xf32, #tpu.memory_space<hbm>> -> memref<2600000x16xf32, #tpu.memory_space<hbm>>
    tpu.wait_indirect_dma semaphore(%arg18 : memref<!tpu.dma_semaphore, #tpu.memory_space<semaphore_mem>>) src(%dma_wait3A_1491 : memref<2600000x16xf32, #tpu.memory_space<hbm>>) dst(%arg13 : memref<1040x16xf32, #tpu.memory_space<vmem>>)
    %add3A_1492 = arith.constant 63440 : i32
    %add3A_1493 = arith.addi %mul3A_2, %add3A_1492 : i32
    %dma_start3A_1494 = arith.constant 0 : i32
    %dma_start3A_1495 = tpu.memref_slice %arg5[%add3A_1493, %dma_start3A_1494] : memref<2129920x16xf32, #tpu.memory_space<hbm>> -> memref<1040x16xf32, #tpu.memory_space<hbm>>
    %dma_start3A_1496 = arith.constant 0 : i32
    %dma_start3A_1497 = tpu.memref_slice %arg5[%add3A_1493, %dma_start3A_1496] : memref<2129920x16xf32, #tpu.memory_space<hbm>> -> memref<1040x16xf32, #tpu.memory_space<hbm>>
    tpu.enqueue_dma source(%arg13 : memref<1040x16xf32, #tpu.memory_space<vmem>>) target(%dma_start3A_1497 : memref<1040x16xf32, #tpu.memory_space<hbm>>) target_semaphore(%arg23 : memref<!tpu.dma_semaphore, #tpu.memory_space<semaphore_mem>>)
    %dma_wait3A_1498 = arith.constant 0 : i32
    %dma_wait3A_1499 = arith.constant 0 : i32
    %dma_wait3A_1500 = tpu.memref_slice %arg2[%dma_wait3A_1498, %dma_wait3A_1499] : memref<2600000x16xf32, #tpu.memory_space<hbm>> -> memref<2600000x16xf32, #tpu.memory_space<hbm>>
    tpu.wait_indirect_dma semaphore(%arg19 : memref<!tpu.dma_semaphore, #tpu.memory_space<semaphore_mem>>) src(%dma_wait3A_1500 : memref<2600000x16xf32, #tpu.memory_space<hbm>>) dst(%arg14 : memref<1040x16xf32, #tpu.memory_space<vmem>>)
    %add3A_1501 = arith.constant 64480 : i32
    %add3A_1502 = arith.addi %mul3A_2, %add3A_1501 : i32
    %dma_start3A_1503 = arith.constant 0 : i32
    %dma_start3A_1504 = tpu.memref_slice %arg5[%add3A_1502, %dma_start3A_1503] : memref<2129920x16xf32, #tpu.memory_space<hbm>> -> memref<1040x16xf32, #tpu.memory_space<hbm>>
    %dma_start3A_1505 = arith.constant 0 : i32
    %dma_start3A_1506 = tpu.memref_slice %arg5[%add3A_1502, %dma_start3A_1505] : memref<2129920x16xf32, #tpu.memory_space<hbm>> -> memref<1040x16xf32, #tpu.memory_space<hbm>>
    tpu.enqueue_dma source(%arg14 : memref<1040x16xf32, #tpu.memory_space<vmem>>) target(%dma_start3A_1506 : memref<1040x16xf32, #tpu.memory_space<hbm>>) target_semaphore(%arg24 : memref<!tpu.dma_semaphore, #tpu.memory_space<semaphore_mem>>)
    %dma_wait3A_1507 = arith.constant 0 : i32
    %dma_wait3A_1508 = arith.constant 0 : i32
    %dma_wait3A_1509 = tpu.memref_slice %arg2[%dma_wait3A_1507, %dma_wait3A_1508] : memref<2600000x16xf32, #tpu.memory_space<hbm>> -> memref<2600000x16xf32, #tpu.memory_space<hbm>>
    tpu.wait_indirect_dma semaphore(%arg20 : memref<!tpu.dma_semaphore, #tpu.memory_space<semaphore_mem>>) src(%dma_wait3A_1509 : memref<2600000x16xf32, #tpu.memory_space<hbm>>) dst(%arg15 : memref<1040x16xf32, #tpu.memory_space<vmem>>)
    %add3A_1510 = arith.constant 65520 : i32
    %add3A_1511 = arith.addi %mul3A_2, %add3A_1510 : i32
    %dma_start3A_1512 = arith.constant 0 : i32
    %dma_start3A_1513 = tpu.memref_slice %arg5[%add3A_1511, %dma_start3A_1512] : memref<2129920x16xf32, #tpu.memory_space<hbm>> -> memref<1040x16xf32, #tpu.memory_space<hbm>>
    %dma_start3A_1514 = arith.constant 0 : i32
    %dma_start3A_1515 = tpu.memref_slice %arg5[%add3A_1511, %dma_start3A_1514] : memref<2129920x16xf32, #tpu.memory_space<hbm>> -> memref<1040x16xf32, #tpu.memory_space<hbm>>
    tpu.enqueue_dma source(%arg15 : memref<1040x16xf32, #tpu.memory_space<vmem>>) target(%dma_start3A_1515 : memref<1040x16xf32, #tpu.memory_space<hbm>>) target_semaphore(%arg25 : memref<!tpu.dma_semaphore, #tpu.memory_space<semaphore_mem>>)
    %dma_wait3A_1516 = arith.constant 0 : i32
    %dma_wait3A_1517 = tpu.memref_slice %arg5[%add3A_1484, %dma_wait3A_1516] : memref<2129920x16xf32, #tpu.memory_space<hbm>> -> memref<1040x16xf32, #tpu.memory_space<hbm>>
    %dma_wait3A_1518 = arith.constant 0 : i32
    %dma_wait3A_1519 = tpu.memref_slice %arg5[%add3A_1484, %dma_wait3A_1518] : memref<2129920x16xf32, #tpu.memory_space<hbm>> -> memref<1040x16xf32, #tpu.memory_space<hbm>>
    tpu.wait_dma2 semaphore(%arg22 : memref<!tpu.dma_semaphore, #tpu.memory_space<semaphore_mem>>) src(%arg12 : memref<1040x16xf32, #tpu.memory_space<vmem>>) dst(%dma_wait3A_1519 : memref<1040x16xf32, #tpu.memory_space<hbm>>)
    %dma_wait3A_1520 = arith.constant 0 : i32
    %dma_wait3A_1521 = tpu.memref_slice %arg5[%add3A_1493, %dma_wait3A_1520] : memref<2129920x16xf32, #tpu.memory_space<hbm>> -> memref<1040x16xf32, #tpu.memory_space<hbm>>
    %dma_wait3A_1522 = arith.constant 0 : i32
    %dma_wait3A_1523 = tpu.memref_slice %arg5[%add3A_1493, %dma_wait3A_1522] : memref<2129920x16xf32, #tpu.memory_space<hbm>> -> memref<1040x16xf32, #tpu.memory_space<hbm>>
    tpu.wait_dma2 semaphore(%arg23 : memref<!tpu.dma_semaphore, #tpu.memory_space<semaphore_mem>>) src(%arg13 : memref<1040x16xf32, #tpu.memory_space<vmem>>) dst(%dma_wait3A_1523 : memref<1040x16xf32, #tpu.memory_space<hbm>>)
    %dma_wait3A_1524 = arith.constant 0 : i32
    %dma_wait3A_1525 = tpu.memref_slice %arg5[%add3A_1502, %dma_wait3A_1524] : memref<2129920x16xf32, #tpu.memory_space<hbm>> -> memref<1040x16xf32, #tpu.memory_space<hbm>>
    %dma_wait3A_1526 = arith.constant 0 : i32
    %dma_wait3A_1527 = tpu.memref_slice %arg5[%add3A_1502, %dma_wait3A_1526] : memref<2129920x16xf32, #tpu.memory_space<hbm>> -> memref<1040x16xf32, #tpu.memory_space<hbm>>
    tpu.wait_dma2 semaphore(%arg24 : memref<!tpu.dma_semaphore, #tpu.memory_space<semaphore_mem>>) src(%arg14 : memref<1040x16xf32, #tpu.memory_space<vmem>>) dst(%dma_wait3A_1527 : memref<1040x16xf32, #tpu.memory_space<hbm>>)
    %dma_wait3A_1528 = arith.constant 0 : i32
    %dma_wait3A_1529 = tpu.memref_slice %arg5[%add3A_1511, %dma_wait3A_1528] : memref<2129920x16xf32, #tpu.memory_space<hbm>> -> memref<1040x16xf32, #tpu.memory_space<hbm>>
    %dma_wait3A_1530 = arith.constant 0 : i32
    %dma_wait3A_1531 = tpu.memref_slice %arg5[%add3A_1511, %dma_wait3A_1530] : memref<2129920x16xf32, #tpu.memory_space<hbm>> -> memref<1040x16xf32, #tpu.memory_space<hbm>>
    tpu.wait_dma2 semaphore(%arg25 : memref<!tpu.dma_semaphore, #tpu.memory_space<semaphore_mem>>) src(%arg15 : memref<1040x16xf32, #tpu.memory_space<vmem>>) dst(%dma_wait3A_1531 : memref<1040x16xf32, #tpu.memory_space<hbm>>)
    %dma_wait3A_1532 = arith.constant 0 : i32
    %dma_wait3A_1533 = tpu.memref_slice %arg5[%add3A_1460, %dma_wait3A_1532] : memref<2129920x16xf32, #tpu.memory_space<hbm>> -> memref<1040x16xf32, #tpu.memory_space<hbm>>
    %dma_wait3A_1534 = arith.constant 0 : i32
    %dma_wait3A_1535 = tpu.memref_slice %arg5[%add3A_1460, %dma_wait3A_1534] : memref<2129920x16xf32, #tpu.memory_space<hbm>> -> memref<1040x16xf32, #tpu.memory_space<hbm>>
    tpu.wait_dma2 semaphore(%arg26 : memref<!tpu.dma_semaphore, #tpu.memory_space<semaphore_mem>>) src(%arg16 : memref<1040x16xf32, #tpu.memory_space<vmem>>) dst(%dma_wait3A_1535 : memref<1040x16xf32, #tpu.memory_space<hbm>>)
    return
  }
}

</mosaic_0001>

<sc_bundles>
// kernel: kernel.3.cloned.1.call-start
scs
__scs_entry_jumppad:
0x0: {  	(pc) =	sbr.rel $0x88, $3  }
0x1: {  	(tag) =	ssettag $0x0;
	lr =	simm.s32 $0x1  }
0x2: {  	[smem:$0x3F9F] =	sst lr;
	_ =	strace $0xD0000000  }
0x3: {  	_ = 	snop  }
0x4: {  	_ = 	snop  }
0x5: {  	_ = 	snop  }
0x6: {  	_ = 	snop  }
0x7: {  	_ = 	snop  }
__scs_overlays_trampoline_lowered:
0x8: {  	[smem:$0x3FAE] =	sst s0  }
0x9: {  	[smem:$0x3FAF] =	sst s1  }
0xa: {  	[smem:$0x3FB0] =	sst s2  }
0xb: {  	[smem:$0x3FB1] =	sst s3  }
0xc: {  	[smem:$0x3FB2] =	sst s4  }
0xd: {  	[smem:$0x3FB3] =	sst s5  }
0xe: {  	[smem:$0x3FB4] =	sst s6  }
0xf: {  	[smem:$0x3FB5] =	sst s7  }
0x10: {  	[smem:$0x3FB6] =	sst s8  }
0x11: {  	[smem:$0x3FB7] =	sst s9;
	s0 =	simm.s32 @!p0 $0x0  }
0x12: {  	s1 =	sld [smem:$0x3F9D];
	s0 =	simm.s32 @p0 $0x1  }
0x13: {  	[smem:$0x3FB8] =	sst s0;
	s0 =	simm.s32 @!p1 $0x0  }
0x14: {  	s2 =	sld [smem:$0x3F9C];
	s0 =	simm.s32 @p1 $0x1  }
0x15: {  	[smem:$0x3FB9] =	sst s0;
	s0 =	simm.s32 @!p2 $0x0  }
0x16: {  	s3 =	sld [smem:$0x3FDB];
	s0 =	simm.s32 @p2 $0x1  }
0x17: {  	s4 =	simm.s32 $0x1BF5;
	[smem:$0x3FBB] =	sst s0  }
0x18: {  	s0 =	sld [smem:$0x3F9E];
	_ =	swait.ge [sflag:s4], $0x0  }
0x19: {  	s7 =	sld [smem:$0x3F9F]  }
0x1a: {  	s8 =	sadd.s32 $0xFFFFE003, lr  }
0x1b: {  	s9 =	sadd.s32 $0xFFFFFEF7, lr;
	s5 =	simm.s32 $0xFFFFFFFF;
	p2 =	slt.u32 s8, $0xFFFFF086  }
0x1c: {  	p1 =	slt.u32 s9, $0xF7A;
	s5 =	simm.s32 @!p2 $0x0  }
0x1d: {  	s5 =	simm.s32 @p1 $0x1;
	p0 =	seq.s32 s7, s2  }
0x1e: {  	s7 =	smul.u32 @!p0 $0xF7A, s2;
	p2 =	seq.s32 @!p0 s5, $0x0  }
0x1f: {  	s9 =	smul.u32 $0xF7A, s1;
	s8 =	simm.s32 @!p0 $0x1BF5;
	p2 =	por !p2, p0  }
0x20: {  	[sflag:s8] =	ssyncset.s32 @!p0 $0xFFFFF086;
	s6 =	sadd.s32 @!p0 s3, s7;
	s7 =	simm.s32 @!p0 $0x108  }
0x21: {  	s3 =	sadd.s32 s3, s9;
	s6 =	sadd.s32 @!p0 $0x88, s6;
	s7 =	simm.s32 @p2 $0x1082  }
0x22: {  	[simem:s7], [sflag:s8] =	dma.local @!p0 [hbm:s6], $0xF7A  }
0x23: {  	s9 =	sor.u32 $0xD0000000, s2;
	s6 =	simm.s32 $0x108;
	_ =	swait.ge @!p0 [sflag:s8], $0x0  }
0x24: {  	s3 =	sadd.s32 $0x88, s3;
	s6 =	simm.s32 @!p1 $0x1082;
	[sflag:s4] =	ssyncset.s32 $0xFFFFF086  }
0x25: {  	[simem:s6], [sflag:s4] =	dma.local [hbm:s3], $0xF7A  }
0x26: {  	[smem:$0x3F9F] =	sst s1;
	(tag) =	ssettag s2;
	_ =	strace s9  }
0x27: {  	s1 =	sld [smem:$0x3FAF]  }
0x28: {  	s2 =	sld [smem:$0x3FB0]  }
0x29: {  	s4 =	sld [smem:$0x3FB2]  }
0x2a: {  	p0 =	seq.s32 s5, $0x0;
	s5 =	sld [smem:$0x3FB3]  }
0x2b: {  	s6 =	sld [smem:$0x3FB4]  }
0x2c: {  	s7 =	sld [smem:$0x3FB5]  }
0x2d: {  	s3 =	simm.s32 $0x108;
	s8 =	sld [smem:$0x3FB6]  }
0x2e: {  	s3 =	simm.s32 @!p0 $0x1082;
	s9 =	sld [smem:$0x3FB7]  }
0x2f: {  	lr =	sadd.s32 s0, s3;
	s0 =	sld [smem:$0x3FAE]  }
0x30: {  	s3 =	sld [smem:$0x3FB1]  }
0x31: {  	[smem:$0x3FBA] =	sst s10  }
0x32: {  	s10 =	sld [smem:$0x3FB8];
	_ =	sdelay $0x3  }
0x33: {  	p0 =	seq.s32 s10, $0x1;
	s10 =	sld [smem:$0x3FBA];
	_ =	sdelay $0x3  }
0x34: {  	[smem:$0x3FBA] =	sst s10  }
0x35: {  	s10 =	sld [smem:$0x3FB9];
	_ =	sdelay $0x3  }
0x36: {  	p1 =	seq.s32 s10, $0x1;
	s10 =	sld [smem:$0x3FBA];
	_ =	sdelay $0x3  }
0x37: {  	[smem:$0x3FBA] =	sst s10  }
0x38: {  	s10 =	sld [smem:$0x3FBB]  }
0x39: {  	_ = 	snop;
	(pc) =	sbr.ind lr, $3  }
0x3a: {  	_ = 	snop  }
0x3b: {  	_ = 	snop  }
0x3c: {  	p2 =	seq.s32 s10, $0x1;
	s10 =	sld [smem:$0x3FBA]  }
0x3d: {  	_ =	shalt  }
0x3e: {  	_ =	shalt  }
0x3f: {  	_ =	shalt  }
0x40: {  	_ =	shalt  }
0x41: {  	_ =	shalt  }
0x42: {  	_ =	shalt  }
0x43: {  	_ =	shalt  }
0x44: {  	_ =	shalt  }
0x45: {  	_ =	shalt  }
0x46: {  	_ =	shalt  }
0x47: {  	_ =	shalt  }
0x48: {  	_ =	shalt  }
0x49: {  	_ =	shalt  }
0x4a: {  	_ =	shalt  }
0x4b: {  	_ =	shalt  }
0x4c: {  	_ =	shalt  }
0x4d: {  	_ =	shalt  }
0x4e: {  	_ =	shalt  }
0x4f: {  	_ =	shalt  }
0x50: {  	_ =	shalt  }
0x51: {  	_ =	shalt  }
0x52: {  	_ =	shalt  }
0x53: {  	_ =	shalt  }
0x54: {  	_ =	shalt  }
0x55: {  	_ =	shalt  }
0x56: {  	_ =	shalt  }
0x57: {  	_ =	shalt  }
0x58: {  	_ =	shalt  }
0x59: {  	_ =	shalt  }
0x5a: {  	_ =	shalt  }
0x5b: {  	_ =	shalt  }
0x5c: {  	_ =	shalt  }
0x5d: {  	_ =	shalt  }
0x5e: {  	_ =	shalt  }
0x5f: {  	_ =	shalt  }
0x60: {  	_ =	shalt  }
0x61: {  	_ =	shalt  }
0x62: {  	_ =	shalt  }
0x63: {  	_ =	shalt  }
0x64: {  	_ =	shalt  }
0x65: {  	_ =	shalt  }
0x66: {  	_ =	shalt  }
0x67: {  	_ =	shalt  }
0x68: {  	_ =	shalt  }
0x69: {  	_ =	shalt  }
0x6a: {  	_ =	shalt  }
0x6b: {  	_ =	shalt  }
0x6c: {  	_ =	shalt  }
0x6d: {  	_ =	shalt  }
0x6e: {  	_ =	shalt  }
0x6f: {  	_ =	shalt  }
0x70: {  	_ =	shalt  }
0x71: {  	_ =	shalt  }
0x72: {  	_ =	shalt  }
0x73: {  	_ =	shalt  }
0x74: {  	_ =	shalt  }
0x75: {  	_ =	shalt  }
0x76: {  	_ =	shalt  }
0x77: {  	_ =	shalt  }
0x78: {  	_ =	shalt  }
0x79: {  	_ =	shalt  }
0x7a: {  	_ =	shalt  }
0x7b: {  	_ =	shalt  }
0x7c: {  	_ =	shalt  }
0x7d: {  	_ =	shalt  }
0x7e: {  	_ =	shalt  }
0x7f: {  	_ =	shalt  }
0x80: {  	_ =	shalt  }
0x81: {  	_ =	shalt  }
0x82: {  	_ =	shalt  }
0x83: {  	_ =	shalt  }
0x84: {  	_ =	shalt  }
0x85: {  	_ =	shalt  }
0x86: {  	_ =	shalt  }
0x87: {  	_ =	shalt  }
.Lfunc_end0:
.L_simem_size_0:
called_computation.1_lowered:
.L_overlay_start_0:
0x88: {  	s2 =	sld [smem:$0x3FD9]  }
0x89: {  	s3 =	sld [smem:$0x3FFE];
	_ =	sdelay $0x1  }
0x8a: {  	s1 =	srdreg.scid  }
0x8b: {  	s0 =	sand.u32 $0x1, s1  }
0x8c: {  	s17 =	sshll.u32 s0, $0xA;
	s2 =	sadd.s32 s3, s2  }
0x8d: {  	s2 =	sadd.s32 s2, s17  }
0x8e: {  	[smem:$0x3FC6] =	sst s2  }
0x8f: {  	_ = 	snop  }
0x90: {  	s2 =	sld [smem:$0x3FD0];
	(tm) =	ssettm $0x1  }
0x91: {  	s18 =	sld [smem:$0x3FFB];
	_ =	sdelay $0x3  }
0x92: {  	_ =	strace s18  }
0x93: {  	s3 =	sld [smem:$0x3FFC];
	_ =	sdelay $0x3  }
0x94: {  	_ =	strace s3  }
0x95: {  	s3 =	sld [smem:$0x3FFD];
	_ =	sdelay $0x3  }
0x96: {  	_ =	strace s3  }
0x97: {  	_ =	strace $0x8FFFFFFF  }
0x98: {  	s19 =	sld [smem:$0x3FDB];
	_ =	sdelay $0x1  }
0x99: {  	s4 =	simm.s32 $_scs_section_size  }
0x9a: {  	s5 =	simm.s32 $_size__tile_overlayer_lowered;
	s6 =	simm.s32 $_tile_overlayer_lowered  }
0x9b: {  	s22 =	simm.s32 $0x1BFF;
	s21 =	sshll.u32 s6, $0x1;
	s3 =	sadd.s32 s4, s19  }
0x9c: {  	s7 =	simm.s32 $0x0;
	s20 =	sshll.u32 s5, $0x1;
	s5 =	sadd.s32 s21, s3  }
0x9d: {  	[timem:s7], [sflag:s22] =	dma.local [hbm:s5], s20  }
0x9e: {  	_ =	swait.ge [sflag:s22], s20  }
0x9f: {  	s4 =	ssub.s32 $0x0, s20;
	[sflag:s22] =	ssyncset.done $0x0  }
0xa0: {  	[sflag:s22] =	ssyncadd.s32 s4;
	_ =	sdelay $0x1  }
0xa1: {  	s23 =	simm.s32 $0x1B8B  }
0xa2: {  	_ =	swait.ge [sflag:s23], $0x1  }
0xa3: {  	[sflag:s23] =	ssyncset.done $0x0  }
0xa4: {  	s25 =	simm.s32 $0x1B8E;
	s24 =	sld [smem:$0x3FFE];
	[sflag:s23] =	ssyncadd.s32 $0xFFFFFFFF  }
0xa5: {  	s26 =	simm.s32 $execute0_lowered;
	[smem:$0x3FD2] =	sst s25  }
0xa6: {  	s5 =	sshll.u32 s26, $0x1;
	_ =	strace $0x80000046;
	[dreg:$0x1] =	wrdreg $0xFFFFFFFF  }
0xa7: {  	s28 =	simm.s32 $_size_execute0_lowered;
	s3 =	sadd.s32 s3, s5;
	[dreg:$0x0] =	wrdreg $0x0  }
0xa8: {  	s5 =	sshll.u32 s28, $0x1;
	[dreg:$0x2] =	wrdreg s3  }
0xa9: {  	[dreg:$0x3] =	wrdreg s5  }
0xaa: {  	[dreg:$0x4] =	wrdreg $0xC0  }
0xab: {  	_ =	task [dreg:s7], $0x5FFFF  }
0xac: {  	[dreg:$0x1] =	wrdreg $0xFFFFFFFF  }
0xad: {  	[dreg:$0x0] =	wrdreg $0x60  }
0xae: {  	[dreg:$0x2] =	wrdreg s24  }
0xaf: {  	[dreg:$0x3] =	wrdreg s2  }
0xb0: {  	[dreg:$0x4] =	wrdreg $0x9  }
0xb1: {  	_ =	task.clear_ibuf [dreg:s7], $0x5FFFF;
	_ =	strace $0x90000046  }
0xb2: {  	s29 =	simm.s32 $0x9;
	_ =	strace $0x80000048  }
0xb3: {  	_ =	swait.ge [sflag:s29], $0x1  }
0xb4: {  	[sflag:s29] =	ssyncadd.s32 $0xFFFFFFFF  }
0xb5: {  	_ =	strace $0x90000048  }
0xb6: {  	_ =	sfence  }
0xb7: {  	s30 =	sld [smem:$0x0];
	_ =	sdelay $0x2  }
0xb8: {  	s31 =	sshll.u32 s1, $0xD;
	s1 =	sshrl.u32 s1, $0x2  }
0xb9: {  	s3 =	sand.u32 $0x4000, s31;
	s1 =	sadd.s32 s1, s30  }
0xba: {  	s0 =	sor.u32 s3, s0;
	s1 =	sshll.u32 s1, $0x11  }
0xbb: {  	s0 =	sor.u32 s1, s0  }
0xbc: {  	s0 =	sadd.s32 $0x8F2B, s0  }
0xbd: {  	[sflag:s0] =	ssyncadd.remote.s32 $0x1  }
0xbe: {  	_ =	sfence.sel $0xFFFF  }
0xbf: {  	[dreg:$0x0] =	wrdreg $0xFFFFFFFF;
	(pc) =	sbr.abs _section_cstart, $3  }
0xc0: {  	[dreg:$0x1] =	wrdreg $0xFFFFFFFF  }
0xc1: {  	_ =	task.clear_ibuf [dreg:s7], $0x2FFFF;
	_ =	strace $0x9FFFFFFF  }
0xc2: {  	(tm) =	ssettm $0x7FFFFFFF  }
0xc3: {  	_ =	shalt  }
tec
execute0_lowered:
.L_overlay_start_1:
0x0: {  	(tag) =	ssettag $0x1  }
0x1: {  	s0 =	srdreg.scid;
	s1 =	stileid.u32  }
0x2: {  	s0 =	sand.u32 $0x1, s0;
	s1 =	sshll.u32 s1, $0x1  }
0x3: {  	s2 =	sor.u32 s0, s1;
	s0 =	ssub.s32 $0x2, s0  }
0x4: {  	s5 =	smul.u32 $0x10400, s2;
	s4 =	sshrl.u32 s0, $0x1  }
0x5: {  	s19 =	rddreg [dreg:$0x0];
	s0 =	ssub.s32 s0, s4  }
0x6: {  	[smem:$0x7FD] =	sst s0;
	s21 =	sadd.s32 $0x410, s5  }
0x7: {  	s22 =	sadd.s32 $0x820, s5;
	[smem:$0x79A] =	sst s21  }
0x8: {  	s4 =	smul.u32 $0x20800, s2;
	s23 =	sadd.s32 $0xC30, s5;
	[smem:$0x79E] =	sst s22  }
0x9: {  	[smem:$0x7A0] =	sst s23  }
0xa: {  	s7 =	sadd.s32 $0x1450, s5;
	[smem:$0x79B] =	sst s4  }
0xb: {  	s9 =	sadd.s32 $0x1860, s5;
	[smem:$0x7A4] =	sst s7  }
0xc: {  	s13 =	sadd.s32 $0x1C70, s5;
	[smem:$0x7A6] =	sst s9  }
0xd: {  	s14 =	sadd.s32 $0x2080, s5;
	[smem:$0x7A7] =	sst s13  }
0xe: {  	s16 =	sadd.s32 $0x2490, s5;
	[smem:$0x7AA] =	sst s14  }
0xf: {  	s3 =	sadd.s32 $0xC00, s19;
	s19 =	sadd.s32 $0x28A0, s5;
	[smem:$0x7AC] =	sst s16  }
0x10: {  	s6 =	sshrl.u32 s5, $0x3;
	s2 =	sadd.s32 $0x69A0, s5;
	[smem:$0x7AD] =	sst s19  }
0x11: {  	s20 =	sadd.s32 s3, s6;
	[smem:$0x7CE] =	sst s2  }
0x12: {  	s6 =	sadd.s32 $0x1040, s5;
	[dreg:$0x3] =	wrdreg s20  }
0x13: {  	s24 =	sshrl.u32 s22, $0x3;
	s22 =	sadd.s32 $0x30C0, s5;
	[smem:$0x7A1] =	sst s6  }
0x14: {  	s0 =	sshrl.u32 s21, $0x3;
	s4 =	sadd.s32 $0x3CF0, s5;
	[smem:$0x7B2] =	sst s22  }
0x15: {  	s11 =	sshrl.u32 s9, $0x3;
	s9 =	sadd.s32 $0x4510, s5;
	[smem:$0x7B8] =	sst s4  }
0x16: {  	s18 =	sshrl.u32 s16, $0x3;
	s16 =	sadd.s32 $0x5140, s5;
	[smem:$0x7BC] =	sst s9  }
0x17: {  	s0 =	sadd.s32 s3, s0;
	[smem:$0x7C2] =	sst s16  }
0x18: {  	s25 =	sshrl.u32 s23, $0x3;
	s26 =	sadd.s32 s3, s24;
	[dreg:$0x4] =	wrdreg s0  }
0x19: {  	s8 =	sshrl.u32 s7, $0x3;
	s1 =	sadd.s32 s3, s25;
	[dreg:$0x5] =	wrdreg s26  }
0x1a: {  	s15 =	sshrl.u32 s14, $0x3;
	s10 =	sadd.s32 s3, s8;
	[dreg:$0x6] =	wrdreg s1  }
0x1b: {  	s17 =	sadd.s32 s3, s15;
	[dreg:$0x8] =	wrdreg s10  }
0x1c: {  	s20 =	sadd.s32 $0x2CB0, s5;
	[dreg:$0xb] =	wrdreg s17  }
0x1d: {  	s25 =	sadd.s32 $0x34D0, s5;
	[smem:$0x7B0] =	sst s20  }
0x1e: {  	s8 =	sadd.s32 $0x4100, s5;
	[smem:$0x7B3] =	sst s25  }
0x1f: {  	s15 =	sadd.s32 $0x4D30, s5;
	[smem:$0x7B9] =	sst s8  }
0x20: {  	s24 =	sshrl.u32 s22, $0x3;
	s22 =	sadd.s32 $0x5D70, s5;
	[smem:$0x7BF] =	sst s15  }
0x21: {  	s0 =	sshrl.u32 s6, $0x3;
	s26 =	sadd.s32 $0x38E0, s5;
	[smem:$0x7C8] =	sst s22  }
0x22: {  	s10 =	sshrl.u32 s9, $0x3;
	s9 =	sadd.s32 $0x71C0, s5;
	[smem:$0x7B6] =	sst s26  }
0x23: {  	s17 =	sshrl.u32 s16, $0x3;
	s16 =	sadd.s32 $0x7DF0, s5;
	[smem:$0x7D1] =	sst s9  }
0x24: {  	s21 =	sshrl.u32 s20, $0x3;
	s0 =	sadd.s32 s3, s0;
	[smem:$0x7D7] =	sst s16  }
0x25: {  	s23 =	sadd.s32 s3, s21;
	[dreg:$0x7] =	wrdreg s0  }
0x26: {  	s21 =	sadd.s32 $0x5960, s5;
	[dreg:$0xe] =	wrdreg s23  }
0x27: {  	s1 =	sshrl.u32 s26, $0x3;
	s0 =	sadd.s32 s3, s11;
	[smem:$0x7C5] =	sst s21  }
0x28: {  	s6 =	sadd.s32 s3, s1;
	[dreg:$0x9] =	wrdreg s0  }
0x29: {  	s11 =	sadd.s32 $0x4920, s5;
	[dreg:$0x11] =	wrdreg s6  }
0x2a: {  	s1 =	sadd.s32 $0x6590, s5;
	[smem:$0x7BE] =	sst s11  }
0x2b: {  	s23 =	sshrl.u32 s22, $0x3;
	s22 =	sadd.s32 $0x8A20, s5;
	[smem:$0x7CB] =	sst s1  }
0x2c: {  	s0 =	sshrl.u32 s13, $0x3;
	s13 =	sadd.s32 s3, s10;
	[smem:$0x7DD] =	sst s22  }
0x2d: {  	s6 =	sadd.s32 $0x6DB0, s5;
	[dreg:$0x14] =	wrdreg s13  }
0x2e: {  	s10 =	sadd.s32 $0x75D0, s5;
	[smem:$0x7D0] =	sst s6  }
0x2f: {  	s0 =	sadd.s32 s3, s0;
	[smem:$0x7D4] =	sst s10  }
0x30: {  	s13 =	sadd.s32 $0x79E0, s5;
	[dreg:$0xa] =	wrdreg s0  }
0x31: {  	s29 =	sadd.s32 $0x9650, s5;
	s0 =	sadd.s32 s3, s18;
	[smem:$0x7D6] =	sst s13  }
0x32: {  	s31 =	sadd.s32 $0x9A60, s5;
	s18 =	sadd.s32 $0x5550, s5;
	[dreg:$0xc] =	wrdreg s0  }
0x33: {  	s0 =	sshrl.u32 s19, $0x3;
	[smem:$0x7C4] =	sst s18;
	s19 =	sadd.s32 s3, s17  }
0x34: {  	s30 =	sadd.s32 $0x9E70, s5;
	s17 =	sadd.s32 $0x8200, s5;
	[dreg:$0x17] =	wrdreg s19  }
0x35: {  	s28 =	sadd.s32 $0xA690, s5;
	s0 =	sadd.s32 s3, s0;
	[smem:$0x7DA] =	sst s17  }
0x36: {  	s7 =	sshrl.u32 s4, $0x3;
	s19 =	sadd.s32 $0x8610, s5;
	[dreg:$0xd] =	wrdreg s0  }
0x37: {  	s4 =	sshrl.u32 s2, $0x3;
	s0 =	sadd.s32 s3, s24;
	[smem:$0x7DC] =	sst s19  }
0x38: {  	s14 =	sshrl.u32 s11, $0x3;
	s24 =	sadd.s32 $0x6180, s5;
	[dreg:$0xf] =	wrdreg s0  }
0x39: {  	s0 =	sshrl.u32 s25, $0x3;
	[smem:$0x7CA] =	sst s24;
	s25 =	sadd.s32 s3, s23  }
0x3a: {  	s11 =	sshrl.u32 s10, $0x3;
	s23 =	sadd.s32 $0x8E30, s5;
	[dreg:$0x1a] =	wrdreg s25  }
0x3b: {  	s10 =	sshrl.u32 s28, $0x3;
	s0 =	sadd.s32 s3, s0;
	[smem:$0x7E0] =	sst s23  }
0x3c: {  	s20 =	sshrl.u32 s18, $0x3;
	s25 =	sadd.s32 $0x9240, s5;
	[dreg:$0x10] =	wrdreg s0  }
0x3d: {  	s18 =	sshrl.u32 s17, $0x3;
	s0 =	sadd.s32 s3, s7;
	[smem:$0x7E2] =	sst s25  }
0x3e: {  	s26 =	sshrl.u32 s24, $0x3;
	s7 =	sadd.s32 s3, s4;
	[dreg:$0x12] =	wrdreg s0  }
0x3f: {  	s24 =	sshrl.u32 s23, $0x3;
	s0 =	sshrl.u32 s8, $0x3;
	[dreg:$0x1d] =	wrdreg s7  }
0x40: {  	s8 =	sshrl.u32 s6, $0x3;
	s6 =	sshrl.u32 s31, $0x3;
	s0 =	sadd.s32 s3, s0  }
0x41: {  	s23 =	sadd.s32 $0xB6D0, s5;
	s7 =	sadd.s32 s3, s6;
	[dreg:$0x13] =	wrdreg s0  }
0x42: {  	s2 =	sshrl.u32 s25, $0x3;
	s0 =	sadd.s32 s3, s14;
	[smem:$0x780] =	sst s7  }
0x43: {  	s4 =	sshrl.u32 s29, $0x3;
	s14 =	sadd.s32 s3, s11;
	[dreg:$0x15] =	wrdreg s0  }
0x44: {  	s11 =	sadd.s32 s3, s10;
	s0 =	sshrl.u32 s15, $0x3;
	[smem:$0x777] =	sst s14  }
0x45: {  	s25 =	sadd.s32 $0xA280, s5;
	[smem:$0x783] =	sst s11;
	s0 =	sadd.s32 s3, s0  }
0x46: {  	s17 =	sshrl.u32 s23, $0x3;
	[dreg:$0x16] =	wrdreg s0;
	s0 =	sadd.s32 s3, s20  }
0x47: {  	s20 =	sadd.s32 s3, s18;
	[dreg:$0x18] =	wrdreg s0;
	s0 =	sshrl.u32 s21, $0x3  }
0x48: {  	s15 =	sshrl.u32 s13, $0x3;
	[smem:$0x77A] =	sst s20;
	s0 =	sadd.s32 s3, s0  }
0x49: {  	s21 =	sshrl.u32 s19, $0x3;
	[dreg:$0x19] =	wrdreg s0;
	s0 =	sadd.s32 s3, s26  }
0x4a: {  	s19 =	sadd.s32 $0xBAE0, s5;
	[dreg:$0x1b] =	wrdreg s0;
	s0 =	sshrl.u32 s1, $0x3  }
0x4b: {  	s20 =	sadd.s32 $0xC300, s5;
	s18 =	sshrl.u32 s19, $0x3;
	s0 =	sadd.s32 s3, s0  }
0x4c: {  	s6 =	sshrl.u32 s20, $0x3;
	[dreg:$0x1c] =	wrdreg s0;
	s0 =	sadd.s32 s3, s8  }
0x4d: {  	s26 =	sadd.s32 s3, s24;
	[dreg:$0x1e] =	wrdreg s0;
	s0 =	sshrl.u32 s9, $0x3  }
0x4e: {  	s24 =	sadd.s32 $0xB2C0, s5;
	[smem:$0x77D] =	sst s26;
	s0 =	sadd.s32 s3, s0  }
0x4f: {  	s26 =	sadd.s32 $0xAAA0, s5;
	[dreg:$0x1f] =	wrdreg s0;
	s0 =	sadd.s32 s3, s15  }
0x50: {  	s13 =	sshrl.u32 s26, $0x3;
	[smem:$0x778] =	sst s0;
	s0 =	sshrl.u32 s16, $0x3  }
0x51: {  	s8 =	sshrl.u32 s30, $0x3;
	s9 =	sshrl.u32 s25, $0x3;
	s0 =	sadd.s32 s3, s0  }
0x52: {  	s15 =	sshrl.u32 s24, $0x3;
	[smem:$0x779] =	sst s0;
	s0 =	sadd.s32 s3, s21  }
0x53: {  	s16 =	sadd.s32 s3, s15;
	[smem:$0x77B] =	sst s0;
	s0 =	sshrl.u32 s22, $0x3  }
0x54: {  	s15 =	sadd.s32 $0xD750, s5;
	[smem:$0x786] =	sst s16;
	s0 =	sadd.s32 s3, s0  }
0x55: {  	s21 =	sadd.s32 $0xBEF0, s5;
	[smem:$0x77C] =	sst s0;
	s0 =	sadd.s32 s3, s2  }
0x56: {  	s1 =	sshrl.u32 s21, $0x3;
	[smem:$0x77E] =	sst s0;
	s0 =	sadd.s32 s3, s4  }
0x57: {  	s16 =	sadd.s32 $0xC710, s5;
	s4 =	sadd.s32 s3, s1;
	[smem:$0x77F] =	sst s0  }
0x58: {  	s1 =	sshrl.u32 s15, $0x3;
	s0 =	sadd.s32 s3, s8;
	[smem:$0x789] =	sst s4  }
0x59: {  	s7 =	sshrl.u32 s16, $0x3;
	s4 =	sadd.s32 s3, s1;
	[smem:$0x781] =	sst s0  }
0x5a: {  	s22 =	sadd.s32 $0xAEB0, s5;
	s0 =	sadd.s32 s3, s9;
	[smem:$0x78F] =	sst s4  }
0x5b: {  	s14 =	sshrl.u32 s22, $0x3;
	[smem:$0x782] =	sst s0;
	s0 =	sadd.s32 s3, s13  }
0x5c: {  	s13 =	sadd.s32 $0xD340, s5;
	[smem:$0x784] =	sst s0;
	s0 =	sadd.s32 s3, s14  }
0x5d: {  	s11 =	sshrl.u32 s13, $0x3;
	[smem:$0x785] =	sst s0;
	s0 =	sadd.s32 s3, s17  }
0x5e: {  	s14 =	sadd.s32 $0xDB60, s5;
	[smem:$0x787] =	sst s0;
	s0 =	sadd.s32 s3, s18  }
0x5f: {  	s18 =	sadd.s32 $0xCB20, s5;
	[smem:$0x788] =	sst s0;
	s0 =	sadd.s32 s3, s6  }
0x60: {  	s8 =	sshrl.u32 s18, $0x3;
	[smem:$0x78A] =	sst s0;
	s0 =	sadd.s32 s3, s7  }
0x61: {  	s17 =	sadd.s32 $0xCF30, s5;
	s9 =	sadd.s32 s3, s8;
	[smem:$0x78B] =	sst s0  }
0x62: {  	s10 =	sshrl.u32 s17, $0x3;
	s6 =	sshrl.u32 s14, $0x3;
	[smem:$0x78C] =	sst s9  }
0x63: {  	s0 =	sadd.s32 s3, s10;
	s9 =	sadd.s32 $0xDF70, s5;
	s10 =	sadd.s32 $0xE790, s5  }
0x64: {  	[smem:$0x78D] =	sst s0;
	s0 =	sadd.s32 s3, s11;
	s11 =	sadd.s32 $0xE380, s5  }
0x65: {  	s7 =	sshrl.u32 s9, $0x3;
	s2 =	sshrl.u32 s10, $0x3;
	[smem:$0x78E] =	sst s0  }
0x66: {  	s0 =	sadd.s32 s3, s6;
	s8 =	sshrl.u32 s11, $0x3;
	s6 =	sadd.s32 $0xEBA0, s5  }
0x67: {  	[smem:$0x790] =	sst s0;
	s0 =	sadd.s32 s3, s7;
	s1 =	sadd.s32 s3, s8  }
0x68: {  	s8 =	sadd.s32 $0xEFB0, s5;
	s4 =	sshrl.u32 s6, $0x3;
	[smem:$0x791] =	sst s0  }
0x69: {  	s7 =	sadd.s32 $0xF3C0, s5;
	[smem:$0x792] =	sst s1;
	s0 =	sadd.s32 s3, s2  }
0x6a: {  	s1 =	sshrl.u32 s8, $0x3;
	[smem:$0x793] =	sst s0;
	s0 =	sadd.s32 s3, s4  }
0x6b: {  	s2 =	sadd.s32 s3, s1;
	s4 =	sshrl.u32 s7, $0x3;
	[smem:$0x794] =	sst s0  }
0x6c: {  	[smem:$0x795] =	sst s2;
	s0 =	sadd.s32 s3, s4;
	s2 =	sadd.s32 $0xF7D0, s5  }
0x6d: {  	s4 =	sadd.s32 $0xFBE0, s5;
	[smem:$0x796] =	sst s0;
	s0 =	sshrl.u32 s2, $0x3  }
0x6e: {  	s1 =	sshrl.u32 s4, $0x3;
	s0 =	sadd.s32 s3, s0  }
0x6f: {  	s5 =	sadd.s32 $0xFFF0, s5;
	s1 =	sadd.s32 s3, s1;
	[smem:$0x797] =	sst s0  }
0x70: {  	[smem:$0x798] =	sst s1;
	s1 =	sshrl.u32 s5, $0x3  }
0x71: {  	s0 =	sadd.s32 s3, s1;
	s3 =	sld [smem:$0x79A]  }
0x72: {  	s1 =	sld [smem:$0x79B]  }
0x73: {  	[smem:$0x799] =	sst s0  }
0x74: {  	s0 =	sshll.u32 s3, $0x1;
	s3 =	rddreg [dreg:$0x1]  }
0x75: {  	s1 =	sadd.s32 s3, s1  }
0x76: {  	[smem:$0x79C] =	sst s1  }
0x77: {  	s1 =	sld [smem:$0x79E]  }
0x78: {  	s0 =	sadd.s32 s3, s0  }
0x79: {  	[smem:$0x79D] =	sst s0  }
0x7a: {  	s0 =	sshll.u32 s1, $0x1;
	s1 =	sld [smem:$0x7A0]  }
0x7b: {  	s0 =	sadd.s32 s3, s0  }
0x7c: {  	[smem:$0x79F] =	sst s0  }
0x7d: {  	s0 =	sshll.u32 s1, $0x1;
	s1 =	sld [smem:$0x7A1];
	_ =	sdelay $0x2  }
0x7e: {  	s1 =	sshll.u32 s1, $0x1  }
0x7f: {  	s1 =	sadd.s32 s3, s1  }
0x80: {  	[smem:$0x7A3] =	sst s1  }
0x81: {  	s1 =	sld [smem:$0x7A4]  }
0x82: {  	s0 =	sadd.s32 s3, s0  }
0x83: {  	[smem:$0x7A2] =	sst s0  }
0x84: {  	s0 =	sshll.u32 s1, $0x1;
	s1 =	sld [smem:$0x7A6]  }
0x85: {  	s0 =	sadd.s32 s3, s0  }
0x86: {  	[smem:$0x7A5] =	sst s0  }
0x87: {  	s0 =	sshll.u32 s1, $0x1;
	s1 =	sld [smem:$0x7A7];
	_ =	sdelay $0x2  }
0x88: {  	s1 =	sshll.u32 s1, $0x1  }
0x89: {  	s1 =	sadd.s32 s3, s1  }
0x8a: {  	[smem:$0x7A9] =	sst s1  }
0x8b: {  	s1 =	sld [smem:$0x7AA]  }
0x8c: {  	s0 =	sadd.s32 s3, s0  }
0x8d: {  	[smem:$0x7A8] =	sst s0  }
0x8e: {  	s0 =	sshll.u32 s1, $0x1;
	s1 =	sld [smem:$0x7AC]  }
0x8f: {  	s0 =	sadd.s32 s3, s0  }
0x90: {  	[smem:$0x7AB] =	sst s0  }
0x91: {  	s0 =	sshll.u32 s1, $0x1;
	s1 =	sld [smem:$0x7AD];
	_ =	sdelay $0x2  }
0x92: {  	s1 =	sshll.u32 s1, $0x1  }
0x93: {  	s1 =	sadd.s32 s3, s1  }
0x94: {  	[smem:$0x7AF] =	sst s1  }
0x95: {  	s1 =	sld [smem:$0x7B0]  }
0x96: {  	s0 =	sadd.s32 s3, s0  }
0x97: {  	[smem:$0x7AE] =	sst s0  }
0x98: {  	s0 =	sshll.u32 s1, $0x1;
	s1 =	sld [smem:$0x7B2]  }
0x99: {  	s0 =	sadd.s32 s3, s0  }
0x9a: {  	[smem:$0x7B1] =	sst s0  }
0x9b: {  	s0 =	sshll.u32 s1, $0x1;
	s1 =	sld [smem:$0x7B3];
	_ =	sdelay $0x2  }
0x9c: {  	s1 =	sshll.u32 s1, $0x1  }
0x9d: {  	s1 =	sadd.s32 s3, s1  }
0x9e: {  	[smem:$0x7B5] =	sst s1  }
0x9f: {  	s1 =	sld [smem:$0x7B6]  }
0xa0: {  	s0 =	sadd.s32 s3, s0  }
0xa1: {  	[smem:$0x7B4] =	sst s0  }
0xa2: {  	s0 =	sshll.u32 s1, $0x1;
	s1 =	sld [smem:$0x7B8]  }
0xa3: {  	s0 =	sadd.s32 s3, s0  }
0xa4: {  	[smem:$0x7B7] =	sst s0  }
0xa5: {  	s0 =	sshll.u32 s1, $0x1;
	s1 =	sld [smem:$0x7B9];
	_ =	sdelay $0x2  }
0xa6: {  	s1 =	sshll.u32 s1, $0x1  }
0xa7: {  	s1 =	sadd.s32 s3, s1  }
0xa8: {  	[smem:$0x7BB] =	sst s1  }
0xa9: {  	s1 =	sld [smem:$0x7BC]  }
0xaa: {  	s0 =	sadd.s32 s3, s0  }
0xab: {  	[smem:$0x7BA] =	sst s0  }
0xac: {  	s0 =	sshll.u32 s1, $0x1;
	s1 =	sld [smem:$0x7BE]  }
0xad: {  	s0 =	sadd.s32 s3, s0  }
0xae: {  	[smem:$0x7BD] =	sst s0  }
0xaf: {  	s0 =	sshll.u32 s1, $0x1;
	s1 =	sld [smem:$0x7BF];
	_ =	sdelay $0x2  }
0xb0: {  	s1 =	sshll.u32 s1, $0x1  }
0xb1: {  	s1 =	sadd.s32 s3, s1  }
0xb2: {  	[smem:$0x7C1] =	sst s1  }
0xb3: {  	s1 =	sld [smem:$0x7C2]  }
0xb4: {  	s0 =	sadd.s32 s3, s0  }
0xb5: {  	[smem:$0x7C0] =	sst s0  }
0xb6: {  	s0 =	sshll.u32 s1, $0x1;
	s1 =	sld [smem:$0x7C4]  }
0xb7: {  	s0 =	sadd.s32 s3, s0  }
0xb8: {  	[smem:$0x7C3] =	sst s0  }
0xb9: {  	s0 =	sshll.u32 s1, $0x1;
	s1 =	sld [smem:$0x7C5];
	_ =	sdelay $0x2  }
0xba: {  	s1 =	sshll.u32 s1, $0x1  }
0xbb: {  	s1 =	sadd.s32 s3, s1  }
0xbc: {  	[smem:$0x7C7] =	sst s1  }
0xbd: {  	s1 =	sld [smem:$0x7C8]  }
0xbe: {  	s0 =	sadd.s32 s3, s0  }
0xbf: {  	[smem:$0x7C6] =	sst s0  }
0xc0: {  	s0 =	sshll.u32 s1, $0x1;
	s1 =	sld [smem:$0x7CA]  }
0xc1: {  	s0 =	sadd.s32 s3, s0  }
0xc2: {  	[smem:$0x7C9] =	sst s0  }
0xc3: {  	s0 =	sshll.u32 s1, $0x1;
	s1 =	sld [smem:$0x7CB];
	_ =	sdelay $0x2  }
0xc4: {  	s1 =	sshll.u32 s1, $0x1  }
0xc5: {  	s1 =	sadd.s32 s3, s1  }
0xc6: {  	[smem:$0x7CD] =	sst s1  }
0xc7: {  	s1 =	sld [smem:$0x7CE]  }
0xc8: {  	s0 =	sadd.s32 s3, s0  }
0xc9: {  	[smem:$0x7CC] =	sst s0  }
0xca: {  	s0 =	sshll.u32 s1, $0x1;
	s1 =	sld [smem:$0x7D0]  }
0xcb: {  	s0 =	sadd.s32 s3, s0  }
0xcc: {  	[smem:$0x7CF] =	sst s0  }
0xcd: {  	s0 =	sshll.u32 s1, $0x1;
	s1 =	sld [smem:$0x7D1];
	_ =	sdelay $0x2  }
0xce: {  	s1 =	sshll.u32 s1, $0x1  }
0xcf: {  	s1 =	sadd.s32 s3, s1  }
0xd0: {  	[smem:$0x7D3] =	sst s1  }
0xd1: {  	s1 =	sld [smem:$0x7D4]  }
0xd2: {  	s0 =	sadd.s32 s3, s0  }
0xd3: {  	[smem:$0x7D2] =	sst s0  }
0xd4: {  	s0 =	sshll.u32 s1, $0x1;
	s1 =	sld [smem:$0x7D6]  }
0xd5: {  	s0 =	sadd.s32 s3, s0  }
0xd6: {  	[smem:$0x7D5] =	sst s0  }
0xd7: {  	s0 =	sshll.u32 s1, $0x1;
	s1 =	sld [smem:$0x7D7];
	_ =	sdelay $0x2  }
0xd8: {  	s1 =	sshll.u32 s1, $0x1  }
0xd9: {  	s1 =	sadd.s32 s3, s1  }
0xda: {  	[smem:$0x7D9] =	sst s1  }
0xdb: {  	s1 =	sld [smem:$0x7DA]  }
0xdc: {  	s0 =	sadd.s32 s3, s0  }
0xdd: {  	[smem:$0x7D8] =	sst s0  }
0xde: {  	s0 =	sshll.u32 s1, $0x1;
	s1 =	sld [smem:$0x7DC]  }
0xdf: {  	s0 =	sadd.s32 s3, s0  }
0xe0: {  	[smem:$0x7DB] =	sst s0  }
0xe1: {  	s0 =	sshll.u32 s1, $0x1;
	s1 =	sld [smem:$0x7DD];
	_ =	sdelay $0x2  }
0xe2: {  	s1 =	sshll.u32 s1, $0x1  }
0xe3: {  	s1 =	sadd.s32 s3, s1  }
0xe4: {  	[smem:$0x7DF] =	sst s1  }
0xe5: {  	s12 =	simm.s32 $0x0;
	s1 =	sld [smem:$0x7E0]  }
0xe6: {  	[smem:$0x7FF] =	sst s12;
	s0 =	sadd.s32 s3, s0  }
0xe7: {  	s25 =	sshll.u32 s25, $0x1;
	[smem:$0x7DE] =	sst s0  }
0xe8: {  	s25 =	sadd.s32 s3, s25;
	s0 =	sshll.u32 s1, $0x1;
	s1 =	sld [smem:$0x7E2]  }
0xe9: {  	[smem:$0x7E7] =	sst s25;
	s25 =	sshll.u32 s26, $0x1  }
0xea: {  	s26 =	sshll.u32 s22, $0x1;
	s22 =	sshll.u32 s24, $0x1;
	s0 =	sadd.s32 s3, s0  }
0xeb: {  	s24 =	sshll.u32 s23, $0x1;
	[smem:$0x7E1] =	sst s0;
	s0 =	sshll.u32 s1, $0x1  }
0xec: {  	s23 =	sshll.u32 s17, $0x1;
	s1 =	sshll.u32 s29, $0x1;
	s0 =	sadd.s32 s3, s0  }
0xed: {  	s17 =	sshll.u32 s6, $0x1;
	s1 =	sadd.s32 s3, s1;
	[smem:$0x7E3] =	sst s0  }
0xee: {  	s29 =	simm.s32 $0x7;
	[smem:$0x7E4] =	sst s1;
	s1 =	sshll.u32 s31, $0x1  }
0xef: {  	s31 =	simm.s32 $0x8;
	s0 =	sadd.s32 s3, s1;
	s1 =	sshll.u32 s30, $0x1  }
0xf0: {  	[smem:$0x7E5] =	sst s0;
	s0 =	sadd.s32 s3, s1;
	s1 =	sshll.u32 s28, $0x1  }
0xf1: {  	s30 =	simm.s32 $0x4;
	[smem:$0x7E6] =	sst s0;
	s0 =	sadd.s32 s3, s1  }
0xf2: {  	s28 =	simm.s32 $0x3;
	s1 =	sadd.s32 s3, s26;
	[smem:$0x7E8] =	sst s0  }
0xf3: {  	s0 =	sadd.s32 s3, s25;
	[smem:$0x7EA] =	sst s1;
	s25 =	sshll.u32 s19, $0x1  }
0xf4: {  	s1 =	sshll.u32 s21, $0x1;
	s19 =	sshll.u32 s20, $0x1;
	s20 =	sshll.u32 s16, $0x1  }
0xf5: {  	s16 =	sshll.u32 s10, $0x1;
	[smem:$0x7E9] =	sst s0;
	s0 =	sadd.s32 s3, s22  }
0xf6: {  	s26 =	sadd.s32 s3, s25;
	s21 =	sadd.s32 s3, s20;
	s22 =	sshll.u32 s18, $0x1  }
0xf7: {  	s18 =	sadd.s32 s3, s17;
	s20 =	sshll.u32 s7, $0x1;
	[smem:$0x7EB] =	sst s0  }
0xf8: {  	s17 =	simm.s32 $0x5960;
	s0 =	sadd.s32 s3, s24;
	[smem:$0x7ED] =	sst s26  }
0xf9: {  	[smem:$0x7F0] =	sst s21;
	s24 =	sshll.u32 s13, $0x1;
	s26 =	sshll.u32 s15, $0x1  }
0xfa: {  	s13 =	sshll.u32 s9, $0x1;
	s15 =	sshll.u32 s11, $0x1;
	[smem:$0x7F9] =	sst s18  }
0xfb: {  	s21 =	sshll.u32 s2, $0x1;
	[smem:$0x7EC] =	sst s0;
	s0 =	sadd.s32 s3, s1  }
0xfc: {  	s18 =	simm.s32 $0xC30;
	s25 =	sadd.s32 s3, s24;
	[smem:$0x7EE] =	sst s0  }
0xfd: {  	s1 =	sshll.u32 s14, $0x1;
	s14 =	sadd.s32 s3, s13;
	[smem:$0x7F3] =	sst s25  }
0xfe: {  	s2 =	simm.s32 $0x9;
	s0 =	sadd.s32 s3, s19;
	[smem:$0x7F6] =	sst s14  }
0xff: {  	s24 =	sshll.u32 s5, $0x1;
	[smem:$0x7EF] =	sst s0;
	s0 =	sadd.s32 s3, s22  }
0x100: {  	s13 =	simm.s32 $0xB;
	s22 =	sadd.s32 s3, s21;
	[smem:$0x7F1] =	sst s0  }
0x101: {  	s19 =	sshll.u32 s8, $0x1;
	s0 =	sadd.s32 s3, s23;
	[smem:$0x7FC] =	sst s22  }
0x102: {  	s9 =	sadd.s32 s3, s24;
	[smem:$0x7F2] =	sst s0;
	s0 =	sadd.s32 s3, s26  }
0x103: {  	s14 =	simm.s32 $0x410;
	[smem:$0x7F4] =	sst s0;
	s0 =	sadd.s32 s3, s1  }
0x104: {  	s24 =	simm.s32 $0x11C60;
	[smem:$0x7F5] =	sst s0;
	s0 =	sadd.s32 s3, s15  }
0x105: {  	s21 =	simm.s32 $0xDB60;
	[smem:$0x7F7] =	sst s0;
	s0 =	sadd.s32 s3, s16  }
0x106: {  	s23 =	sshll.u32 s4, $0x1;
	[smem:$0x7F8] =	sst s0;
	s0 =	sadd.s32 s3, s19  }
0x107: {  	s22 =	simm.s32 $0x1;
	[smem:$0x7FA] =	sst s0;
	s0 =	sadd.s32 s3, s20  }
0x108: {  	s4 =	simm.s32 $0x0;
	s8 =	sadd.s32 s3, s23;
	[smem:$0x7FB] =	sst s0  }
0x109: {  	s23 =	simm.s32 $0x1450;
	s15 =	simm.s32 $0x1860;
	_ =	strace $0x80000047  }
0x10a: {  	s16 =	simm.s32 $0x820;
	s19 =	simm.s32 $0x9A60;
	s26 =	sld [smem:$0x7FD]  }
0x10b: {  	s20 =	simm.s32 $0x1040;
	s3 =	simm.s32 $0xA;
	s25 =	rddreg [dreg:$0x0]  }
0x10c: {  	s0 =	simm.s32 $0x5;
	s10 =	sadd.s32 $0x27AD000, s25;
	s11 =	sadd.s32 $0xA00, s25  }
0x10d: {  	s25 =	simm.s32 $0x2;
	s1 =	smax.u32 s26, $0x1;
	s26 =	simm.s32 $0x6  }
.LBB2_1:
0x10e: {  	[tilespmem:s12], [sflag:$0xB] =	stream.linear.gather [hbm4b:s11+s12], $0x410, $0x38;
	[tilespmem:$0x15D60] =	vst v63  }
0x10f: {  	_ =	swait.ge [sflag:s13], $0x410  }
0x110: {  	[sflag:s13] =	ssyncset.done $0x0  }
0x111: {  	s5 =	rddreg [dreg:$0x3];
	[sflag:s13] =	ssyncadd.s32 $0xFFFFFBF0  }
0x112: {  	[tilespmem:s14], [sflag:$0xB] =	stream.linear.gather [hbm4b:s5+s12], $0x410, $0x38;
	[tilespmem:$0x15D60] =	vst v63  }
0x113: {  	_ =	swait.ge [sflag:s13], $0x410  }
0x114: {  	[sflag:s13] =	ssyncset.done $0x0  }
0x115: {  	s5 =	simm.s32 $0x0;
	[sflag:s13] =	ssyncadd.s32 $0xFFFFFBF0  }
0x116: {  	s6 =	simm.s32 $0x40;
	v0 =	vld [tilespmem:s5+$0x0]  }
.LBB2_2:
0x117: {  	p0 =	sne.s32 s6, $0x1000;
	v1 =	vld [tilespmem:s5+$0x410];
	_ =	sdelay $0x1  }
.Ltmp0:
0x118: {  	(pc) =	sbr.rel @p0 .LBB2_2-.Ltmp0, $3  }
0x119: {  	_ =	sdelay $0x1  }
0x11a: {  	s7 =	sshra.s32 s6, $0x2;
	v1 =	vadd.s32 v1, v0  }
0x11b: {  	s6 =	sadd.s32 $0x40, s6;
	v0 =	vld [tilespmem:s7+$0x0];
	[tilespmem:s5+$0x410] =	vst v1;
	s5 =	smov.u32 s7  }
0x11c: {  	v1 =	vld [tilespmem:s5+$0x410];
	_ =	sdelay $0x4  }
0x11d: {  	v0 =	vadd.s32 v1, v0  }
0x11e: {  	[tilespmem:s5+$0x410] =	vst v0  }
0x11f: {  	[tilespmem:s15], [sflag:$0x1] =	stream.indirect.gather [hbm4b:s10+s14], $0x10, s14, s14, $0xb8;
	[tilespmem:$0x15D60] =	vst v63  }
0x120: {  	s7 =	simm.s32 $0x0;
	s6 =	rddreg [dreg:$0x4]  }
0x121: {  	[tilespmem:s16], [sflag:$0xB] =	stream.linear.gather [hbm4b:s6+s7], $0x410, $0x38;
	[tilespmem:$0x15D60] =	vst v63  }
0x122: {  	_ =	swait.ge [sflag:s13], $0x410  }
0x123: {  	[sflag:s13] =	ssyncset.done $0x0  }
0x124: {  	s5 =	simm.s32 $0x0;
	[sflag:s13] =	ssyncadd.s32 $0xFFFFFBF0  }
0x125: {  	s6 =	simm.s32 $0x40;
	v0 =	vld [tilespmem:s5+$0x0]  }
.LBB2_4:
0x126: {  	p0 =	sne.s32 s6, $0x1000;
	v1 =	vld [tilespmem:s5+$0x820];
	_ =	sdelay $0x1  }
.Ltmp1:
0x127: {  	(pc) =	sbr.rel @p0 .LBB2_4-.Ltmp1, $3  }
0x128: {  	_ =	sdelay $0x1  }
0x129: {  	s7 =	sshra.s32 s6, $0x2;
	v1 =	vadd.s32 v1, v0  }
0x12a: {  	s6 =	sadd.s32 $0x40, s6;
	v0 =	vld [tilespmem:s7+$0x0];
	[tilespmem:s5+$0x820] =	vst v1;
	s5 =	smov.u32 s7  }
0x12b: {  	v1 =	vld [tilespmem:s5+$0x820];
	_ =	sdelay $0x4  }
0x12c: {  	v0 =	vadd.s32 v1, v0  }
0x12d: {  	[tilespmem:s5+$0x820] =	vst v0  }
0x12e: {  	[tilespmem:s17], [sflag:$0x2] =	stream.indirect.gather [hbm4b:s10+s14], $0x10, s16, s14, $0xb8;
	[tilespmem:$0x15D60] =	vst v63  }
0x12f: {  	s7 =	simm.s32 $0x0;
	s6 =	rddreg [dreg:$0x5]  }
0x130: {  	[tilespmem:s18], [sflag:$0xB] =	stream.linear.gather [hbm4b:s6+s7], $0x410, $0x38;
	[tilespmem:$0x15D60] =	vst v63  }
0x131: {  	_ =	swait.ge [sflag:s13], $0x410  }
0x132: {  	[sflag:s13] =	ssyncset.done $0x0  }
0x133: {  	s5 =	simm.s32 $0x0;
	[sflag:s13] =	ssyncadd.s32 $0xFFFFFBF0  }
0x134: {  	s6 =	simm.s32 $0x40;
	v0 =	vld [tilespmem:s5+$0x0]  }
.LBB2_6:
0x135: {  	p0 =	sne.s32 s6, $0x1000;
	v1 =	vld [tilespmem:s5+$0xC30];
	_ =	sdelay $0x1  }
.Ltmp2:
0x136: {  	(pc) =	sbr.rel @p0 .LBB2_6-.Ltmp2, $3  }
0x137: {  	_ =	sdelay $0x1  }
0x138: {  	s7 =	sshra.s32 s6, $0x2;
	v1 =	vadd.s32 v1, v0  }
0x139: {  	s6 =	sadd.s32 $0x40, s6;
	v0 =	vld [tilespmem:s7+$0x0];
	[tilespmem:s5+$0xC30] =	vst v1;
	s5 =	smov.u32 s7  }
0x13a: {  	v1 =	vld [tilespmem:s5+$0xC30];
	_ =	sdelay $0x4  }
0x13b: {  	v0 =	vadd.s32 v1, v0  }
0x13c: {  	[tilespmem:s5+$0xC30] =	vst v0  }
0x13d: {  	[tilespmem:s19], [sflag:$0x3] =	stream.indirect.gather [hbm4b:s10+s14], $0x10, s18, s14, $0xb8;
	[tilespmem:$0x15D60] =	vst v63  }
0x13e: {  	s7 =	simm.s32 $0x0;
	s6 =	rddreg [dreg:$0x6]  }
0x13f: {  	[tilespmem:s20], [sflag:$0xB] =	stream.linear.gather [hbm4b:s6+s7], $0x410, $0x38;
	[tilespmem:$0x15D60] =	vst v63  }
0x140: {  	_ =	swait.ge [sflag:s13], $0x410  }
0x141: {  	[sflag:s13] =	ssyncset.done $0x0  }
0x142: {  	s5 =	simm.s32 $0x0;
	[sflag:s13] =	ssyncadd.s32 $0xFFFFFBF0  }
0x143: {  	s6 =	simm.s32 $0x40;
	v0 =	vld [tilespmem:s5+$0x0]  }
.LBB2_8:
0x144: {  	p0 =	sne.s32 s6, $0x1000;
	v1 =	vld [tilespmem:s5+$0x1040];
	_ =	sdelay $0x1  }
.Ltmp3:
0x145: {  	(pc) =	sbr.rel @p0 .LBB2_8-.Ltmp3, $3  }
0x146: {  	_ =	sdelay $0x1  }
0x147: {  	s7 =	sshra.s32 s6, $0x2;
	v1 =	vadd.s32 v1, v0  }
0x148: {  	s6 =	sadd.s32 $0x40, s6;
	v0 =	vld [tilespmem:s7+$0x0];
	[tilespmem:s5+$0x1040] =	vst v1;
	s5 =	smov.u32 s7  }
0x149: {  	v1 =	vld [tilespmem:s5+$0x1040];
	_ =	sdelay $0x4  }
0x14a: {  	v0 =	vadd.s32 v1, v0  }
0x14b: {  	[tilespmem:s5+$0x1040] =	vst v0  }
0x14c: {  	[tilespmem:s21], [sflag:$0x4] =	stream.indirect.gather [hbm4b:s10+s14], $0x10, s20, s14, $0xb8;
	[tilespmem:$0x15D60] =	vst v63  }
0x14d: {  	_ =	swait.ge [sflag:s22], $0x4100  }
0x14e: {  	s6 =	sld [smem:$0x79C]  }
0x14f: {  	[sflag:s22] =	ssyncset.done $0x0  }
0x150: {  	s5 =	simm.s32 $0x0;
	[sflag:s22] =	ssyncadd.s32 $0xFFFFBF00  }
0x151: {  	[hbm4b:s6+s5] =	stream.linear.scatter [tilespmem:s15], [sflag:$0x6], $0x4100, $0x38;
	[tilespmem:$0x15D60] =	vst v63  }
0x152: {  	s7 =	rddreg [dreg:$0x7]  }
0x153: {  	[tilespmem:s23], [sflag:$0xB] =	stream.linear.gather [hbm4b:s7+s5], $0x410, $0x38;
	[tilespmem:$0x15D60] =	vst v63  }
0x154: {  	_ =	swait.ge [sflag:s13], $0x410  }
0x155: {  	[sflag:s13] =	ssyncset.done $0x0  }
0x156: {  	s5 =	simm.s32 $0x0;
	[sflag:s13] =	ssyncadd.s32 $0xFFFFFBF0  }
0x157: {  	s6 =	simm.s32 $0x40;
	v0 =	vld [tilespmem:s5+$0x0]  }
.LBB2_10:
0x158: {  	p0 =	sne.s32 s6, $0x1000;
	v1 =	vld [tilespmem:s5+$0x1450];
	_ =	sdelay $0x1  }
.Ltmp4:
0x159: {  	(pc) =	sbr.rel @p0 .LBB2_10-.Ltmp4, $3  }
0x15a: {  	_ =	sdelay $0x1  }
0x15b: {  	s7 =	sshra.s32 s6, $0x2;
	v1 =	vadd.s32 v1, v0  }
0x15c: {  	s6 =	sadd.s32 $0x40, s6;
	v0 =	vld [tilespmem:s7+$0x0];
	[tilespmem:s5+$0x1450] =	vst v1;
	s5 =	smov.u32 s7  }
0x15d: {  	v1 =	vld [tilespmem:s5+$0x1450];
	_ =	sdelay $0x4  }
0x15e: {  	v0 =	vadd.s32 v1, v0  }
0x15f: {  	[tilespmem:s5+$0x1450] =	vst v0  }
0x160: {  	[tilespmem:s24], [sflag:$0x5] =	stream.indirect.gather [hbm4b:s10+s14], $0x10, s23, s14, $0xb8;
	[tilespmem:$0x15D60] =	vst v63  }
0x161: {  	_ =	swait.ge [sflag:s25], $0x4100  }
0x162: {  	s6 =	sld [smem:$0x79D]  }
0x163: {  	[sflag:s25] =	ssyncset.done $0x0  }
0x164: {  	s5 =	simm.s32 $0x0;
	[sflag:s25] =	ssyncadd.s32 $0xFFFFBF00  }
0x165: {  	[hbm4b:s6+s5] =	stream.linear.scatter [tilespmem:s17], [sflag:$0x7], $0x4100, $0x38;
	[tilespmem:$0x15D60] =	vst v63  }
0x166: {  	s7 =	rddreg [dreg:$0x8]  }
0x167: {  	[tilespmem:s14], [sflag:$0xB] =	stream.linear.gather [hbm4b:s7+s5], $0x410, $0x38;
	[tilespmem:$0x15D60] =	vst v63  }
0x168: {  	_ =	swait.ge [sflag:s13], $0x410  }
0x169: {  	[sflag:s13] =	ssyncset.done $0x0  }
0x16a: {  	s5 =	simm.s32 $0x0;
	[sflag:s13] =	ssyncadd.s32 $0xFFFFFBF0  }
0x16b: {  	s6 =	simm.s32 $0x40;
	v0 =	vld [tilespmem:s5+$0x0]  }
.LBB2_12:
0x16c: {  	p0 =	sne.s32 s6, $0x1000;
	v1 =	vld [tilespmem:s5+$0x410];
	_ =	sdelay $0x1  }
.Ltmp5:
0x16d: {  	(pc) =	sbr.rel @p0 .LBB2_12-.Ltmp5, $3  }
0x16e: {  	_ =	sdelay $0x1  }
0x16f: {  	s7 =	sshra.s32 s6, $0x2;
	v1 =	vadd.s32 v1, v0  }
0x170: {  	s6 =	sadd.s32 $0x40, s6;
	v0 =	vld [tilespmem:s7+$0x0];
	[tilespmem:s5+$0x410] =	vst v1;
	s5 =	smov.u32 s7  }
0x171: {  	v1 =	vld [tilespmem:s5+$0x410];
	_ =	sdelay $0x4  }
0x172: {  	v0 =	vadd.s32 v1, v0  }
0x173: {  	[tilespmem:s5+$0x410] =	vst v0  }
0x174: {  	_ =	swait.ge [sflag:s26], $0x4100  }
0x175: {  	[sflag:s26] =	ssyncset.done $0x0  }
0x176: {  	[sflag:s26] =	ssyncadd.s32 $0xFFFFBF00  }
0x177: {  	[tilespmem:s15], [sflag:$0x1] =	stream.indirect.gather [hbm4b:s10+s14], $0x10, s14, s14, $0xb8;
	[tilespmem:$0x15D60] =	vst v63  }
0x178: {  	_ =	swait.ge [sflag:s28], $0x4100  }
0x179: {  	s6 =	sld [smem:$0x79F]  }
0x17a: {  	[sflag:s28] =	ssyncset.done $0x0  }
0x17b: {  	s5 =	simm.s32 $0x0;
	[sflag:s28] =	ssyncadd.s32 $0xFFFFBF00  }
0x17c: {  	[hbm4b:s6+s5] =	stream.linear.scatter [tilespmem:s19], [sflag:$0x8], $0x4100, $0x38;
	[tilespmem:$0x15D60] =	vst v63  }
0x17d: {  	s7 =	rddreg [dreg:$0x9]  }
0x17e: {  	[tilespmem:s16], [sflag:$0xB] =	stream.linear.gather [hbm4b:s7+s5], $0x410, $0x38;
	[tilespmem:$0x15D60] =	vst v63  }
0x17f: {  	_ =	swait.ge [sflag:s13], $0x410  }
0x180: {  	[sflag:s13] =	ssyncset.done $0x0  }
0x181: {  	s5 =	simm.s32 $0x0;
	[sflag:s13] =	ssyncadd.s32 $0xFFFFFBF0  }
0x182: {  	s6 =	simm.s32 $0x40;
	v0 =	vld [tilespmem:s5+$0x0]  }
.LBB2_14:
0x183: {  	p0 =	sne.s32 s6, $0x1000;
	v1 =	vld [tilespmem:s5+$0x820];
	_ =	sdelay $0x1  }
.Ltmp6:
0x184: {  	(pc) =	sbr.rel @p0 .LBB2_14-.Ltmp6, $3  }
0x185: {  	_ =	sdelay $0x1  }
0x186: {  	s7 =	sshra.s32 s6, $0x2;
	v1 =	vadd.s32 v1, v0  }
0x187: {  	s6 =	sadd.s32 $0x40, s6;
	v0 =	vld [tilespmem:s7+$0x0];
	[tilespmem:s5+$0x820] =	vst v1;
	s5 =	smov.u32 s7  }
0x188: {  	v1 =	vld [tilespmem:s5+$0x820];
	_ =	sdelay $0x4  }
0x189: {  	v0 =	vadd.s32 v1, v0  }
0x18a: {  	[tilespmem:s5+$0x820] =	vst v0  }
0x18b: {  	_ =	swait.ge [sflag:s29], $0x4100  }
0x18c: {  	[sflag:s29] =	ssyncset.done $0x0  }
0x18d: {  	[sflag:s29] =	ssyncadd.s32 $0xFFFFBF00  }
0x18e: {  	[tilespmem:s17], [sflag:$0x2] =	stream.indirect.gather [hbm4b:s10+s14], $0x10, s16, s14, $0xb8;
	[tilespmem:$0x15D60] =	vst v63  }
0x18f: {  	_ =	swait.ge [sflag:s30], $0x4100  }
0x190: {  	s6 =	sld [smem:$0x7A2]  }
0x191: {  	[sflag:s30] =	ssyncset.done $0x0  }
0x192: {  	s5 =	simm.s32 $0x0;
	[sflag:s30] =	ssyncadd.s32 $0xFFFFBF00  }
0x193: {  	[hbm4b:s6+s5] =	stream.linear.scatter [tilespmem:s21], [sflag:$0x9], $0x4100, $0x38;
	[tilespmem:$0x15D60] =	vst v63  }
0x194: {  	s7 =	rddreg [dreg:$0xa]  }
0x195: {  	[tilespmem:s18], [sflag:$0xB] =	stream.linear.gather [hbm4b:s7+s5], $0x410, $0x38;
	[tilespmem:$0x15D60] =	vst v63  }
0x196: {  	_ =	swait.ge [sflag:s13], $0x410  }
0x197: {  	[sflag:s13] =	ssyncset.done $0x0  }
0x198: {  	s5 =	simm.s32 $0x0;
	[sflag:s13] =	ssyncadd.s32 $0xFFFFFBF0  }
0x199: {  	s6 =	simm.s32 $0x40;
	v0 =	vld [tilespmem:s5+$0x0]  }
.LBB2_16:
0x19a: {  	p0 =	sne.s32 s6, $0x1000;
	v1 =	vld [tilespmem:s5+$0xC30];
	_ =	sdelay $0x1  }
.Ltmp7:
0x19b: {  	(pc) =	sbr.rel @p0 .LBB2_16-.Ltmp7, $3  }
0x19c: {  	_ =	sdelay $0x1  }
0x19d: {  	s7 =	sshra.s32 s6, $0x2;
	v1 =	vadd.s32 v1, v0  }
0x19e: {  	s6 =	sadd.s32 $0x40, s6;
	v0 =	vld [tilespmem:s7+$0x0];
	[tilespmem:s5+$0xC30] =	vst v1;
	s5 =	smov.u32 s7  }
0x19f: {  	v1 =	vld [tilespmem:s5+$0xC30];
	_ =	sdelay $0x4  }
0x1a0: {  	v0 =	vadd.s32 v1, v0  }
0x1a1: {  	[tilespmem:s5+$0xC30] =	vst v0  }
0x1a2: {  	_ =	swait.ge [sflag:s31], $0x4100  }
0x1a3: {  	[sflag:s31] =	ssyncset.done $0x0  }
0x1a4: {  	[sflag:s31] =	ssyncadd.s32 $0xFFFFBF00  }
0x1a5: {  	[tilespmem:s19], [sflag:$0x3] =	stream.indirect.gather [hbm4b:s10+s14], $0x10, s18, s14, $0xb8;
	[tilespmem:$0x15D60] =	vst v63  }
0x1a6: {  	_ =	swait.ge [sflag:s0], $0x4100  }
0x1a7: {  	s6 =	sld [smem:$0x7A3]  }
0x1a8: {  	[sflag:s0] =	ssyncset.done $0x0  }
0x1a9: {  	s5 =	simm.s32 $0x0;
	[sflag:s0] =	ssyncadd.s32 $0xFFFFBF00  }
0x1aa: {  	[hbm4b:s6+s5] =	stream.linear.scatter [tilespmem:s24], [sflag:$0xA], $0x4100, $0x38;
	[tilespmem:$0x15D60] =	vst v63  }
0x1ab: {  	s7 =	rddreg [dreg:$0xb]  }
0x1ac: {  	[tilespmem:s20], [sflag:$0xB] =	stream.linear.gather [hbm4b:s7+s5], $0x410, $0x38;
	[tilespmem:$0x15D60] =	vst v63  }
0x1ad: {  	_ =	swait.ge [sflag:s13], $0x410  }
0x1ae: {  	[sflag:s13] =	ssyncset.done $0x0  }
0x1af: {  	s5 =	simm.s32 $0x0;
	[sflag:s13] =	ssyncadd.s32 $0xFFFFFBF0  }
0x1b0: {  	s6 =	simm.s32 $0x40;
	v0 =	vld [tilespmem:s5+$0x0]  }
.LBB2_18:
0x1b1: {  	p0 =	sne.s32 s6, $0x1000;
	v1 =	vld [tilespmem:s5+$0x1040];
	_ =	sdelay $0x1  }
.Ltmp8:
0x1b2: {  	(pc) =	sbr.rel @p0 .LBB2_18-.Ltmp8, $3  }
0x1b3: {  	_ =	sdelay $0x1  }
0x1b4: {  	s7 =	sshra.s32 s6, $0x2;
	v1 =	vadd.s32 v1, v0  }
0x1b5: {  	s6 =	sadd.s32 $0x40, s6;
	v0 =	vld [tilespmem:s7+$0x0];
	[tilespmem:s5+$0x1040] =	vst v1;
	s5 =	smov.u32 s7  }
0x1b6: {  	v1 =	vld [tilespmem:s5+$0x1040];
	_ =	sdelay $0x4  }
0x1b7: {  	v0 =	vadd.s32 v1, v0  }
0x1b8: {  	[tilespmem:s5+$0x1040] =	vst v0  }
0x1b9: {  	_ =	swait.ge [sflag:s2], $0x4100  }
0x1ba: {  	[sflag:s2] =	ssyncset.done $0x0  }
0x1bb: {  	[sflag:s2] =	ssyncadd.s32 $0xFFFFBF00  }
0x1bc: {  	[tilespmem:s21], [sflag:$0x4] =	stream.indirect.gather [hbm4b:s10+s14], $0x10, s20, s14, $0xb8;
	[tilespmem:$0x15D60] =	vst v63  }
0x1bd: {  	_ =	swait.ge [sflag:s22], $0x4100  }
0x1be: {  	s6 =	sld [smem:$0x7A5]  }
0x1bf: {  	[sflag:s22] =	ssyncset.done $0x0  }
0x1c0: {  	s5 =	simm.s32 $0x0;
	[sflag:s22] =	ssyncadd.s32 $0xFFFFBF00  }
0x1c1: {  	[hbm4b:s6+s5] =	stream.linear.scatter [tilespmem:s15], [sflag:$0x6], $0x4100, $0x38;
	[tilespmem:$0x15D60] =	vst v63  }
0x1c2: {  	s7 =	rddreg [dreg:$0xc]  }
0x1c3: {  	[tilespmem:s23], [sflag:$0xB] =	stream.linear.gather [hbm4b:s7+s5], $0x410, $0x38;
	[tilespmem:$0x15D60] =	vst v63  }
0x1c4: {  	_ =	swait.ge [sflag:s13], $0x410  }
0x1c5: {  	[sflag:s13] =	ssyncset.done $0x0  }
0x1c6: {  	s5 =	simm.s32 $0x0;
	[sflag:s13] =	ssyncadd.s32 $0xFFFFFBF0  }
0x1c7: {  	s6 =	simm.s32 $0x40;
	v0 =	vld [tilespmem:s5+$0x0]  }
.LBB2_20:
0x1c8: {  	p0 =	sne.s32 s6, $0x1000;
	v1 =	vld [tilespmem:s5+$0x1450];
	_ =	sdelay $0x1  }
.Ltmp9:
0x1c9: {  	(pc) =	sbr.rel @p0 .LBB2_20-.Ltmp9, $3  }
0x1ca: {  	_ =	sdelay $0x1  }
0x1cb: {  	s7 =	sshra.s32 s6, $0x2;
	v1 =	vadd.s32 v1, v0  }
0x1cc: {  	s6 =	sadd.s32 $0x40, s6;
	v0 =	vld [tilespmem:s7+$0x0];
	[tilespmem:s5+$0x1450] =	vst v1;
	s5 =	smov.u32 s7  }
0x1cd: {  	v1 =	vld [tilespmem:s5+$0x1450];
	_ =	sdelay $0x4  }
0x1ce: {  	v0 =	vadd.s32 v1, v0  }
0x1cf: {  	[tilespmem:s5+$0x1450] =	vst v0  }
0x1d0: {  	_ =	swait.ge [sflag:s3], $0x4100  }
0x1d1: {  	[sflag:s3] =	ssyncset.done $0x0  }
0x1d2: {  	[sflag:s3] =	ssyncadd.s32 $0xFFFFBF00  }
0x1d3: {  	[tilespmem:s24], [sflag:$0x5] =	stream.indirect.gather [hbm4b:s10+s14], $0x10, s23, s14, $0xb8;
	[tilespmem:$0x15D60] =	vst v63  }
0x1d4: {  	_ =	swait.ge [sflag:s25], $0x4100  }
0x1d5: {  	s6 =	sld [smem:$0x7A8]  }
0x1d6: {  	[sflag:s25] =	ssyncset.done $0x0  }
0x1d7: {  	s5 =	simm.s32 $0x0;
	[sflag:s25] =	ssyncadd.s32 $0xFFFFBF00  }
0x1d8: {  	[hbm4b:s6+s5] =	stream.linear.scatter [tilespmem:s17], [sflag:$0x7], $0x4100, $0x38;
	[tilespmem:$0x15D60] =	vst v63  }
0x1d9: {  	s7 =	rddreg [dreg:$0xd]  }
0x1da: {  	[tilespmem:s14], [sflag:$0xB] =	stream.linear.gather [hbm4b:s7+s5], $0x410, $0x38;
	[tilespmem:$0x15D60] =	vst v63  }
0x1db: {  	_ =	swait.ge [sflag:s13], $0x410  }
0x1dc: {  	[sflag:s13] =	ssyncset.done $0x0  }
0x1dd: {  	s5 =	simm.s32 $0x0;
	[sflag:s13] =	ssyncadd.s32 $0xFFFFFBF0  }
0x1de: {  	s6 =	simm.s32 $0x40;
	v0 =	vld [tilespmem:s5+$0x0]  }
.LBB2_22:
0x1df: {  	p0 =	sne.s32 s6, $0x1000;
	v1 =	vld [tilespmem:s5+$0x410];
	_ =	sdelay $0x1  }
.Ltmp10:
0x1e0: {  	(pc) =	sbr.rel @p0 .LBB2_22-.Ltmp10, $3  }
0x1e1: {  	_ =	sdelay $0x1  }
0x1e2: {  	s7 =	sshra.s32 s6, $0x2;
	v1 =	vadd.s32 v1, v0  }
0x1e3: {  	s6 =	sadd.s32 $0x40, s6;
	v0 =	vld [tilespmem:s7+$0x0];
	[tilespmem:s5+$0x410] =	vst v1;
	s5 =	smov.u32 s7  }
0x1e4: {  	v1 =	vld [tilespmem:s5+$0x410];
	_ =	sdelay $0x4  }
0x1e5: {  	v0 =	vadd.s32 v1, v0  }
0x1e6: {  	[tilespmem:s5+$0x410] =	vst v0  }
0x1e7: {  	_ =	swait.ge [sflag:s26], $0x4100  }
0x1e8: {  	[sflag:s26] =	ssyncset.done $0x0  }
0x1e9: {  	[sflag:s26] =	ssyncadd.s32 $0xFFFFBF00  }
0x1ea: {  	[tilespmem:s15], [sflag:$0x1] =	stream.indirect.gather [hbm4b:s10+s14], $0x10, s14, s14, $0xb8;
	[tilespmem:$0x15D60] =	vst v63  }
0x1eb: {  	_ =	swait.ge [sflag:s28], $0x4100  }
0x1ec: {  	s6 =	sld [smem:$0x7A9]  }
0x1ed: {  	[sflag:s28] =	ssyncset.done $0x0  }
0x1ee: {  	s5 =	simm.s32 $0x0;
	[sflag:s28] =	ssyncadd.s32 $0xFFFFBF00  }
0x1ef: {  	[hbm4b:s6+s5] =	stream.linear.scatter [tilespmem:s19], [sflag:$0x8], $0x4100, $0x38;
	[tilespmem:$0x15D60] =	vst v63  }
0x1f0: {  	s7 =	rddreg [dreg:$0xe]  }
0x1f1: {  	[tilespmem:s16], [sflag:$0xB] =	stream.linear.gather [hbm4b:s7+s5], $0x410, $0x38;
	[tilespmem:$0x15D60] =	vst v63  }
0x1f2: {  	_ =	swait.ge [sflag:s13], $0x410  }
0x1f3: {  	[sflag:s13] =	ssyncset.done $0x0  }
0x1f4: {  	s5 =	simm.s32 $0x0;
	[sflag:s13] =	ssyncadd.s32 $0xFFFFFBF0  }
0x1f5: {  	s6 =	simm.s32 $0x40;
	v0 =	vld [tilespmem:s5+$0x0]  }
.LBB2_24:
0x1f6: {  	p0 =	sne.s32 s6, $0x1000;
	v1 =	vld [tilespmem:s5+$0x820];
	_ =	sdelay $0x1  }
.Ltmp11:
0x1f7: {  	(pc) =	sbr.rel @p0 .LBB2_24-.Ltmp11, $3  }
0x1f8: {  	_ =	sdelay $0x1  }
0x1f9: {  	s7 =	sshra.s32 s6, $0x2;
	v1 =	vadd.s32 v1, v0  }
0x1fa: {  	s6 =	sadd.s32 $0x40, s6;
	v0 =	vld [tilespmem:s7+$0x0];
	[tilespmem:s5+$0x820] =	vst v1;
	s5 =	smov.u32 s7  }
0x1fb: {  	v1 =	vld [tilespmem:s5+$0x820];
	_ =	sdelay $0x4  }
0x1fc: {  	v0 =	vadd.s32 v1, v0  }
0x1fd: {  	[tilespmem:s5+$0x820] =	vst v0  }
0x1fe: {  	_ =	swait.ge [sflag:s29], $0x4100  }
0x1ff: {  	[sflag:s29] =	ssyncset.done $0x0  }
0x200: {  	[sflag:s29] =	ssyncadd.s32 $0xFFFFBF00  }
0x201: {  	[tilespmem:s17], [sflag:$0x2] =	stream.indirect.gather [hbm4b:s10+s14], $0x10, s16, s14, $0xb8;
	[tilespmem:$0x15D60] =	vst v63  }
0x202: {  	_ =	swait.ge [sflag:s30], $0x4100  }
0x203: {  	s6 =	sld [smem:$0x7AB]  }
0x204: {  	[sflag:s30] =	ssyncset.done $0x0  }
0x205: {  	s5 =	simm.s32 $0x0;
	[sflag:s30] =	ssyncadd.s32 $0xFFFFBF00  }
0x206: {  	[hbm4b:s6+s5] =	stream.linear.scatter [tilespmem:s21], [sflag:$0x9], $0x4100, $0x38;
	[tilespmem:$0x15D60] =	vst v63  }
0x207: {  	s7 =	rddreg [dreg:$0xf]  }
0x208: {  	[tilespmem:s18], [sflag:$0xB] =	stream.linear.gather [hbm4b:s7+s5], $0x410, $0x38;
	[tilespmem:$0x15D60] =	vst v63  }
0x209: {  	_ =	swait.ge [sflag:s13], $0x410  }
0x20a: {  	[sflag:s13] =	ssyncset.done $0x0  }
0x20b: {  	s5 =	simm.s32 $0x0;
	[sflag:s13] =	ssyncadd.s32 $0xFFFFFBF0  }
0x20c: {  	s6 =	simm.s32 $0x40;
	v0 =	vld [tilespmem:s5+$0x0]  }
.LBB2_26:
0x20d: {  	p0 =	sne.s32 s6, $0x1000;
	v1 =	vld [tilespmem:s5+$0xC30];
	_ =	sdelay $0x1  }
.Ltmp12:
0x20e: {  	(pc) =	sbr.rel @p0 .LBB2_26-.Ltmp12, $3  }
0x20f: {  	_ =	sdelay $0x1  }
0x210: {  	s7 =	sshra.s32 s6, $0x2;
	v1 =	vadd.s32 v1, v0  }
0x211: {  	s6 =	sadd.s32 $0x40, s6;
	v0 =	vld [tilespmem:s7+$0x0];
	[tilespmem:s5+$0xC30] =	vst v1;
	s5 =	smov.u32 s7  }
0x212: {  	v1 =	vld [tilespmem:s5+$0xC30];
	_ =	sdelay $0x4  }
0x213: {  	v0 =	vadd.s32 v1, v0  }
0x214: {  	[tilespmem:s5+$0xC30] =	vst v0  }
0x215: {  	_ =	swait.ge [sflag:s31], $0x4100  }
0x216: {  	[sflag:s31] =	ssyncset.done $0x0  }
0x217: {  	[sflag:s31] =	ssyncadd.s32 $0xFFFFBF00  }
0x218: {  	[tilespmem:s19], [sflag:$0x3] =	stream.indirect.gather [hbm4b:s10+s14], $0x10, s18, s14, $0xb8;
	[tilespmem:$0x15D60] =	vst v63  }
0x219: {  	_ =	swait.ge [sflag:s0], $0x4100  }
0x21a: {  	s6 =	sld [smem:$0x7AE]  }
0x21b: {  	[sflag:s0] =	ssyncset.done $0x0  }
0x21c: {  	s5 =	simm.s32 $0x0;
	[sflag:s0] =	ssyncadd.s32 $0xFFFFBF00  }
0x21d: {  	[hbm4b:s6+s5] =	stream.linear.scatter [tilespmem:s24], [sflag:$0xA], $0x4100, $0x38;
	[tilespmem:$0x15D60] =	vst v63  }
0x21e: {  	s7 =	rddreg [dreg:$0x10]  }
0x21f: {  	[tilespmem:s20], [sflag:$0xB] =	stream.linear.gather [hbm4b:s7+s5], $0x410, $0x38;
	[tilespmem:$0x15D60] =	vst v63  }
0x220: {  	_ =	swait.ge [sflag:s13], $0x410  }
0x221: {  	[sflag:s13] =	ssyncset.done $0x0  }
0x222: {  	s5 =	simm.s32 $0x0;
	[sflag:s13] =	ssyncadd.s32 $0xFFFFFBF0  }
0x223: {  	s6 =	simm.s32 $0x40;
	v0 =	vld [tilespmem:s5+$0x0]  }
.LBB2_28:
0x224: {  	p0 =	sne.s32 s6, $0x1000;
	v1 =	vld [tilespmem:s5+$0x1040];
	_ =	sdelay $0x1  }
.Ltmp13:
0x225: {  	(pc) =	sbr.rel @p0 .LBB2_28-.Ltmp13, $3  }
0x226: {  	_ =	sdelay $0x1  }
0x227: {  	s7 =	sshra.s32 s6, $0x2;
	v1 =	vadd.s32 v1, v0  }
0x228: {  	s6 =	sadd.s32 $0x40, s6;
	v0 =	vld [tilespmem:s7+$0x0];
	[tilespmem:s5+$0x1040] =	vst v1;
	s5 =	smov.u32 s7  }
0x229: {  	v1 =	vld [tilespmem:s5+$0x1040];
	_ =	sdelay $0x4  }
0x22a: {  	v0 =	vadd.s32 v1, v0  }
0x22b: {  	[tilespmem:s5+$0x1040] =	vst v0  }
0x22c: {  	_ =	swait.ge [sflag:s2], $0x4100  }
0x22d: {  	[sflag:s2] =	ssyncset.done $0x0  }
0x22e: {  	[sflag:s2] =	ssyncadd.s32 $0xFFFFBF00  }
0x22f: {  	[tilespmem:s21], [sflag:$0x4] =	stream.indirect.gather [hbm4b:s10+s14], $0x10, s20, s14, $0xb8;
	[tilespmem:$0x15D60] =	vst v63  }
0x230: {  	_ =	swait.ge [sflag:s22], $0x4100  }
0x231: {  	s6 =	sld [smem:$0x7AF]  }
0x232: {  	[sflag:s22] =	ssyncset.done $0x0  }
0x233: {  	s5 =	simm.s32 $0x0;
	[sflag:s22] =	ssyncadd.s32 $0xFFFFBF00  }
0x234: {  	[hbm4b:s6+s5] =	stream.linear.scatter [tilespmem:s15], [sflag:$0x6], $0x4100, $0x38;
	[tilespmem:$0x15D60] =	vst v63  }
0x235: {  	s7 =	rddreg [dreg:$0x11]  }
0x236: {  	[tilespmem:s23], [sflag:$0xB] =	stream.linear.gather [hbm4b:s7+s5], $0x410, $0x38;
	[tilespmem:$0x15D60] =	vst v63  }
0x237: {  	_ =	swait.ge [sflag:s13], $0x410  }
0x238: {  	[sflag:s13] =	ssyncset.done $0x0  }
0x239: {  	s5 =	simm.s32 $0x0;
	[sflag:s13] =	ssyncadd.s32 $0xFFFFFBF0  }
0x23a: {  	s6 =	simm.s32 $0x40;
	v0 =	vld [tilespmem:s5+$0x0]  }
.LBB2_30:
0x23b: {  	p0 =	sne.s32 s6, $0x1000;
	v1 =	vld [tilespmem:s5+$0x1450];
	_ =	sdelay $0x1  }
.Ltmp14:
0x23c: {  	(pc) =	sbr.rel @p0 .LBB2_30-.Ltmp14, $3  }
0x23d: {  	_ =	sdelay $0x1  }
0x23e: {  	s7 =	sshra.s32 s6, $0x2;
	v1 =	vadd.s32 v1, v0  }
0x23f: {  	s6 =	sadd.s32 $0x40, s6;
	v0 =	vld [tilespmem:s7+$0x0];
	[tilespmem:s5+$0x1450] =	vst v1;
	s5 =	smov.u32 s7  }
0x240: {  	v1 =	vld [tilespmem:s5+$0x1450];
	_ =	sdelay $0x4  }
0x241: {  	v0 =	vadd.s32 v1, v0  }
0x242: {  	[tilespmem:s5+$0x1450] =	vst v0  }
0x243: {  	_ =	swait.ge [sflag:s3], $0x4100  }
0x244: {  	[sflag:s3] =	ssyncset.done $0x0  }
0x245: {  	[sflag:s3] =	ssyncadd.s32 $0xFFFFBF00  }
0x246: {  	[tilespmem:s24], [sflag:$0x5] =	stream.indirect.gather [hbm4b:s10+s14], $0x10, s23, s14, $0xb8;
	[tilespmem:$0x15D60] =	vst v63  }
0x247: {  	_ =	swait.ge [sflag:s25], $0x4100  }
0x248: {  	s6 =	sld [smem:$0x7B1]  }
0x249: {  	[sflag:s25] =	ssyncset.done $0x0  }
0x24a: {  	s5 =	simm.s32 $0x0;
	[sflag:s25] =	ssyncadd.s32 $0xFFFFBF00  }
0x24b: {  	[hbm4b:s6+s5] =	stream.linear.scatter [tilespmem:s17], [sflag:$0x7], $0x4100, $0x38;
	[tilespmem:$0x15D60] =	vst v63  }
0x24c: {  	s7 =	rddreg [dreg:$0x12]  }
0x24d: {  	[tilespmem:s14], [sflag:$0xB] =	stream.linear.gather [hbm4b:s7+s5], $0x410, $0x38;
	[tilespmem:$0x15D60] =	vst v63  }
0x24e: {  	_ =	swait.ge [sflag:s13], $0x410  }
0x24f: {  	[sflag:s13] =	ssyncset.done $0x0  }
0x250: {  	s5 =	simm.s32 $0x0;
	[sflag:s13] =	ssyncadd.s32 $0xFFFFFBF0  }
0x251: {  	s6 =	simm.s32 $0x40;
	v0 =	vld [tilespmem:s5+$0x0]  }
.LBB2_32:
0x252: {  	p0 =	sne.s32 s6, $0x1000;
	v1 =	vld [tilespmem:s5+$0x410];
	_ =	sdelay $0x1  }
.Ltmp15:
0x253: {  	(pc) =	sbr.rel @p0 .LBB2_32-.Ltmp15, $3  }
0x254: {  	_ =	sdelay $0x1  }
0x255: {  	s7 =	sshra.s32 s6, $0x2;
	v1 =	vadd.s32 v1, v0  }
0x256: {  	s6 =	sadd.s32 $0x40, s6;
	v0 =	vld [tilespmem:s7+$0x0];
	[tilespmem:s5+$0x410] =	vst v1;
	s5 =	smov.u32 s7  }
0x257: {  	v1 =	vld [tilespmem:s5+$0x410];
	_ =	sdelay $0x4  }
0x258: {  	v0 =	vadd.s32 v1, v0  }
0x259: {  	[tilespmem:s5+$0x410] =	vst v0  }
0x25a: {  	_ =	swait.ge [sflag:s26], $0x4100  }
0x25b: {  	[sflag:s26] =	ssyncset.done $0x0  }
0x25c: {  	[sflag:s26] =	ssyncadd.s32 $0xFFFFBF00  }
0x25d: {  	[tilespmem:s15], [sflag:$0x1] =	stream.indirect.gather [hbm4b:s10+s14], $0x10, s14, s14, $0xb8;
	[tilespmem:$0x15D60] =	vst v63  }
0x25e: {  	_ =	swait.ge [sflag:s28], $0x4100  }
0x25f: {  	s6 =	sld [smem:$0x7B4]  }
0x260: {  	[sflag:s28] =	ssyncset.done $0x0  }
0x261: {  	s5 =	simm.s32 $0x0;
	[sflag:s28] =	ssyncadd.s32 $0xFFFFBF00  }
0x262: {  	[hbm4b:s6+s5] =	stream.linear.scatter [tilespmem:s19], [sflag:$0x8], $0x4100, $0x38;
	[tilespmem:$0x15D60] =	vst v63  }
0x263: {  	s7 =	rddreg [dreg:$0x13]  }
0x264: {  	[tilespmem:s16], [sflag:$0xB] =	stream.linear.gather [hbm4b:s7+s5], $0x410, $0x38;
	[tilespmem:$0x15D60] =	vst v63  }
0x265: {  	_ =	swait.ge [sflag:s13], $0x410  }
0x266: {  	[sflag:s13] =	ssyncset.done $0x0  }
0x267: {  	s5 =	simm.s32 $0x0;
	[sflag:s13] =	ssyncadd.s32 $0xFFFFFBF0  }
0x268: {  	s6 =	simm.s32 $0x40;
	v0 =	vld [tilespmem:s5+$0x0]  }
.LBB2_34:
0x269: {  	p0 =	sne.s32 s6, $0x1000;
	v1 =	vld [tilespmem:s5+$0x820];
	_ =	sdelay $0x1  }
.Ltmp16:
0x26a: {  	(pc) =	sbr.rel @p0 .LBB2_34-.Ltmp16, $3  }
0x26b: {  	_ =	sdelay $0x1  }
0x26c: {  	s7 =	sshra.s32 s6, $0x2;
	v1 =	vadd.s32 v1, v0  }
0x26d: {  	s6 =	sadd.s32 $0x40, s6;
	v0 =	vld [tilespmem:s7+$0x0];
	[tilespmem:s5+$0x820] =	vst v1;
	s5 =	smov.u32 s7  }
0x26e: {  	v1 =	vld [tilespmem:s5+$0x820];
	_ =	sdelay $0x4  }
0x26f: {  	v0 =	vadd.s32 v1, v0  }
0x270: {  	[tilespmem:s5+$0x820] =	vst v0  }
0x271: {  	_ =	swait.ge [sflag:s29], $0x4100  }
0x272: {  	[sflag:s29] =	ssyncset.done $0x0  }
0x273: {  	[sflag:s29] =	ssyncadd.s32 $0xFFFFBF00  }
0x274: {  	[tilespmem:s17], [sflag:$0x2] =	stream.indirect.gather [hbm4b:s10+s14], $0x10, s16, s14, $0xb8;
	[tilespmem:$0x15D60] =	vst v63  }
0x275: {  	_ =	swait.ge [sflag:s30], $0x4100  }
0x276: {  	s6 =	sld [smem:$0x7B5]  }
0x277: {  	[sflag:s30] =	ssyncset.done $0x0  }
0x278: {  	s5 =	simm.s32 $0x0;
	[sflag:s30] =	ssyncadd.s32 $0xFFFFBF00  }
0x279: {  	[hbm4b:s6+s5] =	stream.linear.scatter [tilespmem:s21], [sflag:$0x9], $0x4100, $0x38;
	[tilespmem:$0x15D60] =	vst v63  }
0x27a: {  	s7 =	rddreg [dreg:$0x14]  }
0x27b: {  	[tilespmem:s18], [sflag:$0xB] =	stream.linear.gather [hbm4b:s7+s5], $0x410, $0x38;
	[tilespmem:$0x15D60] =	vst v63  }
0x27c: {  	_ =	swait.ge [sflag:s13], $0x410  }
0x27d: {  	[sflag:s13] =	ssyncset.done $0x0  }
0x27e: {  	s5 =	simm.s32 $0x0;
	[sflag:s13] =	ssyncadd.s32 $0xFFFFFBF0  }
0x27f: {  	s6 =	simm.s32 $0x40;
	v0 =	vld [tilespmem:s5+$0x0]  }
.LBB2_36:
0x280: {  	p0 =	sne.s32 s6, $0x1000;
	v1 =	vld [tilespmem:s5+$0xC30];
	_ =	sdelay $0x1  }
.Ltmp17:
0x281: {  	(pc) =	sbr.rel @p0 .LBB2_36-.Ltmp17, $3  }
0x282: {  	_ =	sdelay $0x1  }
0x283: {  	s7 =	sshra.s32 s6, $0x2;
	v1 =	vadd.s32 v1, v0  }
0x284: {  	s6 =	sadd.s32 $0x40, s6;
	v0 =	vld [tilespmem:s7+$0x0];
	[tilespmem:s5+$0xC30] =	vst v1;
	s5 =	smov.u32 s7  }
0x285: {  	v1 =	vld [tilespmem:s5+$0xC30];
	_ =	sdelay $0x4  }
0x286: {  	v0 =	vadd.s32 v1, v0  }
0x287: {  	[tilespmem:s5+$0xC30] =	vst v0  }
0x288: {  	_ =	swait.ge [sflag:s31], $0x4100  }
0x289: {  	[sflag:s31] =	ssyncset.done $0x0  }
0x28a: {  	[sflag:s31] =	ssyncadd.s32 $0xFFFFBF00  }
0x28b: {  	[tilespmem:s19], [sflag:$0x3] =	stream.indirect.gather [hbm4b:s10+s14], $0x10, s18, s14, $0xb8;
	[tilespmem:$0x15D60] =	vst v63  }
0x28c: {  	_ =	swait.ge [sflag:s0], $0x4100  }
0x28d: {  	s6 =	sld [smem:$0x7B7]  }
0x28e: {  	[sflag:s0] =	ssyncset.done $0x0  }
0x28f: {  	s5 =	simm.s32 $0x0;
	[sflag:s0] =	ssyncadd.s32 $0xFFFFBF00  }
0x290: {  	[hbm4b:s6+s5] =	stream.linear.scatter [tilespmem:s24], [sflag:$0xA], $0x4100, $0x38;
	[tilespmem:$0x15D60] =	vst v63  }
0x291: {  	s7 =	rddreg [dreg:$0x15]  }
0x292: {  	[tilespmem:s20], [sflag:$0xB] =	stream.linear.gather [hbm4b:s7+s5], $0x410, $0x38;
	[tilespmem:$0x15D60] =	vst v63  }
0x293: {  	_ =	swait.ge [sflag:s13], $0x410  }
0x294: {  	[sflag:s13] =	ssyncset.done $0x0  }
0x295: {  	s5 =	simm.s32 $0x0;
	[sflag:s13] =	ssyncadd.s32 $0xFFFFFBF0  }
0x296: {  	s6 =	simm.s32 $0x40;
	v0 =	vld [tilespmem:s5+$0x0]  }
.LBB2_38:
0x297: {  	p0 =	sne.s32 s6, $0x1000;
	v1 =	vld [tilespmem:s5+$0x1040];
	_ =	sdelay $0x1  }
.Ltmp18:
0x298: {  	(pc) =	sbr.rel @p0 .LBB2_38-.Ltmp18, $3  }
0x299: {  	_ =	sdelay $0x1  }
0x29a: {  	s7 =	sshra.s32 s6, $0x2;
	v1 =	vadd.s32 v1, v0  }
0x29b: {  	s6 =	sadd.s32 $0x40, s6;
	v0 =	vld [tilespmem:s7+$0x0];
	[tilespmem:s5+$0x1040] =	vst v1;
	s5 =	smov.u32 s7  }
0x29c: {  	v1 =	vld [tilespmem:s5+$0x1040];
	_ =	sdelay $0x4  }
0x29d: {  	v0 =	vadd.s32 v1, v0  }
0x29e: {  	[tilespmem:s5+$0x1040] =	vst v0  }
0x29f: {  	_ =	swait.ge [sflag:s2], $0x4100  }
0x2a0: {  	[sflag:s2] =	ssyncset.done $0x0  }
0x2a1: {  	[sflag:s2] =	ssyncadd.s32 $0xFFFFBF00  }
0x2a2: {  	[tilespmem:s21], [sflag:$0x4] =	stream.indirect.gather [hbm4b:s10+s14], $0x10, s20, s14, $0xb8;
	[tilespmem:$0x15D60] =	vst v63  }
0x2a3: {  	_ =	swait.ge [sflag:s22], $0x4100  }
0x2a4: {  	s6 =	sld [smem:$0x7BA]  }
0x2a5: {  	[sflag:s22] =	ssyncset.done $0x0  }
0x2a6: {  	s5 =	simm.s32 $0x0;
	[sflag:s22] =	ssyncadd.s32 $0xFFFFBF00  }
0x2a7: {  	[hbm4b:s6+s5] =	stream.linear.scatter [tilespmem:s15], [sflag:$0x6], $0x4100, $0x38;
	[tilespmem:$0x15D60] =	vst v63  }
0x2a8: {  	s7 =	rddreg [dreg:$0x16]  }
0x2a9: {  	[tilespmem:s23], [sflag:$0xB] =	stream.linear.gather [hbm4b:s7+s5], $0x410, $0x38;
	[tilespmem:$0x15D60] =	vst v63  }
0x2aa: {  	_ =	swait.ge [sflag:s13], $0x410  }
0x2ab: {  	[sflag:s13] =	ssyncset.done $0x0  }
0x2ac: {  	s5 =	simm.s32 $0x0;
	[sflag:s13] =	ssyncadd.s32 $0xFFFFFBF0  }
0x2ad: {  	s6 =	simm.s32 $0x40;
	v0 =	vld [tilespmem:s5+$0x0]  }
.LBB2_40:
0x2ae: {  	p0 =	sne.s32 s6, $0x1000;
	v1 =	vld [tilespmem:s5+$0x1450];
	_ =	sdelay $0x1  }
.Ltmp19:
0x2af: {  	(pc) =	sbr.rel @p0 .LBB2_40-.Ltmp19, $3  }
0x2b0: {  	_ =	sdelay $0x1  }
0x2b1: {  	s7 =	sshra.s32 s6, $0x2;
	v1 =	vadd.s32 v1, v0  }
0x2b2: {  	s6 =	sadd.s32 $0x40, s6;
	v0 =	vld [tilespmem:s7+$0x0];
	[tilespmem:s5+$0x1450] =	vst v1;
	s5 =	smov.u32 s7  }
0x2b3: {  	v1 =	vld [tilespmem:s5+$0x1450];
	_ =	sdelay $0x4  }
0x2b4: {  	v0 =	vadd.s32 v1, v0  }
0x2b5: {  	[tilespmem:s5+$0x1450] =	vst v0  }
0x2b6: {  	_ =	swait.ge [sflag:s3], $0x4100  }
0x2b7: {  	[sflag:s3] =	ssyncset.done $0x0  }
0x2b8: {  	[sflag:s3] =	ssyncadd.s32 $0xFFFFBF00  }
0x2b9: {  	[tilespmem:s24], [sflag:$0x5] =	stream.indirect.gather [hbm4b:s10+s14], $0x10, s23, s14, $0xb8;
	[tilespmem:$0x15D60] =	vst v63  }
0x2ba: {  	_ =	swait.ge [sflag:s25], $0x4100  }
0x2bb: {  	s6 =	sld [smem:$0x7BB]  }
0x2bc: {  	[sflag:s25] =	ssyncset.done $0x0  }
0x2bd: {  	s5 =	simm.s32 $0x0;
	[sflag:s25] =	ssyncadd.s32 $0xFFFFBF00  }
0x2be: {  	[hbm4b:s6+s5] =	stream.linear.scatter [tilespmem:s17], [sflag:$0x7], $0x4100, $0x38;
	[tilespmem:$0x15D60] =	vst v63  }
0x2bf: {  	s7 =	rddreg [dreg:$0x17]  }
0x2c0: {  	[tilespmem:s14], [sflag:$0xB] =	stream.linear.gather [hbm4b:s7+s5], $0x410, $0x38;
	[tilespmem:$0x15D60] =	vst v63  }
0x2c1: {  	_ =	swait.ge [sflag:s13], $0x410  }
0x2c2: {  	[sflag:s13] =	ssyncset.done $0x0  }
0x2c3: {  	s5 =	simm.s32 $0x0;
	[sflag:s13] =	ssyncadd.s32 $0xFFFFFBF0  }
0x2c4: {  	s6 =	simm.s32 $0x40;
	v0 =	vld [tilespmem:s5+$0x0]  }
.LBB2_42:
0x2c5: {  	p0 =	sne.s32 s6, $0x1000;
	v1 =	vld [tilespmem:s5+$0x410];
	_ =	sdelay $0x1  }
.Ltmp20:
0x2c6: {  	(pc) =	sbr.rel @p0 .LBB2_42-.Ltmp20, $3  }
0x2c7: {  	_ =	sdelay $0x1  }
0x2c8: {  	s7 =	sshra.s32 s6, $0x2;
	v1 =	vadd.s32 v1, v0  }
0x2c9: {  	s6 =	sadd.s32 $0x40, s6;
	v0 =	vld [tilespmem:s7+$0x0];
	[tilespmem:s5+$0x410] =	vst v1;
	s5 =	smov.u32 s7  }
0x2ca: {  	v1 =	vld [tilespmem:s5+$0x410];
	_ =	sdelay $0x4  }
0x2cb: {  	v0 =	vadd.s32 v1, v0  }
0x2cc: {  	[tilespmem:s5+$0x410] =	vst v0  }
0x2cd: {  	_ =	swait.ge [sflag:s26], $0x4100  }
0x2ce: {  	[sflag:s26] =	ssyncset.done $0x0  }
0x2cf: {  	[sflag:s26] =	ssyncadd.s32 $0xFFFFBF00  }
0x2d0: {  	[tilespmem:s15], [sflag:$0x1] =	stream.indirect.gather [hbm4b:s10+s14], $0x10, s14, s14, $0xb8;
	[tilespmem:$0x15D60] =	vst v63  }
0x2d1: {  	_ =	swait.ge [sflag:s28], $0x4100  }
0x2d2: {  	s6 =	sld [smem:$0x7BD]  }
0x2d3: {  	[sflag:s28] =	ssyncset.done $0x0  }
0x2d4: {  	s5 =	simm.s32 $0x0;
	[sflag:s28] =	ssyncadd.s32 $0xFFFFBF00  }
0x2d5: {  	[hbm4b:s6+s5] =	stream.linear.scatter [tilespmem:s19], [sflag:$0x8], $0x4100, $0x38;
	[tilespmem:$0x15D60] =	vst v63  }
0x2d6: {  	s7 =	rddreg [dreg:$0x18]  }
0x2d7: {  	[tilespmem:s16], [sflag:$0xB] =	stream.linear.gather [hbm4b:s7+s5], $0x410, $0x38;
	[tilespmem:$0x15D60] =	vst v63  }
0x2d8: {  	_ =	swait.ge [sflag:s13], $0x410  }
0x2d9: {  	[sflag:s13] =	ssyncset.done $0x0  }
0x2da: {  	s5 =	simm.s32 $0x0;
	[sflag:s13] =	ssyncadd.s32 $0xFFFFFBF0  }
0x2db: {  	s6 =	simm.s32 $0x40;
	v0 =	vld [tilespmem:s5+$0x0]  }
.LBB2_44:
0x2dc: {  	p0 =	sne.s32 s6, $0x1000;
	v1 =	vld [tilespmem:s5+$0x820];
	_ =	sdelay $0x1  }
.Ltmp21:
0x2dd: {  	(pc) =	sbr.rel @p0 .LBB2_44-.Ltmp21, $3  }
0x2de: {  	_ =	sdelay $0x1  }
0x2df: {  	s7 =	sshra.s32 s6, $0x2;
	v1 =	vadd.s32 v1, v0  }
0x2e0: {  	s6 =	sadd.s32 $0x40, s6;
	v0 =	vld [tilespmem:s7+$0x0];
	[tilespmem:s5+$0x820] =	vst v1;
	s5 =	smov.u32 s7  }
0x2e1: {  	v1 =	vld [tilespmem:s5+$0x820];
	_ =	sdelay $0x4  }
0x2e2: {  	v0 =	vadd.s32 v1, v0  }
0x2e3: {  	[tilespmem:s5+$0x820] =	vst v0  }
0x2e4: {  	_ =	swait.ge [sflag:s29], $0x4100  }
0x2e5: {  	[sflag:s29] =	ssyncset.done $0x0  }
0x2e6: {  	[sflag:s29] =	ssyncadd.s32 $0xFFFFBF00  }
0x2e7: {  	[tilespmem:s17], [sflag:$0x2] =	stream.indirect.gather [hbm4b:s10+s14], $0x10, s16, s14, $0xb8;
	[tilespmem:$0x15D60] =	vst v63  }
0x2e8: {  	_ =	swait.ge [sflag:s30], $0x4100  }
0x2e9: {  	s6 =	sld [smem:$0x7C0]  }
0x2ea: {  	[sflag:s30] =	ssyncset.done $0x0  }
0x2eb: {  	s5 =	simm.s32 $0x0;
	[sflag:s30] =	ssyncadd.s32 $0xFFFFBF00  }
0x2ec: {  	[hbm4b:s6+s5] =	stream.linear.scatter [tilespmem:s21], [sflag:$0x9], $0x4100, $0x38;
	[tilespmem:$0x15D60] =	vst v63  }
0x2ed: {  	s7 =	rddreg [dreg:$0x19]  }
0x2ee: {  	[tilespmem:s18], [sflag:$0xB] =	stream.linear.gather [hbm4b:s7+s5], $0x410, $0x38;
	[tilespmem:$0x15D60] =	vst v63  }
0x2ef: {  	_ =	swait.ge [sflag:s13], $0x410  }
0x2f0: {  	[sflag:s13] =	ssyncset.done $0x0  }
0x2f1: {  	s5 =	simm.s32 $0x0;
	[sflag:s13] =	ssyncadd.s32 $0xFFFFFBF0  }
0x2f2: {  	s6 =	simm.s32 $0x40;
	v0 =	vld [tilespmem:s5+$0x0]  }
.LBB2_46:
0x2f3: {  	p0 =	sne.s32 s6, $0x1000;
	v1 =	vld [tilespmem:s5+$0xC30];
	_ =	sdelay $0x1  }
.Ltmp22:
0x2f4: {  	(pc) =	sbr.rel @p0 .LBB2_46-.Ltmp22, $3  }
0x2f5: {  	_ =	sdelay $0x1  }
0x2f6: {  	s7 =	sshra.s32 s6, $0x2;
	v1 =	vadd.s32 v1, v0  }
0x2f7: {  	s6 =	sadd.s32 $0x40, s6;
	v0 =	vld [tilespmem:s7+$0x0];
	[tilespmem:s5+$0xC30] =	vst v1;
	s5 =	smov.u32 s7  }
0x2f8: {  	v1 =	vld [tilespmem:s5+$0xC30];
	_ =	sdelay $0x4  }
0x2f9: {  	v0 =	vadd.s32 v1, v0  }
0x2fa: {  	[tilespmem:s5+$0xC30] =	vst v0  }
0x2fb: {  	_ =	swait.ge [sflag:s31], $0x4100  }
0x2fc: {  	[sflag:s31] =	ssyncset.done $0x0  }
0x2fd: {  	[sflag:s31] =	ssyncadd.s32 $0xFFFFBF00  }
0x2fe: {  	[tilespmem:s19], [sflag:$0x3] =	stream.indirect.gather [hbm4b:s10+s14], $0x10, s18, s14, $0xb8;
	[tilespmem:$0x15D60] =	vst v63  }
0x2ff: {  	_ =	swait.ge [sflag:s0], $0x4100  }
0x300: {  	s6 =	sld [smem:$0x7C1]  }
0x301: {  	[sflag:s0] =	ssyncset.done $0x0  }
0x302: {  	s5 =	simm.s32 $0x0;
	[sflag:s0] =	ssyncadd.s32 $0xFFFFBF00  }
0x303: {  	[hbm4b:s6+s5] =	stream.linear.scatter [tilespmem:s24], [sflag:$0xA], $0x4100, $0x38;
	[tilespmem:$0x15D60] =	vst v63  }
0x304: {  	s7 =	rddreg [dreg:$0x1a]  }
0x305: {  	[tilespmem:s20], [sflag:$0xB] =	stream.linear.gather [hbm4b:s7+s5], $0x410, $0x38;
	[tilespmem:$0x15D60] =	vst v63  }
0x306: {  	_ =	swait.ge [sflag:s13], $0x410  }
0x307: {  	[sflag:s13] =	ssyncset.done $0x0  }
0x308: {  	s5 =	simm.s32 $0x0;
	[sflag:s13] =	ssyncadd.s32 $0xFFFFFBF0  }
0x309: {  	s6 =	simm.s32 $0x40;
	v0 =	vld [tilespmem:s5+$0x0]  }
.LBB2_48:
0x30a: {  	p0 =	sne.s32 s6, $0x1000;
	v1 =	vld [tilespmem:s5+$0x1040];
	_ =	sdelay $0x1  }
.Ltmp23:
0x30b: {  	(pc) =	sbr.rel @p0 .LBB2_48-.Ltmp23, $3  }
0x30c: {  	_ =	sdelay $0x1  }
0x30d: {  	s7 =	sshra.s32 s6, $0x2;
	v1 =	vadd.s32 v1, v0  }
0x30e: {  	s6 =	sadd.s32 $0x40, s6;
	v0 =	vld [tilespmem:s7+$0x0];
	[tilespmem:s5+$0x1040] =	vst v1;
	s5 =	smov.u32 s7  }
0x30f: {  	v1 =	vld [tilespmem:s5+$0x1040];
	_ =	sdelay $0x4  }
0x310: {  	v0 =	vadd.s32 v1, v0  }
0x311: {  	[tilespmem:s5+$0x1040] =	vst v0  }
0x312: {  	_ =	swait.ge [sflag:s2], $0x4100  }
0x313: {  	[sflag:s2] =	ssyncset.done $0x0  }
0x314: {  	[sflag:s2] =	ssyncadd.s32 $0xFFFFBF00  }
0x315: {  	[tilespmem:s21], [sflag:$0x4] =	stream.indirect.gather [hbm4b:s10+s14], $0x10, s20, s14, $0xb8;
	[tilespmem:$0x15D60] =	vst v63  }
0x316: {  	_ =	swait.ge [sflag:s22], $0x4100  }
0x317: {  	s6 =	sld [smem:$0x7C3]  }
0x318: {  	[sflag:s22] =	ssyncset.done $0x0  }
0x319: {  	s5 =	simm.s32 $0x0;
	[sflag:s22] =	ssyncadd.s32 $0xFFFFBF00  }
0x31a: {  	[hbm4b:s6+s5] =	stream.linear.scatter [tilespmem:s15], [sflag:$0x6], $0x4100, $0x38;
	[tilespmem:$0x15D60] =	vst v63  }
0x31b: {  	s7 =	rddreg [dreg:$0x1b]  }
0x31c: {  	[tilespmem:s23], [sflag:$0xB] =	stream.linear.gather [hbm4b:s7+s5], $0x410, $0x38;
	[tilespmem:$0x15D60] =	vst v63  }
0x31d: {  	_ =	swait.ge [sflag:s13], $0x410  }
0x31e: {  	[sflag:s13] =	ssyncset.done $0x0  }
0x31f: {  	s5 =	simm.s32 $0x0;
	[sflag:s13] =	ssyncadd.s32 $0xFFFFFBF0  }
0x320: {  	s6 =	simm.s32 $0x40;
	v0 =	vld [tilespmem:s5+$0x0]  }
.LBB2_50:
0x321: {  	p0 =	sne.s32 s6, $0x1000;
	v1 =	vld [tilespmem:s5+$0x1450];
	_ =	sdelay $0x1  }
.Ltmp24:
0x322: {  	(pc) =	sbr.rel @p0 .LBB2_50-.Ltmp24, $3  }
0x323: {  	_ =	sdelay $0x1  }
0x324: {  	s7 =	sshra.s32 s6, $0x2;
	v1 =	vadd.s32 v1, v0  }
0x325: {  	s6 =	sadd.s32 $0x40, s6;
	v0 =	vld [tilespmem:s7+$0x0];
	[tilespmem:s5+$0x1450] =	vst v1;
	s5 =	smov.u32 s7  }
0x326: {  	v1 =	vld [tilespmem:s5+$0x1450];
	_ =	sdelay $0x4  }
0x327: {  	v0 =	vadd.s32 v1, v0  }
0x328: {  	[tilespmem:s5+$0x1450] =	vst v0  }
0x329: {  	_ =	swait.ge [sflag:s3], $0x4100  }
0x32a: {  	[sflag:s3] =	ssyncset.done $0x0  }
0x32b: {  	[sflag:s3] =	ssyncadd.s32 $0xFFFFBF00  }
0x32c: {  	[tilespmem:s24], [sflag:$0x5] =	stream.indirect.gather [hbm4b:s10+s14], $0x10, s23, s14, $0xb8;
	[tilespmem:$0x15D60] =	vst v63  }
0x32d: {  	_ =	swait.ge [sflag:s25], $0x4100  }
0x32e: {  	s6 =	sld [smem:$0x7C6]  }
0x32f: {  	[sflag:s25] =	ssyncset.done $0x0  }
0x330: {  	s5 =	simm.s32 $0x0;
	[sflag:s25] =	ssyncadd.s32 $0xFFFFBF00  }
0x331: {  	[hbm4b:s6+s5] =	stream.linear.scatter [tilespmem:s17], [sflag:$0x7], $0x4100, $0x38;
	[tilespmem:$0x15D60] =	vst v63  }
0x332: {  	s7 =	rddreg [dreg:$0x1c]  }
0x333: {  	[tilespmem:s14], [sflag:$0xB] =	stream.linear.gather [hbm4b:s7+s5], $0x410, $0x38;
	[tilespmem:$0x15D60] =	vst v63  }
0x334: {  	_ =	swait.ge [sflag:s13], $0x410  }
0x335: {  	[sflag:s13] =	ssyncset.done $0x0  }
0x336: {  	s5 =	simm.s32 $0x0;
	[sflag:s13] =	ssyncadd.s32 $0xFFFFFBF0  }
0x337: {  	s6 =	simm.s32 $0x40;
	v0 =	vld [tilespmem:s5+$0x0]  }
.LBB2_52:
0x338: {  	p0 =	sne.s32 s6, $0x1000;
	v1 =	vld [tilespmem:s5+$0x410];
	_ =	sdelay $0x1  }
.Ltmp25:
0x339: {  	(pc) =	sbr.rel @p0 .LBB2_52-.Ltmp25, $3  }
0x33a: {  	_ =	sdelay $0x1  }
0x33b: {  	s7 =	sshra.s32 s6, $0x2;
	v1 =	vadd.s32 v1, v0  }
0x33c: {  	s6 =	sadd.s32 $0x40, s6;
	v0 =	vld [tilespmem:s7+$0x0];
	[tilespmem:s5+$0x410] =	vst v1;
	s5 =	smov.u32 s7  }
0x33d: {  	v1 =	vld [tilespmem:s5+$0x410];
	_ =	sdelay $0x4  }
0x33e: {  	v0 =	vadd.s32 v1, v0  }
0x33f: {  	[tilespmem:s5+$0x410] =	vst v0  }
0x340: {  	_ =	swait.ge [sflag:s26], $0x4100  }
0x341: {  	[sflag:s26] =	ssyncset.done $0x0  }
0x342: {  	[sflag:s26] =	ssyncadd.s32 $0xFFFFBF00  }
0x343: {  	[tilespmem:s15], [sflag:$0x1] =	stream.indirect.gather [hbm4b:s10+s14], $0x10, s14, s14, $0xb8;
	[tilespmem:$0x15D60] =	vst v63  }
0x344: {  	_ =	swait.ge [sflag:s28], $0x4100  }
0x345: {  	s6 =	sld [smem:$0x7C7]  }
0x346: {  	[sflag:s28] =	ssyncset.done $0x0  }
0x347: {  	s5 =	simm.s32 $0x0;
	[sflag:s28] =	ssyncadd.s32 $0xFFFFBF00  }
0x348: {  	[hbm4b:s6+s5] =	stream.linear.scatter [tilespmem:s19], [sflag:$0x8], $0x4100, $0x38;
	[tilespmem:$0x15D60] =	vst v63  }
0x349: {  	s7 =	rddreg [dreg:$0x1d]  }
0x34a: {  	[tilespmem:s16], [sflag:$0xB] =	stream.linear.gather [hbm4b:s7+s5], $0x410, $0x38;
	[tilespmem:$0x15D60] =	vst v63  }
0x34b: {  	_ =	swait.ge [sflag:s13], $0x410  }
0x34c: {  	[sflag:s13] =	ssyncset.done $0x0  }
0x34d: {  	s5 =	simm.s32 $0x0;
	[sflag:s13] =	ssyncadd.s32 $0xFFFFFBF0  }
0x34e: {  	s6 =	simm.s32 $0x40;
	v0 =	vld [tilespmem:s5+$0x0]  }
.LBB2_54:
0x34f: {  	p0 =	sne.s32 s6, $0x1000;
	v1 =	vld [tilespmem:s5+$0x820];
	_ =	sdelay $0x1  }
.Ltmp26:
0x350: {  	(pc) =	sbr.rel @p0 .LBB2_54-.Ltmp26, $3  }
0x351: {  	_ =	sdelay $0x1  }
0x352: {  	s7 =	sshra.s32 s6, $0x2;
	v1 =	vadd.s32 v1, v0  }
0x353: {  	s6 =	sadd.s32 $0x40, s6;
	v0 =	vld [tilespmem:s7+$0x0];
	[tilespmem:s5+$0x820] =	vst v1;
	s5 =	smov.u32 s7  }
0x354: {  	v1 =	vld [tilespmem:s5+$0x820];
	_ =	sdelay $0x4  }
0x355: {  	v0 =	vadd.s32 v1, v0  }
0x356: {  	[tilespmem:s5+$0x820] =	vst v0  }
0x357: {  	_ =	swait.ge [sflag:s29], $0x4100  }
0x358: {  	[sflag:s29] =	ssyncset.done $0x0  }
0x359: {  	[sflag:s29] =	ssyncadd.s32 $0xFFFFBF00  }
0x35a: {  	[tilespmem:s17], [sflag:$0x2] =	stream.indirect.gather [hbm4b:s10+s14], $0x10, s16, s14, $0xb8;
	[tilespmem:$0x15D60] =	vst v63  }
0x35b: {  	_ =	swait.ge [sflag:s30], $0x4100  }
0x35c: {  	s6 =	sld [smem:$0x7C9]  }
0x35d: {  	[sflag:s30] =	ssyncset.done $0x0  }
0x35e: {  	s5 =	simm.s32 $0x0;
	[sflag:s30] =	ssyncadd.s32 $0xFFFFBF00  }
0x35f: {  	[hbm4b:s6+s5] =	stream.linear.scatter [tilespmem:s21], [sflag:$0x9], $0x4100, $0x38;
	[tilespmem:$0x15D60] =	vst v63  }
0x360: {  	s7 =	rddreg [dreg:$0x1e]  }
0x361: {  	[tilespmem:s18], [sflag:$0xB] =	stream.linear.gather [hbm4b:s7+s5], $0x410, $0x38;
	[tilespmem:$0x15D60] =	vst v63  }
0x362: {  	_ =	swait.ge [sflag:s13], $0x410  }
0x363: {  	[sflag:s13] =	ssyncset.done $0x0  }
0x364: {  	s5 =	simm.s32 $0x0;
	[sflag:s13] =	ssyncadd.s32 $0xFFFFFBF0  }
0x365: {  	s6 =	simm.s32 $0x40;
	v0 =	vld [tilespmem:s5+$0x0]  }
.LBB2_56:
0x366: {  	p0 =	sne.s32 s6, $0x1000;
	v1 =	vld [tilespmem:s5+$0xC30];
	_ =	sdelay $0x1  }
.Ltmp27:
0x367: {  	(pc) =	sbr.rel @p0 .LBB2_56-.Ltmp27, $3  }
0x368: {  	_ =	sdelay $0x1  }
0x369: {  	s7 =	sshra.s32 s6, $0x2;
	v1 =	vadd.s32 v1, v0  }
0x36a: {  	s6 =	sadd.s32 $0x40, s6;
	v0 =	vld [tilespmem:s7+$0x0];
	[tilespmem:s5+$0xC30] =	vst v1;
	s5 =	smov.u32 s7  }
0x36b: {  	v1 =	vld [tilespmem:s5+$0xC30];
	_ =	sdelay $0x4  }
0x36c: {  	v0 =	vadd.s32 v1, v0  }
0x36d: {  	[tilespmem:s5+$0xC30] =	vst v0  }
0x36e: {  	_ =	swait.ge [sflag:s31], $0x4100  }
0x36f: {  	[sflag:s31] =	ssyncset.done $0x0  }
0x370: {  	[sflag:s31] =	ssyncadd.s32 $0xFFFFBF00  }
0x371: {  	[tilespmem:s19], [sflag:$0x3] =	stream.indirect.gather [hbm4b:s10+s14], $0x10, s18, s14, $0xb8;
	[tilespmem:$0x15D60] =	vst v63  }
0x372: {  	_ =	swait.ge [sflag:s0], $0x4100  }
0x373: {  	s6 =	sld [smem:$0x7CC]  }
0x374: {  	[sflag:s0] =	ssyncset.done $0x0  }
0x375: {  	s5 =	simm.s32 $0x0;
	[sflag:s0] =	ssyncadd.s32 $0xFFFFBF00  }
0x376: {  	[hbm4b:s6+s5] =	stream.linear.scatter [tilespmem:s24], [sflag:$0xA], $0x4100, $0x38;
	[tilespmem:$0x15D60] =	vst v63  }
0x377: {  	s7 =	rddreg [dreg:$0x1f]  }
0x378: {  	[tilespmem:s20], [sflag:$0xB] =	stream.linear.gather [hbm4b:s7+s5], $0x410, $0x38;
	[tilespmem:$0x15D60] =	vst v63  }
0x379: {  	_ =	swait.ge [sflag:s13], $0x410  }
0x37a: {  	[sflag:s13] =	ssyncset.done $0x0  }
0x37b: {  	s5 =	simm.s32 $0x0;
	[sflag:s13] =	ssyncadd.s32 $0xFFFFFBF0  }
0x37c: {  	s6 =	simm.s32 $0x40;
	v0 =	vld [tilespmem:s5+$0x0]  }
.LBB2_58:
0x37d: {  	p0 =	sne.s32 s6, $0x1000;
	v1 =	vld [tilespmem:s5+$0x1040];
	_ =	sdelay $0x1  }
.Ltmp28:
0x37e: {  	(pc) =	sbr.rel @p0 .LBB2_58-.Ltmp28, $3  }
0x37f: {  	_ =	sdelay $0x1  }
0x380: {  	s7 =	sshra.s32 s6, $0x2;
	v1 =	vadd.s32 v1, v0  }
0x381: {  	s6 =	sadd.s32 $0x40, s6;
	v0 =	vld [tilespmem:s7+$0x0];
	[tilespmem:s5+$0x1040] =	vst v1;
	s5 =	smov.u32 s7  }
0x382: {  	v1 =	vld [tilespmem:s5+$0x1040];
	_ =	sdelay $0x4  }
0x383: {  	v0 =	vadd.s32 v1, v0  }
0x384: {  	[tilespmem:s5+$0x1040] =	vst v0  }
0x385: {  	_ =	swait.ge [sflag:s2], $0x4100  }
0x386: {  	[sflag:s2] =	ssyncset.done $0x0  }
0x387: {  	[sflag:s2] =	ssyncadd.s32 $0xFFFFBF00  }
0x388: {  	[tilespmem:s21], [sflag:$0x4] =	stream.indirect.gather [hbm4b:s10+s14], $0x10, s20, s14, $0xb8;
	[tilespmem:$0x15D60] =	vst v63  }
0x389: {  	_ =	swait.ge [sflag:s22], $0x4100  }
0x38a: {  	s6 =	sld [smem:$0x7CD]  }
0x38b: {  	[sflag:s22] =	ssyncset.done $0x0  }
0x38c: {  	s5 =	simm.s32 $0x0;
	s7 =	sld [smem:$0x777];
	[sflag:s22] =	ssyncadd.s32 $0xFFFFBF00  }
0x38d: {  	[hbm4b:s6+s5] =	stream.linear.scatter [tilespmem:s15], [sflag:$0x6], $0x4100, $0x38;
	[tilespmem:$0x15D60] =	vst v63  }
0x38e: {  	_ = 	snop  }
0x38f: {  	[tilespmem:s23], [sflag:$0xB] =	stream.linear.gather [hbm4b:s7+s5], $0x410, $0x38;
	[tilespmem:$0x15D60] =	vst v63  }
0x390: {  	_ =	swait.ge [sflag:s13], $0x410  }
0x391: {  	[sflag:s13] =	ssyncset.done $0x0  }
0x392: {  	s5 =	simm.s32 $0x0;
	[sflag:s13] =	ssyncadd.s32 $0xFFFFFBF0  }
0x393: {  	s6 =	simm.s32 $0x40;
	v0 =	vld [tilespmem:s5+$0x0]  }
.LBB2_60:
0x394: {  	p0 =	sne.s32 s6, $0x1000;
	v1 =	vld [tilespmem:s5+$0x1450];
	_ =	sdelay $0x1  }
.Ltmp29:
0x395: {  	(pc) =	sbr.rel @p0 .LBB2_60-.Ltmp29, $3  }
0x396: {  	_ =	sdelay $0x1  }
0x397: {  	s7 =	sshra.s32 s6, $0x2;
	v1 =	vadd.s32 v1, v0  }
0x398: {  	s6 =	sadd.s32 $0x40, s6;
	v0 =	vld [tilespmem:s7+$0x0];
	[tilespmem:s5+$0x1450] =	vst v1;
	s5 =	smov.u32 s7  }
0x399: {  	v1 =	vld [tilespmem:s5+$0x1450];
	_ =	sdelay $0x4  }
0x39a: {  	v0 =	vadd.s32 v1, v0  }
0x39b: {  	[tilespmem:s5+$0x1450] =	vst v0  }
0x39c: {  	_ =	swait.ge [sflag:s3], $0x4100  }
0x39d: {  	[sflag:s3] =	ssyncset.done $0x0  }
0x39e: {  	[sflag:s3] =	ssyncadd.s32 $0xFFFFBF00  }
0x39f: {  	[tilespmem:s24], [sflag:$0x5] =	stream.indirect.gather [hbm4b:s10+s14], $0x10, s23, s14, $0xb8;
	[tilespmem:$0x15D60] =	vst v63  }
0x3a0: {  	_ =	swait.ge [sflag:s25], $0x4100  }
0x3a1: {  	s6 =	sld [smem:$0x7CF]  }
0x3a2: {  	[sflag:s25] =	ssyncset.done $0x0  }
0x3a3: {  	s5 =	simm.s32 $0x0;
	s7 =	sld [smem:$0x778];
	[sflag:s25] =	ssyncadd.s32 $0xFFFFBF00  }
0x3a4: {  	[hbm4b:s6+s5] =	stream.linear.scatter [tilespmem:s17], [sflag:$0x7], $0x4100, $0x38;
	[tilespmem:$0x15D60] =	vst v63  }
0x3a5: {  	_ = 	snop  }
0x3a6: {  	[tilespmem:s14], [sflag:$0xB] =	stream.linear.gather [hbm4b:s7+s5], $0x410, $0x38;
	[tilespmem:$0x15D60] =	vst v63  }
0x3a7: {  	_ =	swait.ge [sflag:s13], $0x410  }
0x3a8: {  	[sflag:s13] =	ssyncset.done $0x0  }
0x3a9: {  	s5 =	simm.s32 $0x0;
	[sflag:s13] =	ssyncadd.s32 $0xFFFFFBF0  }
0x3aa: {  	s6 =	simm.s32 $0x40;
	v0 =	vld [tilespmem:s5+$0x0]  }
.LBB2_62:
0x3ab: {  	p0 =	sne.s32 s6, $0x1000;
	v1 =	vld [tilespmem:s5+$0x410];
	_ =	sdelay $0x1  }
.Ltmp30:
0x3ac: {  	(pc) =	sbr.rel @p0 .LBB2_62-.Ltmp30, $3  }
0x3ad: {  	_ =	sdelay $0x1  }
0x3ae: {  	s7 =	sshra.s32 s6, $0x2;
	v1 =	vadd.s32 v1, v0  }
0x3af: {  	s6 =	sadd.s32 $0x40, s6;
	v0 =	vld [tilespmem:s7+$0x0];
	[tilespmem:s5+$0x410] =	vst v1;
	s5 =	smov.u32 s7  }
0x3b0: {  	v1 =	vld [tilespmem:s5+$0x410];
	_ =	sdelay $0x4  }
0x3b1: {  	v0 =	vadd.s32 v1, v0  }
0x3b2: {  	[tilespmem:s5+$0x410] =	vst v0  }
0x3b3: {  	_ =	swait.ge [sflag:s26], $0x4100  }
0x3b4: {  	[sflag:s26] =	ssyncset.done $0x0  }
0x3b5: {  	[sflag:s26] =	ssyncadd.s32 $0xFFFFBF00  }
0x3b6: {  	[tilespmem:s15], [sflag:$0x1] =	stream.indirect.gather [hbm4b:s10+s14], $0x10, s14, s14, $0xb8;
	[tilespmem:$0x15D60] =	vst v63  }
0x3b7: {  	_ =	swait.ge [sflag:s28], $0x4100  }
0x3b8: {  	s6 =	sld [smem:$0x7D2]  }
0x3b9: {  	[sflag:s28] =	ssyncset.done $0x0  }
0x3ba: {  	s5 =	simm.s32 $0x0;
	s7 =	sld [smem:$0x779];
	[sflag:s28] =	ssyncadd.s32 $0xFFFFBF00  }
0x3bb: {  	[hbm4b:s6+s5] =	stream.linear.scatter [tilespmem:s19], [sflag:$0x8], $0x4100, $0x38;
	[tilespmem:$0x15D60] =	vst v63  }
0x3bc: {  	_ = 	snop  }
0x3bd: {  	[tilespmem:s16], [sflag:$0xB] =	stream.linear.gather [hbm4b:s7+s5], $0x410, $0x38;
	[tilespmem:$0x15D60] =	vst v63  }
0x3be: {  	_ =	swait.ge [sflag:s13], $0x410  }
0x3bf: {  	[sflag:s13] =	ssyncset.done $0x0  }
0x3c0: {  	s5 =	simm.s32 $0x0;
	[sflag:s13] =	ssyncadd.s32 $0xFFFFFBF0  }
0x3c1: {  	s6 =	simm.s32 $0x40;
	v0 =	vld [tilespmem:s5+$0x0]  }
.LBB2_64:
0x3c2: {  	p0 =	sne.s32 s6, $0x1000;
	v1 =	vld [tilespmem:s5+$0x820];
	_ =	sdelay $0x1  }
.Ltmp31:
0x3c3: {  	(pc) =	sbr.rel @p0 .LBB2_64-.Ltmp31, $3  }
0x3c4: {  	_ =	sdelay $0x1  }
0x3c5: {  	s7 =	sshra.s32 s6, $0x2;
	v1 =	vadd.s32 v1, v0  }
0x3c6: {  	s6 =	sadd.s32 $0x40, s6;
	v0 =	vld [tilespmem:s7+$0x0];
	[tilespmem:s5+$0x820] =	vst v1;
	s5 =	smov.u32 s7  }
0x3c7: {  	v1 =	vld [tilespmem:s5+$0x820];
	_ =	sdelay $0x4  }
0x3c8: {  	v0 =	vadd.s32 v1, v0  }
0x3c9: {  	[tilespmem:s5+$0x820] =	vst v0  }
0x3ca: {  	_ =	swait.ge [sflag:s29], $0x4100  }
0x3cb: {  	[sflag:s29] =	ssyncset.done $0x0  }
0x3cc: {  	[sflag:s29] =	ssyncadd.s32 $0xFFFFBF00  }
0x3cd: {  	[tilespmem:s17], [sflag:$0x2] =	stream.indirect.gather [hbm4b:s10+s14], $0x10, s16, s14, $0xb8;
	[tilespmem:$0x15D60] =	vst v63  }
0x3ce: {  	_ =	swait.ge [sflag:s30], $0x4100  }
0x3cf: {  	s6 =	sld [smem:$0x7D3]  }
0x3d0: {  	[sflag:s30] =	ssyncset.done $0x0  }
0x3d1: {  	s5 =	simm.s32 $0x0;
	s7 =	sld [smem:$0x77A];
	[sflag:s30] =	ssyncadd.s32 $0xFFFFBF00  }
0x3d2: {  	[hbm4b:s6+s5] =	stream.linear.scatter [tilespmem:s21], [sflag:$0x9], $0x4100, $0x38;
	[tilespmem:$0x15D60] =	vst v63  }
0x3d3: {  	_ = 	snop  }
0x3d4: {  	[tilespmem:s18], [sflag:$0xB] =	stream.linear.gather [hbm4b:s7+s5], $0x410, $0x38;
	[tilespmem:$0x15D60] =	vst v63  }
0x3d5: {  	_ =	swait.ge [sflag:s13], $0x410  }
0x3d6: {  	[sflag:s13] =	ssyncset.done $0x0  }
0x3d7: {  	s5 =	simm.s32 $0x0;
	[sflag:s13] =	ssyncadd.s32 $0xFFFFFBF0  }
0x3d8: {  	s6 =	simm.s32 $0x40;
	v0 =	vld [tilespmem:s5+$0x0]  }
.LBB2_66:
0x3d9: {  	p0 =	sne.s32 s6, $0x1000;
	v1 =	vld [tilespmem:s5+$0xC30];
	_ =	sdelay $0x1  }
.Ltmp32:
0x3da: {  	(pc) =	sbr.rel @p0 .LBB2_66-.Ltmp32, $3  }
0x3db: {  	_ =	sdelay $0x1  }
0x3dc: {  	s7 =	sshra.s32 s6, $0x2;
	v1 =	vadd.s32 v1, v0  }
0x3dd: {  	s6 =	sadd.s32 $0x40, s6;
	v0 =	vld [tilespmem:s7+$0x0];
	[tilespmem:s5+$0xC30] =	vst v1;
	s5 =	smov.u32 s7  }
0x3de: {  	v1 =	vld [tilespmem:s5+$0xC30];
	_ =	sdelay $0x4  }
0x3df: {  	v0 =	vadd.s32 v1, v0  }
0x3e0: {  	[tilespmem:s5+$0xC30] =	vst v0  }
0x3e1: {  	_ =	swait.ge [sflag:s31], $0x4100  }
0x3e2: {  	[sflag:s31] =	ssyncset.done $0x0  }
0x3e3: {  	[sflag:s31] =	ssyncadd.s32 $0xFFFFBF00  }
0x3e4: {  	[tilespmem:s19], [sflag:$0x3] =	stream.indirect.gather [hbm4b:s10+s14], $0x10, s18, s14, $0xb8;
	[tilespmem:$0x15D60] =	vst v63  }
0x3e5: {  	_ =	swait.ge [sflag:s0], $0x4100  }
0x3e6: {  	s6 =	sld [smem:$0x7D5]  }
0x3e7: {  	[sflag:s0] =	ssyncset.done $0x0  }
0x3e8: {  	s5 =	simm.s32 $0x0;
	s7 =	sld [smem:$0x77B];
	[sflag:s0] =	ssyncadd.s32 $0xFFFFBF00  }
0x3e9: {  	[hbm4b:s6+s5] =	stream.linear.scatter [tilespmem:s24], [sflag:$0xA], $0x4100, $0x38;
	[tilespmem:$0x15D60] =	vst v63  }
0x3ea: {  	_ = 	snop  }
0x3eb: {  	[tilespmem:s20], [sflag:$0xB] =	stream.linear.gather [hbm4b:s7+s5], $0x410, $0x38;
	[tilespmem:$0x15D60] =	vst v63  }
0x3ec: {  	_ =	swait.ge [sflag:s13], $0x410  }
0x3ed: {  	[sflag:s13] =	ssyncset.done $0x0  }
0x3ee: {  	s5 =	simm.s32 $0x0;
	[sflag:s13] =	ssyncadd.s32 $0xFFFFFBF0  }
0x3ef: {  	s6 =	simm.s32 $0x40;
	v0 =	vld [tilespmem:s5+$0x0]  }
.LBB2_68:
0x3f0: {  	p0 =	sne.s32 s6, $0x1000;
	v1 =	vld [tilespmem:s5+$0x1040];
	_ =	sdelay $0x1  }
.Ltmp33:
0x3f1: {  	(pc) =	sbr.rel @p0 .LBB2_68-.Ltmp33, $3  }
0x3f2: {  	_ =	sdelay $0x1  }
0x3f3: {  	s7 =	sshra.s32 s6, $0x2;
	v1 =	vadd.s32 v1, v0  }
0x3f4: {  	s6 =	sadd.s32 $0x40, s6;
	v0 =	vld [tilespmem:s7+$0x0];
	[tilespmem:s5+$0x1040] =	vst v1;
	s5 =	smov.u32 s7  }
0x3f5: {  	v1 =	vld [tilespmem:s5+$0x1040];
	_ =	sdelay $0x4  }
0x3f6: {  	v0 =	vadd.s32 v1, v0  }
0x3f7: {  	[tilespmem:s5+$0x1040] =	vst v0  }
0x3f8: {  	_ =	swait.ge [sflag:s2], $0x4100  }
0x3f9: {  	[sflag:s2] =	ssyncset.done $0x0  }
0x3fa: {  	[sflag:s2] =	ssyncadd.s32 $0xFFFFBF00  }
0x3fb: {  	[tilespmem:s21], [sflag:$0x4] =	stream.indirect.gather [hbm4b:s10+s14], $0x10, s20, s14, $0xb8;
	[tilespmem:$0x15D60] =	vst v63  }
0x3fc: {  	_ =	swait.ge [sflag:s22], $0x4100  }
0x3fd: {  	s6 =	sld [smem:$0x7D8]  }
0x3fe: {  	[sflag:s22] =	ssyncset.done $0x0  }
0x3ff: {  	s5 =	simm.s32 $0x0;
	s7 =	sld [smem:$0x77C];
	[sflag:s22] =	ssyncadd.s32 $0xFFFFBF00  }
0x400: {  	[hbm4b:s6+s5] =	stream.linear.scatter [tilespmem:s15], [sflag:$0x6], $0x4100, $0x38;
	[tilespmem:$0x15D60] =	vst v63  }
0x401: {  	_ = 	snop  }
0x402: {  	[tilespmem:s23], [sflag:$0xB] =	stream.linear.gather [hbm4b:s7+s5], $0x410, $0x38;
	[tilespmem:$0x15D60] =	vst v63  }
0x403: {  	_ =	swait.ge [sflag:s13], $0x410  }
0x404: {  	[sflag:s13] =	ssyncset.done $0x0  }
0x405: {  	s5 =	simm.s32 $0x0;
	[sflag:s13] =	ssyncadd.s32 $0xFFFFFBF0  }
0x406: {  	s6 =	simm.s32 $0x40;
	v0 =	vld [tilespmem:s5+$0x0]  }
.LBB2_70:
0x407: {  	p0 =	sne.s32 s6, $0x1000;
	v1 =	vld [tilespmem:s5+$0x1450];
	_ =	sdelay $0x1  }
.Ltmp34:
0x408: {  	(pc) =	sbr.rel @p0 .LBB2_70-.Ltmp34, $3  }
0x409: {  	_ =	sdelay $0x1  }
0x40a: {  	s7 =	sshra.s32 s6, $0x2;
	v1 =	vadd.s32 v1, v0  }
0x40b: {  	s6 =	sadd.s32 $0x40, s6;
	v0 =	vld [tilespmem:s7+$0x0];
	[tilespmem:s5+$0x1450] =	vst v1;
	s5 =	smov.u32 s7  }
0x40c: {  	v1 =	vld [tilespmem:s5+$0x1450];
	_ =	sdelay $0x4  }
0x40d: {  	v0 =	vadd.s32 v1, v0  }
0x40e: {  	[tilespmem:s5+$0x1450] =	vst v0  }
0x40f: {  	_ =	swait.ge [sflag:s3], $0x4100  }
0x410: {  	[sflag:s3] =	ssyncset.done $0x0  }
0x411: {  	[sflag:s3] =	ssyncadd.s32 $0xFFFFBF00  }
0x412: {  	[tilespmem:s24], [sflag:$0x5] =	stream.indirect.gather [hbm4b:s10+s14], $0x10, s23, s14, $0xb8;
	[tilespmem:$0x15D60] =	vst v63  }
0x413: {  	_ =	swait.ge [sflag:s25], $0x4100  }
0x414: {  	s6 =	sld [smem:$0x7D9]  }
0x415: {  	[sflag:s25] =	ssyncset.done $0x0  }
0x416: {  	s5 =	simm.s32 $0x0;
	s7 =	sld [smem:$0x77D];
	[sflag:s25] =	ssyncadd.s32 $0xFFFFBF00  }
0x417: {  	[hbm4b:s6+s5] =	stream.linear.scatter [tilespmem:s17], [sflag:$0x7], $0x4100, $0x38;
	[tilespmem:$0x15D60] =	vst v63  }
0x418: {  	_ = 	snop  }
0x419: {  	[tilespmem:s14], [sflag:$0xB] =	stream.linear.gather [hbm4b:s7+s5], $0x410, $0x38;
	[tilespmem:$0x15D60] =	vst v63  }
0x41a: {  	_ =	swait.ge [sflag:s13], $0x410  }
0x41b: {  	[sflag:s13] =	ssyncset.done $0x0  }
0x41c: {  	s5 =	simm.s32 $0x0;
	[sflag:s13] =	ssyncadd.s32 $0xFFFFFBF0  }
0x41d: {  	s6 =	simm.s32 $0x40;
	v0 =	vld [tilespmem:s5+$0x0]  }
.LBB2_72:
0x41e: {  	p0 =	sne.s32 s6, $0x1000;
	v1 =	vld [tilespmem:s5+$0x410];
	_ =	sdelay $0x1  }
.Ltmp35:
0x41f: {  	(pc) =	sbr.rel @p0 .LBB2_72-.Ltmp35, $3  }
0x420: {  	_ =	sdelay $0x1  }
0x421: {  	s7 =	sshra.s32 s6, $0x2;
	v1 =	vadd.s32 v1, v0  }
0x422: {  	s6 =	sadd.s32 $0x40, s6;
	v0 =	vld [tilespmem:s7+$0x0];
	[tilespmem:s5+$0x410] =	vst v1;
	s5 =	smov.u32 s7  }
0x423: {  	v1 =	vld [tilespmem:s5+$0x410];
	_ =	sdelay $0x4  }
0x424: {  	v0 =	vadd.s32 v1, v0  }
0x425: {  	[tilespmem:s5+$0x410] =	vst v0  }
0x426: {  	_ =	swait.ge [sflag:s26], $0x4100  }
0x427: {  	[sflag:s26] =	ssyncset.done $0x0  }
0x428: {  	[sflag:s26] =	ssyncadd.s32 $0xFFFFBF00  }
0x429: {  	[tilespmem:s15], [sflag:$0x1] =	stream.indirect.gather [hbm4b:s10+s14], $0x10, s14, s14, $0xb8;
	[tilespmem:$0x15D60] =	vst v63  }
0x42a: {  	_ =	swait.ge [sflag:s28], $0x4100  }
0x42b: {  	s6 =	sld [smem:$0x7DB]  }
0x42c: {  	[sflag:s28] =	ssyncset.done $0x0  }
0x42d: {  	s5 =	simm.s32 $0x0;
	s7 =	sld [smem:$0x77E];
	[sflag:s28] =	ssyncadd.s32 $0xFFFFBF00  }
0x42e: {  	[hbm4b:s6+s5] =	stream.linear.scatter [tilespmem:s19], [sflag:$0x8], $0x4100, $0x38;
	[tilespmem:$0x15D60] =	vst v63  }
0x42f: {  	_ = 	snop  }
0x430: {  	[tilespmem:s16], [sflag:$0xB] =	stream.linear.gather [hbm4b:s7+s5], $0x410, $0x38;
	[tilespmem:$0x15D60] =	vst v63  }
0x431: {  	_ =	swait.ge [sflag:s13], $0x410  }
0x432: {  	[sflag:s13] =	ssyncset.done $0x0  }
0x433: {  	s5 =	simm.s32 $0x0;
	[sflag:s13] =	ssyncadd.s32 $0xFFFFFBF0  }
0x434: {  	s6 =	simm.s32 $0x40;
	v0 =	vld [tilespmem:s5+$0x0]  }
.LBB2_74:
0x435: {  	p0 =	sne.s32 s6, $0x1000;
	v1 =	vld [tilespmem:s5+$0x820];
	_ =	sdelay $0x1  }
.Ltmp36:
0x436: {  	(pc) =	sbr.rel @p0 .LBB2_74-.Ltmp36, $3  }
0x437: {  	_ =	sdelay $0x1  }
0x438: {  	s7 =	sshra.s32 s6, $0x2;
	v1 =	vadd.s32 v1, v0  }
0x439: {  	s6 =	sadd.s32 $0x40, s6;
	v0 =	vld [tilespmem:s7+$0x0];
	[tilespmem:s5+$0x820] =	vst v1;
	s5 =	smov.u32 s7  }
0x43a: {  	v1 =	vld [tilespmem:s5+$0x820];
	_ =	sdelay $0x4  }
0x43b: {  	v0 =	vadd.s32 v1, v0  }
0x43c: {  	[tilespmem:s5+$0x820] =	vst v0  }
0x43d: {  	_ =	swait.ge [sflag:s29], $0x4100  }
0x43e: {  	[sflag:s29] =	ssyncset.done $0x0  }
0x43f: {  	[sflag:s29] =	ssyncadd.s32 $0xFFFFBF00  }
0x440: {  	[tilespmem:s17], [sflag:$0x2] =	stream.indirect.gather [hbm4b:s10+s14], $0x10, s16, s14, $0xb8;
	[tilespmem:$0x15D60] =	vst v63  }
0x441: {  	_ =	swait.ge [sflag:s30], $0x4100  }
0x442: {  	s6 =	sld [smem:$0x7DE]  }
0x443: {  	[sflag:s30] =	ssyncset.done $0x0  }
0x444: {  	s5 =	simm.s32 $0x0;
	s7 =	sld [smem:$0x77F];
	[sflag:s30] =	ssyncadd.s32 $0xFFFFBF00  }
0x445: {  	[hbm4b:s6+s5] =	stream.linear.scatter [tilespmem:s21], [sflag:$0x9], $0x4100, $0x38;
	[tilespmem:$0x15D60] =	vst v63  }
0x446: {  	_ = 	snop  }
0x447: {  	[tilespmem:s18], [sflag:$0xB] =	stream.linear.gather [hbm4b:s7+s5], $0x410, $0x38;
	[tilespmem:$0x15D60] =	vst v63  }
0x448: {  	_ =	swait.ge [sflag:s13], $0x410  }
0x449: {  	[sflag:s13] =	ssyncset.done $0x0  }
0x44a: {  	s5 =	simm.s32 $0x0;
	[sflag:s13] =	ssyncadd.s32 $0xFFFFFBF0  }
0x44b: {  	s6 =	simm.s32 $0x40;
	v0 =	vld [tilespmem:s5+$0x0]  }
.LBB2_76:
0x44c: {  	p0 =	sne.s32 s6, $0x1000;
	v1 =	vld [tilespmem:s5+$0xC30];
	_ =	sdelay $0x1  }
.Ltmp37:
0x44d: {  	(pc) =	sbr.rel @p0 .LBB2_76-.Ltmp37, $3  }
0x44e: {  	_ =	sdelay $0x1  }
0x44f: {  	s7 =	sshra.s32 s6, $0x2;
	v1 =	vadd.s32 v1, v0  }
0x450: {  	s6 =	sadd.s32 $0x40, s6;
	v0 =	vld [tilespmem:s7+$0x0];
	[tilespmem:s5+$0xC30] =	vst v1;
	s5 =	smov.u32 s7  }
0x451: {  	v1 =	vld [tilespmem:s5+$0xC30];
	_ =	sdelay $0x4  }
0x452: {  	v0 =	vadd.s32 v1, v0  }
0x453: {  	[tilespmem:s5+$0xC30] =	vst v0  }
0x454: {  	_ =	swait.ge [sflag:s31], $0x4100  }
0x455: {  	[sflag:s31] =	ssyncset.done $0x0  }
0x456: {  	[sflag:s31] =	ssyncadd.s32 $0xFFFFBF00  }
0x457: {  	[tilespmem:s19], [sflag:$0x3] =	stream.indirect.gather [hbm4b:s10+s14], $0x10, s18, s14, $0xb8;
	[tilespmem:$0x15D60] =	vst v63  }
0x458: {  	_ =	swait.ge [sflag:s0], $0x4100  }
0x459: {  	s6 =	sld [smem:$0x7DF]  }
0x45a: {  	[sflag:s0] =	ssyncset.done $0x0  }
0x45b: {  	s5 =	simm.s32 $0x0;
	s7 =	sld [smem:$0x780];
	[sflag:s0] =	ssyncadd.s32 $0xFFFFBF00  }
0x45c: {  	[hbm4b:s6+s5] =	stream.linear.scatter [tilespmem:s24], [sflag:$0xA], $0x4100, $0x38;
	[tilespmem:$0x15D60] =	vst v63  }
0x45d: {  	_ = 	snop  }
0x45e: {  	[tilespmem:s20], [sflag:$0xB] =	stream.linear.gather [hbm4b:s7+s5], $0x410, $0x38;
	[tilespmem:$0x15D60] =	vst v63  }
0x45f: {  	_ =	swait.ge [sflag:s13], $0x410  }
0x460: {  	[sflag:s13] =	ssyncset.done $0x0  }
0x461: {  	s5 =	simm.s32 $0x0;
	[sflag:s13] =	ssyncadd.s32 $0xFFFFFBF0  }
0x462: {  	s6 =	simm.s32 $0x40;
	v0 =	vld [tilespmem:s5+$0x0]  }
.LBB2_78:
0x463: {  	p0 =	sne.s32 s6, $0x1000;
	v1 =	vld [tilespmem:s5+$0x1040];
	_ =	sdelay $0x1  }
.Ltmp38:
0x464: {  	(pc) =	sbr.rel @p0 .LBB2_78-.Ltmp38, $3  }
0x465: {  	_ =	sdelay $0x1  }
0x466: {  	s7 =	sshra.s32 s6, $0x2;
	v1 =	vadd.s32 v1, v0  }
0x467: {  	s6 =	sadd.s32 $0x40, s6;
	v0 =	vld [tilespmem:s7+$0x0];
	[tilespmem:s5+$0x1040] =	vst v1;
	s5 =	smov.u32 s7  }
0x468: {  	v1 =	vld [tilespmem:s5+$0x1040];
	_ =	sdelay $0x4  }
0x469: {  	v0 =	vadd.s32 v1, v0  }
0x46a: {  	[tilespmem:s5+$0x1040] =	vst v0  }
0x46b: {  	_ =	swait.ge [sflag:s2], $0x4100  }
0x46c: {  	[sflag:s2] =	ssyncset.done $0x0  }
0x46d: {  	[sflag:s2] =	ssyncadd.s32 $0xFFFFBF00  }
0x46e: {  	[tilespmem:s21], [sflag:$0x4] =	stream.indirect.gather [hbm4b:s10+s14], $0x10, s20, s14, $0xb8;
	[tilespmem:$0x15D60] =	vst v63  }
0x46f: {  	_ =	swait.ge [sflag:s22], $0x4100  }
0x470: {  	s6 =	sld [smem:$0x7E1]  }
0x471: {  	[sflag:s22] =	ssyncset.done $0x0  }
0x472: {  	s5 =	simm.s32 $0x0;
	s7 =	sld [smem:$0x781];
	[sflag:s22] =	ssyncadd.s32 $0xFFFFBF00  }
0x473: {  	[hbm4b:s6+s5] =	stream.linear.scatter [tilespmem:s15], [sflag:$0x6], $0x4100, $0x38;
	[tilespmem:$0x15D60] =	vst v63  }
0x474: {  	_ = 	snop  }
0x475: {  	[tilespmem:s23], [sflag:$0xB] =	stream.linear.gather [hbm4b:s7+s5], $0x410, $0x38;
	[tilespmem:$0x15D60] =	vst v63  }
0x476: {  	_ =	swait.ge [sflag:s13], $0x410  }
0x477: {  	[sflag:s13] =	ssyncset.done $0x0  }
0x478: {  	s5 =	simm.s32 $0x0;
	[sflag:s13] =	ssyncadd.s32 $0xFFFFFBF0  }
0x479: {  	s6 =	simm.s32 $0x40;
	v0 =	vld [tilespmem:s5+$0x0]  }
.LBB2_80:
0x47a: {  	p0 =	sne.s32 s6, $0x1000;
	v1 =	vld [tilespmem:s5+$0x1450];
	_ =	sdelay $0x1  }
.Ltmp39:
0x47b: {  	(pc) =	sbr.rel @p0 .LBB2_80-.Ltmp39, $3  }
0x47c: {  	_ =	sdelay $0x1  }
0x47d: {  	s7 =	sshra.s32 s6, $0x2;
	v1 =	vadd.s32 v1, v0  }
0x47e: {  	s6 =	sadd.s32 $0x40, s6;
	v0 =	vld [tilespmem:s7+$0x0];
	[tilespmem:s5+$0x1450] =	vst v1;
	s5 =	smov.u32 s7  }
0x47f: {  	v1 =	vld [tilespmem:s5+$0x1450];
	_ =	sdelay $0x4  }
0x480: {  	v0 =	vadd.s32 v1, v0  }
0x481: {  	[tilespmem:s5+$0x1450] =	vst v0  }
0x482: {  	_ =	swait.ge [sflag:s3], $0x4100  }
0x483: {  	[sflag:s3] =	ssyncset.done $0x0  }
0x484: {  	[sflag:s3] =	ssyncadd.s32 $0xFFFFBF00  }
0x485: {  	[tilespmem:s24], [sflag:$0x5] =	stream.indirect.gather [hbm4b:s10+s14], $0x10, s23, s14, $0xb8;
	[tilespmem:$0x15D60] =	vst v63  }
0x486: {  	_ =	swait.ge [sflag:s25], $0x4100  }
0x487: {  	s6 =	sld [smem:$0x7E3]  }
0x488: {  	[sflag:s25] =	ssyncset.done $0x0  }
0x489: {  	s5 =	simm.s32 $0x0;
	s7 =	sld [smem:$0x782];
	[sflag:s25] =	ssyncadd.s32 $0xFFFFBF00  }
0x48a: {  	[hbm4b:s6+s5] =	stream.linear.scatter [tilespmem:s17], [sflag:$0x7], $0x4100, $0x38;
	[tilespmem:$0x15D60] =	vst v63  }
0x48b: {  	_ = 	snop  }
0x48c: {  	[tilespmem:s14], [sflag:$0xB] =	stream.linear.gather [hbm4b:s7+s5], $0x410, $0x38;
	[tilespmem:$0x15D60] =	vst v63  }
0x48d: {  	_ =	swait.ge [sflag:s13], $0x410  }
0x48e: {  	[sflag:s13] =	ssyncset.done $0x0  }
0x48f: {  	s5 =	simm.s32 $0x0;
	[sflag:s13] =	ssyncadd.s32 $0xFFFFFBF0  }
0x490: {  	s6 =	simm.s32 $0x40;
	v0 =	vld [tilespmem:s5+$0x0]  }
.LBB2_82:
0x491: {  	p0 =	sne.s32 s6, $0x1000;
	v1 =	vld [tilespmem:s5+$0x410];
	_ =	sdelay $0x1  }
.Ltmp40:
0x492: {  	(pc) =	sbr.rel @p0 .LBB2_82-.Ltmp40, $3  }
0x493: {  	_ =	sdelay $0x1  }
0x494: {  	s7 =	sshra.s32 s6, $0x2;
	v1 =	vadd.s32 v1, v0  }
0x495: {  	s6 =	sadd.s32 $0x40, s6;
	v0 =	vld [tilespmem:s7+$0x0];
	[tilespmem:s5+$0x410] =	vst v1;
	s5 =	smov.u32 s7  }
0x496: {  	v1 =	vld [tilespmem:s5+$0x410];
	_ =	sdelay $0x4  }
0x497: {  	v0 =	vadd.s32 v1, v0  }
0x498: {  	[tilespmem:s5+$0x410] =	vst v0  }
0x499: {  	_ =	swait.ge [sflag:s26], $0x4100  }
0x49a: {  	[sflag:s26] =	ssyncset.done $0x0  }
0x49b: {  	[sflag:s26] =	ssyncadd.s32 $0xFFFFBF00  }
0x49c: {  	[tilespmem:s15], [sflag:$0x1] =	stream.indirect.gather [hbm4b:s10+s14], $0x10, s14, s14, $0xb8;
	[tilespmem:$0x15D60] =	vst v63  }
0x49d: {  	_ =	swait.ge [sflag:s28], $0x4100  }
0x49e: {  	s6 =	sld [smem:$0x7E4]  }
0x49f: {  	[sflag:s28] =	ssyncset.done $0x0  }
0x4a0: {  	s5 =	simm.s32 $0x0;
	s7 =	sld [smem:$0x783];
	[sflag:s28] =	ssyncadd.s32 $0xFFFFBF00  }
0x4a1: {  	[hbm4b:s6+s5] =	stream.linear.scatter [tilespmem:s19], [sflag:$0x8], $0x4100, $0x38;
	[tilespmem:$0x15D60] =	vst v63  }
0x4a2: {  	_ = 	snop  }
0x4a3: {  	[tilespmem:s16], [sflag:$0xB] =	stream.linear.gather [hbm4b:s7+s5], $0x410, $0x38;
	[tilespmem:$0x15D60] =	vst v63  }
0x4a4: {  	_ =	swait.ge [sflag:s13], $0x410  }
0x4a5: {  	[sflag:s13] =	ssyncset.done $0x0  }
0x4a6: {  	s5 =	simm.s32 $0x0;
	[sflag:s13] =	ssyncadd.s32 $0xFFFFFBF0  }
0x4a7: {  	s6 =	simm.s32 $0x40;
	v0 =	vld [tilespmem:s5+$0x0]  }
.LBB2_84:
0x4a8: {  	p0 =	sne.s32 s6, $0x1000;
	v1 =	vld [tilespmem:s5+$0x820];
	_ =	sdelay $0x1  }
.Ltmp41:
0x4a9: {  	(pc) =	sbr.rel @p0 .LBB2_84-.Ltmp41, $3  }
0x4aa: {  	_ =	sdelay $0x1  }
0x4ab: {  	s7 =	sshra.s32 s6, $0x2;
	v1 =	vadd.s32 v1, v0  }
0x4ac: {  	s6 =	sadd.s32 $0x40, s6;
	v0 =	vld [tilespmem:s7+$0x0];
	[tilespmem:s5+$0x820] =	vst v1;
	s5 =	smov.u32 s7  }
0x4ad: {  	v1 =	vld [tilespmem:s5+$0x820];
	_ =	sdelay $0x4  }
0x4ae: {  	v0 =	vadd.s32 v1, v0  }
0x4af: {  	[tilespmem:s5+$0x820] =	vst v0  }
0x4b0: {  	_ =	swait.ge [sflag:s29], $0x4100  }
0x4b1: {  	[sflag:s29] =	ssyncset.done $0x0  }
0x4b2: {  	[sflag:s29] =	ssyncadd.s32 $0xFFFFBF00  }
0x4b3: {  	[tilespmem:s17], [sflag:$0x2] =	stream.indirect.gather [hbm4b:s10+s14], $0x10, s16, s14, $0xb8;
	[tilespmem:$0x15D60] =	vst v63  }
0x4b4: {  	_ =	swait.ge [sflag:s30], $0x4100  }
0x4b5: {  	s6 =	sld [smem:$0x7E5]  }
0x4b6: {  	[sflag:s30] =	ssyncset.done $0x0  }
0x4b7: {  	s5 =	simm.s32 $0x0;
	s7 =	sld [smem:$0x784];
	[sflag:s30] =	ssyncadd.s32 $0xFFFFBF00  }
0x4b8: {  	[hbm4b:s6+s5] =	stream.linear.scatter [tilespmem:s21], [sflag:$0x9], $0x4100, $0x38;
	[tilespmem:$0x15D60] =	vst v63  }
0x4b9: {  	_ = 	snop  }
0x4ba: {  	[tilespmem:s18], [sflag:$0xB] =	stream.linear.gather [hbm4b:s7+s5], $0x410, $0x38;
	[tilespmem:$0x15D60] =	vst v63  }
0x4bb: {  	_ =	swait.ge [sflag:s13], $0x410  }
0x4bc: {  	[sflag:s13] =	ssyncset.done $0x0  }
0x4bd: {  	s5 =	simm.s32 $0x0;
	[sflag:s13] =	ssyncadd.s32 $0xFFFFFBF0  }
0x4be: {  	s6 =	simm.s32 $0x40;
	v0 =	vld [tilespmem:s5+$0x0]  }
.LBB2_86:
0x4bf: {  	p0 =	sne.s32 s6, $0x1000;
	v1 =	vld [tilespmem:s5+$0xC30];
	_ =	sdelay $0x1  }
.Ltmp42:
0x4c0: {  	(pc) =	sbr.rel @p0 .LBB2_86-.Ltmp42, $3  }
0x4c1: {  	_ =	sdelay $0x1  }
0x4c2: {  	s7 =	sshra.s32 s6, $0x2;
	v1 =	vadd.s32 v1, v0  }
0x4c3: {  	s6 =	sadd.s32 $0x40, s6;
	v0 =	vld [tilespmem:s7+$0x0];
	[tilespmem:s5+$0xC30] =	vst v1;
	s5 =	smov.u32 s7  }
0x4c4: {  	v1 =	vld [tilespmem:s5+$0xC30];
	_ =	sdelay $0x4  }
0x4c5: {  	v0 =	vadd.s32 v1, v0  }
0x4c6: {  	[tilespmem:s5+$0xC30] =	vst v0  }
0x4c7: {  	_ =	swait.ge [sflag:s31], $0x4100  }
0x4c8: {  	[sflag:s31] =	ssyncset.done $0x0  }
0x4c9: {  	[sflag:s31] =	ssyncadd.s32 $0xFFFFBF00  }
0x4ca: {  	[tilespmem:s19], [sflag:$0x3] =	stream.indirect.gather [hbm4b:s10+s14], $0x10, s18, s14, $0xb8;
	[tilespmem:$0x15D60] =	vst v63  }
0x4cb: {  	_ =	swait.ge [sflag:s0], $0x4100  }
0x4cc: {  	s6 =	sld [smem:$0x7E6]  }
0x4cd: {  	[sflag:s0] =	ssyncset.done $0x0  }
0x4ce: {  	s5 =	simm.s32 $0x0;
	s7 =	sld [smem:$0x785];
	[sflag:s0] =	ssyncadd.s32 $0xFFFFBF00  }
0x4cf: {  	[hbm4b:s6+s5] =	stream.linear.scatter [tilespmem:s24], [sflag:$0xA], $0x4100, $0x38;
	[tilespmem:$0x15D60] =	vst v63  }
0x4d0: {  	_ = 	snop  }
0x4d1: {  	[tilespmem:s20], [sflag:$0xB] =	stream.linear.gather [hbm4b:s7+s5], $0x410, $0x38;
	[tilespmem:$0x15D60] =	vst v63  }
0x4d2: {  	_ =	swait.ge [sflag:s13], $0x410  }
0x4d3: {  	[sflag:s13] =	ssyncset.done $0x0  }
0x4d4: {  	s5 =	simm.s32 $0x0;
	[sflag:s13] =	ssyncadd.s32 $0xFFFFFBF0  }
0x4d5: {  	s6 =	simm.s32 $0x40;
	v0 =	vld [tilespmem:s5+$0x0]  }
.LBB2_88:
0x4d6: {  	p0 =	sne.s32 s6, $0x1000;
	v1 =	vld [tilespmem:s5+$0x1040];
	_ =	sdelay $0x1  }
.Ltmp43:
0x4d7: {  	(pc) =	sbr.rel @p0 .LBB2_88-.Ltmp43, $3  }
0x4d8: {  	_ =	sdelay $0x1  }
0x4d9: {  	s7 =	sshra.s32 s6, $0x2;
	v1 =	vadd.s32 v1, v0  }
0x4da: {  	s6 =	sadd.s32 $0x40, s6;
	v0 =	vld [tilespmem:s7+$0x0];
	[tilespmem:s5+$0x1040] =	vst v1;
	s5 =	smov.u32 s7  }
0x4db: {  	v1 =	vld [tilespmem:s5+$0x1040];
	_ =	sdelay $0x4  }
0x4dc: {  	v0 =	vadd.s32 v1, v0  }
0x4dd: {  	[tilespmem:s5+$0x1040] =	vst v0  }
0x4de: {  	_ =	swait.ge [sflag:s2], $0x4100  }
0x4df: {  	[sflag:s2] =	ssyncset.done $0x0  }
0x4e0: {  	[sflag:s2] =	ssyncadd.s32 $0xFFFFBF00  }
0x4e1: {  	[tilespmem:s21], [sflag:$0x4] =	stream.indirect.gather [hbm4b:s10+s14], $0x10, s20, s14, $0xb8;
	[tilespmem:$0x15D60] =	vst v63  }
0x4e2: {  	_ =	swait.ge [sflag:s22], $0x4100  }
0x4e3: {  	s6 =	sld [smem:$0x7E7]  }
0x4e4: {  	[sflag:s22] =	ssyncset.done $0x0  }
0x4e5: {  	s5 =	simm.s32 $0x0;
	s7 =	sld [smem:$0x786];
	[sflag:s22] =	ssyncadd.s32 $0xFFFFBF00  }
0x4e6: {  	[hbm4b:s6+s5] =	stream.linear.scatter [tilespmem:s15], [sflag:$0x6], $0x4100, $0x38;
	[tilespmem:$0x15D60] =	vst v63  }
0x4e7: {  	_ = 	snop  }
0x4e8: {  	[tilespmem:s23], [sflag:$0xB] =	stream.linear.gather [hbm4b:s7+s5], $0x410, $0x38;
	[tilespmem:$0x15D60] =	vst v63  }
0x4e9: {  	_ =	swait.ge [sflag:s13], $0x410  }
0x4ea: {  	[sflag:s13] =	ssyncset.done $0x0  }
0x4eb: {  	s5 =	simm.s32 $0x0;
	[sflag:s13] =	ssyncadd.s32 $0xFFFFFBF0  }
0x4ec: {  	s6 =	simm.s32 $0x40;
	v0 =	vld [tilespmem:s5+$0x0]  }
.LBB2_90:
0x4ed: {  	p0 =	sne.s32 s6, $0x1000;
	v1 =	vld [tilespmem:s5+$0x1450];
	_ =	sdelay $0x1  }
.Ltmp44:
0x4ee: {  	(pc) =	sbr.rel @p0 .LBB2_90-.Ltmp44, $3  }
0x4ef: {  	_ =	sdelay $0x1  }
0x4f0: {  	s7 =	sshra.s32 s6, $0x2;
	v1 =	vadd.s32 v1, v0  }
0x4f1: {  	s6 =	sadd.s32 $0x40, s6;
	v0 =	vld [tilespmem:s7+$0x0];
	[tilespmem:s5+$0x1450] =	vst v1;
	s5 =	smov.u32 s7  }
0x4f2: {  	v1 =	vld [tilespmem:s5+$0x1450];
	_ =	sdelay $0x4  }
0x4f3: {  	v0 =	vadd.s32 v1, v0  }
0x4f4: {  	[tilespmem:s5+$0x1450] =	vst v0  }
0x4f5: {  	_ =	swait.ge [sflag:s3], $0x4100  }
0x4f6: {  	[sflag:s3] =	ssyncset.done $0x0  }
0x4f7: {  	[sflag:s3] =	ssyncadd.s32 $0xFFFFBF00  }
0x4f8: {  	[tilespmem:s24], [sflag:$0x5] =	stream.indirect.gather [hbm4b:s10+s14], $0x10, s23, s14, $0xb8;
	[tilespmem:$0x15D60] =	vst v63  }
0x4f9: {  	_ =	swait.ge [sflag:s25], $0x4100  }
0x4fa: {  	s6 =	sld [smem:$0x7E8]  }
0x4fb: {  	[sflag:s25] =	ssyncset.done $0x0  }
0x4fc: {  	s5 =	simm.s32 $0x0;
	s7 =	sld [smem:$0x787];
	[sflag:s25] =	ssyncadd.s32 $0xFFFFBF00  }
0x4fd: {  	[hbm4b:s6+s5] =	stream.linear.scatter [tilespmem:s17], [sflag:$0x7], $0x4100, $0x38;
	[tilespmem:$0x15D60] =	vst v63  }
0x4fe: {  	_ = 	snop  }
0x4ff: {  	[tilespmem:s14], [sflag:$0xB] =	stream.linear.gather [hbm4b:s7+s5], $0x410, $0x38;
	[tilespmem:$0x15D60] =	vst v63  }
0x500: {  	_ =	swait.ge [sflag:s13], $0x410  }
0x501: {  	[sflag:s13] =	ssyncset.done $0x0  }
0x502: {  	s5 =	simm.s32 $0x0;
	[sflag:s13] =	ssyncadd.s32 $0xFFFFFBF0  }
0x503: {  	s6 =	simm.s32 $0x40;
	v0 =	vld [tilespmem:s5+$0x0]  }
.LBB2_92:
0x504: {  	p0 =	sne.s32 s6, $0x1000;
	v1 =	vld [tilespmem:s5+$0x410];
	_ =	sdelay $0x1  }
.Ltmp45:
0x505: {  	(pc) =	sbr.rel @p0 .LBB2_92-.Ltmp45, $3  }
0x506: {  	_ =	sdelay $0x1  }
0x507: {  	s7 =	sshra.s32 s6, $0x2;
	v1 =	vadd.s32 v1, v0  }
0x508: {  	s6 =	sadd.s32 $0x40, s6;
	v0 =	vld [tilespmem:s7+$0x0];
	[tilespmem:s5+$0x410] =	vst v1;
	s5 =	smov.u32 s7  }
0x509: {  	v1 =	vld [tilespmem:s5+$0x410];
	_ =	sdelay $0x4  }
0x50a: {  	v0 =	vadd.s32 v1, v0  }
0x50b: {  	[tilespmem:s5+$0x410] =	vst v0  }
0x50c: {  	_ =	swait.ge [sflag:s26], $0x4100  }
0x50d: {  	[sflag:s26] =	ssyncset.done $0x0  }
0x50e: {  	[sflag:s26] =	ssyncadd.s32 $0xFFFFBF00  }
0x50f: {  	[tilespmem:s15], [sflag:$0x1] =	stream.indirect.gather [hbm4b:s10+s14], $0x10, s14, s14, $0xb8;
	[tilespmem:$0x15D60] =	vst v63  }
0x510: {  	_ =	swait.ge [sflag:s28], $0x4100  }
0x511: {  	s6 =	sld [smem:$0x7E9]  }
0x512: {  	[sflag:s28] =	ssyncset.done $0x0  }
0x513: {  	s5 =	simm.s32 $0x0;
	s7 =	sld [smem:$0x788];
	[sflag:s28] =	ssyncadd.s32 $0xFFFFBF00  }
0x514: {  	[hbm4b:s6+s5] =	stream.linear.scatter [tilespmem:s19], [sflag:$0x8], $0x4100, $0x38;
	[tilespmem:$0x15D60] =	vst v63  }
0x515: {  	_ = 	snop  }
0x516: {  	[tilespmem:s16], [sflag:$0xB] =	stream.linear.gather [hbm4b:s7+s5], $0x410, $0x38;
	[tilespmem:$0x15D60] =	vst v63  }
0x517: {  	_ =	swait.ge [sflag:s13], $0x410  }
0x518: {  	[sflag:s13] =	ssyncset.done $0x0  }
0x519: {  	s5 =	simm.s32 $0x0;
	[sflag:s13] =	ssyncadd.s32 $0xFFFFFBF0  }
0x51a: {  	s6 =	simm.s32 $0x40;
	v0 =	vld [tilespmem:s5+$0x0]  }
.LBB2_94:
0x51b: {  	p0 =	sne.s32 s6, $0x1000;
	v1 =	vld [tilespmem:s5+$0x820];
	_ =	sdelay $0x1  }
.Ltmp46:
0x51c: {  	(pc) =	sbr.rel @p0 .LBB2_94-.Ltmp46, $3  }
0x51d: {  	_ =	sdelay $0x1  }
0x51e: {  	s7 =	sshra.s32 s6, $0x2;
	v1 =	vadd.s32 v1, v0  }
0x51f: {  	s6 =	sadd.s32 $0x40, s6;
	v0 =	vld [tilespmem:s7+$0x0];
	[tilespmem:s5+$0x820] =	vst v1;
	s5 =	smov.u32 s7  }
0x520: {  	v1 =	vld [tilespmem:s5+$0x820];
	_ =	sdelay $0x4  }
0x521: {  	v0 =	vadd.s32 v1, v0  }
0x522: {  	[tilespmem:s5+$0x820] =	vst v0  }
0x523: {  	_ =	swait.ge [sflag:s29], $0x4100  }
0x524: {  	[sflag:s29] =	ssyncset.done $0x0  }
0x525: {  	[sflag:s29] =	ssyncadd.s32 $0xFFFFBF00  }
0x526: {  	[tilespmem:s17], [sflag:$0x2] =	stream.indirect.gather [hbm4b:s10+s14], $0x10, s16, s14, $0xb8;
	[tilespmem:$0x15D60] =	vst v63  }
0x527: {  	_ =	swait.ge [sflag:s30], $0x4100  }
0x528: {  	s6 =	sld [smem:$0x7EA]  }
0x529: {  	[sflag:s30] =	ssyncset.done $0x0  }
0x52a: {  	s5 =	simm.s32 $0x0;
	s7 =	sld [smem:$0x789];
	[sflag:s30] =	ssyncadd.s32 $0xFFFFBF00  }
0x52b: {  	[hbm4b:s6+s5] =	stream.linear.scatter [tilespmem:s21], [sflag:$0x9], $0x4100, $0x38;
	[tilespmem:$0x15D60] =	vst v63  }
0x52c: {  	_ = 	snop  }
0x52d: {  	[tilespmem:s18], [sflag:$0xB] =	stream.linear.gather [hbm4b:s7+s5], $0x410, $0x38;
	[tilespmem:$0x15D60] =	vst v63  }
0x52e: {  	_ =	swait.ge [sflag:s13], $0x410  }
0x52f: {  	[sflag:s13] =	ssyncset.done $0x0  }
0x530: {  	s5 =	simm.s32 $0x0;
	[sflag:s13] =	ssyncadd.s32 $0xFFFFFBF0  }
0x531: {  	s6 =	simm.s32 $0x40;
	v0 =	vld [tilespmem:s5+$0x0]  }
.LBB2_96:
0x532: {  	p0 =	sne.s32 s6, $0x1000;
	v1 =	vld [tilespmem:s5+$0xC30];
	_ =	sdelay $0x1  }
.Ltmp47:
0x533: {  	(pc) =	sbr.rel @p0 .LBB2_96-.Ltmp47, $3  }
0x534: {  	_ =	sdelay $0x1  }
0x535: {  	s7 =	sshra.s32 s6, $0x2;
	v1 =	vadd.s32 v1, v0  }
0x536: {  	s6 =	sadd.s32 $0x40, s6;
	v0 =	vld [tilespmem:s7+$0x0];
	[tilespmem:s5+$0xC30] =	vst v1;
	s5 =	smov.u32 s7  }
0x537: {  	v1 =	vld [tilespmem:s5+$0xC30];
	_ =	sdelay $0x4  }
0x538: {  	v0 =	vadd.s32 v1, v0  }
0x539: {  	[tilespmem:s5+$0xC30] =	vst v0  }
0x53a: {  	_ =	swait.ge [sflag:s31], $0x4100  }
0x53b: {  	[sflag:s31] =	ssyncset.done $0x0  }
0x53c: {  	[sflag:s31] =	ssyncadd.s32 $0xFFFFBF00  }
0x53d: {  	[tilespmem:s19], [sflag:$0x3] =	stream.indirect.gather [hbm4b:s10+s14], $0x10, s18, s14, $0xb8;
	[tilespmem:$0x15D60] =	vst v63  }
0x53e: {  	_ =	swait.ge [sflag:s0], $0x4100  }
0x53f: {  	s6 =	sld [smem:$0x7EB]  }
0x540: {  	[sflag:s0] =	ssyncset.done $0x0  }
0x541: {  	s5 =	simm.s32 $0x0;
	s7 =	sld [smem:$0x78A];
	[sflag:s0] =	ssyncadd.s32 $0xFFFFBF00  }
0x542: {  	[hbm4b:s6+s5] =	stream.linear.scatter [tilespmem:s24], [sflag:$0xA], $0x4100, $0x38;
	[tilespmem:$0x15D60] =	vst v63  }
0x543: {  	_ = 	snop  }
0x544: {  	[tilespmem:s20], [sflag:$0xB] =	stream.linear.gather [hbm4b:s7+s5], $0x410, $0x38;
	[tilespmem:$0x15D60] =	vst v63  }
0x545: {  	_ =	swait.ge [sflag:s13], $0x410  }
0x546: {  	[sflag:s13] =	ssyncset.done $0x0  }
0x547: {  	s5 =	simm.s32 $0x0;
	[sflag:s13] =	ssyncadd.s32 $0xFFFFFBF0  }
0x548: {  	s6 =	simm.s32 $0x40;
	v0 =	vld [tilespmem:s5+$0x0]  }
.LBB2_98:
0x549: {  	p0 =	sne.s32 s6, $0x1000;
	v1 =	vld [tilespmem:s5+$0x1040];
	_ =	sdelay $0x1  }
.Ltmp48:
0x54a: {  	(pc) =	sbr.rel @p0 .LBB2_98-.Ltmp48, $3  }
0x54b: {  	_ =	sdelay $0x1  }
0x54c: {  	s7 =	sshra.s32 s6, $0x2;
	v1 =	vadd.s32 v1, v0  }
0x54d: {  	s6 =	sadd.s32 $0x40, s6;
	v0 =	vld [tilespmem:s7+$0x0];
	[tilespmem:s5+$0x1040] =	vst v1;
	s5 =	smov.u32 s7  }
0x54e: {  	v1 =	vld [tilespmem:s5+$0x1040];
	_ =	sdelay $0x4  }
0x54f: {  	v0 =	vadd.s32 v1, v0  }
0x550: {  	[tilespmem:s5+$0x1040] =	vst v0  }
0x551: {  	_ =	swait.ge [sflag:s2], $0x4100  }
0x552: {  	[sflag:s2] =	ssyncset.done $0x0  }
0x553: {  	[sflag:s2] =	ssyncadd.s32 $0xFFFFBF00  }
0x554: {  	[tilespmem:s21], [sflag:$0x4] =	stream.indirect.gather [hbm4b:s10+s14], $0x10, s20, s14, $0xb8;
	[tilespmem:$0x15D60] =	vst v63  }
0x555: {  	_ =	swait.ge [sflag:s22], $0x4100  }
0x556: {  	s6 =	sld [smem:$0x7EC]  }
0x557: {  	[sflag:s22] =	ssyncset.done $0x0  }
0x558: {  	s5 =	simm.s32 $0x0;
	s7 =	sld [smem:$0x78B];
	[sflag:s22] =	ssyncadd.s32 $0xFFFFBF00  }
0x559: {  	[hbm4b:s6+s5] =	stream.linear.scatter [tilespmem:s15], [sflag:$0x6], $0x4100, $0x38;
	[tilespmem:$0x15D60] =	vst v63  }
0x55a: {  	_ = 	snop  }
0x55b: {  	[tilespmem:s23], [sflag:$0xB] =	stream.linear.gather [hbm4b:s7+s5], $0x410, $0x38;
	[tilespmem:$0x15D60] =	vst v63  }
0x55c: {  	_ =	swait.ge [sflag:s13], $0x410  }
0x55d: {  	[sflag:s13] =	ssyncset.done $0x0  }
0x55e: {  	s5 =	simm.s32 $0x0;
	[sflag:s13] =	ssyncadd.s32 $0xFFFFFBF0  }
0x55f: {  	s6 =	simm.s32 $0x40;
	v0 =	vld [tilespmem:s5+$0x0]  }
.LBB2_100:
0x560: {  	p0 =	sne.s32 s6, $0x1000;
	v1 =	vld [tilespmem:s5+$0x1450];
	_ =	sdelay $0x1  }
.Ltmp49:
0x561: {  	(pc) =	sbr.rel @p0 .LBB2_100-.Ltmp49, $3  }
0x562: {  	_ =	sdelay $0x1  }
0x563: {  	s7 =	sshra.s32 s6, $0x2;
	v1 =	vadd.s32 v1, v0  }
0x564: {  	s6 =	sadd.s32 $0x40, s6;
	v0 =	vld [tilespmem:s7+$0x0];
	[tilespmem:s5+$0x1450] =	vst v1;
	s5 =	smov.u32 s7  }
0x565: {  	v1 =	vld [tilespmem:s5+$0x1450];
	_ =	sdelay $0x4  }
0x566: {  	v0 =	vadd.s32 v1, v0  }
0x567: {  	[tilespmem:s5+$0x1450] =	vst v0  }
0x568: {  	_ =	swait.ge [sflag:s3], $0x4100  }
0x569: {  	[sflag:s3] =	ssyncset.done $0x0  }
0x56a: {  	[sflag:s3] =	ssyncadd.s32 $0xFFFFBF00  }
0x56b: {  	[tilespmem:s24], [sflag:$0x5] =	stream.indirect.gather [hbm4b:s10+s14], $0x10, s23, s14, $0xb8;
	[tilespmem:$0x15D60] =	vst v63  }
0x56c: {  	_ =	swait.ge [sflag:s25], $0x4100  }
0x56d: {  	s6 =	sld [smem:$0x7ED]  }
0x56e: {  	[sflag:s25] =	ssyncset.done $0x0  }
0x56f: {  	s5 =	simm.s32 $0x0;
	s7 =	sld [smem:$0x78C];
	[sflag:s25] =	ssyncadd.s32 $0xFFFFBF00  }
0x570: {  	[hbm4b:s6+s5] =	stream.linear.scatter [tilespmem:s17], [sflag:$0x7], $0x4100, $0x38;
	[tilespmem:$0x15D60] =	vst v63  }
0x571: {  	_ = 	snop  }
0x572: {  	[tilespmem:s14], [sflag:$0xB] =	stream.linear.gather [hbm4b:s7+s5], $0x410, $0x38;
	[tilespmem:$0x15D60] =	vst v63  }
0x573: {  	_ =	swait.ge [sflag:s13], $0x410  }
0x574: {  	[sflag:s13] =	ssyncset.done $0x0  }
0x575: {  	s5 =	simm.s32 $0x0;
	[sflag:s13] =	ssyncadd.s32 $0xFFFFFBF0  }
0x576: {  	s6 =	simm.s32 $0x40;
	v0 =	vld [tilespmem:s5+$0x0]  }
.LBB2_102:
0x577: {  	p0 =	sne.s32 s6, $0x1000;
	v1 =	vld [tilespmem:s5+$0x410];
	_ =	sdelay $0x1  }
.Ltmp50:
0x578: {  	(pc) =	sbr.rel @p0 .LBB2_102-.Ltmp50, $3  }
0x579: {  	_ =	sdelay $0x1  }
0x57a: {  	s7 =	sshra.s32 s6, $0x2;
	v1 =	vadd.s32 v1, v0  }
0x57b: {  	s6 =	sadd.s32 $0x40, s6;
	v0 =	vld [tilespmem:s7+$0x0];
	[tilespmem:s5+$0x410] =	vst v1;
	s5 =	smov.u32 s7  }
0x57c: {  	v1 =	vld [tilespmem:s5+$0x410];
	_ =	sdelay $0x4  }
0x57d: {  	v0 =	vadd.s32 v1, v0  }
0x57e: {  	[tilespmem:s5+$0x410] =	vst v0  }
0x57f: {  	_ =	swait.ge [sflag:s26], $0x4100  }
0x580: {  	[sflag:s26] =	ssyncset.done $0x0  }
0x581: {  	[sflag:s26] =	ssyncadd.s32 $0xFFFFBF00  }
0x582: {  	[tilespmem:s15], [sflag:$0x1] =	stream.indirect.gather [hbm4b:s10+s14], $0x10, s14, s14, $0xb8;
	[tilespmem:$0x15D60] =	vst v63  }
0x583: {  	_ =	swait.ge [sflag:s28], $0x4100  }
0x584: {  	s6 =	sld [smem:$0x7EE]  }
0x585: {  	[sflag:s28] =	ssyncset.done $0x0  }
0x586: {  	s5 =	simm.s32 $0x0;
	s7 =	sld [smem:$0x78D];
	[sflag:s28] =	ssyncadd.s32 $0xFFFFBF00  }
0x587: {  	[hbm4b:s6+s5] =	stream.linear.scatter [tilespmem:s19], [sflag:$0x8], $0x4100, $0x38;
	[tilespmem:$0x15D60] =	vst v63  }
0x588: {  	_ = 	snop  }
0x589: {  	[tilespmem:s16], [sflag:$0xB] =	stream.linear.gather [hbm4b:s7+s5], $0x410, $0x38;
	[tilespmem:$0x15D60] =	vst v63  }
0x58a: {  	_ =	swait.ge [sflag:s13], $0x410  }
0x58b: {  	[sflag:s13] =	ssyncset.done $0x0  }
0x58c: {  	s5 =	simm.s32 $0x0;
	[sflag:s13] =	ssyncadd.s32 $0xFFFFFBF0  }
0x58d: {  	s6 =	simm.s32 $0x40;
	v0 =	vld [tilespmem:s5+$0x0]  }
.LBB2_104:
0x58e: {  	p0 =	sne.s32 s6, $0x1000;
	v1 =	vld [tilespmem:s5+$0x820];
	_ =	sdelay $0x1  }
.Ltmp51:
0x58f: {  	(pc) =	sbr.rel @p0 .LBB2_104-.Ltmp51, $3  }
0x590: {  	_ =	sdelay $0x1  }
0x591: {  	s7 =	sshra.s32 s6, $0x2;
	v1 =	vadd.s32 v1, v0  }
0x592: {  	s6 =	sadd.s32 $0x40, s6;
	v0 =	vld [tilespmem:s7+$0x0];
	[tilespmem:s5+$0x820] =	vst v1;
	s5 =	smov.u32 s7  }
0x593: {  	v1 =	vld [tilespmem:s5+$0x820];
	_ =	sdelay $0x4  }
0x594: {  	v0 =	vadd.s32 v1, v0  }
0x595: {  	[tilespmem:s5+$0x820] =	vst v0  }
0x596: {  	_ =	swait.ge [sflag:s29], $0x4100  }
0x597: {  	[sflag:s29] =	ssyncset.done $0x0  }
0x598: {  	[sflag:s29] =	ssyncadd.s32 $0xFFFFBF00  }
0x599: {  	[tilespmem:s17], [sflag:$0x2] =	stream.indirect.gather [hbm4b:s10+s14], $0x10, s16, s14, $0xb8;
	[tilespmem:$0x15D60] =	vst v63  }
0x59a: {  	_ =	swait.ge [sflag:s30], $0x4100  }
0x59b: {  	s6 =	sld [smem:$0x7EF]  }
0x59c: {  	[sflag:s30] =	ssyncset.done $0x0  }
0x59d: {  	s5 =	simm.s32 $0x0;
	s7 =	sld [smem:$0x78E];
	[sflag:s30] =	ssyncadd.s32 $0xFFFFBF00  }
0x59e: {  	[hbm4b:s6+s5] =	stream.linear.scatter [tilespmem:s21], [sflag:$0x9], $0x4100, $0x38;
	[tilespmem:$0x15D60] =	vst v63  }
0x59f: {  	_ = 	snop  }
0x5a0: {  	[tilespmem:s18], [sflag:$0xB] =	stream.linear.gather [hbm4b:s7+s5], $0x410, $0x38;
	[tilespmem:$0x15D60] =	vst v63  }
0x5a1: {  	_ =	swait.ge [sflag:s13], $0x410  }
0x5a2: {  	[sflag:s13] =	ssyncset.done $0x0  }
0x5a3: {  	s5 =	simm.s32 $0x0;
	[sflag:s13] =	ssyncadd.s32 $0xFFFFFBF0  }
0x5a4: {  	s6 =	simm.s32 $0x40;
	v0 =	vld [tilespmem:s5+$0x0]  }
.LBB2_106:
0x5a5: {  	p0 =	sne.s32 s6, $0x1000;
	v1 =	vld [tilespmem:s5+$0xC30];
	_ =	sdelay $0x1  }
.Ltmp52:
0x5a6: {  	(pc) =	sbr.rel @p0 .LBB2_106-.Ltmp52, $3  }
0x5a7: {  	_ =	sdelay $0x1  }
0x5a8: {  	s7 =	sshra.s32 s6, $0x2;
	v1 =	vadd.s32 v1, v0  }
0x5a9: {  	s6 =	sadd.s32 $0x40, s6;
	v0 =	vld [tilespmem:s7+$0x0];
	[tilespmem:s5+$0xC30] =	vst v1;
	s5 =	smov.u32 s7  }
0x5aa: {  	v1 =	vld [tilespmem:s5+$0xC30];
	_ =	sdelay $0x4  }
0x5ab: {  	v0 =	vadd.s32 v1, v0  }
0x5ac: {  	[tilespmem:s5+$0xC30] =	vst v0  }
0x5ad: {  	_ =	swait.ge [sflag:s31], $0x4100  }
0x5ae: {  	[sflag:s31] =	ssyncset.done $0x0  }
0x5af: {  	[sflag:s31] =	ssyncadd.s32 $0xFFFFBF00  }
0x5b0: {  	[tilespmem:s19], [sflag:$0x3] =	stream.indirect.gather [hbm4b:s10+s14], $0x10, s18, s14, $0xb8;
	[tilespmem:$0x15D60] =	vst v63  }
0x5b1: {  	_ =	swait.ge [sflag:s0], $0x4100  }
0x5b2: {  	s6 =	sld [smem:$0x7F0]  }
0x5b3: {  	[sflag:s0] =	ssyncset.done $0x0  }
0x5b4: {  	s5 =	simm.s32 $0x0;
	s7 =	sld [smem:$0x78F];
	[sflag:s0] =	ssyncadd.s32 $0xFFFFBF00  }
0x5b5: {  	[hbm4b:s6+s5] =	stream.linear.scatter [tilespmem:s24], [sflag:$0xA], $0x4100, $0x38;
	[tilespmem:$0x15D60] =	vst v63  }
0x5b6: {  	_ = 	snop  }
0x5b7: {  	[tilespmem:s20], [sflag:$0xB] =	stream.linear.gather [hbm4b:s7+s5], $0x410, $0x38;
	[tilespmem:$0x15D60] =	vst v63  }
0x5b8: {  	_ =	swait.ge [sflag:s13], $0x410  }
0x5b9: {  	[sflag:s13] =	ssyncset.done $0x0  }
0x5ba: {  	s5 =	simm.s32 $0x0;
	[sflag:s13] =	ssyncadd.s32 $0xFFFFFBF0  }
0x5bb: {  	s6 =	simm.s32 $0x40;
	v0 =	vld [tilespmem:s5+$0x0]  }
.LBB2_108:
0x5bc: {  	p0 =	sne.s32 s6, $0x1000;
	v1 =	vld [tilespmem:s5+$0x1040];
	_ =	sdelay $0x1  }
.Ltmp53:
0x5bd: {  	(pc) =	sbr.rel @p0 .LBB2_108-.Ltmp53, $3  }
0x5be: {  	_ =	sdelay $0x1  }
0x5bf: {  	s7 =	sshra.s32 s6, $0x2;
	v1 =	vadd.s32 v1, v0  }
0x5c0: {  	s6 =	sadd.s32 $0x40, s6;
	v0 =	vld [tilespmem:s7+$0x0];
	[tilespmem:s5+$0x1040] =	vst v1;
	s5 =	smov.u32 s7  }
0x5c1: {  	v1 =	vld [tilespmem:s5+$0x1040];
	_ =	sdelay $0x4  }
0x5c2: {  	v0 =	vadd.s32 v1, v0  }
0x5c3: {  	[tilespmem:s5+$0x1040] =	vst v0  }
0x5c4: {  	_ =	swait.ge [sflag:s2], $0x4100  }
0x5c5: {  	[sflag:s2] =	ssyncset.done $0x0  }
0x5c6: {  	[sflag:s2] =	ssyncadd.s32 $0xFFFFBF00  }
0x5c7: {  	[tilespmem:s21], [sflag:$0x4] =	stream.indirect.gather [hbm4b:s10+s14], $0x10, s20, s14, $0xb8;
	[tilespmem:$0x15D60] =	vst v63  }
0x5c8: {  	_ =	swait.ge [sflag:s22], $0x4100  }
0x5c9: {  	s6 =	sld [smem:$0x7F1]  }
0x5ca: {  	[sflag:s22] =	ssyncset.done $0x0  }
0x5cb: {  	s5 =	simm.s32 $0x0;
	s7 =	sld [smem:$0x790];
	[sflag:s22] =	ssyncadd.s32 $0xFFFFBF00  }
0x5cc: {  	[hbm4b:s6+s5] =	stream.linear.scatter [tilespmem:s15], [sflag:$0x6], $0x4100, $0x38;
	[tilespmem:$0x15D60] =	vst v63  }
0x5cd: {  	_ = 	snop  }
0x5ce: {  	[tilespmem:s23], [sflag:$0xB] =	stream.linear.gather [hbm4b:s7+s5], $0x410, $0x38;
	[tilespmem:$0x15D60] =	vst v63  }
0x5cf: {  	_ =	swait.ge [sflag:s13], $0x410  }
0x5d0: {  	[sflag:s13] =	ssyncset.done $0x0  }
0x5d1: {  	s5 =	simm.s32 $0x0;
	[sflag:s13] =	ssyncadd.s32 $0xFFFFFBF0  }
0x5d2: {  	s6 =	simm.s32 $0x40;
	v0 =	vld [tilespmem:s5+$0x0]  }
.LBB2_110:
0x5d3: {  	p0 =	sne.s32 s6, $0x1000;
	v1 =	vld [tilespmem:s5+$0x1450];
	_ =	sdelay $0x1  }
.Ltmp54:
0x5d4: {  	(pc) =	sbr.rel @p0 .LBB2_110-.Ltmp54, $3  }
0x5d5: {  	_ =	sdelay $0x1  }
0x5d6: {  	s7 =	sshra.s32 s6, $0x2;
	v1 =	vadd.s32 v1, v0  }
0x5d7: {  	s6 =	sadd.s32 $0x40, s6;
	v0 =	vld [tilespmem:s7+$0x0];
	[tilespmem:s5+$0x1450] =	vst v1;
	s5 =	smov.u32 s7  }
0x5d8: {  	v1 =	vld [tilespmem:s5+$0x1450];
	_ =	sdelay $0x4  }
0x5d9: {  	v0 =	vadd.s32 v1, v0  }
0x5da: {  	[tilespmem:s5+$0x1450] =	vst v0  }
0x5db: {  	_ =	swait.ge [sflag:s3], $0x4100  }
0x5dc: {  	[sflag:s3] =	ssyncset.done $0x0  }
0x5dd: {  	[sflag:s3] =	ssyncadd.s32 $0xFFFFBF00  }
0x5de: {  	[tilespmem:s24], [sflag:$0x5] =	stream.indirect.gather [hbm4b:s10+s14], $0x10, s23, s14, $0xb8;
	[tilespmem:$0x15D60] =	vst v63  }
0x5df: {  	_ =	swait.ge [sflag:s25], $0x4100  }
0x5e0: {  	s6 =	sld [smem:$0x7F2]  }
0x5e1: {  	[sflag:s25] =	ssyncset.done $0x0  }
0x5e2: {  	s5 =	simm.s32 $0x0;
	s7 =	sld [smem:$0x791];
	[sflag:s25] =	ssyncadd.s32 $0xFFFFBF00  }
0x5e3: {  	[hbm4b:s6+s5] =	stream.linear.scatter [tilespmem:s17], [sflag:$0x7], $0x4100, $0x38;
	[tilespmem:$0x15D60] =	vst v63  }
0x5e4: {  	_ = 	snop  }
0x5e5: {  	[tilespmem:s14], [sflag:$0xB] =	stream.linear.gather [hbm4b:s7+s5], $0x410, $0x38;
	[tilespmem:$0x15D60] =	vst v63  }
0x5e6: {  	_ =	swait.ge [sflag:s13], $0x410  }
0x5e7: {  	[sflag:s13] =	ssyncset.done $0x0  }
0x5e8: {  	s5 =	simm.s32 $0x0;
	[sflag:s13] =	ssyncadd.s32 $0xFFFFFBF0  }
0x5e9: {  	s6 =	simm.s32 $0x40;
	v0 =	vld [tilespmem:s5+$0x0]  }
.LBB2_112:
0x5ea: {  	p0 =	sne.s32 s6, $0x1000;
	v1 =	vld [tilespmem:s5+$0x410];
	_ =	sdelay $0x1  }
.Ltmp55:
0x5eb: {  	(pc) =	sbr.rel @p0 .LBB2_112-.Ltmp55, $3  }
0x5ec: {  	_ =	sdelay $0x1  }
0x5ed: {  	s7 =	sshra.s32 s6, $0x2;
	v1 =	vadd.s32 v1, v0  }
0x5ee: {  	s6 =	sadd.s32 $0x40, s6;
	v0 =	vld [tilespmem:s7+$0x0];
	[tilespmem:s5+$0x410] =	vst v1;
	s5 =	smov.u32 s7  }
0x5ef: {  	v1 =	vld [tilespmem:s5+$0x410];
	_ =	sdelay $0x4  }
0x5f0: {  	v0 =	vadd.s32 v1, v0  }
0x5f1: {  	[tilespmem:s5+$0x410] =	vst v0  }
0x5f2: {  	_ =	swait.ge [sflag:s26], $0x4100  }
0x5f3: {  	[sflag:s26] =	ssyncset.done $0x0  }
0x5f4: {  	[sflag:s26] =	ssyncadd.s32 $0xFFFFBF00  }
0x5f5: {  	[tilespmem:s15], [sflag:$0x1] =	stream.indirect.gather [hbm4b:s10+s14], $0x10, s14, s14, $0xb8;
	[tilespmem:$0x15D60] =	vst v63  }
0x5f6: {  	_ =	swait.ge [sflag:s28], $0x4100  }
0x5f7: {  	s6 =	sld [smem:$0x7F3]  }
0x5f8: {  	[sflag:s28] =	ssyncset.done $0x0  }
0x5f9: {  	s5 =	simm.s32 $0x0;
	s7 =	sld [smem:$0x792];
	[sflag:s28] =	ssyncadd.s32 $0xFFFFBF00  }
0x5fa: {  	[hbm4b:s6+s5] =	stream.linear.scatter [tilespmem:s19], [sflag:$0x8], $0x4100, $0x38;
	[tilespmem:$0x15D60] =	vst v63  }
0x5fb: {  	_ = 	snop  }
0x5fc: {  	[tilespmem:s16], [sflag:$0xB] =	stream.linear.gather [hbm4b:s7+s5], $0x410, $0x38;
	[tilespmem:$0x15D60] =	vst v63  }
0x5fd: {  	_ =	swait.ge [sflag:s13], $0x410  }
0x5fe: {  	[sflag:s13] =	ssyncset.done $0x0  }
0x5ff: {  	s5 =	simm.s32 $0x0;
	[sflag:s13] =	ssyncadd.s32 $0xFFFFFBF0  }
0x600: {  	s6 =	simm.s32 $0x40;
	v0 =	vld [tilespmem:s5+$0x0]  }
.LBB2_114:
0x601: {  	p0 =	sne.s32 s6, $0x1000;
	v1 =	vld [tilespmem:s5+$0x820];
	_ =	sdelay $0x1  }
.Ltmp56:
0x602: {  	(pc) =	sbr.rel @p0 .LBB2_114-.Ltmp56, $3  }
0x603: {  	_ =	sdelay $0x1  }
0x604: {  	s7 =	sshra.s32 s6, $0x2;
	v1 =	vadd.s32 v1, v0  }
0x605: {  	s6 =	sadd.s32 $0x40, s6;
	v0 =	vld [tilespmem:s7+$0x0];
	[tilespmem:s5+$0x820] =	vst v1;
	s5 =	smov.u32 s7  }
0x606: {  	v1 =	vld [tilespmem:s5+$0x820];
	_ =	sdelay $0x4  }
0x607: {  	v0 =	vadd.s32 v1, v0  }
0x608: {  	[tilespmem:s5+$0x820] =	vst v0  }
0x609: {  	_ =	swait.ge [sflag:s29], $0x4100  }
0x60a: {  	[sflag:s29] =	ssyncset.done $0x0  }
0x60b: {  	[sflag:s29] =	ssyncadd.s32 $0xFFFFBF00  }
0x60c: {  	[tilespmem:s17], [sflag:$0x2] =	stream.indirect.gather [hbm4b:s10+s14], $0x10, s16, s14, $0xb8;
	[tilespmem:$0x15D60] =	vst v63  }
0x60d: {  	_ =	swait.ge [sflag:s30], $0x4100  }
0x60e: {  	s6 =	sld [smem:$0x7F4]  }
0x60f: {  	[sflag:s30] =	ssyncset.done $0x0  }
0x610: {  	s5 =	simm.s32 $0x0;
	s7 =	sld [smem:$0x793];
	[sflag:s30] =	ssyncadd.s32 $0xFFFFBF00  }
0x611: {  	[hbm4b:s6+s5] =	stream.linear.scatter [tilespmem:s21], [sflag:$0x9], $0x4100, $0x38;
	[tilespmem:$0x15D60] =	vst v63  }
0x612: {  	_ = 	snop  }
0x613: {  	[tilespmem:s18], [sflag:$0xB] =	stream.linear.gather [hbm4b:s7+s5], $0x410, $0x38;
	[tilespmem:$0x15D60] =	vst v63  }
0x614: {  	_ =	swait.ge [sflag:s13], $0x410  }
0x615: {  	[sflag:s13] =	ssyncset.done $0x0  }
0x616: {  	s5 =	simm.s32 $0x0;
	[sflag:s13] =	ssyncadd.s32 $0xFFFFFBF0  }
0x617: {  	s6 =	simm.s32 $0x40;
	v0 =	vld [tilespmem:s5+$0x0]  }
.LBB2_116:
0x618: {  	p0 =	sne.s32 s6, $0x1000;
	v1 =	vld [tilespmem:s5+$0xC30];
	_ =	sdelay $0x1  }
.Ltmp57:
0x619: {  	(pc) =	sbr.rel @p0 .LBB2_116-.Ltmp57, $3  }
0x61a: {  	_ =	sdelay $0x1  }
0x61b: {  	s7 =	sshra.s32 s6, $0x2;
	v1 =	vadd.s32 v1, v0  }
0x61c: {  	s6 =	sadd.s32 $0x40, s6;
	v0 =	vld [tilespmem:s7+$0x0];
	[tilespmem:s5+$0xC30] =	vst v1;
	s5 =	smov.u32 s7  }
0x61d: {  	v1 =	vld [tilespmem:s5+$0xC30];
	_ =	sdelay $0x4  }
0x61e: {  	v0 =	vadd.s32 v1, v0  }
0x61f: {  	[tilespmem:s5+$0xC30] =	vst v0  }
0x620: {  	_ =	swait.ge [sflag:s31], $0x4100  }
0x621: {  	[sflag:s31] =	ssyncset.done $0x0  }
0x622: {  	[sflag:s31] =	ssyncadd.s32 $0xFFFFBF00  }
0x623: {  	[tilespmem:s19], [sflag:$0x3] =	stream.indirect.gather [hbm4b:s10+s14], $0x10, s18, s14, $0xb8;
	[tilespmem:$0x15D60] =	vst v63  }
0x624: {  	_ =	swait.ge [sflag:s0], $0x4100  }
0x625: {  	s6 =	sld [smem:$0x7F5]  }
0x626: {  	[sflag:s0] =	ssyncset.done $0x0  }
0x627: {  	s5 =	simm.s32 $0x0;
	s7 =	sld [smem:$0x794];
	[sflag:s0] =	ssyncadd.s32 $0xFFFFBF00  }
0x628: {  	[hbm4b:s6+s5] =	stream.linear.scatter [tilespmem:s24], [sflag:$0xA], $0x4100, $0x38;
	[tilespmem:$0x15D60] =	vst v63  }
0x629: {  	_ = 	snop  }
0x62a: {  	[tilespmem:s20], [sflag:$0xB] =	stream.linear.gather [hbm4b:s7+s5], $0x410, $0x38;
	[tilespmem:$0x15D60] =	vst v63  }
0x62b: {  	_ =	swait.ge [sflag:s13], $0x410  }
0x62c: {  	[sflag:s13] =	ssyncset.done $0x0  }
0x62d: {  	s5 =	simm.s32 $0x0;
	[sflag:s13] =	ssyncadd.s32 $0xFFFFFBF0  }
0x62e: {  	s6 =	simm.s32 $0x40;
	v0 =	vld [tilespmem:s5+$0x0]  }
.LBB2_118:
0x62f: {  	p0 =	sne.s32 s6, $0x1000;
	v1 =	vld [tilespmem:s5+$0x1040];
	_ =	sdelay $0x1  }
.Ltmp58:
0x630: {  	(pc) =	sbr.rel @p0 .LBB2_118-.Ltmp58, $3  }
0x631: {  	_ =	sdelay $0x1  }
0x632: {  	s7 =	sshra.s32 s6, $0x2;
	v1 =	vadd.s32 v1, v0  }
0x633: {  	s6 =	sadd.s32 $0x40, s6;
	v0 =	vld [tilespmem:s7+$0x0];
	[tilespmem:s5+$0x1040] =	vst v1;
	s5 =	smov.u32 s7  }
0x634: {  	v1 =	vld [tilespmem:s5+$0x1040];
	_ =	sdelay $0x4  }
0x635: {  	v0 =	vadd.s32 v1, v0  }
0x636: {  	[tilespmem:s5+$0x1040] =	vst v0  }
0x637: {  	_ =	swait.ge [sflag:s2], $0x4100  }
0x638: {  	[sflag:s2] =	ssyncset.done $0x0  }
0x639: {  	[sflag:s2] =	ssyncadd.s32 $0xFFFFBF00  }
0x63a: {  	[tilespmem:s21], [sflag:$0x4] =	stream.indirect.gather [hbm4b:s10+s14], $0x10, s20, s14, $0xb8;
	[tilespmem:$0x15D60] =	vst v63  }
0x63b: {  	_ =	swait.ge [sflag:s22], $0x4100  }
0x63c: {  	s6 =	sld [smem:$0x7F6]  }
0x63d: {  	[sflag:s22] =	ssyncset.done $0x0  }
0x63e: {  	s5 =	simm.s32 $0x0;
	s7 =	sld [smem:$0x795];
	[sflag:s22] =	ssyncadd.s32 $0xFFFFBF00  }
0x63f: {  	[hbm4b:s6+s5] =	stream.linear.scatter [tilespmem:s15], [sflag:$0x6], $0x4100, $0x38;
	[tilespmem:$0x15D60] =	vst v63  }
0x640: {  	_ = 	snop  }
0x641: {  	[tilespmem:s23], [sflag:$0xB] =	stream.linear.gather [hbm4b:s7+s5], $0x410, $0x38;
	[tilespmem:$0x15D60] =	vst v63  }
0x642: {  	_ =	swait.ge [sflag:s13], $0x410  }
0x643: {  	[sflag:s13] =	ssyncset.done $0x0  }
0x644: {  	s5 =	simm.s32 $0x0;
	[sflag:s13] =	ssyncadd.s32 $0xFFFFFBF0  }
0x645: {  	s6 =	simm.s32 $0x40;
	v0 =	vld [tilespmem:s5+$0x0]  }
.LBB2_120:
0x646: {  	p0 =	sne.s32 s6, $0x1000;
	v1 =	vld [tilespmem:s5+$0x1450];
	_ =	sdelay $0x1  }
.Ltmp59:
0x647: {  	(pc) =	sbr.rel @p0 .LBB2_120-.Ltmp59, $3  }
0x648: {  	_ =	sdelay $0x1  }
0x649: {  	s7 =	sshra.s32 s6, $0x2;
	v1 =	vadd.s32 v1, v0  }
0x64a: {  	s6 =	sadd.s32 $0x40, s6;
	v0 =	vld [tilespmem:s7+$0x0];
	[tilespmem:s5+$0x1450] =	vst v1;
	s5 =	smov.u32 s7  }
0x64b: {  	v1 =	vld [tilespmem:s5+$0x1450];
	_ =	sdelay $0x4  }
0x64c: {  	v0 =	vadd.s32 v1, v0  }
0x64d: {  	[tilespmem:s5+$0x1450] =	vst v0  }
0x64e: {  	_ =	swait.ge [sflag:s3], $0x4100  }
0x64f: {  	[sflag:s3] =	ssyncset.done $0x0  }
0x650: {  	[sflag:s3] =	ssyncadd.s32 $0xFFFFBF00  }
0x651: {  	[tilespmem:s24], [sflag:$0x5] =	stream.indirect.gather [hbm4b:s10+s14], $0x10, s23, s14, $0xb8;
	[tilespmem:$0x15D60] =	vst v63  }
0x652: {  	_ =	swait.ge [sflag:s25], $0x4100  }
0x653: {  	s6 =	sld [smem:$0x7F7]  }
0x654: {  	[sflag:s25] =	ssyncset.done $0x0  }
0x655: {  	s5 =	simm.s32 $0x0;
	s7 =	sld [smem:$0x796];
	[sflag:s25] =	ssyncadd.s32 $0xFFFFBF00  }
0x656: {  	[hbm4b:s6+s5] =	stream.linear.scatter [tilespmem:s17], [sflag:$0x7], $0x4100, $0x38;
	[tilespmem:$0x15D60] =	vst v63  }
0x657: {  	_ = 	snop  }
0x658: {  	[tilespmem:s14], [sflag:$0xB] =	stream.linear.gather [hbm4b:s7+s5], $0x410, $0x38;
	[tilespmem:$0x15D60] =	vst v63  }
0x659: {  	_ =	swait.ge [sflag:s13], $0x410  }
0x65a: {  	[sflag:s13] =	ssyncset.done $0x0  }
0x65b: {  	s5 =	simm.s32 $0x0;
	[sflag:s13] =	ssyncadd.s32 $0xFFFFFBF0  }
0x65c: {  	s6 =	simm.s32 $0x40;
	v0 =	vld [tilespmem:s5+$0x0]  }
.LBB2_122:
0x65d: {  	p0 =	sne.s32 s6, $0x1000;
	v1 =	vld [tilespmem:s5+$0x410];
	_ =	sdelay $0x1  }
.Ltmp60:
0x65e: {  	(pc) =	sbr.rel @p0 .LBB2_122-.Ltmp60, $3  }
0x65f: {  	_ =	sdelay $0x1  }
0x660: {  	s7 =	sshra.s32 s6, $0x2;
	v1 =	vadd.s32 v1, v0  }
0x661: {  	s6 =	sadd.s32 $0x40, s6;
	v0 =	vld [tilespmem:s7+$0x0];
	[tilespmem:s5+$0x410] =	vst v1;
	s5 =	smov.u32 s7  }
0x662: {  	v1 =	vld [tilespmem:s5+$0x410];
	_ =	sdelay $0x4  }
0x663: {  	v0 =	vadd.s32 v1, v0  }
0x664: {  	[tilespmem:s5+$0x410] =	vst v0  }
0x665: {  	_ =	swait.ge [sflag:s26], $0x4100  }
0x666: {  	[sflag:s26] =	ssyncset.done $0x0  }
0x667: {  	[sflag:s26] =	ssyncadd.s32 $0xFFFFBF00  }
0x668: {  	[tilespmem:s15], [sflag:$0x1] =	stream.indirect.gather [hbm4b:s10+s14], $0x10, s14, s14, $0xb8;
	[tilespmem:$0x15D60] =	vst v63  }
0x669: {  	_ =	swait.ge [sflag:s28], $0x4100  }
0x66a: {  	s6 =	sld [smem:$0x7F8]  }
0x66b: {  	[sflag:s28] =	ssyncset.done $0x0  }
0x66c: {  	s5 =	simm.s32 $0x0;
	s7 =	sld [smem:$0x797];
	[sflag:s28] =	ssyncadd.s32 $0xFFFFBF00  }
0x66d: {  	[hbm4b:s6+s5] =	stream.linear.scatter [tilespmem:s19], [sflag:$0x8], $0x4100, $0x38;
	[tilespmem:$0x15D60] =	vst v63  }
0x66e: {  	_ = 	snop  }
0x66f: {  	[tilespmem:s16], [sflag:$0xB] =	stream.linear.gather [hbm4b:s7+s5], $0x410, $0x38;
	[tilespmem:$0x15D60] =	vst v63  }
0x670: {  	_ =	swait.ge [sflag:s13], $0x410  }
0x671: {  	[sflag:s13] =	ssyncset.done $0x0  }
0x672: {  	s5 =	simm.s32 $0x0;
	[sflag:s13] =	ssyncadd.s32 $0xFFFFFBF0  }
0x673: {  	s6 =	simm.s32 $0x40;
	v0 =	vld [tilespmem:s5+$0x0]  }
.LBB2_124:
0x674: {  	p0 =	sne.s32 s6, $0x1000;
	v1 =	vld [tilespmem:s5+$0x820];
	_ =	sdelay $0x1  }
.Ltmp61:
0x675: {  	(pc) =	sbr.rel @p0 .LBB2_124-.Ltmp61, $3  }
0x676: {  	_ =	sdelay $0x1  }
0x677: {  	s7 =	sshra.s32 s6, $0x2;
	v1 =	vadd.s32 v1, v0  }
0x678: {  	s6 =	sadd.s32 $0x40, s6;
	v0 =	vld [tilespmem:s7+$0x0];
	[tilespmem:s5+$0x820] =	vst v1;
	s5 =	smov.u32 s7  }
0x679: {  	v1 =	vld [tilespmem:s5+$0x820];
	_ =	sdelay $0x4  }
0x67a: {  	v0 =	vadd.s32 v1, v0  }
0x67b: {  	[tilespmem:s5+$0x820] =	vst v0  }
0x67c: {  	_ =	swait.ge [sflag:s29], $0x4100  }
0x67d: {  	[sflag:s29] =	ssyncset.done $0x0  }
0x67e: {  	[sflag:s29] =	ssyncadd.s32 $0xFFFFBF00  }
0x67f: {  	[tilespmem:s17], [sflag:$0x2] =	stream.indirect.gather [hbm4b:s10+s14], $0x10, s16, s14, $0xb8;
	[tilespmem:$0x15D60] =	vst v63  }
0x680: {  	_ =	swait.ge [sflag:s30], $0x4100  }
0x681: {  	s6 =	sld [smem:$0x7F9]  }
0x682: {  	[sflag:s30] =	ssyncset.done $0x0  }
0x683: {  	s5 =	simm.s32 $0x0;
	s7 =	sld [smem:$0x798];
	[sflag:s30] =	ssyncadd.s32 $0xFFFFBF00  }
0x684: {  	[hbm4b:s6+s5] =	stream.linear.scatter [tilespmem:s21], [sflag:$0x9], $0x4100, $0x38;
	[tilespmem:$0x15D60] =	vst v63  }
0x685: {  	_ = 	snop  }
0x686: {  	[tilespmem:s18], [sflag:$0xB] =	stream.linear.gather [hbm4b:s7+s5], $0x410, $0x38;
	[tilespmem:$0x15D60] =	vst v63  }
0x687: {  	_ =	swait.ge [sflag:s13], $0x410  }
0x688: {  	[sflag:s13] =	ssyncset.done $0x0  }
0x689: {  	s5 =	simm.s32 $0x0;
	[sflag:s13] =	ssyncadd.s32 $0xFFFFFBF0  }
0x68a: {  	s6 =	simm.s32 $0x40;
	v0 =	vld [tilespmem:s5+$0x0]  }
.LBB2_126:
0x68b: {  	p0 =	sne.s32 s6, $0x1000;
	v1 =	vld [tilespmem:s5+$0xC30];
	_ =	sdelay $0x1  }
.Ltmp62:
0x68c: {  	(pc) =	sbr.rel @p0 .LBB2_126-.Ltmp62, $3  }
0x68d: {  	_ =	sdelay $0x1  }
0x68e: {  	s7 =	sshra.s32 s6, $0x2;
	v1 =	vadd.s32 v1, v0  }
0x68f: {  	s6 =	sadd.s32 $0x40, s6;
	v0 =	vld [tilespmem:s7+$0x0];
	[tilespmem:s5+$0xC30] =	vst v1;
	s5 =	smov.u32 s7  }
0x690: {  	v1 =	vld [tilespmem:s5+$0xC30];
	_ =	sdelay $0x4  }
0x691: {  	v0 =	vadd.s32 v1, v0  }
0x692: {  	[tilespmem:s5+$0xC30] =	vst v0  }
0x693: {  	_ =	swait.ge [sflag:s31], $0x4100  }
0x694: {  	[sflag:s31] =	ssyncset.done $0x0  }
0x695: {  	[sflag:s31] =	ssyncadd.s32 $0xFFFFBF00  }
0x696: {  	[tilespmem:s19], [sflag:$0x3] =	stream.indirect.gather [hbm4b:s10+s14], $0x10, s18, s14, $0xb8;
	[tilespmem:$0x15D60] =	vst v63  }
0x697: {  	_ =	swait.ge [sflag:s0], $0x4100  }
0x698: {  	s6 =	sld [smem:$0x7FA]  }
0x699: {  	[sflag:s0] =	ssyncset.done $0x0  }
0x69a: {  	s5 =	simm.s32 $0x0;
	s7 =	sld [smem:$0x799];
	[sflag:s0] =	ssyncadd.s32 $0xFFFFBF00  }
0x69b: {  	[hbm4b:s6+s5] =	stream.linear.scatter [tilespmem:s24], [sflag:$0xA], $0x4100, $0x38;
	[tilespmem:$0x15D60] =	vst v63  }
0x69c: {  	_ = 	snop  }
0x69d: {  	[tilespmem:s20], [sflag:$0xB] =	stream.linear.gather [hbm4b:s7+s5], $0x410, $0x38;
	[tilespmem:$0x15D60] =	vst v63  }
0x69e: {  	_ =	swait.ge [sflag:s13], $0x410  }
0x69f: {  	[sflag:s13] =	ssyncset.done $0x0  }
0x6a0: {  	s5 =	simm.s32 $0x0;
	[sflag:s13] =	ssyncadd.s32 $0xFFFFFBF0  }
0x6a1: {  	s6 =	simm.s32 $0x40;
	v0 =	vld [tilespmem:s5+$0x0]  }
.LBB2_128:
0x6a2: {  	p0 =	sne.s32 s6, $0x1000;
	v1 =	vld [tilespmem:s5+$0x1040];
	_ =	sdelay $0x1  }
.Ltmp63:
0x6a3: {  	(pc) =	sbr.rel @p0 .LBB2_128-.Ltmp63, $3  }
0x6a4: {  	_ =	sdelay $0x1  }
0x6a5: {  	s7 =	sshra.s32 s6, $0x2;
	v1 =	vadd.s32 v1, v0  }
0x6a6: {  	s6 =	sadd.s32 $0x40, s6;
	v0 =	vld [tilespmem:s7+$0x0];
	[tilespmem:s5+$0x1040] =	vst v1;
	s5 =	smov.u32 s7  }
0x6a7: {  	v1 =	vld [tilespmem:s5+$0x1040];
	_ =	sdelay $0x4  }
0x6a8: {  	v0 =	vadd.s32 v1, v0  }
0x6a9: {  	[tilespmem:s5+$0x1040] =	vst v0  }
0x6aa: {  	_ =	swait.ge [sflag:s2], $0x4100  }
0x6ab: {  	[sflag:s2] =	ssyncset.done $0x0  }
0x6ac: {  	[sflag:s2] =	ssyncadd.s32 $0xFFFFBF00  }
0x6ad: {  	[tilespmem:s21], [sflag:$0x4] =	stream.indirect.gather [hbm4b:s10+s14], $0x10, s20, s14, $0xb8;
	[tilespmem:$0x15D60] =	vst v63  }
0x6ae: {  	_ =	swait.ge [sflag:s22], $0x4100  }
0x6af: {  	s6 =	sld [smem:$0x7FB]  }
0x6b0: {  	[sflag:s22] =	ssyncset.done $0x0  }
0x6b1: {  	[sflag:s22] =	ssyncadd.s32 $0xFFFFBF00  }
0x6b2: {  	[hbm4b:s6+s12] =	stream.linear.scatter [tilespmem:s15], [sflag:$0x6], $0x4100, $0x38;
	[tilespmem:$0x15D60] =	vst v63  }
0x6b3: {  	_ =	swait.ge [sflag:s25], $0x4100  }
0x6b4: {  	s7 =	sld [smem:$0x7FC]  }
0x6b5: {  	[sflag:s25] =	ssyncset.done $0x0  }
0x6b6: {  	[sflag:s25] =	ssyncadd.s32 $0xFFFFBF00  }
0x6b7: {  	[hbm4b:s7+s12] =	stream.linear.scatter [tilespmem:s17], [sflag:$0x7], $0x4100, $0x38;
	[tilespmem:$0x15D60] =	vst v63  }
0x6b8: {  	_ =	swait.ge [sflag:s28], $0x4100  }
0x6b9: {  	[sflag:s28] =	ssyncset.done $0x0  }
0x6ba: {  	[sflag:s28] =	ssyncadd.s32 $0xFFFFBF00  }
0x6bb: {  	[hbm4b:s8+s12] =	stream.linear.scatter [tilespmem:s19], [sflag:$0x8], $0x4100, $0x38;
	[tilespmem:$0x15D60] =	vst v63  }
0x6bc: {  	_ =	swait.ge [sflag:s30], $0x4100  }
0x6bd: {  	[sflag:s30] =	ssyncset.done $0x0  }
0x6be: {  	[sflag:s30] =	ssyncadd.s32 $0xFFFFBF00  }
0x6bf: {  	[hbm4b:s9+s12] =	stream.linear.scatter [tilespmem:s21], [sflag:$0x9], $0x4100, $0x38;
	[tilespmem:$0x15D60] =	vst v63  }
0x6c0: {  	_ =	swait.ge [sflag:s26], $0x4100  }
0x6c1: {  	[sflag:s26] =	ssyncset.done $0x0  }
0x6c2: {  	[sflag:s26] =	ssyncadd.s32 $0xFFFFBF00  }
0x6c3: {  	_ =	swait.ge [sflag:s29], $0x4100  }
0x6c4: {  	[sflag:s29] =	ssyncset.done $0x0  }
0x6c5: {  	[sflag:s29] =	ssyncadd.s32 $0xFFFFBF00  }
0x6c6: {  	_ =	swait.ge [sflag:s31], $0x4100  }
0x6c7: {  	[sflag:s31] =	ssyncset.done $0x0  }
0x6c8: {  	s4 =	sadd.s32 $0x1, s4;
	[sflag:s31] =	ssyncadd.s32 $0xFFFFBF00  }
0x6c9: {  	p0 =	sne.s32 s4, s1;
	_ =	swait.ge [sflag:s2], $0x4100  }
.Ltmp64:
0x6ca: {  	[sflag:s2] =	ssyncset.done $0x0;
	(pc) =	sbr.rel @p0 .LBB2_1-.Ltmp64, $4  }
0x6cb: {  	[sflag:s2] =	ssyncadd.s32 $0xFFFFBF00  }
0x6cc: {  	_ =	swait.ge [sflag:s3], $0x4100  }
0x6cd: {  	[sflag:s3] =	ssyncset.done $0x0  }
0x6ce: {  	[sflag:s3] =	ssyncadd.s32 $0xFFFFBF00  }
0x6cf: {  	_ =	sfence.sel $0x180000  }
0x6d0: {  	[bflag:$0x0] =	sbarrier.arrive $0xFFFF  }
0x6d1: {  	_ =	strace $0x90000047  }
0x6d2: {  	s0 =	stileid.u32;
	[bflag:$0x2] =	sbarrier.arrive $0xFFFF  }
0x6d3: {  	p0 =	sne.s32 s0, $0x0;
	s0 =	rddreg [dreg:$0x2]  }
0x6d4: {  	s0 =	sadd.s32 @!p0 $0x100000, s0  }
0x6d5: {  	[sflag:s0] =	ssyncadd.tile.s32 @!p0 $0x1;
	_ =	shalt  }
.Lfunc_end2:
_tile_overlayer_lowered:
.L_overlay_start_2:
0x6d6: {  	(tag) =	ssettag $0x2  }
0x6d7: {  	s0 =	rddreg [dreg:$0x0];
	s2 =	stileid.u32  }
0x6d8: {  	s1 =	rddreg [dreg:$0x1];
	p0 =	sne.s32 s2, $0x0  }
0x6d9: {  	s3 =	rddreg [dreg:$0x2];
	[bflag:$0x3] =	sbarrier.arrive $0xFFFF;
	s2 =	simm.s32 @!p0 $0x1C0B  }
0x6da: {  	[timem:s3], [sflag:s2] =	dma.local @!p0 [hbm:s0], s1  }
0x6db: {  	s0 =	simm.s32 @!p0 $0xB  }
0x6dc: {  	_ =	swait.ge @!p0 [sflag:s0], s1  }
0x6dd: {  	s1 =	ssub.s32 @!p0 $0x0, s1;
	[sflag:s0] =	ssyncset.done @!p0 $0x0  }
0x6de: {  	[sflag:s0] =	ssyncadd.s32 @!p0 s1  }
0x6df: {  	[bflag:$0x3] =	sbarrier.arrive $0xFFFF  }
0x6e0: {  	_ =	shalt  }

// kernel: sparse-core-data-format-call.cloned.1.call-start
scs
called_computation_lowered:
.L_overlay_start_0:
0x0: {  	s2 =	sld [smem:$0x3FD9]  }
0x1: {  	s3 =	sld [smem:$0x3FFE];
	_ =	sdelay $0x1  }
0x2: {  	s1 =	srdreg.scid  }
0x3: {  	s0 =	sand.u32 $0x1, s1  }
0x4: {  	s18 =	sshll.u32 s0, $0xA;
	s2 =	sadd.s32 s3, s2  }
0x5: {  	s2 =	sadd.s32 s2, s18  }
0x6: {  	[smem:$0x3FC6] =	sst s2  }
0x7: {  	_ = 	snop  }
0x8: {  	s2 =	sld [smem:$0x3FD0];
	(tm) =	ssettm $0x1  }
0x9: {  	s19 =	sld [smem:$0x3FFB];
	_ =	sdelay $0x3  }
0xa: {  	_ =	strace s19  }
0xb: {  	s3 =	sld [smem:$0x3FFC];
	_ =	sdelay $0x3  }
0xc: {  	_ =	strace s3  }
0xd: {  	s3 =	sld [smem:$0x3FFD];
	_ =	sdelay $0x3  }
0xe: {  	_ =	strace s3  }
0xf: {  	_ =	strace $0x8FFFFFFF  }
0x10: {  	s20 =	sld [smem:$0x3FDB];
	_ =	sdelay $0x1  }
0x11: {  	s4 =	simm.s32 $_scs_section_size  }
0x12: {  	s5 =	simm.s32 $_size__tile_overlayer_lowered;
	s6 =	simm.s32 $_tile_overlayer_lowered  }
0x13: {  	s23 =	simm.s32 $0x1BFF;
	s22 =	sshll.u32 s6, $0x1;
	s3 =	sadd.s32 s4, s20  }
0x14: {  	s7 =	simm.s32 $0x0;
	s21 =	sshll.u32 s5, $0x1;
	s5 =	sadd.s32 s22, s3  }
0x15: {  	[timem:s7], [sflag:s23] =	dma.local [hbm:s5], s21  }
0x16: {  	_ =	swait.ge [sflag:s23], s21  }
0x17: {  	s4 =	ssub.s32 $0x0, s21;
	[sflag:s23] =	ssyncset.done $0x0  }
0x18: {  	[sflag:s23] =	ssyncadd.s32 s4;
	_ =	sdelay $0x1  }
0x19: {  	s24 =	simm.s32 $0x1B8B  }
0x1a: {  	_ =	swait.ge [sflag:s24], $0x1  }
0x1b: {  	[sflag:s24] =	ssyncset.done $0x0  }
0x1c: {  	s26 =	simm.s32 $0x1B8E;
	s25 =	sld [smem:$0x3FFE];
	[sflag:s24] =	ssyncadd.s32 $0xFFFFFFFF  }
0x1d: {  	s27 =	simm.s32 $execute0_lowered;
	[smem:$0x3FD2] =	sst s26  }
0x1e: {  	s5 =	sshll.u32 s27, $0x1;
	_ =	strace $0x80000049;
	[dreg:$0x1] =	wrdreg $0xFFFFFFFF  }
0x1f: {  	s28 =	simm.s32 $_size_execute0_lowered;
	s3 =	sadd.s32 s3, s5;
	[dreg:$0x0] =	wrdreg $0x0  }
0x20: {  	s5 =	sshll.u32 s28, $0x1;
	[dreg:$0x2] =	wrdreg s3  }
0x21: {  	[dreg:$0x3] =	wrdreg s5  }
0x22: {  	[dreg:$0x4] =	wrdreg $0xC0  }
0x23: {  	_ =	task [dreg:s7], $0x5FFFF  }
0x24: {  	[dreg:$0x1] =	wrdreg $0xFFFFFFFF  }
0x25: {  	[dreg:$0x0] =	wrdreg $0x60  }
0x26: {  	[dreg:$0x2] =	wrdreg s25  }
0x27: {  	[dreg:$0x3] =	wrdreg s2  }
0x28: {  	[dreg:$0x4] =	wrdreg $0x9  }
0x29: {  	_ =	task.clear_ibuf [dreg:s7], $0x5FFFF;
	_ =	strace $0x90000049  }
0x2a: {  	s29 =	simm.s32 $0x9;
	_ =	strace $0x8000004B  }
0x2b: {  	_ =	swait.ge [sflag:s29], $0x1  }
0x2c: {  	[sflag:s29] =	ssyncadd.s32 $0xFFFFFFFF  }
0x2d: {  	_ =	strace $0x9000004B  }
0x2e: {  	_ =	sfence  }
0x2f: {  	s30 =	sld [smem:$0x0];
	_ =	sdelay $0x2  }
0x30: {  	s31 =	sshll.u32 s1, $0xD;
	s1 =	sshrl.u32 s1, $0x2  }
0x31: {  	s3 =	sand.u32 $0x4000, s31;
	s1 =	sadd.s32 s1, s30  }
0x32: {  	s0 =	sor.u32 s3, s0;
	s1 =	sshll.u32 s1, $0x11  }
0x33: {  	s0 =	sor.u32 s1, s0  }
0x34: {  	s0 =	sadd.s32 $0x8F2B, s0  }
0x35: {  	[sflag:s0] =	ssyncadd.remote.s32 $0x1  }
0x36: {  	_ =	sfence.sel $0xFFFF  }
0x37: {  	[dreg:$0x0] =	wrdreg $0xFFFFFFFF;
	(pc) =	sbr.abs _section_cstart, $3  }
0x38: {  	[dreg:$0x1] =	wrdreg $0xFFFFFFFF  }
0x39: {  	_ =	task.clear_ibuf [dreg:s7], $0x2FFFF;
	_ =	strace $0x9FFFFFFF  }
0x3a: {  	(tm) =	ssettm $0x7FFFFFFF  }
0x3b: {  	_ =	shalt  }
tec
execute0_lowered:
.L_overlay_start_1:
0x0: {  	(tag) =	ssettag $0x1  }
0x1: {  	s0 =	srdreg.scid;
	s6 =	rddreg [dreg:$0x0]  }
0x2: {  	s3 =	rddreg [dreg:$0x1];
	s1 =	sshll.u32 s0, $0x4  }
0x3: {  	s5 =	simm.s32 $0x1;
	s0 =	stileid.u32;
	s1 =	sand.u32 $0x10, s1  }
0x4: {  	s31 =	simm.s32 $0x2;
	s16 =	simm.s32 $0x0;
	s1 =	sor.u32 s0, s1  }
0x5: {  	s8 =	simm.s32 $0x8000;
	s17 =	simm.s32 $0x0;
	s2 =	sshll.u32 s1, $0x7  }
0x6: {  	s18 =	simm.s32 $0x0;
	s9 =	simm.s32 $0x0;
	s4 =	ssub.s32 $0x1000, s2  }
0x7: {  	s10 =	simm.s32 $0x0;
	s11 =	simm.s32 $0x0;
	s30 =	sand.u32 $0xF80, s4  }
0x8: {  	s12 =	simm.s32 $0x0;
	s14 =	simm.s32 $0x0;
	p0 =	sne.s32 s30, $0x0  }
.Ltmp0:
0x9: {  	s7 =	sshrl.u32 s4, $0xC;
	s5 =	simm.s32 @!p0 $0x0;
	(pc) =	sbr.rel .LBB1_1-.Ltmp0, $4  }
0xa: {  	s15 =	simm.s32 $0x0;
	s1 =	rddreg [dreg:$0x2];
	s5 =	sadd.s32 s5, s7  }
0xb: {  	_ =	strace $0x8000004A;
	s4 =	simm.s32 $0x1;
	s5 =	smul.u32 $0x50, s5  }
0xc: {  	s6 =	sadd.s32 $0xA00, s6;
	s13 =	smov.u32 s2;
	[sflag:s4] =	ssyncpa.u1 $0x0  }
0xd: {  	[sflag:s31] =	ssyncpa.u1 $0x0;
	p0 =	por $0x0, $0x0;
	s7 =	sor.u32 $0x1, s5  }
.LBB1_4:
0xe: {  	s23 =	sshra.s32 s23, $0x2;
	s30 =	sshll.u32 s9, $0xC  }
0xf: {  	p1 =	sgt.s32 s11, $0x13;
	s24 =	smov.u32 s11;
	s25 =	sshra.s32 s11, $0x1F  }
0x10: {  	s26 =	sshll.u32 s10, $0x3;
	s28 =	smov.u32 s10;
	s29 =	sshra.s32 s10, $0x1F  }
0x11: {  	s22 =	sadd.s32 s23, s22;
	s24 =	simm.s32 @!p1 $0x13;
	s25 =	sand.u32 s25, s11  }
0x12: {  	s23 =	sand.u32 $0xFFFF8000, s30;
	s27 =	sand.u32 $0xFFFFFC00, s26;
	p1 =	sgt.s32 s9, $0x120  }
0x13: {  	s31 =	sand.u32 s29, s10;
	s29 =	sshll.u32 s9, $0x7;
	s30 =	sshra.s32 s9, $0x1F  }
0x14: {  	[tilespmem:s21+$0x2040 ss:$0x81] =	vst.msk $0xffff, v4;
	s24 =	ssub.s32 s24, s25;
	s23 =	sadd.s32 s27, s23;
	s27 =	smov.u32 s9  }
0x15: {  	[tilespmem:s21+$0x2850 ss:$0x81] =	vst.msk $0xffff, v3;
	s29 =	sand.u32 $0x380, s29;
	s25 =	sadd.s32 $0xFFFFFFED, s24;
	s27 =	simm.s32 @!p1 $0x120  }
0x16: {  	v5 =	vld [tilespmem:s20+$0xFFFFFFD0];
	[tilespmem:s21+$0x3060 ss:$0x81] =	vst.msk $0xffff, v2;
	p1 =	sgt.s32 s10, $0xF80;
	s23 =	sshrl.u32 s23, $0xC;
	s24 =	ssub.s32 $0x14, s24  }
0x17: {  	v58 =	vld [tilespmem:s20+$0xFFFFFFE0];
	[tilespmem:s21+$0x0 ss:$0x81] =	vst.msk $0xffff, v1;
	s28 =	simm.s32 @!p1 $0xF80;
	p1 =	sgt.s32 s25, $0x0;
	s21 =	smulhi.u32 $0x9D89D9, s23  }
0x18: {  	v59 =	vld [tilespmem:s20+$0xFFFFFFF0];
	s25 =	ssub.s32 s28, s31;
	s28 =	sand.u32 s30, s9;
	s24 =	simm.s32 @p1 $0x0  }
0x19: {  	v60 =	vld [tilespmem:s20+$0x0];
	s27 =	ssub.s32 s27, s28;
	s31 =	sadd.s32 $0xFFFFF080, s25;
	s25 =	ssub.s32 $0x1000, s25  }
0x1a: {  	v61 =	vld [tilespmem:s20+$0x10];
	[tilespmem:s22+$0x3870 ss:$0x81] =	vst.msk $0xffff, v0;
	s21 =	smul.u32 $0x1A0, s21;
	s28 =	sand.u32 $0x7, s10;
	p1 =	sgt.s32 s31, $0x7F  }
0x1b: {  	v62 =	vld [tilespmem:s20+$0x20];
	[tilespmem:s22+$0x810 ss:$0x81] =	vst.msk $0xffff, v5;
	s30 =	sadd.s32 $0xFFFFFEE0, s27;
	s31 =	sand.u32 $0x78, s10;
	s25 =	simm.s32 @p1 $0x0  }
0x1c: {  	v63 =	vld [tilespmem:s20+$0xFFFFFFC0];
	[tilespmem:s22+$0x1020 ss:$0x81] =	vst.msk $0xffff, v58;
	p1 =	sgt.s32 s30, $0x7F;
	s30 =	sand.u32 $0xC00, s26;
	s24 =	smul.u32 s24, s25  }
0x1d: {  	[tilespmem:s22+$0x1830 ss:$0x81] =	vst.msk $0xffff, v59;
	s26 =	ssub.s32 $0x1A0, s27;
	s20 =	sor.u32 s31, s30;
	s31 =	smul.u32 $0x34000, s11  }
0x1e: {  	[tilespmem:s22+$0x2040 ss:$0x81] =	vst.msk $0xffff, v60;
	s21 =	ssub.s32 s23, s21;
	s26 =	simm.s32 @p1 $0x0;
	s20 =	sor.u32 s29, s20  }
0x1f: {  	[tilespmem:s22+$0x2850 ss:$0x81] =	vst.msk $0xffff, v61;
	s26 =	smul.u32 s26, s24;
	s20 =	sshrl.u32 s20, $0x3;
	s27 =	sadd.s32 s3, s31  }
0x20: {  	[tilespmem:s22+$0x3060 ss:$0x81] =	vst.msk $0xffff, v62;
	s21 =	sshll.u32 s21, $0x9;
	s29 =	sshll.u32 s28, $0x12;
	s20 =	sadd.s32 s20, s27  }
0x21: {  	[tilespmem:s22+$0x0 ss:$0x81] =	vst.msk $0xffff, v63;
	s31 =	sor.u32 $0x400, s29;
	s30 =	sand.u32 $0x3FFFFFFF, s26;
	s20 =	sadd.s32 s21, s20  }
0x22: {  	[hbm4b:s20+s31] =	stream.strided.scatter [tilespmem:s19], [sflag:$0x2], s30, s8, s31, $0x20;
	[tilespmem:$0x10100] =	vst v63  }
.LBB1_5:
0x23: {  	p1 =	slt.u32 s15, $0x2  }
0x24: {  	s19 =	smov.u32 s18;
	p2 =	sgt.s32 @!p1 s18, $0x13  }
0x25: {  	s20 =	sshra.s32 @!p1 s18, $0x1F;
	p3 =	sgt.s32 @!p1 s16, $0x120;
	p4 =	sgt.s32 @!p1 s17, $0xF80  }
0x26: {  	s21 =	sshra.s32 @!p1 s17, $0x1F;
	p2 =	por !p2, p1;
	s18 =	sand.u32 @!p1 s20, s18  }
0x27: {  	p4 =	por !p4, p1;
	s20 =	smov.u32 s17;
	s19 =	simm.s32 @p2 $0x13  }
0x28: {  	s17 =	sand.u32 @!p1 s21, s17;
	s20 =	simm.s32 @p4 $0xF80;
	s18 =	ssub.s32 @!p1 s19, s18  }
0x29: {  	p3 =	por !p3, p1;
	s17 =	ssub.s32 @!p1 s20, s17;
	s19 =	sadd.s32 @!p1 $0xFFFFFFED, s18  }
0x2a: {  	s20 =	sshra.s32 @!p1 s16, $0x1F;
	s18 =	ssub.s32 @!p1 $0x14, s18;
	p2 =	sgt.s32 @!p1 s19, $0x0  }
0x2b: {  	s19 =	smov.u32 s16;
	s16 =	sand.u32 @!p1 s20, s16;
	s20 =	sadd.s32 @!p1 $0xFFFFF080, s17  }
0x2c: {  	s17 =	ssub.s32 @!p1 $0x1000, s17;
	s19 =	simm.s32 @p3 $0x120;
	p2 =	por !p2, p1  }
0x2d: {  	s18 =	simm.s32 @!p2 $0x0;
	s16 =	ssub.s32 @!p1 s19, s16;
	p2 =	sgt.s32 @!p1 s20, $0x7F  }
0x2e: {  	s20 =	smov.u32 s13;
	s19 =	sadd.s32 @!p1 $0xFFFFFEE0, s16;
	p2 =	por !p2, p1  }
0x2f: {  	s16 =	ssub.s32 @!p1 $0x1A0, s16;
	s17 =	simm.s32 @!p2 $0x0;
	p2 =	sgt.s32 @!p1 s19, $0x7F  }
0x30: {  	s19 =	sadd.s32 $0x80, s12;
	p2 =	por !p2, p1;
	s17 =	smul.u32 @!p1 s18, s17  }
0x31: {  	s18 =	sadd.s32 $0x1000, s13;
	s16 =	simm.s32 @!p2 $0x0;
	p2 =	sgt.s32 s19, $0x19F  }
0x32: {  	s16 =	smul.u32 @!p1 s16, s17;
	s20 =	smov.u32 @p2 s18  }
0x33: {  	s19 =	simm.s32 @p2 $0x0;
	s17 =	simm.s32 $0x1;
	p2 =	sgt.s32 s20, $0xFFF  }
0x34: {  	s17 =	simm.s32 @!p2 $0x0  }
0x35: {  	p0 =	por !p0, !p0;
	s23 =	sadd.s32 s17, s14  }
0x36: {  	s21 =	simm.s32 @!p1 $0x2;
	s20 =	smov.u32 @p2 s2;
	p2 =	sgt.s32 s23, $0x13  }
0x37: {  	s18 =	smov.u32 s11;
	s23 =	simm.s32 @p2 $0x0;
	p2 =	sne.s32 s15, s7  }
.Ltmp1:
0x38: {  	s11 =	smov.u32 s14;
	s16 =	sand.u32 @!p1 $0x3FFFFFFF, s16;
	(pc) =	sbr.rel @!p2 .LBB1_6-.Ltmp1, $4  }
0x39: {  	_ =	swait.ge @!p1 [sflag:s21], s16;
	s22 =	ssub.s32 @!p1 $0x0, s16;
	s16 =	smov.u32 s9  }
0x3a: {  	s17 =	smov.u32 s10;
	s9 =	smov.u32 s12;
	s10 =	smov.u32 s13  }
0x3b: {  	s12 =	smov.u32 s19;
	s13 =	smov.u32 s20;
	[sflag:s21] =	ssyncset.done @!p1 $0x0  }
0x3c: {  	s15 =	sadd.s32 $0x1, s15;
	[sflag:s21] =	ssyncadd.s32 @!p1 s22;
	s14 =	smov.u32 s23  }
.LBB1_1:
0x3d: {  	p1 =	sge.u32 s15, s5  }
0x3e: {  	s31 =	sadd.s32 $0xFFFFFFFF, s15;
	s19 =	sxor.u32 @!p1 $0xFFFFFFFF, s15  }
0x3f: {  	s20 =	sshll.u32 @!p1 s13, $0x9;
	s21 =	sshll.u32 @!p1 s12, $0x3;
	s22 =	sshll.u32 @!p1 s13, $0x7  }
0x40: {  	s23 =	sand.u32 @!p1 $0x78, s12;
	s20 =	sand.u32 @!p1 $0x1FF000, s20;
	s21 =	sand.u32 @!p1 $0x1FFC00, s21  }
0x41: {  	s19 =	sshll.u32 @!p1 s19, $0xE;
	s20 =	sadd.s32 @!p1 s20, s21;
	s21 =	sand.u32 @!p1 $0x200, s22  }
0x42: {  	s19 =	sand.u32 @!p1 $0x4000, s19;
	s20 =	sor.u32 @!p1 s21, s20;
	s21 =	sand.u32 @!p1 $0x180, s22  }
0x43: {  	s22 =	sshll.u32 @!p1 s14, $0x12;
	s21 =	sor.u32 @!p1 s23, s21;
	s20 =	sshrl.u32 @!p1 s20, $0x3  }
0x44: {  	s22 =	sadd.s32 @!p1 s6, s22;
	s23 =	sand.u32 @!p1 $0x7, s12;
	s21 =	sshrl.u32 @!p1 s21, $0x3  }
0x45: {  	s20 =	sand.u32 @!p1 $0x3FFC0, s20;
	s21 =	sadd.s32 @!p1 s21, s22;
	s22 =	sshll.u32 @!p1 s23, $0x12  }
0x46: {  	s20 =	sadd.s32 @!p1 s20, s21;
	s21 =	sor.u32 @!p1 $0x400, s22;
	s22 =	simm.s32 @!p1 $0x1000  }
0x47: {  	[tilespmem:s19], [sflag:$0x1] =	stream.strided.gather @!p1 [hbm4b:s20+s21], $0x4000, s22, s21, $0x38;
	[tilespmem:$0x10100] =	vst v63  }
0x48: {  	p1 =	sge.u32 s31, s5  }
.Ltmp2:
0x49: {  	_ = 	snop;
	(pc) =	sbr.rel @p1 .LBB1_5-.Ltmp2, $1  }
0x4a: {  	_ =	sdelay $0x3  }
0x4b: {  	s19 =	simm.s32 $0x1  }
0x4c: {  	_ =	swait.ge [sflag:s4], $0x4000;
	s19 =	simm.s32 @!p0 $0x0  }
0x4d: {  	[sflag:s4] =	ssyncset.done $0x0;
	s20 =	sshll.u32 s19, $0xE  }
0x4e: {  	[sflag:s4] =	ssyncadd.s32 $0xFFFFC000;
	s20 =	sor.u32 $0x40, s20  }
0x4f: {  	s19 =	smul.u32 $0x10200, s19;
	v0 =	vld [tilespmem:s20+$0x30]  }
0x50: {  	v1 =	vld [tilespmem:s20+$0xFFFFFFD0]  }
0x51: {  	s19 =	sshrl.u32 s19, $0x2;
	v5 =	vld [tilespmem:s20+$0xFFFFFFE0]  }
0x52: {  	v6 =	vld [tilespmem:s20+$0xFFFFFFF0];
	s22 =	sor.u32 $0x8000, s19  }
0x53: {  	s31 =	sand.u32 $0x1, s15;
	v4 =	vld [tilespmem:s20+$0x0];
	s21 =	sadd.s32 $0x0, s22  }
0x54: {  	v3 =	vld [tilespmem:s20+$0x10];
	s19 =	smul.u32 $0x10200, s31;
	[tilespmem:s21+$0x3870 ss:$0x81] =	vst.msk $0xffff, v0  }
0x55: {  	v2 =	vld [tilespmem:s20+$0x20];
	[tilespmem:s21+$0x810 ss:$0x81] =	vst.msk $0xffff, v1  }
0x56: {  	s19 =	sshrl.u32 s19, $0x2;
	v1 =	vld [tilespmem:s20+$0xFFFFFFC0];
	[tilespmem:s21+$0x1020 ss:$0x81] =	vst.msk $0xffff, v5;
	s20 =	sadd.s32 $0x80, s20  }
0x57: {  	s23 =	simm.s32 $0x4;
	s24 =	simm.s32 $0x8;
	s19 =	sor.u32 $0x8000, s19;
	[tilespmem:s21+$0x1830 ss:$0x81] =	vst.msk $0xffff, v6;
	v0 =	vld [tilespmem:s20+$0x30]  }
.LBB1_3:
0x58: {  	p1 =	sne.s32 s24, $0x1FC;
	v5 =	vld [tilespmem:s20+$0xFFFFFFD0];
	[tilespmem:s21+$0x2040 ss:$0x81] =	vst.msk $0xffff, v4  }
0x59: {  	v6 =	vld [tilespmem:s20+$0xFFFFFFE0];
	[tilespmem:s21+$0x2850 ss:$0x81] =	vst.msk $0xffff, v3  }
0x5a: {  	s25 =	sshra.s32 s23, $0x2;
	s23 =	smov.u32 s24;
	v7 =	vld [tilespmem:s20+$0xFFFFFFF0];
	[tilespmem:s21+$0x3060 ss:$0x81] =	vst.msk $0xffff, v2  }
.Ltmp3:
0x5b: {  	v4 =	vld [tilespmem:s20+$0x0];
	[tilespmem:s21+$0x0 ss:$0x81] =	vst.msk $0xffff, v1;
	s21 =	sadd.s32 s25, s22;
	(pc) =	sbr.rel @p1 .LBB1_3-.Ltmp3, $4  }
0x5c: {  	v3 =	vld [tilespmem:s20+$0x10];
	[tilespmem:s21+$0x3870 ss:$0x81] =	vst.msk $0xffff, v0  }
0x5d: {  	[tilespmem:s21+$0x810 ss:$0x81] =	vst.msk $0xffff, v5;
	v2 =	vld [tilespmem:s20+$0x20]  }
0x5e: {  	v1 =	vld [tilespmem:s20+$0xFFFFFFC0];
	[tilespmem:s21+$0x1020 ss:$0x81] =	vst.msk $0xffff, v6;
	s20 =	sadd.s32 $0x80, s20  }
0x5f: {  	s24 =	sadd.s32 $0x4, s24;
	v0 =	vld [tilespmem:s20+$0x30];
	[tilespmem:s21+$0x1830 ss:$0x81] =	vst.msk $0xffff, v7  }
.Ltmp4:
0x60: {  	_ = 	snop;
	(pc) =	sbr.rel .LBB1_4-.Ltmp4, $1  }
0x61: {  	_ =	sdelay $0x3  }
.LBB1_6:
0x62: {  	_ =	sfence.sel $0x180000  }
0x63: {  	s2 =	simm.s32 $0x1;
	[bflag:$0x0] =	sbarrier.arrive $0xFFFF  }
0x64: {  	s31 =	simm.s32 $0x2;
	[sflag:s2] =	ssyncpa.u1 $0x1  }
0x65: {  	[sflag:s31] =	ssyncpa.u1 $0x1  }
0x66: {  	p0 =	sne.s32 s0, $0x0;
	_ =	strace $0x9000004A  }
0x67: {  	s0 =	sadd.s32 @!p0 $0x100000, s1;
	[bflag:$0x2] =	sbarrier.arrive $0xFFFF  }
0x68: {  	[sflag:s0] =	ssyncadd.tile.s32 @!p0 $0x1;
	_ =	shalt  }
.Lfunc_end1:
_tile_overlayer_lowered:
.L_overlay_start_2:
0x69: {  	(tag) =	ssettag $0x2  }
0x6a: {  	s0 =	rddreg [dreg:$0x0];
	s2 =	stileid.u32  }
0x6b: {  	s1 =	rddreg [dreg:$0x1];
	p0 =	sne.s32 s2, $0x0  }
0x6c: {  	s3 =	rddreg [dreg:$0x2];
	[bflag:$0x3] =	sbarrier.arrive $0xFFFF;
	s2 =	simm.s32 @!p0 $0x1C01  }
0x6d: {  	[timem:s3], [sflag:s2] =	dma.local @!p0 [hbm:s0], s1  }
0x6e: {  	s0 =	simm.s32 @!p0 $0x1  }
0x6f: {  	_ =	swait.ge @!p0 [sflag:s0], s1  }
0x70: {  	s1 =	ssub.s32 @!p0 $0x0, s1;
	[sflag:s0] =	ssyncset.done @!p0 $0x0  }
0x71: {  	[sflag:s0] =	ssyncadd.s32 @!p0 s1  }
0x72: {  	[bflag:$0x3] =	sbarrier.arrive $0xFFFF  }
0x73: {  	_ =	shalt  }

</sc_bundles>
